<compile_context>
chip_gen: v7x
topology: tpu7x:2x2x1
jax: 0.10.2.dev20260603
libtpu: 0.0.44.dev20260713+nightly
codegen_flags: <defaults>
</compile_context>

<pallas_src>
import functools

import jax
import jax.numpy as jnp
from jax import lax
from jax.experimental import pallas as pl
from jax.experimental.pallas import tpu as pltpu
from jax.experimental.pallas import tpu_sc as plsc

_VOCAB = 1000000
_D = 64
_B = 16384
_H = 50
_NC = 2
_NS = 16
_BT = _B // _NS
_TC = _BT // 128
_DPC = _D // _NC

_mesh = plsc.VectorSubcoreMesh(core_axis_name="c", subcore_axis_name="s")


@functools.partial(
    pl.kernel,
    mesh=_mesh,
    out_type=jax.ShapeDtypeStruct((_H, _D // 8, _B // 128, 8, 128), jnp.float32),
    scratch_types=[
        pltpu.VMEM((_H * _BT,), jnp.int32),
        pltpu.VMEM((_H, 128), jnp.float32),
        pltpu.VMEM((_H, 128), jnp.float32),
        pltpu.VMEM((128,), jnp.float32),
        pltpu.VMEM_SHARED((_VOCAB,), jnp.float32),
        pltpu.SemaphoreType.DMA,
        pltpu.SemaphoreType.DMA,
        pltpu.SemaphoreType.DMA,
        pltpu.SemaphoreType.DMA,
        pltpu.SemaphoreType.DMA,
    ],
)
def _embed_kernel(idx_hbm, table_hbm, tail_hbm, out_hbm, idx_res, st_a, st_b, tbuf, sprow,
                  gsem_a, gsem_b, wsem_a, wsem_b, ssem):
    c = lax.axis_index("c")
    s = lax.axis_index("s")
    b0 = s * _BT
    st = (st_a, st_b)
    gsem = (gsem_a, gsem_b)
    wsem = (wsem_a, wsem_b)

    for h in range(_H):
        pltpu.async_copy(
            idx_hbm.at[h, pl.ds(b0, _BT)], idx_res.at[pl.ds(h * _BT, _BT)], gsem_a
        )
    for h in range(_H):
        pltpu.make_async_copy(
            idx_hbm.at[0, pl.ds(0, _BT)], idx_res.at[pl.ds(0, _BT)], gsem_a
        ).wait()

    def fire(k, j):
        for h in range(_H):
            pltpu.async_copy(
                sprow.at[idx_res.at[pl.ds(h * _BT + j * 128, 128)]],
                st[k].at[h],
                gsem[k],
            )

    def drain(k):
        pltpu.make_async_copy(out_hbm.at[:, 0, 0, 0, :], st[k], gsem[k]).wait()

    def write(k, dr, ds, j):
        pltpu.async_copy(st[k], out_hbm.at[:, dr, s * _TC + j, ds, :], wsem[k])

    def wait_write(k):
        pltpu.make_async_copy(st[k], out_hbm.at[:, 0, 0, 0, :], wsem[k]).wait()

    _CS = 62464
    _CS2 = 62976
    _TOFF = _VOCAB - 128

    def stage_row(d):
        @pl.when(s < 15)
        def _():
            off = s * _CS
            pltpu.async_copy(
                table_hbm.at[d].at[pl.ds(off, _CS)], sprow.at[pl.ds(off, _CS)], ssem
            )

        @pl.when(s == 15)
        def _():
            pltpu.async_copy(
                table_hbm.at[d].at[pl.ds(15 * _CS, _CS2)],
                sprow.at[pl.ds(15 * _CS, _CS2)],
                ssem,
            )
            pltpu.sync_copy(tail_hbm.at[pl.ds(d * 128, 128)], tbuf)
            pltpu.sync_copy(tbuf, sprow.at[pl.ds(_TOFF, 128)])

    def wait_row():
        @pl.when(s < 15)
        def _():
            pltpu.make_async_copy(
                table_hbm.at[0].at[pl.ds(0, _CS)], sprow.at[pl.ds(0, _CS)], ssem
            ).wait()

        @pl.when(s == 15)
        def _():
            pltpu.make_async_copy(
                table_hbm.at[0].at[pl.ds(0, _CS2)], sprow.at[pl.ds(0, _CS2)], ssem
            ).wait()

    stage_row(c * _DPC)

    def plane_body(p, _):
        d = c * _DPC + p
        dr = d // 8
        ds = d % 8

        wait_row()
        plsc.subcore_barrier()
        fire(0, 0)

        def pair_body(g, _):
            @pl.when(g > 0)
            def _():
                wait_write(1)

            fire(1, 2 * g + 1)
            drain(0)
            write(0, dr, ds, 2 * g)

            @pl.when(g < _TC // 2 - 1)
            def _():
                wait_write(0)
                fire(0, 2 * g + 2)

            drain(1)
            write(1, dr, ds, 2 * g + 1)
            return 0

        lax.fori_loop(0, _TC // 2, pair_body, 0)

        plsc.subcore_barrier()

        @pl.when(p < _DPC - 1)
        def _():
            stage_row(d + 1)

        wait_write(0)
        wait_write(1)
        return 0

    lax.fori_loop(0, _DPC, plane_body, 0)


def kernel(input, table):
    tail = table[_VOCAB - 128:].T.reshape(-1)
    out = _embed_kernel(input.T, table.T, tail)
    return out.transpose(2, 4, 0, 1, 3).reshape(_B, _H, _D)

# --- scband reference (transcript-rebuilt; emitter-appended) ---
"""Pipeline reference for scband-word-embedding-6158983102576 (READ-ONLY COPY).

The authoritative reference and input builder live on the scoring server;
editing this copy changes nothing except your own understanding.
"""

import jax, jax.numpy as jnp
import numpy as np

VOCAB = 1000000
EMBED_DIM = 64
BATCH = 16384
HIST = 50

def setup_inputs(seed: int = 0) -> dict:
    key = jax.random.key(seed)
    k_idx, k_tab = jax.random.split(key)
    input = jax.random.randint(k_idx, (BATCH, HIST), 0, VOCAB, dtype=jnp.int64 if jax.config.read('jax_enable_x64') else jnp.int32)
    table = jax.random.normal(k_tab, (VOCAB, EMBED_DIM), dtype=jnp.float32)
    return {"input": input, "table": table}

def reference(input, table):
    # nn.Embedding forward: row gather from the embedding table
    embedded = jnp.take(table, input, axis=0)
    return embedded

if __name__ == "__main__":
    import jax
    _d = setup_inputs()
    print(jax.jit(kernel)(*tuple(_d.values())))

</pallas_src>

<mosaic_0001>
#map = affine_map<(d0, d1) -> (0, 0)>
#map1 = affine_map<(d0, d1) -> (0)>
#map2 = affine_map<(d0, d1) -> (0, 0, 0, 0, 0)>
module attributes {stable_mosaic.version = 14 : i64} {
  func.func @_embed_kernel(%arg0: i32, %arg1: i32, %arg2: memref<50x16384xi32, #tpu.memory_space<hbm>>, %arg3: memref<64x1000000xf32, #tpu.memory_space<hbm>>, %arg4: memref<8192xf32, #tpu.memory_space<hbm>>, %arg5: memref<50x8x128x8x128xf32, #tpu.memory_space<hbm>>, %arg6: memref<51200xi32, #tpu.memory_space<vmem>>, %arg7: memref<50x128xf32, #tpu.memory_space<vmem>>, %arg8: memref<50x128xf32, #tpu.memory_space<vmem>>, %arg9: memref<128xf32, #tpu.memory_space<vmem>>, %arg10: memref<1000000xf32, #tpu.memory_space<vmem_shared>>, %arg11: memref<!tpu.dma_semaphore, #tpu.memory_space<semaphore_mem>>, %arg12: memref<!tpu.dma_semaphore, #tpu.memory_space<semaphore_mem>>, %arg13: memref<!tpu.dma_semaphore, #tpu.memory_space<semaphore_mem>>, %arg14: memref<!tpu.dma_semaphore, #tpu.memory_space<semaphore_mem>>, %arg15: memref<!tpu.dma_semaphore, #tpu.memory_space<semaphore_mem>>) attributes {dimension_semantics = [#tpu.dimension_semantics<core_parallel>, #tpu.dimension_semantics<subcore_parallel>], iteration_bounds = array<i64: 2, 16>, scalar_prefetch = 0 : i64, scratch_operands = 10 : i64, tpu.core_type = #tpu.core_type<sc_vector_subcore>, window_params = [{transform_indices = #map}, {transform_indices = #map}, {transform_indices = #map1}, {transform_indices = #map2}]} {
    %mul3A = arith.constant 1024 : i32
    %mul3A_0 = arith.muli %arg1, %mul3A : i32
    %dma_start3A = arith.constant 0 : i32
    %dma_start3A_1 = arith.constant 0 : i32
    %dma_start3A_2 = tpu.memref_slice %arg6[%dma_start3A_1] : memref<51200xi32, #tpu.memory_space<vmem>> -> memref<1024xi32, #tpu.memory_space<vmem>>
    %dma_start3A_3 = tpu.memref_slice %arg2[%dma_start3A, %mul3A_0] : memref<50x16384xi32, #tpu.memory_space<hbm>> -> memref<1x1024xi32, #tpu.memory_space<hbm>>
    %dma_start3A_4 = tpu.memref_squeeze %dma_start3A_3 : memref<1x1024xi32, #tpu.memory_space<hbm>> -> memref<1024xi32, #tpu.memory_space<hbm>>
    %dma_start3A_5 = arith.constant 0 : i32
    %dma_start3A_6 = tpu.memref_slice %arg6[%dma_start3A_5] : memref<51200xi32, #tpu.memory_space<vmem>> -> memref<1024xi32, #tpu.memory_space<vmem>>
    %dma_start3A_7 = tpu.memref_slice %arg2[%dma_start3A, %mul3A_0] : memref<50x16384xi32, #tpu.memory_space<hbm>> -> memref<1x1024xi32, #tpu.memory_space<hbm>>
    %dma_start3A_8 = tpu.memref_squeeze %dma_start3A_7 : memref<1x1024xi32, #tpu.memory_space<hbm>> -> memref<1024xi32, #tpu.memory_space<hbm>>
    tpu.enqueue_dma source(%dma_start3A_8 : memref<1024xi32, #tpu.memory_space<hbm>>) target(%dma_start3A_6 : memref<1024xi32, #tpu.memory_space<vmem>>) target_semaphore(%arg11 : memref<!tpu.dma_semaphore, #tpu.memory_space<semaphore_mem>>)
    %dma_start3A_9 = arith.constant 1 : i32
    %dma_start3A_10 = arith.constant 1024 : i32
    %dma_start3A_11 = tpu.memref_slice %arg6[%dma_start3A_10] : memref<51200xi32, #tpu.memory_space<vmem>> -> memref<1024xi32, #tpu.memory_space<vmem>>
    %dma_start3A_12 = tpu.memref_slice %arg2[%dma_start3A_9, %mul3A_0] : memref<50x16384xi32, #tpu.memory_space<hbm>> -> memref<1x1024xi32, #tpu.memory_space<hbm>>
    %dma_start3A_13 = tpu.memref_squeeze %dma_start3A_12 : memref<1x1024xi32, #tpu.memory_space<hbm>> -> memref<1024xi32, #tpu.memory_space<hbm>>
    %dma_start3A_14 = arith.constant 1024 : i32
    %dma_start3A_15 = tpu.memref_slice %arg6[%dma_start3A_14] : memref<51200xi32, #tpu.memory_space<vmem>> -> memref<1024xi32, #tpu.memory_space<vmem>>
    %dma_start3A_16 = tpu.memref_slice %arg2[%dma_start3A_9, %mul3A_0] : memref<50x16384xi32, #tpu.memory_space<hbm>> -> memref<1x1024xi32, #tpu.memory_space<hbm>>
    %dma_start3A_17 = tpu.memref_squeeze %dma_start3A_16 : memref<1x1024xi32, #tpu.memory_space<hbm>> -> memref<1024xi32, #tpu.memory_space<hbm>>
    tpu.enqueue_dma source(%dma_start3A_17 : memref<1024xi32, #tpu.memory_space<hbm>>) target(%dma_start3A_15 : memref<1024xi32, #tpu.memory_space<vmem>>) target_semaphore(%arg11 : memref<!tpu.dma_semaphore, #tpu.memory_space<semaphore_mem>>)
    %dma_start3A_18 = arith.constant 2 : i32
    %dma_start3A_19 = arith.constant 2048 : i32
    %dma_start3A_20 = tpu.memref_slice %arg6[%dma_start3A_19] : memref<51200xi32, #tpu.memory_space<vmem>> -> memref<1024xi32, #tpu.memory_space<vmem>>
    %dma_start3A_21 = tpu.memref_slice %arg2[%dma_start3A_18, %mul3A_0] : memref<50x16384xi32, #tpu.memory_space<hbm>> -> memref<1x1024xi32, #tpu.memory_space<hbm>>
    %dma_start3A_22 = tpu.memref_squeeze %dma_start3A_21 : memref<1x1024xi32, #tpu.memory_space<hbm>> -> memref<1024xi32, #tpu.memory_space<hbm>>
    %dma_start3A_23 = arith.constant 2048 : i32
    %dma_start3A_24 = tpu.memref_slice %arg6[%dma_start3A_23] : memref<51200xi32, #tpu.memory_space<vmem>> -> memref<1024xi32, #tpu.memory_space<vmem>>
    %dma_start3A_25 = tpu.memref_slice %arg2[%dma_start3A_18, %mul3A_0] : memref<50x16384xi32, #tpu.memory_space<hbm>> -> memref<1x1024xi32, #tpu.memory_space<hbm>>
    %dma_start3A_26 = tpu.memref_squeeze %dma_start3A_25 : memref<1x1024xi32, #tpu.memory_space<hbm>> -> memref<1024xi32, #tpu.memory_space<hbm>>
    tpu.enqueue_dma source(%dma_start3A_26 : memref<1024xi32, #tpu.memory_space<hbm>>) target(%dma_start3A_24 : memref<1024xi32, #tpu.memory_space<vmem>>) target_semaphore(%arg11 : memref<!tpu.dma_semaphore, #tpu.memory_space<semaphore_mem>>)
    %dma_start3A_27 = arith.constant 3 : i32
    %dma_start3A_28 = arith.constant 3072 : i32
    %dma_start3A_29 = tpu.memref_slice %arg6[%dma_start3A_28] : memref<51200xi32, #tpu.memory_space<vmem>> -> memref<1024xi32, #tpu.memory_space<vmem>>
    %dma_start3A_30 = tpu.memref_slice %arg2[%dma_start3A_27, %mul3A_0] : memref<50x16384xi32, #tpu.memory_space<hbm>> -> memref<1x1024xi32, #tpu.memory_space<hbm>>
    %dma_start3A_31 = tpu.memref_squeeze %dma_start3A_30 : memref<1x1024xi32, #tpu.memory_space<hbm>> -> memref<1024xi32, #tpu.memory_space<hbm>>
    %dma_start3A_32 = arith.constant 3072 : i32
    %dma_start3A_33 = tpu.memref_slice %arg6[%dma_start3A_32] : memref<51200xi32, #tpu.memory_space<vmem>> -> memref<1024xi32, #tpu.memory_space<vmem>>
    %dma_start3A_34 = tpu.memref_slice %arg2[%dma_start3A_27, %mul3A_0] : memref<50x16384xi32, #tpu.memory_space<hbm>> -> memref<1x1024xi32, #tpu.memory_space<hbm>>
    %dma_start3A_35 = tpu.memref_squeeze %dma_start3A_34 : memref<1x1024xi32, #tpu.memory_space<hbm>> -> memref<1024xi32, #tpu.memory_space<hbm>>
    tpu.enqueue_dma source(%dma_start3A_35 : memref<1024xi32, #tpu.memory_space<hbm>>) target(%dma_start3A_33 : memref<1024xi32, #tpu.memory_space<vmem>>) target_semaphore(%arg11 : memref<!tpu.dma_semaphore, #tpu.memory_space<semaphore_mem>>)
    %dma_start3A_36 = arith.constant 4 : i32
    %dma_start3A_37 = arith.constant 4096 : i32
    %dma_start3A_38 = tpu.memref_slice %arg6[%dma_start3A_37] : memref<51200xi32, #tpu.memory_space<vmem>> -> memref<1024xi32, #tpu.memory_space<vmem>>
    %dma_start3A_39 = tpu.memref_slice %arg2[%dma_start3A_36, %mul3A_0] : memref<50x16384xi32, #tpu.memory_space<hbm>> -> memref<1x1024xi32, #tpu.memory_space<hbm>>
    %dma_start3A_40 = tpu.memref_squeeze %dma_start3A_39 : memref<1x1024xi32, #tpu.memory_space<hbm>> -> memref<1024xi32, #tpu.memory_space<hbm>>
    %dma_start3A_41 = arith.constant 4096 : i32
    %dma_start3A_42 = tpu.memref_slice %arg6[%dma_start3A_41] : memref<51200xi32, #tpu.memory_space<vmem>> -> memref<1024xi32, #tpu.memory_space<vmem>>
    %dma_start3A_43 = tpu.memref_slice %arg2[%dma_start3A_36, %mul3A_0] : memref<50x16384xi32, #tpu.memory_space<hbm>> -> memref<1x1024xi32, #tpu.memory_space<hbm>>
    %dma_start3A_44 = tpu.memref_squeeze %dma_start3A_43 : memref<1x1024xi32, #tpu.memory_space<hbm>> -> memref<1024xi32, #tpu.memory_space<hbm>>
    tpu.enqueue_dma source(%dma_start3A_44 : memref<1024xi32, #tpu.memory_space<hbm>>) target(%dma_start3A_42 : memref<1024xi32, #tpu.memory_space<vmem>>) target_semaphore(%arg11 : memref<!tpu.dma_semaphore, #tpu.memory_space<semaphore_mem>>)
    %dma_start3A_45 = arith.constant 5 : i32
    %dma_start3A_46 = arith.constant 5120 : i32
    %dma_start3A_47 = tpu.memref_slice %arg6[%dma_start3A_46] : memref<51200xi32, #tpu.memory_space<vmem>> -> memref<1024xi32, #tpu.memory_space<vmem>>
    %dma_start3A_48 = tpu.memref_slice %arg2[%dma_start3A_45, %mul3A_0] : memref<50x16384xi32, #tpu.memory_space<hbm>> -> memref<1x1024xi32, #tpu.memory_space<hbm>>
    %dma_start3A_49 = tpu.memref_squeeze %dma_start3A_48 : memref<1x1024xi32, #tpu.memory_space<hbm>> -> memref<1024xi32, #tpu.memory_space<hbm>>
    %dma_start3A_50 = arith.constant 5120 : i32
    %dma_start3A_51 = tpu.memref_slice %arg6[%dma_start3A_50] : memref<51200xi32, #tpu.memory_space<vmem>> -> memref<1024xi32, #tpu.memory_space<vmem>>
    %dma_start3A_52 = tpu.memref_slice %arg2[%dma_start3A_45, %mul3A_0] : memref<50x16384xi32, #tpu.memory_space<hbm>> -> memref<1x1024xi32, #tpu.memory_space<hbm>>
    %dma_start3A_53 = tpu.memref_squeeze %dma_start3A_52 : memref<1x1024xi32, #tpu.memory_space<hbm>> -> memref<1024xi32, #tpu.memory_space<hbm>>
    tpu.enqueue_dma source(%dma_start3A_53 : memref<1024xi32, #tpu.memory_space<hbm>>) target(%dma_start3A_51 : memref<1024xi32, #tpu.memory_space<vmem>>) target_semaphore(%arg11 : memref<!tpu.dma_semaphore, #tpu.memory_space<semaphore_mem>>)
    %dma_start3A_54 = arith.constant 6 : i32
    %dma_start3A_55 = arith.constant 6144 : i32
    %dma_start3A_56 = tpu.memref_slice %arg6[%dma_start3A_55] : memref<51200xi32, #tpu.memory_space<vmem>> -> memref<1024xi32, #tpu.memory_space<vmem>>
    %dma_start3A_57 = tpu.memref_slice %arg2[%dma_start3A_54, %mul3A_0] : memref<50x16384xi32, #tpu.memory_space<hbm>> -> memref<1x1024xi32, #tpu.memory_space<hbm>>
    %dma_start3A_58 = tpu.memref_squeeze %dma_start3A_57 : memref<1x1024xi32, #tpu.memory_space<hbm>> -> memref<1024xi32, #tpu.memory_space<hbm>>
    %dma_start3A_59 = arith.constant 6144 : i32
    %dma_start3A_60 = tpu.memref_slice %arg6[%dma_start3A_59] : memref<51200xi32, #tpu.memory_space<vmem>> -> memref<1024xi32, #tpu.memory_space<vmem>>
    %dma_start3A_61 = tpu.memref_slice %arg2[%dma_start3A_54, %mul3A_0] : memref<50x16384xi32, #tpu.memory_space<hbm>> -> memref<1x1024xi32, #tpu.memory_space<hbm>>
    %dma_start3A_62 = tpu.memref_squeeze %dma_start3A_61 : memref<1x1024xi32, #tpu.memory_space<hbm>> -> memref<1024xi32, #tpu.memory_space<hbm>>
    tpu.enqueue_dma source(%dma_start3A_62 : memref<1024xi32, #tpu.memory_space<hbm>>) target(%dma_start3A_60 : memref<1024xi32, #tpu.memory_space<vmem>>) target_semaphore(%arg11 : memref<!tpu.dma_semaphore, #tpu.memory_space<semaphore_mem>>)
    %dma_start3A_63 = arith.constant 7 : i32
    %dma_start3A_64 = arith.constant 7168 : i32
    %dma_start3A_65 = tpu.memref_slice %arg6[%dma_start3A_64] : memref<51200xi32, #tpu.memory_space<vmem>> -> memref<1024xi32, #tpu.memory_space<vmem>>
    %dma_start3A_66 = tpu.memref_slice %arg2[%dma_start3A_63, %mul3A_0] : memref<50x16384xi32, #tpu.memory_space<hbm>> -> memref<1x1024xi32, #tpu.memory_space<hbm>>
    %dma_start3A_67 = tpu.memref_squeeze %dma_start3A_66 : memref<1x1024xi32, #tpu.memory_space<hbm>> -> memref<1024xi32, #tpu.memory_space<hbm>>
    %dma_start3A_68 = arith.constant 7168 : i32
    %dma_start3A_69 = tpu.memref_slice %arg6[%dma_start3A_68] : memref<51200xi32, #tpu.memory_space<vmem>> -> memref<1024xi32, #tpu.memory_space<vmem>>
    %dma_start3A_70 = tpu.memref_slice %arg2[%dma_start3A_63, %mul3A_0] : memref<50x16384xi32, #tpu.memory_space<hbm>> -> memref<1x1024xi32, #tpu.memory_space<hbm>>
    %dma_start3A_71 = tpu.memref_squeeze %dma_start3A_70 : memref<1x1024xi32, #tpu.memory_space<hbm>> -> memref<1024xi32, #tpu.memory_space<hbm>>
    tpu.enqueue_dma source(%dma_start3A_71 : memref<1024xi32, #tpu.memory_space<hbm>>) target(%dma_start3A_69 : memref<1024xi32, #tpu.memory_space<vmem>>) target_semaphore(%arg11 : memref<!tpu.dma_semaphore, #tpu.memory_space<semaphore_mem>>)
    %dma_start3A_72 = arith.constant 8 : i32
    %dma_start3A_73 = arith.constant 8192 : i32
    %dma_start3A_74 = tpu.memref_slice %arg6[%dma_start3A_73] : memref<51200xi32, #tpu.memory_space<vmem>> -> memref<1024xi32, #tpu.memory_space<vmem>>
    %dma_start3A_75 = tpu.memref_slice %arg2[%dma_start3A_72, %mul3A_0] : memref<50x16384xi32, #tpu.memory_space<hbm>> -> memref<1x1024xi32, #tpu.memory_space<hbm>>
    %dma_start3A_76 = tpu.memref_squeeze %dma_start3A_75 : memref<1x1024xi32, #tpu.memory_space<hbm>> -> memref<1024xi32, #tpu.memory_space<hbm>>
    %dma_start3A_77 = arith.constant 8192 : i32
    %dma_start3A_78 = tpu.memref_slice %arg6[%dma_start3A_77] : memref<51200xi32, #tpu.memory_space<vmem>> -> memref<1024xi32, #tpu.memory_space<vmem>>
    %dma_start3A_79 = tpu.memref_slice %arg2[%dma_start3A_72, %mul3A_0] : memref<50x16384xi32, #tpu.memory_space<hbm>> -> memref<1x1024xi32, #tpu.memory_space<hbm>>
    %dma_start3A_80 = tpu.memref_squeeze %dma_start3A_79 : memref<1x1024xi32, #tpu.memory_space<hbm>> -> memref<1024xi32, #tpu.memory_space<hbm>>
    tpu.enqueue_dma source(%dma_start3A_80 : memref<1024xi32, #tpu.memory_space<hbm>>) target(%dma_start3A_78 : memref<1024xi32, #tpu.memory_space<vmem>>) target_semaphore(%arg11 : memref<!tpu.dma_semaphore, #tpu.memory_space<semaphore_mem>>)
    %dma_start3A_81 = arith.constant 9 : i32
    %dma_start3A_82 = arith.constant 9216 : i32
    %dma_start3A_83 = tpu.memref_slice %arg6[%dma_start3A_82] : memref<51200xi32, #tpu.memory_space<vmem>> -> memref<1024xi32, #tpu.memory_space<vmem>>
    %dma_start3A_84 = tpu.memref_slice %arg2[%dma_start3A_81, %mul3A_0] : memref<50x16384xi32, #tpu.memory_space<hbm>> -> memref<1x1024xi32, #tpu.memory_space<hbm>>
    %dma_start3A_85 = tpu.memref_squeeze %dma_start3A_84 : memref<1x1024xi32, #tpu.memory_space<hbm>> -> memref<1024xi32, #tpu.memory_space<hbm>>
    %dma_start3A_86 = arith.constant 9216 : i32
    %dma_start3A_87 = tpu.memref_slice %arg6[%dma_start3A_86] : memref<51200xi32, #tpu.memory_space<vmem>> -> memref<1024xi32, #tpu.memory_space<vmem>>
    %dma_start3A_88 = tpu.memref_slice %arg2[%dma_start3A_81, %mul3A_0] : memref<50x16384xi32, #tpu.memory_space<hbm>> -> memref<1x1024xi32, #tpu.memory_space<hbm>>
    %dma_start3A_89 = tpu.memref_squeeze %dma_start3A_88 : memref<1x1024xi32, #tpu.memory_space<hbm>> -> memref<1024xi32, #tpu.memory_space<hbm>>
    tpu.enqueue_dma source(%dma_start3A_89 : memref<1024xi32, #tpu.memory_space<hbm>>) target(%dma_start3A_87 : memref<1024xi32, #tpu.memory_space<vmem>>) target_semaphore(%arg11 : memref<!tpu.dma_semaphore, #tpu.memory_space<semaphore_mem>>)
    %dma_start3A_90 = arith.constant 10 : i32
    %dma_start3A_91 = arith.constant 10240 : i32
    %dma_start3A_92 = tpu.memref_slice %arg6[%dma_start3A_91] : memref<51200xi32, #tpu.memory_space<vmem>> -> memref<1024xi32, #tpu.memory_space<vmem>>
    %dma_start3A_93 = tpu.memref_slice %arg2[%dma_start3A_90, %mul3A_0] : memref<50x16384xi32, #tpu.memory_space<hbm>> -> memref<1x1024xi32, #tpu.memory_space<hbm>>
    %dma_start3A_94 = tpu.memref_squeeze %dma_start3A_93 : memref<1x1024xi32, #tpu.memory_space<hbm>> -> memref<1024xi32, #tpu.memory_space<hbm>>
    %dma_start3A_95 = arith.constant 10240 : i32
    %dma_start3A_96 = tpu.memref_slice %arg6[%dma_start3A_95] : memref<51200xi32, #tpu.memory_space<vmem>> -> memref<1024xi32, #tpu.memory_space<vmem>>
    %dma_start3A_97 = tpu.memref_slice %arg2[%dma_start3A_90, %mul3A_0] : memref<50x16384xi32, #tpu.memory_space<hbm>> -> memref<1x1024xi32, #tpu.memory_space<hbm>>
    %dma_start3A_98 = tpu.memref_squeeze %dma_start3A_97 : memref<1x1024xi32, #tpu.memory_space<hbm>> -> memref<1024xi32, #tpu.memory_space<hbm>>
    tpu.enqueue_dma source(%dma_start3A_98 : memref<1024xi32, #tpu.memory_space<hbm>>) target(%dma_start3A_96 : memref<1024xi32, #tpu.memory_space<vmem>>) target_semaphore(%arg11 : memref<!tpu.dma_semaphore, #tpu.memory_space<semaphore_mem>>)
    %dma_start3A_99 = arith.constant 11 : i32
    %dma_start3A_100 = arith.constant 11264 : i32
    %dma_start3A_101 = tpu.memref_slice %arg6[%dma_start3A_100] : memref<51200xi32, #tpu.memory_space<vmem>> -> memref<1024xi32, #tpu.memory_space<vmem>>
    %dma_start3A_102 = tpu.memref_slice %arg2[%dma_start3A_99, %mul3A_0] : memref<50x16384xi32, #tpu.memory_space<hbm>> -> memref<1x1024xi32, #tpu.memory_space<hbm>>
    %dma_start3A_103 = tpu.memref_squeeze %dma_start3A_102 : memref<1x1024xi32, #tpu.memory_space<hbm>> -> memref<1024xi32, #tpu.memory_space<hbm>>
    %dma_start3A_104 = arith.constant 11264 : i32
    %dma_start3A_105 = tpu.memref_slice %arg6[%dma_start3A_104] : memref<51200xi32, #tpu.memory_space<vmem>> -> memref<1024xi32, #tpu.memory_space<vmem>>
    %dma_start3A_106 = tpu.memref_slice %arg2[%dma_start3A_99, %mul3A_0] : memref<50x16384xi32, #tpu.memory_space<hbm>> -> memref<1x1024xi32, #tpu.memory_space<hbm>>
    %dma_start3A_107 = tpu.memref_squeeze %dma_start3A_106 : memref<1x1024xi32, #tpu.memory_space<hbm>> -> memref<1024xi32, #tpu.memory_space<hbm>>
    tpu.enqueue_dma source(%dma_start3A_107 : memref<1024xi32, #tpu.memory_space<hbm>>) target(%dma_start3A_105 : memref<1024xi32, #tpu.memory_space<vmem>>) target_semaphore(%arg11 : memref<!tpu.dma_semaphore, #tpu.memory_space<semaphore_mem>>)
    %dma_start3A_108 = arith.constant 12 : i32
    %dma_start3A_109 = arith.constant 12288 : i32
    %dma_start3A_110 = tpu.memref_slice %arg6[%dma_start3A_109] : memref<51200xi32, #tpu.memory_space<vmem>> -> memref<1024xi32, #tpu.memory_space<vmem>>
    %dma_start3A_111 = tpu.memref_slice %arg2[%dma_start3A_108, %mul3A_0] : memref<50x16384xi32, #tpu.memory_space<hbm>> -> memref<1x1024xi32, #tpu.memory_space<hbm>>
    %dma_start3A_112 = tpu.memref_squeeze %dma_start3A_111 : memref<1x1024xi32, #tpu.memory_space<hbm>> -> memref<1024xi32, #tpu.memory_space<hbm>>
    %dma_start3A_113 = arith.constant 12288 : i32
    %dma_start3A_114 = tpu.memref_slice %arg6[%dma_start3A_113] : memref<51200xi32, #tpu.memory_space<vmem>> -> memref<1024xi32, #tpu.memory_space<vmem>>
    %dma_start3A_115 = tpu.memref_slice %arg2[%dma_start3A_108, %mul3A_0] : memref<50x16384xi32, #tpu.memory_space<hbm>> -> memref<1x1024xi32, #tpu.memory_space<hbm>>
    %dma_start3A_116 = tpu.memref_squeeze %dma_start3A_115 : memref<1x1024xi32, #tpu.memory_space<hbm>> -> memref<1024xi32, #tpu.memory_space<hbm>>
    tpu.enqueue_dma source(%dma_start3A_116 : memref<1024xi32, #tpu.memory_space<hbm>>) target(%dma_start3A_114 : memref<1024xi32, #tpu.memory_space<vmem>>) target_semaphore(%arg11 : memref<!tpu.dma_semaphore, #tpu.memory_space<semaphore_mem>>)
    %dma_start3A_117 = arith.constant 13 : i32
    %dma_start3A_118 = arith.constant 13312 : i32
    %dma_start3A_119 = tpu.memref_slice %arg6[%dma_start3A_118] : memref<51200xi32, #tpu.memory_space<vmem>> -> memref<1024xi32, #tpu.memory_space<vmem>>
    %dma_start3A_120 = tpu.memref_slice %arg2[%dma_start3A_117, %mul3A_0] : memref<50x16384xi32, #tpu.memory_space<hbm>> -> memref<1x1024xi32, #tpu.memory_space<hbm>>
    %dma_start3A_121 = tpu.memref_squeeze %dma_start3A_120 : memref<1x1024xi32, #tpu.memory_space<hbm>> -> memref<1024xi32, #tpu.memory_space<hbm>>
    %dma_start3A_122 = arith.constant 13312 : i32
    %dma_start3A_123 = tpu.memref_slice %arg6[%dma_start3A_122] : memref<51200xi32, #tpu.memory_space<vmem>> -> memref<1024xi32, #tpu.memory_space<vmem>>
    %dma_start3A_124 = tpu.memref_slice %arg2[%dma_start3A_117, %mul3A_0] : memref<50x16384xi32, #tpu.memory_space<hbm>> -> memref<1x1024xi32, #tpu.memory_space<hbm>>
    %dma_start3A_125 = tpu.memref_squeeze %dma_start3A_124 : memref<1x1024xi32, #tpu.memory_space<hbm>> -> memref<1024xi32, #tpu.memory_space<hbm>>
    tpu.enqueue_dma source(%dma_start3A_125 : memref<1024xi32, #tpu.memory_space<hbm>>) target(%dma_start3A_123 : memref<1024xi32, #tpu.memory_space<vmem>>) target_semaphore(%arg11 : memref<!tpu.dma_semaphore, #tpu.memory_space<semaphore_mem>>)
    %dma_start3A_126 = arith.constant 14 : i32
    %dma_start3A_127 = arith.constant 14336 : i32
    %dma_start3A_128 = tpu.memref_slice %arg6[%dma_start3A_127] : memref<51200xi32, #tpu.memory_space<vmem>> -> memref<1024xi32, #tpu.memory_space<vmem>>
    %dma_start3A_129 = tpu.memref_slice %arg2[%dma_start3A_126, %mul3A_0] : memref<50x16384xi32, #tpu.memory_space<hbm>> -> memref<1x1024xi32, #tpu.memory_space<hbm>>
    %dma_start3A_130 = tpu.memref_squeeze %dma_start3A_129 : memref<1x1024xi32, #tpu.memory_space<hbm>> -> memref<1024xi32, #tpu.memory_space<hbm>>
    %dma_start3A_131 = arith.constant 14336 : i32
    %dma_start3A_132 = tpu.memref_slice %arg6[%dma_start3A_131] : memref<51200xi32, #tpu.memory_space<vmem>> -> memref<1024xi32, #tpu.memory_space<vmem>>
    %dma_start3A_133 = tpu.memref_slice %arg2[%dma_start3A_126, %mul3A_0] : memref<50x16384xi32, #tpu.memory_space<hbm>> -> memref<1x1024xi32, #tpu.memory_space<hbm>>
    %dma_start3A_134 = tpu.memref_squeeze %dma_start3A_133 : memref<1x1024xi32, #tpu.memory_space<hbm>> -> memref<1024xi32, #tpu.memory_space<hbm>>
    tpu.enqueue_dma source(%dma_start3A_134 : memref<1024xi32, #tpu.memory_space<hbm>>) target(%dma_start3A_132 : memref<1024xi32, #tpu.memory_space<vmem>>) target_semaphore(%arg11 : memref<!tpu.dma_semaphore, #tpu.memory_space<semaphore_mem>>)
    %dma_start3A_135 = arith.constant 15 : i32
    %dma_start3A_136 = arith.constant 15360 : i32
    %dma_start3A_137 = tpu.memref_slice %arg6[%dma_start3A_136] : memref<51200xi32, #tpu.memory_space<vmem>> -> memref<1024xi32, #tpu.memory_space<vmem>>
    %dma_start3A_138 = tpu.memref_slice %arg2[%dma_start3A_135, %mul3A_0] : memref<50x16384xi32, #tpu.memory_space<hbm>> -> memref<1x1024xi32, #tpu.memory_space<hbm>>
    %dma_start3A_139 = tpu.memref_squeeze %dma_start3A_138 : memref<1x1024xi32, #tpu.memory_space<hbm>> -> memref<1024xi32, #tpu.memory_space<hbm>>
    %dma_start3A_140 = arith.constant 15360 : i32
    %dma_start3A_141 = tpu.memref_slice %arg6[%dma_start3A_140] : memref<51200xi32, #tpu.memory_space<vmem>> -> memref<1024xi32, #tpu.memory_space<vmem>>
    %dma_start3A_142 = tpu.memref_slice %arg2[%dma_start3A_135, %mul3A_0] : memref<50x16384xi32, #tpu.memory_space<hbm>> -> memref<1x1024xi32, #tpu.memory_space<hbm>>
    %dma_start3A_143 = tpu.memref_squeeze %dma_start3A_142 : memref<1x1024xi32, #tpu.memory_space<hbm>> -> memref<1024xi32, #tpu.memory_space<hbm>>
    tpu.enqueue_dma source(%dma_start3A_143 : memref<1024xi32, #tpu.memory_space<hbm>>) target(%dma_start3A_141 : memref<1024xi32, #tpu.memory_space<vmem>>) target_semaphore(%arg11 : memref<!tpu.dma_semaphore, #tpu.memory_space<semaphore_mem>>)
    %dma_start3A_144 = arith.constant 16 : i32
    %dma_start3A_145 = arith.constant 16384 : i32
    %dma_start3A_146 = tpu.memref_slice %arg6[%dma_start3A_145] : memref<51200xi32, #tpu.memory_space<vmem>> -> memref<1024xi32, #tpu.memory_space<vmem>>
    %dma_start3A_147 = tpu.memref_slice %arg2[%dma_start3A_144, %mul3A_0] : memref<50x16384xi32, #tpu.memory_space<hbm>> -> memref<1x1024xi32, #tpu.memory_space<hbm>>
    %dma_start3A_148 = tpu.memref_squeeze %dma_start3A_147 : memref<1x1024xi32, #tpu.memory_space<hbm>> -> memref<1024xi32, #tpu.memory_space<hbm>>
    %dma_start3A_149 = arith.constant 16384 : i32
    %dma_start3A_150 = tpu.memref_slice %arg6[%dma_start3A_149] : memref<51200xi32, #tpu.memory_space<vmem>> -> memref<1024xi32, #tpu.memory_space<vmem>>
    %dma_start3A_151 = tpu.memref_slice %arg2[%dma_start3A_144, %mul3A_0] : memref<50x16384xi32, #tpu.memory_space<hbm>> -> memref<1x1024xi32, #tpu.memory_space<hbm>>
    %dma_start3A_152 = tpu.memref_squeeze %dma_start3A_151 : memref<1x1024xi32, #tpu.memory_space<hbm>> -> memref<1024xi32, #tpu.memory_space<hbm>>
    tpu.enqueue_dma source(%dma_start3A_152 : memref<1024xi32, #tpu.memory_space<hbm>>) target(%dma_start3A_150 : memref<1024xi32, #tpu.memory_space<vmem>>) target_semaphore(%arg11 : memref<!tpu.dma_semaphore, #tpu.memory_space<semaphore_mem>>)
    %dma_start3A_153 = arith.constant 17 : i32
    %dma_start3A_154 = arith.constant 17408 : i32
    %dma_start3A_155 = tpu.memref_slice %arg6[%dma_start3A_154] : memref<51200xi32, #tpu.memory_space<vmem>> -> memref<1024xi32, #tpu.memory_space<vmem>>
    %dma_start3A_156 = tpu.memref_slice %arg2[%dma_start3A_153, %mul3A_0] : memref<50x16384xi32, #tpu.memory_space<hbm>> -> memref<1x1024xi32, #tpu.memory_space<hbm>>
    %dma_start3A_157 = tpu.memref_squeeze %dma_start3A_156 : memref<1x1024xi32, #tpu.memory_space<hbm>> -> memref<1024xi32, #tpu.memory_space<hbm>>
    %dma_start3A_158 = arith.constant 17408 : i32
    %dma_start3A_159 = tpu.memref_slice %arg6[%dma_start3A_158] : memref<51200xi32, #tpu.memory_space<vmem>> -> memref<1024xi32, #tpu.memory_space<vmem>>
    %dma_start3A_160 = tpu.memref_slice %arg2[%dma_start3A_153, %mul3A_0] : memref<50x16384xi32, #tpu.memory_space<hbm>> -> memref<1x1024xi32, #tpu.memory_space<hbm>>
    %dma_start3A_161 = tpu.memref_squeeze %dma_start3A_160 : memref<1x1024xi32, #tpu.memory_space<hbm>> -> memref<1024xi32, #tpu.memory_space<hbm>>
    tpu.enqueue_dma source(%dma_start3A_161 : memref<1024xi32, #tpu.memory_space<hbm>>) target(%dma_start3A_159 : memref<1024xi32, #tpu.memory_space<vmem>>) target_semaphore(%arg11 : memref<!tpu.dma_semaphore, #tpu.memory_space<semaphore_mem>>)
    %dma_start3A_162 = arith.constant 18 : i32
    %dma_start3A_163 = arith.constant 18432 : i32
    %dma_start3A_164 = tpu.memref_slice %arg6[%dma_start3A_163] : memref<51200xi32, #tpu.memory_space<vmem>> -> memref<1024xi32, #tpu.memory_space<vmem>>
    %dma_start3A_165 = tpu.memref_slice %arg2[%dma_start3A_162, %mul3A_0] : memref<50x16384xi32, #tpu.memory_space<hbm>> -> memref<1x1024xi32, #tpu.memory_space<hbm>>
    %dma_start3A_166 = tpu.memref_squeeze %dma_start3A_165 : memref<1x1024xi32, #tpu.memory_space<hbm>> -> memref<1024xi32, #tpu.memory_space<hbm>>
    %dma_start3A_167 = arith.constant 18432 : i32
    %dma_start3A_168 = tpu.memref_slice %arg6[%dma_start3A_167] : memref<51200xi32, #tpu.memory_space<vmem>> -> memref<1024xi32, #tpu.memory_space<vmem>>
    %dma_start3A_169 = tpu.memref_slice %arg2[%dma_start3A_162, %mul3A_0] : memref<50x16384xi32, #tpu.memory_space<hbm>> -> memref<1x1024xi32, #tpu.memory_space<hbm>>
    %dma_start3A_170 = tpu.memref_squeeze %dma_start3A_169 : memref<1x1024xi32, #tpu.memory_space<hbm>> -> memref<1024xi32, #tpu.memory_space<hbm>>
    tpu.enqueue_dma source(%dma_start3A_170 : memref<1024xi32, #tpu.memory_space<hbm>>) target(%dma_start3A_168 : memref<1024xi32, #tpu.memory_space<vmem>>) target_semaphore(%arg11 : memref<!tpu.dma_semaphore, #tpu.memory_space<semaphore_mem>>)
    %dma_start3A_171 = arith.constant 19 : i32
    %dma_start3A_172 = arith.constant 19456 : i32
    %dma_start3A_173 = tpu.memref_slice %arg6[%dma_start3A_172] : memref<51200xi32, #tpu.memory_space<vmem>> -> memref<1024xi32, #tpu.memory_space<vmem>>
    %dma_start3A_174 = tpu.memref_slice %arg2[%dma_start3A_171, %mul3A_0] : memref<50x16384xi32, #tpu.memory_space<hbm>> -> memref<1x1024xi32, #tpu.memory_space<hbm>>
    %dma_start3A_175 = tpu.memref_squeeze %dma_start3A_174 : memref<1x1024xi32, #tpu.memory_space<hbm>> -> memref<1024xi32, #tpu.memory_space<hbm>>
    %dma_start3A_176 = arith.constant 19456 : i32
    %dma_start3A_177 = tpu.memref_slice %arg6[%dma_start3A_176] : memref<51200xi32, #tpu.memory_space<vmem>> -> memref<1024xi32, #tpu.memory_space<vmem>>
    %dma_start3A_178 = tpu.memref_slice %arg2[%dma_start3A_171, %mul3A_0] : memref<50x16384xi32, #tpu.memory_space<hbm>> -> memref<1x1024xi32, #tpu.memory_space<hbm>>
    %dma_start3A_179 = tpu.memref_squeeze %dma_start3A_178 : memref<1x1024xi32, #tpu.memory_space<hbm>> -> memref<1024xi32, #tpu.memory_space<hbm>>
    tpu.enqueue_dma source(%dma_start3A_179 : memref<1024xi32, #tpu.memory_space<hbm>>) target(%dma_start3A_177 : memref<1024xi32, #tpu.memory_space<vmem>>) target_semaphore(%arg11 : memref<!tpu.dma_semaphore, #tpu.memory_space<semaphore_mem>>)
    %dma_start3A_180 = arith.constant 20 : i32
    %dma_start3A_181 = arith.constant 20480 : i32
    %dma_start3A_182 = tpu.memref_slice %arg6[%dma_start3A_181] : memref<51200xi32, #tpu.memory_space<vmem>> -> memref<1024xi32, #tpu.memory_space<vmem>>
    %dma_start3A_183 = tpu.memref_slice %arg2[%dma_start3A_180, %mul3A_0] : memref<50x16384xi32, #tpu.memory_space<hbm>> -> memref<1x1024xi32, #tpu.memory_space<hbm>>
    %dma_start3A_184 = tpu.memref_squeeze %dma_start3A_183 : memref<1x1024xi32, #tpu.memory_space<hbm>> -> memref<1024xi32, #tpu.memory_space<hbm>>
    %dma_start3A_185 = arith.constant 20480 : i32
    %dma_start3A_186 = tpu.memref_slice %arg6[%dma_start3A_185] : memref<51200xi32, #tpu.memory_space<vmem>> -> memref<1024xi32, #tpu.memory_space<vmem>>
    %dma_start3A_187 = tpu.memref_slice %arg2[%dma_start3A_180, %mul3A_0] : memref<50x16384xi32, #tpu.memory_space<hbm>> -> memref<1x1024xi32, #tpu.memory_space<hbm>>
    %dma_start3A_188 = tpu.memref_squeeze %dma_start3A_187 : memref<1x1024xi32, #tpu.memory_space<hbm>> -> memref<1024xi32, #tpu.memory_space<hbm>>
    tpu.enqueue_dma source(%dma_start3A_188 : memref<1024xi32, #tpu.memory_space<hbm>>) target(%dma_start3A_186 : memref<1024xi32, #tpu.memory_space<vmem>>) target_semaphore(%arg11 : memref<!tpu.dma_semaphore, #tpu.memory_space<semaphore_mem>>)
    %dma_start3A_189 = arith.constant 21 : i32
    %dma_start3A_190 = arith.constant 21504 : i32
    %dma_start3A_191 = tpu.memref_slice %arg6[%dma_start3A_190] : memref<51200xi32, #tpu.memory_space<vmem>> -> memref<1024xi32, #tpu.memory_space<vmem>>
    %dma_start3A_192 = tpu.memref_slice %arg2[%dma_start3A_189, %mul3A_0] : memref<50x16384xi32, #tpu.memory_space<hbm>> -> memref<1x1024xi32, #tpu.memory_space<hbm>>
    %dma_start3A_193 = tpu.memref_squeeze %dma_start3A_192 : memref<1x1024xi32, #tpu.memory_space<hbm>> -> memref<1024xi32, #tpu.memory_space<hbm>>
    %dma_start3A_194 = arith.constant 21504 : i32
    %dma_start3A_195 = tpu.memref_slice %arg6[%dma_start3A_194] : memref<51200xi32, #tpu.memory_space<vmem>> -> memref<1024xi32, #tpu.memory_space<vmem>>
    %dma_start3A_196 = tpu.memref_slice %arg2[%dma_start3A_189, %mul3A_0] : memref<50x16384xi32, #tpu.memory_space<hbm>> -> memref<1x1024xi32, #tpu.memory_space<hbm>>
    %dma_start3A_197 = tpu.memref_squeeze %dma_start3A_196 : memref<1x1024xi32, #tpu.memory_space<hbm>> -> memref<1024xi32, #tpu.memory_space<hbm>>
    tpu.enqueue_dma source(%dma_start3A_197 : memref<1024xi32, #tpu.memory_space<hbm>>) target(%dma_start3A_195 : memref<1024xi32, #tpu.memory_space<vmem>>) target_semaphore(%arg11 : memref<!tpu.dma_semaphore, #tpu.memory_space<semaphore_mem>>)
    %dma_start3A_198 = arith.constant 22 : i32
    %dma_start3A_199 = arith.constant 22528 : i32
    %dma_start3A_200 = tpu.memref_slice %arg6[%dma_start3A_199] : memref<51200xi32, #tpu.memory_space<vmem>> -> memref<1024xi32, #tpu.memory_space<vmem>>
    %dma_start3A_201 = tpu.memref_slice %arg2[%dma_start3A_198, %mul3A_0] : memref<50x16384xi32, #tpu.memory_space<hbm>> -> memref<1x1024xi32, #tpu.memory_space<hbm>>
    %dma_start3A_202 = tpu.memref_squeeze %dma_start3A_201 : memref<1x1024xi32, #tpu.memory_space<hbm>> -> memref<1024xi32, #tpu.memory_space<hbm>>
    %dma_start3A_203 = arith.constant 22528 : i32
    %dma_start3A_204 = tpu.memref_slice %arg6[%dma_start3A_203] : memref<51200xi32, #tpu.memory_space<vmem>> -> memref<1024xi32, #tpu.memory_space<vmem>>
    %dma_start3A_205 = tpu.memref_slice %arg2[%dma_start3A_198, %mul3A_0] : memref<50x16384xi32, #tpu.memory_space<hbm>> -> memref<1x1024xi32, #tpu.memory_space<hbm>>
    %dma_start3A_206 = tpu.memref_squeeze %dma_start3A_205 : memref<1x1024xi32, #tpu.memory_space<hbm>> -> memref<1024xi32, #tpu.memory_space<hbm>>
    tpu.enqueue_dma source(%dma_start3A_206 : memref<1024xi32, #tpu.memory_space<hbm>>) target(%dma_start3A_204 : memref<1024xi32, #tpu.memory_space<vmem>>) target_semaphore(%arg11 : memref<!tpu.dma_semaphore, #tpu.memory_space<semaphore_mem>>)
    %dma_start3A_207 = arith.constant 23 : i32
    %dma_start3A_208 = arith.constant 23552 : i32
    %dma_start3A_209 = tpu.memref_slice %arg6[%dma_start3A_208] : memref<51200xi32, #tpu.memory_space<vmem>> -> memref<1024xi32, #tpu.memory_space<vmem>>
    %dma_start3A_210 = tpu.memref_slice %arg2[%dma_start3A_207, %mul3A_0] : memref<50x16384xi32, #tpu.memory_space<hbm>> -> memref<1x1024xi32, #tpu.memory_space<hbm>>
    %dma_start3A_211 = tpu.memref_squeeze %dma_start3A_210 : memref<1x1024xi32, #tpu.memory_space<hbm>> -> memref<1024xi32, #tpu.memory_space<hbm>>
    %dma_start3A_212 = arith.constant 23552 : i32
    %dma_start3A_213 = tpu.memref_slice %arg6[%dma_start3A_212] : memref<51200xi32, #tpu.memory_space<vmem>> -> memref<1024xi32, #tpu.memory_space<vmem>>
    %dma_start3A_214 = tpu.memref_slice %arg2[%dma_start3A_207, %mul3A_0] : memref<50x16384xi32, #tpu.memory_space<hbm>> -> memref<1x1024xi32, #tpu.memory_space<hbm>>
    %dma_start3A_215 = tpu.memref_squeeze %dma_start3A_214 : memref<1x1024xi32, #tpu.memory_space<hbm>> -> memref<1024xi32, #tpu.memory_space<hbm>>
    tpu.enqueue_dma source(%dma_start3A_215 : memref<1024xi32, #tpu.memory_space<hbm>>) target(%dma_start3A_213 : memref<1024xi32, #tpu.memory_space<vmem>>) target_semaphore(%arg11 : memref<!tpu.dma_semaphore, #tpu.memory_space<semaphore_mem>>)
    %dma_start3A_216 = arith.constant 24 : i32
    %dma_start3A_217 = arith.constant 24576 : i32
    %dma_start3A_218 = tpu.memref_slice %arg6[%dma_start3A_217] : memref<51200xi32, #tpu.memory_space<vmem>> -> memref<1024xi32, #tpu.memory_space<vmem>>
    %dma_start3A_219 = tpu.memref_slice %arg2[%dma_start3A_216, %mul3A_0] : memref<50x16384xi32, #tpu.memory_space<hbm>> -> memref<1x1024xi32, #tpu.memory_space<hbm>>
    %dma_start3A_220 = tpu.memref_squeeze %dma_start3A_219 : memref<1x1024xi32, #tpu.memory_space<hbm>> -> memref<1024xi32, #tpu.memory_space<hbm>>
    %dma_start3A_221 = arith.constant 24576 : i32
    %dma_start3A_222 = tpu.memref_slice %arg6[%dma_start3A_221] : memref<51200xi32, #tpu.memory_space<vmem>> -> memref<1024xi32, #tpu.memory_space<vmem>>
    %dma_start3A_223 = tpu.memref_slice %arg2[%dma_start3A_216, %mul3A_0] : memref<50x16384xi32, #tpu.memory_space<hbm>> -> memref<1x1024xi32, #tpu.memory_space<hbm>>
    %dma_start3A_224 = tpu.memref_squeeze %dma_start3A_223 : memref<1x1024xi32, #tpu.memory_space<hbm>> -> memref<1024xi32, #tpu.memory_space<hbm>>
    tpu.enqueue_dma source(%dma_start3A_224 : memref<1024xi32, #tpu.memory_space<hbm>>) target(%dma_start3A_222 : memref<1024xi32, #tpu.memory_space<vmem>>) target_semaphore(%arg11 : memref<!tpu.dma_semaphore, #tpu.memory_space<semaphore_mem>>)
    %dma_start3A_225 = arith.constant 25 : i32
    %dma_start3A_226 = arith.constant 25600 : i32
    %dma_start3A_227 = tpu.memref_slice %arg6[%dma_start3A_226] : memref<51200xi32, #tpu.memory_space<vmem>> -> memref<1024xi32, #tpu.memory_space<vmem>>
    %dma_start3A_228 = tpu.memref_slice %arg2[%dma_start3A_225, %mul3A_0] : memref<50x16384xi32, #tpu.memory_space<hbm>> -> memref<1x1024xi32, #tpu.memory_space<hbm>>
    %dma_start3A_229 = tpu.memref_squeeze %dma_start3A_228 : memref<1x1024xi32, #tpu.memory_space<hbm>> -> memref<1024xi32, #tpu.memory_space<hbm>>
    %dma_start3A_230 = arith.constant 25600 : i32
    %dma_start3A_231 = tpu.memref_slice %arg6[%dma_start3A_230] : memref<51200xi32, #tpu.memory_space<vmem>> -> memref<1024xi32, #tpu.memory_space<vmem>>
    %dma_start3A_232 = tpu.memref_slice %arg2[%dma_start3A_225, %mul3A_0] : memref<50x16384xi32, #tpu.memory_space<hbm>> -> memref<1x1024xi32, #tpu.memory_space<hbm>>
    %dma_start3A_233 = tpu.memref_squeeze %dma_start3A_232 : memref<1x1024xi32, #tpu.memory_space<hbm>> -> memref<1024xi32, #tpu.memory_space<hbm>>
    tpu.enqueue_dma source(%dma_start3A_233 : memref<1024xi32, #tpu.memory_space<hbm>>) target(%dma_start3A_231 : memref<1024xi32, #tpu.memory_space<vmem>>) target_semaphore(%arg11 : memref<!tpu.dma_semaphore, #tpu.memory_space<semaphore_mem>>)
    %dma_start3A_234 = arith.constant 26 : i32
    %dma_start3A_235 = arith.constant 26624 : i32
    %dma_start3A_236 = tpu.memref_slice %arg6[%dma_start3A_235] : memref<51200xi32, #tpu.memory_space<vmem>> -> memref<1024xi32, #tpu.memory_space<vmem>>
    %dma_start3A_237 = tpu.memref_slice %arg2[%dma_start3A_234, %mul3A_0] : memref<50x16384xi32, #tpu.memory_space<hbm>> -> memref<1x1024xi32, #tpu.memory_space<hbm>>
    %dma_start3A_238 = tpu.memref_squeeze %dma_start3A_237 : memref<1x1024xi32, #tpu.memory_space<hbm>> -> memref<1024xi32, #tpu.memory_space<hbm>>
    %dma_start3A_239 = arith.constant 26624 : i32
    %dma_start3A_240 = tpu.memref_slice %arg6[%dma_start3A_239] : memref<51200xi32, #tpu.memory_space<vmem>> -> memref<1024xi32, #tpu.memory_space<vmem>>
    %dma_start3A_241 = tpu.memref_slice %arg2[%dma_start3A_234, %mul3A_0] : memref<50x16384xi32, #tpu.memory_space<hbm>> -> memref<1x1024xi32, #tpu.memory_space<hbm>>
    %dma_start3A_242 = tpu.memref_squeeze %dma_start3A_241 : memref<1x1024xi32, #tpu.memory_space<hbm>> -> memref<1024xi32, #tpu.memory_space<hbm>>
    tpu.enqueue_dma source(%dma_start3A_242 : memref<1024xi32, #tpu.memory_space<hbm>>) target(%dma_start3A_240 : memref<1024xi32, #tpu.memory_space<vmem>>) target_semaphore(%arg11 : memref<!tpu.dma_semaphore, #tpu.memory_space<semaphore_mem>>)
    %dma_start3A_243 = arith.constant 27 : i32
    %dma_start3A_244 = arith.constant 27648 : i32
    %dma_start3A_245 = tpu.memref_slice %arg6[%dma_start3A_244] : memref<51200xi32, #tpu.memory_space<vmem>> -> memref<1024xi32, #tpu.memory_space<vmem>>
    %dma_start3A_246 = tpu.memref_slice %arg2[%dma_start3A_243, %mul3A_0] : memref<50x16384xi32, #tpu.memory_space<hbm>> -> memref<1x1024xi32, #tpu.memory_space<hbm>>
    %dma_start3A_247 = tpu.memref_squeeze %dma_start3A_246 : memref<1x1024xi32, #tpu.memory_space<hbm>> -> memref<1024xi32, #tpu.memory_space<hbm>>
    %dma_start3A_248 = arith.constant 27648 : i32
    %dma_start3A_249 = tpu.memref_slice %arg6[%dma_start3A_248] : memref<51200xi32, #tpu.memory_space<vmem>> -> memref<1024xi32, #tpu.memory_space<vmem>>
    %dma_start3A_250 = tpu.memref_slice %arg2[%dma_start3A_243, %mul3A_0] : memref<50x16384xi32, #tpu.memory_space<hbm>> -> memref<1x1024xi32, #tpu.memory_space<hbm>>
    %dma_start3A_251 = tpu.memref_squeeze %dma_start3A_250 : memref<1x1024xi32, #tpu.memory_space<hbm>> -> memref<1024xi32, #tpu.memory_space<hbm>>
    tpu.enqueue_dma source(%dma_start3A_251 : memref<1024xi32, #tpu.memory_space<hbm>>) target(%dma_start3A_249 : memref<1024xi32, #tpu.memory_space<vmem>>) target_semaphore(%arg11 : memref<!tpu.dma_semaphore, #tpu.memory_space<semaphore_mem>>)
    %dma_start3A_252 = arith.constant 28 : i32
    %dma_start3A_253 = arith.constant 28672 : i32
    %dma_start3A_254 = tpu.memref_slice %arg6[%dma_start3A_253] : memref<51200xi32, #tpu.memory_space<vmem>> -> memref<1024xi32, #tpu.memory_space<vmem>>
    %dma_start3A_255 = tpu.memref_slice %arg2[%dma_start3A_252, %mul3A_0] : memref<50x16384xi32, #tpu.memory_space<hbm>> -> memref<1x1024xi32, #tpu.memory_space<hbm>>
    %dma_start3A_256 = tpu.memref_squeeze %dma_start3A_255 : memref<1x1024xi32, #tpu.memory_space<hbm>> -> memref<1024xi32, #tpu.memory_space<hbm>>
    %dma_start3A_257 = arith.constant 28672 : i32
    %dma_start3A_258 = tpu.memref_slice %arg6[%dma_start3A_257] : memref<51200xi32, #tpu.memory_space<vmem>> -> memref<1024xi32, #tpu.memory_space<vmem>>
    %dma_start3A_259 = tpu.memref_slice %arg2[%dma_start3A_252, %mul3A_0] : memref<50x16384xi32, #tpu.memory_space<hbm>> -> memref<1x1024xi32, #tpu.memory_space<hbm>>
    %dma_start3A_260 = tpu.memref_squeeze %dma_start3A_259 : memref<1x1024xi32, #tpu.memory_space<hbm>> -> memref<1024xi32, #tpu.memory_space<hbm>>
    tpu.enqueue_dma source(%dma_start3A_260 : memref<1024xi32, #tpu.memory_space<hbm>>) target(%dma_start3A_258 : memref<1024xi32, #tpu.memory_space<vmem>>) target_semaphore(%arg11 : memref<!tpu.dma_semaphore, #tpu.memory_space<semaphore_mem>>)
    %dma_start3A_261 = arith.constant 29 : i32
    %dma_start3A_262 = arith.constant 29696 : i32
    %dma_start3A_263 = tpu.memref_slice %arg6[%dma_start3A_262] : memref<51200xi32, #tpu.memory_space<vmem>> -> memref<1024xi32, #tpu.memory_space<vmem>>
    %dma_start3A_264 = tpu.memref_slice %arg2[%dma_start3A_261, %mul3A_0] : memref<50x16384xi32, #tpu.memory_space<hbm>> -> memref<1x1024xi32, #tpu.memory_space<hbm>>
    %dma_start3A_265 = tpu.memref_squeeze %dma_start3A_264 : memref<1x1024xi32, #tpu.memory_space<hbm>> -> memref<1024xi32, #tpu.memory_space<hbm>>
    %dma_start3A_266 = arith.constant 29696 : i32
    %dma_start3A_267 = tpu.memref_slice %arg6[%dma_start3A_266] : memref<51200xi32, #tpu.memory_space<vmem>> -> memref<1024xi32, #tpu.memory_space<vmem>>
    %dma_start3A_268 = tpu.memref_slice %arg2[%dma_start3A_261, %mul3A_0] : memref<50x16384xi32, #tpu.memory_space<hbm>> -> memref<1x1024xi32, #tpu.memory_space<hbm>>
    %dma_start3A_269 = tpu.memref_squeeze %dma_start3A_268 : memref<1x1024xi32, #tpu.memory_space<hbm>> -> memref<1024xi32, #tpu.memory_space<hbm>>
    tpu.enqueue_dma source(%dma_start3A_269 : memref<1024xi32, #tpu.memory_space<hbm>>) target(%dma_start3A_267 : memref<1024xi32, #tpu.memory_space<vmem>>) target_semaphore(%arg11 : memref<!tpu.dma_semaphore, #tpu.memory_space<semaphore_mem>>)
    %dma_start3A_270 = arith.constant 30 : i32
    %dma_start3A_271 = arith.constant 30720 : i32
    %dma_start3A_272 = tpu.memref_slice %arg6[%dma_start3A_271] : memref<51200xi32, #tpu.memory_space<vmem>> -> memref<1024xi32, #tpu.memory_space<vmem>>
    %dma_start3A_273 = tpu.memref_slice %arg2[%dma_start3A_270, %mul3A_0] : memref<50x16384xi32, #tpu.memory_space<hbm>> -> memref<1x1024xi32, #tpu.memory_space<hbm>>
    %dma_start3A_274 = tpu.memref_squeeze %dma_start3A_273 : memref<1x1024xi32, #tpu.memory_space<hbm>> -> memref<1024xi32, #tpu.memory_space<hbm>>
    %dma_start3A_275 = arith.constant 30720 : i32
    %dma_start3A_276 = tpu.memref_slice %arg6[%dma_start3A_275] : memref<51200xi32, #tpu.memory_space<vmem>> -> memref<1024xi32, #tpu.memory_space<vmem>>
    %dma_start3A_277 = tpu.memref_slice %arg2[%dma_start3A_270, %mul3A_0] : memref<50x16384xi32, #tpu.memory_space<hbm>> -> memref<1x1024xi32, #tpu.memory_space<hbm>>
    %dma_start3A_278 = tpu.memref_squeeze %dma_start3A_277 : memref<1x1024xi32, #tpu.memory_space<hbm>> -> memref<1024xi32, #tpu.memory_space<hbm>>
    tpu.enqueue_dma source(%dma_start3A_278 : memref<1024xi32, #tpu.memory_space<hbm>>) target(%dma_start3A_276 : memref<1024xi32, #tpu.memory_space<vmem>>) target_semaphore(%arg11 : memref<!tpu.dma_semaphore, #tpu.memory_space<semaphore_mem>>)
    %dma_start3A_279 = arith.constant 31 : i32
    %dma_start3A_280 = arith.constant 31744 : i32
    %dma_start3A_281 = tpu.memref_slice %arg6[%dma_start3A_280] : memref<51200xi32, #tpu.memory_space<vmem>> -> memref<1024xi32, #tpu.memory_space<vmem>>
    %dma_start3A_282 = tpu.memref_slice %arg2[%dma_start3A_279, %mul3A_0] : memref<50x16384xi32, #tpu.memory_space<hbm>> -> memref<1x1024xi32, #tpu.memory_space<hbm>>
    %dma_start3A_283 = tpu.memref_squeeze %dma_start3A_282 : memref<1x1024xi32, #tpu.memory_space<hbm>> -> memref<1024xi32, #tpu.memory_space<hbm>>
    %dma_start3A_284 = arith.constant 31744 : i32
    %dma_start3A_285 = tpu.memref_slice %arg6[%dma_start3A_284] : memref<51200xi32, #tpu.memory_space<vmem>> -> memref<1024xi32, #tpu.memory_space<vmem>>
    %dma_start3A_286 = tpu.memref_slice %arg2[%dma_start3A_279, %mul3A_0] : memref<50x16384xi32, #tpu.memory_space<hbm>> -> memref<1x1024xi32, #tpu.memory_space<hbm>>
    %dma_start3A_287 = tpu.memref_squeeze %dma_start3A_286 : memref<1x1024xi32, #tpu.memory_space<hbm>> -> memref<1024xi32, #tpu.memory_space<hbm>>
    tpu.enqueue_dma source(%dma_start3A_287 : memref<1024xi32, #tpu.memory_space<hbm>>) target(%dma_start3A_285 : memref<1024xi32, #tpu.memory_space<vmem>>) target_semaphore(%arg11 : memref<!tpu.dma_semaphore, #tpu.memory_space<semaphore_mem>>)
    %dma_start3A_288 = arith.constant 32 : i32
    %dma_start3A_289 = arith.constant 32768 : i32
    %dma_start3A_290 = tpu.memref_slice %arg6[%dma_start3A_289] : memref<51200xi32, #tpu.memory_space<vmem>> -> memref<1024xi32, #tpu.memory_space<vmem>>
    %dma_start3A_291 = tpu.memref_slice %arg2[%dma_start3A_288, %mul3A_0] : memref<50x16384xi32, #tpu.memory_space<hbm>> -> memref<1x1024xi32, #tpu.memory_space<hbm>>
    %dma_start3A_292 = tpu.memref_squeeze %dma_start3A_291 : memref<1x1024xi32, #tpu.memory_space<hbm>> -> memref<1024xi32, #tpu.memory_space<hbm>>
    %dma_start3A_293 = arith.constant 32768 : i32
    %dma_start3A_294 = tpu.memref_slice %arg6[%dma_start3A_293] : memref<51200xi32, #tpu.memory_space<vmem>> -> memref<1024xi32, #tpu.memory_space<vmem>>
    %dma_start3A_295 = tpu.memref_slice %arg2[%dma_start3A_288, %mul3A_0] : memref<50x16384xi32, #tpu.memory_space<hbm>> -> memref<1x1024xi32, #tpu.memory_space<hbm>>
    %dma_start3A_296 = tpu.memref_squeeze %dma_start3A_295 : memref<1x1024xi32, #tpu.memory_space<hbm>> -> memref<1024xi32, #tpu.memory_space<hbm>>
    tpu.enqueue_dma source(%dma_start3A_296 : memref<1024xi32, #tpu.memory_space<hbm>>) target(%dma_start3A_294 : memref<1024xi32, #tpu.memory_space<vmem>>) target_semaphore(%arg11 : memref<!tpu.dma_semaphore, #tpu.memory_space<semaphore_mem>>)
    %dma_start3A_297 = arith.constant 33 : i32
    %dma_start3A_298 = arith.constant 33792 : i32
    %dma_start3A_299 = tpu.memref_slice %arg6[%dma_start3A_298] : memref<51200xi32, #tpu.memory_space<vmem>> -> memref<1024xi32, #tpu.memory_space<vmem>>
    %dma_start3A_300 = tpu.memref_slice %arg2[%dma_start3A_297, %mul3A_0] : memref<50x16384xi32, #tpu.memory_space<hbm>> -> memref<1x1024xi32, #tpu.memory_space<hbm>>
    %dma_start3A_301 = tpu.memref_squeeze %dma_start3A_300 : memref<1x1024xi32, #tpu.memory_space<hbm>> -> memref<1024xi32, #tpu.memory_space<hbm>>
    %dma_start3A_302 = arith.constant 33792 : i32
    %dma_start3A_303 = tpu.memref_slice %arg6[%dma_start3A_302] : memref<51200xi32, #tpu.memory_space<vmem>> -> memref<1024xi32, #tpu.memory_space<vmem>>
    %dma_start3A_304 = tpu.memref_slice %arg2[%dma_start3A_297, %mul3A_0] : memref<50x16384xi32, #tpu.memory_space<hbm>> -> memref<1x1024xi32, #tpu.memory_space<hbm>>
    %dma_start3A_305 = tpu.memref_squeeze %dma_start3A_304 : memref<1x1024xi32, #tpu.memory_space<hbm>> -> memref<1024xi32, #tpu.memory_space<hbm>>
    tpu.enqueue_dma source(%dma_start3A_305 : memref<1024xi32, #tpu.memory_space<hbm>>) target(%dma_start3A_303 : memref<1024xi32, #tpu.memory_space<vmem>>) target_semaphore(%arg11 : memref<!tpu.dma_semaphore, #tpu.memory_space<semaphore_mem>>)
    %dma_start3A_306 = arith.constant 34 : i32
    %dma_start3A_307 = arith.constant 34816 : i32
    %dma_start3A_308 = tpu.memref_slice %arg6[%dma_start3A_307] : memref<51200xi32, #tpu.memory_space<vmem>> -> memref<1024xi32, #tpu.memory_space<vmem>>
    %dma_start3A_309 = tpu.memref_slice %arg2[%dma_start3A_306, %mul3A_0] : memref<50x16384xi32, #tpu.memory_space<hbm>> -> memref<1x1024xi32, #tpu.memory_space<hbm>>
    %dma_start3A_310 = tpu.memref_squeeze %dma_start3A_309 : memref<1x1024xi32, #tpu.memory_space<hbm>> -> memref<1024xi32, #tpu.memory_space<hbm>>
    %dma_start3A_311 = arith.constant 34816 : i32
    %dma_start3A_312 = tpu.memref_slice %arg6[%dma_start3A_311] : memref<51200xi32, #tpu.memory_space<vmem>> -> memref<1024xi32, #tpu.memory_space<vmem>>
    %dma_start3A_313 = tpu.memref_slice %arg2[%dma_start3A_306, %mul3A_0] : memref<50x16384xi32, #tpu.memory_space<hbm>> -> memref<1x1024xi32, #tpu.memory_space<hbm>>
    %dma_start3A_314 = tpu.memref_squeeze %dma_start3A_313 : memref<1x1024xi32, #tpu.memory_space<hbm>> -> memref<1024xi32, #tpu.memory_space<hbm>>
    tpu.enqueue_dma source(%dma_start3A_314 : memref<1024xi32, #tpu.memory_space<hbm>>) target(%dma_start3A_312 : memref<1024xi32, #tpu.memory_space<vmem>>) target_semaphore(%arg11 : memref<!tpu.dma_semaphore, #tpu.memory_space<semaphore_mem>>)
    %dma_start3A_315 = arith.constant 35 : i32
    %dma_start3A_316 = arith.constant 35840 : i32
    %dma_start3A_317 = tpu.memref_slice %arg6[%dma_start3A_316] : memref<51200xi32, #tpu.memory_space<vmem>> -> memref<1024xi32, #tpu.memory_space<vmem>>
    %dma_start3A_318 = tpu.memref_slice %arg2[%dma_start3A_315, %mul3A_0] : memref<50x16384xi32, #tpu.memory_space<hbm>> -> memref<1x1024xi32, #tpu.memory_space<hbm>>
    %dma_start3A_319 = tpu.memref_squeeze %dma_start3A_318 : memref<1x1024xi32, #tpu.memory_space<hbm>> -> memref<1024xi32, #tpu.memory_space<hbm>>
    %dma_start3A_320 = arith.constant 35840 : i32
    %dma_start3A_321 = tpu.memref_slice %arg6[%dma_start3A_320] : memref<51200xi32, #tpu.memory_space<vmem>> -> memref<1024xi32, #tpu.memory_space<vmem>>
    %dma_start3A_322 = tpu.memref_slice %arg2[%dma_start3A_315, %mul3A_0] : memref<50x16384xi32, #tpu.memory_space<hbm>> -> memref<1x1024xi32, #tpu.memory_space<hbm>>
    %dma_start3A_323 = tpu.memref_squeeze %dma_start3A_322 : memref<1x1024xi32, #tpu.memory_space<hbm>> -> memref<1024xi32, #tpu.memory_space<hbm>>
    tpu.enqueue_dma source(%dma_start3A_323 : memref<1024xi32, #tpu.memory_space<hbm>>) target(%dma_start3A_321 : memref<1024xi32, #tpu.memory_space<vmem>>) target_semaphore(%arg11 : memref<!tpu.dma_semaphore, #tpu.memory_space<semaphore_mem>>)
    %dma_start3A_324 = arith.constant 36 : i32
    %dma_start3A_325 = arith.constant 36864 : i32
    %dma_start3A_326 = tpu.memref_slice %arg6[%dma_start3A_325] : memref<51200xi32, #tpu.memory_space<vmem>> -> memref<1024xi32, #tpu.memory_space<vmem>>
    %dma_start3A_327 = tpu.memref_slice %arg2[%dma_start3A_324, %mul3A_0] : memref<50x16384xi32, #tpu.memory_space<hbm>> -> memref<1x1024xi32, #tpu.memory_space<hbm>>
    %dma_start3A_328 = tpu.memref_squeeze %dma_start3A_327 : memref<1x1024xi32, #tpu.memory_space<hbm>> -> memref<1024xi32, #tpu.memory_space<hbm>>
    %dma_start3A_329 = arith.constant 36864 : i32
    %dma_start3A_330 = tpu.memref_slice %arg6[%dma_start3A_329] : memref<51200xi32, #tpu.memory_space<vmem>> -> memref<1024xi32, #tpu.memory_space<vmem>>
    %dma_start3A_331 = tpu.memref_slice %arg2[%dma_start3A_324, %mul3A_0] : memref<50x16384xi32, #tpu.memory_space<hbm>> -> memref<1x1024xi32, #tpu.memory_space<hbm>>
    %dma_start3A_332 = tpu.memref_squeeze %dma_start3A_331 : memref<1x1024xi32, #tpu.memory_space<hbm>> -> memref<1024xi32, #tpu.memory_space<hbm>>
    tpu.enqueue_dma source(%dma_start3A_332 : memref<1024xi32, #tpu.memory_space<hbm>>) target(%dma_start3A_330 : memref<1024xi32, #tpu.memory_space<vmem>>) target_semaphore(%arg11 : memref<!tpu.dma_semaphore, #tpu.memory_space<semaphore_mem>>)
    %dma_start3A_333 = arith.constant 37 : i32
    %dma_start3A_334 = arith.constant 37888 : i32
    %dma_start3A_335 = tpu.memref_slice %arg6[%dma_start3A_334] : memref<51200xi32, #tpu.memory_space<vmem>> -> memref<1024xi32, #tpu.memory_space<vmem>>
    %dma_start3A_336 = tpu.memref_slice %arg2[%dma_start3A_333, %mul3A_0] : memref<50x16384xi32, #tpu.memory_space<hbm>> -> memref<1x1024xi32, #tpu.memory_space<hbm>>
    %dma_start3A_337 = tpu.memref_squeeze %dma_start3A_336 : memref<1x1024xi32, #tpu.memory_space<hbm>> -> memref<1024xi32, #tpu.memory_space<hbm>>
    %dma_start3A_338 = arith.constant 37888 : i32
    %dma_start3A_339 = tpu.memref_slice %arg6[%dma_start3A_338] : memref<51200xi32, #tpu.memory_space<vmem>> -> memref<1024xi32, #tpu.memory_space<vmem>>
    %dma_start3A_340 = tpu.memref_slice %arg2[%dma_start3A_333, %mul3A_0] : memref<50x16384xi32, #tpu.memory_space<hbm>> -> memref<1x1024xi32, #tpu.memory_space<hbm>>
    %dma_start3A_341 = tpu.memref_squeeze %dma_start3A_340 : memref<1x1024xi32, #tpu.memory_space<hbm>> -> memref<1024xi32, #tpu.memory_space<hbm>>
    tpu.enqueue_dma source(%dma_start3A_341 : memref<1024xi32, #tpu.memory_space<hbm>>) target(%dma_start3A_339 : memref<1024xi32, #tpu.memory_space<vmem>>) target_semaphore(%arg11 : memref<!tpu.dma_semaphore, #tpu.memory_space<semaphore_mem>>)
    %dma_start3A_342 = arith.constant 38 : i32
    %dma_start3A_343 = arith.constant 38912 : i32
    %dma_start3A_344 = tpu.memref_slice %arg6[%dma_start3A_343] : memref<51200xi32, #tpu.memory_space<vmem>> -> memref<1024xi32, #tpu.memory_space<vmem>>
    %dma_start3A_345 = tpu.memref_slice %arg2[%dma_start3A_342, %mul3A_0] : memref<50x16384xi32, #tpu.memory_space<hbm>> -> memref<1x1024xi32, #tpu.memory_space<hbm>>
    %dma_start3A_346 = tpu.memref_squeeze %dma_start3A_345 : memref<1x1024xi32, #tpu.memory_space<hbm>> -> memref<1024xi32, #tpu.memory_space<hbm>>
    %dma_start3A_347 = arith.constant 38912 : i32
    %dma_start3A_348 = tpu.memref_slice %arg6[%dma_start3A_347] : memref<51200xi32, #tpu.memory_space<vmem>> -> memref<1024xi32, #tpu.memory_space<vmem>>
    %dma_start3A_349 = tpu.memref_slice %arg2[%dma_start3A_342, %mul3A_0] : memref<50x16384xi32, #tpu.memory_space<hbm>> -> memref<1x1024xi32, #tpu.memory_space<hbm>>
    %dma_start3A_350 = tpu.memref_squeeze %dma_start3A_349 : memref<1x1024xi32, #tpu.memory_space<hbm>> -> memref<1024xi32, #tpu.memory_space<hbm>>
    tpu.enqueue_dma source(%dma_start3A_350 : memref<1024xi32, #tpu.memory_space<hbm>>) target(%dma_start3A_348 : memref<1024xi32, #tpu.memory_space<vmem>>) target_semaphore(%arg11 : memref<!tpu.dma_semaphore, #tpu.memory_space<semaphore_mem>>)
    %dma_start3A_351 = arith.constant 39 : i32
    %dma_start3A_352 = arith.constant 39936 : i32
    %dma_start3A_353 = tpu.memref_slice %arg6[%dma_start3A_352] : memref<51200xi32, #tpu.memory_space<vmem>> -> memref<1024xi32, #tpu.memory_space<vmem>>
    %dma_start3A_354 = tpu.memref_slice %arg2[%dma_start3A_351, %mul3A_0] : memref<50x16384xi32, #tpu.memory_space<hbm>> -> memref<1x1024xi32, #tpu.memory_space<hbm>>
    %dma_start3A_355 = tpu.memref_squeeze %dma_start3A_354 : memref<1x1024xi32, #tpu.memory_space<hbm>> -> memref<1024xi32, #tpu.memory_space<hbm>>
    %dma_start3A_356 = arith.constant 39936 : i32
    %dma_start3A_357 = tpu.memref_slice %arg6[%dma_start3A_356] : memref<51200xi32, #tpu.memory_space<vmem>> -> memref<1024xi32, #tpu.memory_space<vmem>>
    %dma_start3A_358 = tpu.memref_slice %arg2[%dma_start3A_351, %mul3A_0] : memref<50x16384xi32, #tpu.memory_space<hbm>> -> memref<1x1024xi32, #tpu.memory_space<hbm>>
    %dma_start3A_359 = tpu.memref_squeeze %dma_start3A_358 : memref<1x1024xi32, #tpu.memory_space<hbm>> -> memref<1024xi32, #tpu.memory_space<hbm>>
    tpu.enqueue_dma source(%dma_start3A_359 : memref<1024xi32, #tpu.memory_space<hbm>>) target(%dma_start3A_357 : memref<1024xi32, #tpu.memory_space<vmem>>) target_semaphore(%arg11 : memref<!tpu.dma_semaphore, #tpu.memory_space<semaphore_mem>>)
    %dma_start3A_360 = arith.constant 40 : i32
    %dma_start3A_361 = arith.constant 40960 : i32
    %dma_start3A_362 = tpu.memref_slice %arg6[%dma_start3A_361] : memref<51200xi32, #tpu.memory_space<vmem>> -> memref<1024xi32, #tpu.memory_space<vmem>>
    %dma_start3A_363 = tpu.memref_slice %arg2[%dma_start3A_360, %mul3A_0] : memref<50x16384xi32, #tpu.memory_space<hbm>> -> memref<1x1024xi32, #tpu.memory_space<hbm>>
    %dma_start3A_364 = tpu.memref_squeeze %dma_start3A_363 : memref<1x1024xi32, #tpu.memory_space<hbm>> -> memref<1024xi32, #tpu.memory_space<hbm>>
    %dma_start3A_365 = arith.constant 40960 : i32
    %dma_start3A_366 = tpu.memref_slice %arg6[%dma_start3A_365] : memref<51200xi32, #tpu.memory_space<vmem>> -> memref<1024xi32, #tpu.memory_space<vmem>>
    %dma_start3A_367 = tpu.memref_slice %arg2[%dma_start3A_360, %mul3A_0] : memref<50x16384xi32, #tpu.memory_space<hbm>> -> memref<1x1024xi32, #tpu.memory_space<hbm>>
    %dma_start3A_368 = tpu.memref_squeeze %dma_start3A_367 : memref<1x1024xi32, #tpu.memory_space<hbm>> -> memref<1024xi32, #tpu.memory_space<hbm>>
    tpu.enqueue_dma source(%dma_start3A_368 : memref<1024xi32, #tpu.memory_space<hbm>>) target(%dma_start3A_366 : memref<1024xi32, #tpu.memory_space<vmem>>) target_semaphore(%arg11 : memref<!tpu.dma_semaphore, #tpu.memory_space<semaphore_mem>>)
    %dma_start3A_369 = arith.constant 41 : i32
    %dma_start3A_370 = arith.constant 41984 : i32
    %dma_start3A_371 = tpu.memref_slice %arg6[%dma_start3A_370] : memref<51200xi32, #tpu.memory_space<vmem>> -> memref<1024xi32, #tpu.memory_space<vmem>>
    %dma_start3A_372 = tpu.memref_slice %arg2[%dma_start3A_369, %mul3A_0] : memref<50x16384xi32, #tpu.memory_space<hbm>> -> memref<1x1024xi32, #tpu.memory_space<hbm>>
    %dma_start3A_373 = tpu.memref_squeeze %dma_start3A_372 : memref<1x1024xi32, #tpu.memory_space<hbm>> -> memref<1024xi32, #tpu.memory_space<hbm>>
    %dma_start3A_374 = arith.constant 41984 : i32
    %dma_start3A_375 = tpu.memref_slice %arg6[%dma_start3A_374] : memref<51200xi32, #tpu.memory_space<vmem>> -> memref<1024xi32, #tpu.memory_space<vmem>>
    %dma_start3A_376 = tpu.memref_slice %arg2[%dma_start3A_369, %mul3A_0] : memref<50x16384xi32, #tpu.memory_space<hbm>> -> memref<1x1024xi32, #tpu.memory_space<hbm>>
    %dma_start3A_377 = tpu.memref_squeeze %dma_start3A_376 : memref<1x1024xi32, #tpu.memory_space<hbm>> -> memref<1024xi32, #tpu.memory_space<hbm>>
    tpu.enqueue_dma source(%dma_start3A_377 : memref<1024xi32, #tpu.memory_space<hbm>>) target(%dma_start3A_375 : memref<1024xi32, #tpu.memory_space<vmem>>) target_semaphore(%arg11 : memref<!tpu.dma_semaphore, #tpu.memory_space<semaphore_mem>>)
    %dma_start3A_378 = arith.constant 42 : i32
    %dma_start3A_379 = arith.constant 43008 : i32
    %dma_start3A_380 = tpu.memref_slice %arg6[%dma_start3A_379] : memref<51200xi32, #tpu.memory_space<vmem>> -> memref<1024xi32, #tpu.memory_space<vmem>>
    %dma_start3A_381 = tpu.memref_slice %arg2[%dma_start3A_378, %mul3A_0] : memref<50x16384xi32, #tpu.memory_space<hbm>> -> memref<1x1024xi32, #tpu.memory_space<hbm>>
    %dma_start3A_382 = tpu.memref_squeeze %dma_start3A_381 : memref<1x1024xi32, #tpu.memory_space<hbm>> -> memref<1024xi32, #tpu.memory_space<hbm>>
    %dma_start3A_383 = arith.constant 43008 : i32
    %dma_start3A_384 = tpu.memref_slice %arg6[%dma_start3A_383] : memref<51200xi32, #tpu.memory_space<vmem>> -> memref<1024xi32, #tpu.memory_space<vmem>>
    %dma_start3A_385 = tpu.memref_slice %arg2[%dma_start3A_378, %mul3A_0] : memref<50x16384xi32, #tpu.memory_space<hbm>> -> memref<1x1024xi32, #tpu.memory_space<hbm>>
    %dma_start3A_386 = tpu.memref_squeeze %dma_start3A_385 : memref<1x1024xi32, #tpu.memory_space<hbm>> -> memref<1024xi32, #tpu.memory_space<hbm>>
    tpu.enqueue_dma source(%dma_start3A_386 : memref<1024xi32, #tpu.memory_space<hbm>>) target(%dma_start3A_384 : memref<1024xi32, #tpu.memory_space<vmem>>) target_semaphore(%arg11 : memref<!tpu.dma_semaphore, #tpu.memory_space<semaphore_mem>>)
    %dma_start3A_387 = arith.constant 43 : i32
    %dma_start3A_388 = arith.constant 44032 : i32
    %dma_start3A_389 = tpu.memref_slice %arg6[%dma_start3A_388] : memref<51200xi32, #tpu.memory_space<vmem>> -> memref<1024xi32, #tpu.memory_space<vmem>>
    %dma_start3A_390 = tpu.memref_slice %arg2[%dma_start3A_387, %mul3A_0] : memref<50x16384xi32, #tpu.memory_space<hbm>> -> memref<1x1024xi32, #tpu.memory_space<hbm>>
    %dma_start3A_391 = tpu.memref_squeeze %dma_start3A_390 : memref<1x1024xi32, #tpu.memory_space<hbm>> -> memref<1024xi32, #tpu.memory_space<hbm>>
    %dma_start3A_392 = arith.constant 44032 : i32
    %dma_start3A_393 = tpu.memref_slice %arg6[%dma_start3A_392] : memref<51200xi32, #tpu.memory_space<vmem>> -> memref<1024xi32, #tpu.memory_space<vmem>>
    %dma_start3A_394 = tpu.memref_slice %arg2[%dma_start3A_387, %mul3A_0] : memref<50x16384xi32, #tpu.memory_space<hbm>> -> memref<1x1024xi32, #tpu.memory_space<hbm>>
    %dma_start3A_395 = tpu.memref_squeeze %dma_start3A_394 : memref<1x1024xi32, #tpu.memory_space<hbm>> -> memref<1024xi32, #tpu.memory_space<hbm>>
    tpu.enqueue_dma source(%dma_start3A_395 : memref<1024xi32, #tpu.memory_space<hbm>>) target(%dma_start3A_393 : memref<1024xi32, #tpu.memory_space<vmem>>) target_semaphore(%arg11 : memref<!tpu.dma_semaphore, #tpu.memory_space<semaphore_mem>>)
    %dma_start3A_396 = arith.constant 44 : i32
    %dma_start3A_397 = arith.constant 45056 : i32
    %dma_start3A_398 = tpu.memref_slice %arg6[%dma_start3A_397] : memref<51200xi32, #tpu.memory_space<vmem>> -> memref<1024xi32, #tpu.memory_space<vmem>>
    %dma_start3A_399 = tpu.memref_slice %arg2[%dma_start3A_396, %mul3A_0] : memref<50x16384xi32, #tpu.memory_space<hbm>> -> memref<1x1024xi32, #tpu.memory_space<hbm>>
    %dma_start3A_400 = tpu.memref_squeeze %dma_start3A_399 : memref<1x1024xi32, #tpu.memory_space<hbm>> -> memref<1024xi32, #tpu.memory_space<hbm>>
    %dma_start3A_401 = arith.constant 45056 : i32
    %dma_start3A_402 = tpu.memref_slice %arg6[%dma_start3A_401] : memref<51200xi32, #tpu.memory_space<vmem>> -> memref<1024xi32, #tpu.memory_space<vmem>>
    %dma_start3A_403 = tpu.memref_slice %arg2[%dma_start3A_396, %mul3A_0] : memref<50x16384xi32, #tpu.memory_space<hbm>> -> memref<1x1024xi32, #tpu.memory_space<hbm>>
    %dma_start3A_404 = tpu.memref_squeeze %dma_start3A_403 : memref<1x1024xi32, #tpu.memory_space<hbm>> -> memref<1024xi32, #tpu.memory_space<hbm>>
    tpu.enqueue_dma source(%dma_start3A_404 : memref<1024xi32, #tpu.memory_space<hbm>>) target(%dma_start3A_402 : memref<1024xi32, #tpu.memory_space<vmem>>) target_semaphore(%arg11 : memref<!tpu.dma_semaphore, #tpu.memory_space<semaphore_mem>>)
    %dma_start3A_405 = arith.constant 45 : i32
    %dma_start3A_406 = arith.constant 46080 : i32
    %dma_start3A_407 = tpu.memref_slice %arg6[%dma_start3A_406] : memref<51200xi32, #tpu.memory_space<vmem>> -> memref<1024xi32, #tpu.memory_space<vmem>>
    %dma_start3A_408 = tpu.memref_slice %arg2[%dma_start3A_405, %mul3A_0] : memref<50x16384xi32, #tpu.memory_space<hbm>> -> memref<1x1024xi32, #tpu.memory_space<hbm>>
    %dma_start3A_409 = tpu.memref_squeeze %dma_start3A_408 : memref<1x1024xi32, #tpu.memory_space<hbm>> -> memref<1024xi32, #tpu.memory_space<hbm>>
    %dma_start3A_410 = arith.constant 46080 : i32
    %dma_start3A_411 = tpu.memref_slice %arg6[%dma_start3A_410] : memref<51200xi32, #tpu.memory_space<vmem>> -> memref<1024xi32, #tpu.memory_space<vmem>>
    %dma_start3A_412 = tpu.memref_slice %arg2[%dma_start3A_405, %mul3A_0] : memref<50x16384xi32, #tpu.memory_space<hbm>> -> memref<1x1024xi32, #tpu.memory_space<hbm>>
    %dma_start3A_413 = tpu.memref_squeeze %dma_start3A_412 : memref<1x1024xi32, #tpu.memory_space<hbm>> -> memref<1024xi32, #tpu.memory_space<hbm>>
    tpu.enqueue_dma source(%dma_start3A_413 : memref<1024xi32, #tpu.memory_space<hbm>>) target(%dma_start3A_411 : memref<1024xi32, #tpu.memory_space<vmem>>) target_semaphore(%arg11 : memref<!tpu.dma_semaphore, #tpu.memory_space<semaphore_mem>>)
    %dma_start3A_414 = arith.constant 46 : i32
    %dma_start3A_415 = arith.constant 47104 : i32
    %dma_start3A_416 = tpu.memref_slice %arg6[%dma_start3A_415] : memref<51200xi32, #tpu.memory_space<vmem>> -> memref<1024xi32, #tpu.memory_space<vmem>>
    %dma_start3A_417 = tpu.memref_slice %arg2[%dma_start3A_414, %mul3A_0] : memref<50x16384xi32, #tpu.memory_space<hbm>> -> memref<1x1024xi32, #tpu.memory_space<hbm>>
    %dma_start3A_418 = tpu.memref_squeeze %dma_start3A_417 : memref<1x1024xi32, #tpu.memory_space<hbm>> -> memref<1024xi32, #tpu.memory_space<hbm>>
    %dma_start3A_419 = arith.constant 47104 : i32
    %dma_start3A_420 = tpu.memref_slice %arg6[%dma_start3A_419] : memref<51200xi32, #tpu.memory_space<vmem>> -> memref<1024xi32, #tpu.memory_space<vmem>>
    %dma_start3A_421 = tpu.memref_slice %arg2[%dma_start3A_414, %mul3A_0] : memref<50x16384xi32, #tpu.memory_space<hbm>> -> memref<1x1024xi32, #tpu.memory_space<hbm>>
    %dma_start3A_422 = tpu.memref_squeeze %dma_start3A_421 : memref<1x1024xi32, #tpu.memory_space<hbm>> -> memref<1024xi32, #tpu.memory_space<hbm>>
    tpu.enqueue_dma source(%dma_start3A_422 : memref<1024xi32, #tpu.memory_space<hbm>>) target(%dma_start3A_420 : memref<1024xi32, #tpu.memory_space<vmem>>) target_semaphore(%arg11 : memref<!tpu.dma_semaphore, #tpu.memory_space<semaphore_mem>>)
    %dma_start3A_423 = arith.constant 47 : i32
    %dma_start3A_424 = arith.constant 48128 : i32
    %dma_start3A_425 = tpu.memref_slice %arg6[%dma_start3A_424] : memref<51200xi32, #tpu.memory_space<vmem>> -> memref<1024xi32, #tpu.memory_space<vmem>>
    %dma_start3A_426 = tpu.memref_slice %arg2[%dma_start3A_423, %mul3A_0] : memref<50x16384xi32, #tpu.memory_space<hbm>> -> memref<1x1024xi32, #tpu.memory_space<hbm>>
    %dma_start3A_427 = tpu.memref_squeeze %dma_start3A_426 : memref<1x1024xi32, #tpu.memory_space<hbm>> -> memref<1024xi32, #tpu.memory_space<hbm>>
    %dma_start3A_428 = arith.constant 48128 : i32
    %dma_start3A_429 = tpu.memref_slice %arg6[%dma_start3A_428] : memref<51200xi32, #tpu.memory_space<vmem>> -> memref<1024xi32, #tpu.memory_space<vmem>>
    %dma_start3A_430 = tpu.memref_slice %arg2[%dma_start3A_423, %mul3A_0] : memref<50x16384xi32, #tpu.memory_space<hbm>> -> memref<1x1024xi32, #tpu.memory_space<hbm>>
    %dma_start3A_431 = tpu.memref_squeeze %dma_start3A_430 : memref<1x1024xi32, #tpu.memory_space<hbm>> -> memref<1024xi32, #tpu.memory_space<hbm>>
    tpu.enqueue_dma source(%dma_start3A_431 : memref<1024xi32, #tpu.memory_space<hbm>>) target(%dma_start3A_429 : memref<1024xi32, #tpu.memory_space<vmem>>) target_semaphore(%arg11 : memref<!tpu.dma_semaphore, #tpu.memory_space<semaphore_mem>>)
    %dma_start3A_432 = arith.constant 48 : i32
    %dma_start3A_433 = arith.constant 49152 : i32
    %dma_start3A_434 = tpu.memref_slice %arg6[%dma_start3A_433] : memref<51200xi32, #tpu.memory_space<vmem>> -> memref<1024xi32, #tpu.memory_space<vmem>>
    %dma_start3A_435 = tpu.memref_slice %arg2[%dma_start3A_432, %mul3A_0] : memref<50x16384xi32, #tpu.memory_space<hbm>> -> memref<1x1024xi32, #tpu.memory_space<hbm>>
    %dma_start3A_436 = tpu.memref_squeeze %dma_start3A_435 : memref<1x1024xi32, #tpu.memory_space<hbm>> -> memref<1024xi32, #tpu.memory_space<hbm>>
    %dma_start3A_437 = arith.constant 49152 : i32
    %dma_start3A_438 = tpu.memref_slice %arg6[%dma_start3A_437] : memref<51200xi32, #tpu.memory_space<vmem>> -> memref<1024xi32, #tpu.memory_space<vmem>>
    %dma_start3A_439 = tpu.memref_slice %arg2[%dma_start3A_432, %mul3A_0] : memref<50x16384xi32, #tpu.memory_space<hbm>> -> memref<1x1024xi32, #tpu.memory_space<hbm>>
    %dma_start3A_440 = tpu.memref_squeeze %dma_start3A_439 : memref<1x1024xi32, #tpu.memory_space<hbm>> -> memref<1024xi32, #tpu.memory_space<hbm>>
    tpu.enqueue_dma source(%dma_start3A_440 : memref<1024xi32, #tpu.memory_space<hbm>>) target(%dma_start3A_438 : memref<1024xi32, #tpu.memory_space<vmem>>) target_semaphore(%arg11 : memref<!tpu.dma_semaphore, #tpu.memory_space<semaphore_mem>>)
    %dma_start3A_441 = arith.constant 49 : i32
    %dma_start3A_442 = arith.constant 50176 : i32
    %dma_start3A_443 = tpu.memref_slice %arg6[%dma_start3A_442] : memref<51200xi32, #tpu.memory_space<vmem>> -> memref<1024xi32, #tpu.memory_space<vmem>>
    %dma_start3A_444 = tpu.memref_slice %arg2[%dma_start3A_441, %mul3A_0] : memref<50x16384xi32, #tpu.memory_space<hbm>> -> memref<1x1024xi32, #tpu.memory_space<hbm>>
    %dma_start3A_445 = tpu.memref_squeeze %dma_start3A_444 : memref<1x1024xi32, #tpu.memory_space<hbm>> -> memref<1024xi32, #tpu.memory_space<hbm>>
    %dma_start3A_446 = arith.constant 50176 : i32
    %dma_start3A_447 = tpu.memref_slice %arg6[%dma_start3A_446] : memref<51200xi32, #tpu.memory_space<vmem>> -> memref<1024xi32, #tpu.memory_space<vmem>>
    %dma_start3A_448 = tpu.memref_slice %arg2[%dma_start3A_441, %mul3A_0] : memref<50x16384xi32, #tpu.memory_space<hbm>> -> memref<1x1024xi32, #tpu.memory_space<hbm>>
    %dma_start3A_449 = tpu.memref_squeeze %dma_start3A_448 : memref<1x1024xi32, #tpu.memory_space<hbm>> -> memref<1024xi32, #tpu.memory_space<hbm>>
    tpu.enqueue_dma source(%dma_start3A_449 : memref<1024xi32, #tpu.memory_space<hbm>>) target(%dma_start3A_447 : memref<1024xi32, #tpu.memory_space<vmem>>) target_semaphore(%arg11 : memref<!tpu.dma_semaphore, #tpu.memory_space<semaphore_mem>>)
    %dma_wait3A = arith.constant 0 : i32
    %dma_wait3A_450 = arith.constant 0 : i32
    %dma_wait3A_451 = tpu.memref_slice %arg6[%dma_wait3A_450] : memref<51200xi32, #tpu.memory_space<vmem>> -> memref<1024xi32, #tpu.memory_space<vmem>>
    %dma_wait3A_452 = arith.constant 0 : i32
    %dma_wait3A_453 = tpu.memref_slice %arg2[%dma_wait3A, %dma_wait3A_452] : memref<50x16384xi32, #tpu.memory_space<hbm>> -> memref<1x1024xi32, #tpu.memory_space<hbm>>
    %dma_wait3A_454 = tpu.memref_squeeze %dma_wait3A_453 : memref<1x1024xi32, #tpu.memory_space<hbm>> -> memref<1024xi32, #tpu.memory_space<hbm>>
    %dma_wait3A_455 = arith.constant 0 : i32
    %dma_wait3A_456 = tpu.memref_slice %arg6[%dma_wait3A_455] : memref<51200xi32, #tpu.memory_space<vmem>> -> memref<1024xi32, #tpu.memory_space<vmem>>
    %dma_wait3A_457 = arith.constant 0 : i32
    %dma_wait3A_458 = tpu.memref_slice %arg2[%dma_wait3A, %dma_wait3A_457] : memref<50x16384xi32, #tpu.memory_space<hbm>> -> memref<1x1024xi32, #tpu.memory_space<hbm>>
    %dma_wait3A_459 = tpu.memref_squeeze %dma_wait3A_458 : memref<1x1024xi32, #tpu.memory_space<hbm>> -> memref<1024xi32, #tpu.memory_space<hbm>>
    tpu.wait_dma2 semaphore(%arg11 : memref<!tpu.dma_semaphore, #tpu.memory_space<semaphore_mem>>) src(%dma_wait3A_459 : memref<1024xi32, #tpu.memory_space<hbm>>) dst(%dma_wait3A_456 : memref<1024xi32, #tpu.memory_space<vmem>>)
    %dma_wait3A_460 = arith.constant 0 : i32
    %dma_wait3A_461 = arith.constant 0 : i32
    %dma_wait3A_462 = tpu.memref_slice %arg6[%dma_wait3A_461] : memref<51200xi32, #tpu.memory_space<vmem>> -> memref<1024xi32, #tpu.memory_space<vmem>>
    %dma_wait3A_463 = arith.constant 0 : i32
    %dma_wait3A_464 = tpu.memref_slice %arg2[%dma_wait3A_460, %dma_wait3A_463] : memref<50x16384xi32, #tpu.memory_space<hbm>> -> memref<1x1024xi32, #tpu.memory_space<hbm>>
    %dma_wait3A_465 = tpu.memref_squeeze %dma_wait3A_464 : memref<1x1024xi32, #tpu.memory_space<hbm>> -> memref<1024xi32, #tpu.memory_space<hbm>>
    %dma_wait3A_466 = arith.constant 0 : i32
    %dma_wait3A_467 = tpu.memref_slice %arg6[%dma_wait3A_466] : memref<51200xi32, #tpu.memory_space<vmem>> -> memref<1024xi32, #tpu.memory_space<vmem>>
    %dma_wait3A_468 = arith.constant 0 : i32
    %dma_wait3A_469 = tpu.memref_slice %arg2[%dma_wait3A_460, %dma_wait3A_468] : memref<50x16384xi32, #tpu.memory_space<hbm>> -> memref<1x1024xi32, #tpu.memory_space<hbm>>
    %dma_wait3A_470 = tpu.memref_squeeze %dma_wait3A_469 : memref<1x1024xi32, #tpu.memory_space<hbm>> -> memref<1024xi32, #tpu.memory_space<hbm>>
    tpu.wait_dma2 semaphore(%arg11 : memref<!tpu.dma_semaphore, #tpu.memory_space<semaphore_mem>>) src(%dma_wait3A_470 : memref<1024xi32, #tpu.memory_space<hbm>>) dst(%dma_wait3A_467 : memref<1024xi32, #tpu.memory_space<vmem>>)
    %dma_wait3A_471 = arith.constant 0 : i32
    %dma_wait3A_472 = arith.constant 0 : i32
    %dma_wait3A_473 = tpu.memref_slice %arg6[%dma_wait3A_472] : memref<51200xi32, #tpu.memory_space<vmem>> -> memref<1024xi32, #tpu.memory_space<vmem>>
    %dma_wait3A_474 = arith.constant 0 : i32
    %dma_wait3A_475 = tpu.memref_slice %arg2[%dma_wait3A_471, %dma_wait3A_474] : memref<50x16384xi32, #tpu.memory_space<hbm>> -> memref<1x1024xi32, #tpu.memory_space<hbm>>
    %dma_wait3A_476 = tpu.memref_squeeze %dma_wait3A_475 : memref<1x1024xi32, #tpu.memory_space<hbm>> -> memref<1024xi32, #tpu.memory_space<hbm>>
    %dma_wait3A_477 = arith.constant 0 : i32
    %dma_wait3A_478 = tpu.memref_slice %arg6[%dma_wait3A_477] : memref<51200xi32, #tpu.memory_space<vmem>> -> memref<1024xi32, #tpu.memory_space<vmem>>
    %dma_wait3A_479 = arith.constant 0 : i32
    %dma_wait3A_480 = tpu.memref_slice %arg2[%dma_wait3A_471, %dma_wait3A_479] : memref<50x16384xi32, #tpu.memory_space<hbm>> -> memref<1x1024xi32, #tpu.memory_space<hbm>>
    %dma_wait3A_481 = tpu.memref_squeeze %dma_wait3A_480 : memref<1x1024xi32, #tpu.memory_space<hbm>> -> memref<1024xi32, #tpu.memory_space<hbm>>
    tpu.wait_dma2 semaphore(%arg11 : memref<!tpu.dma_semaphore, #tpu.memory_space<semaphore_mem>>) src(%dma_wait3A_481 : memref<1024xi32, #tpu.memory_space<hbm>>) dst(%dma_wait3A_478 : memref<1024xi32, #tpu.memory_space<vmem>>)
    %dma_wait3A_482 = arith.constant 0 : i32
    %dma_wait3A_483 = arith.constant 0 : i32
    %dma_wait3A_484 = tpu.memref_slice %arg6[%dma_wait3A_483] : memref<51200xi32, #tpu.memory_space<vmem>> -> memref<1024xi32, #tpu.memory_space<vmem>>
    %dma_wait3A_485 = arith.constant 0 : i32
    %dma_wait3A_486 = tpu.memref_slice %arg2[%dma_wait3A_482, %dma_wait3A_485] : memref<50x16384xi32, #tpu.memory_space<hbm>> -> memref<1x1024xi32, #tpu.memory_space<hbm>>
    %dma_wait3A_487 = tpu.memref_squeeze %dma_wait3A_486 : memref<1x1024xi32, #tpu.memory_space<hbm>> -> memref<1024xi32, #tpu.memory_space<hbm>>
    %dma_wait3A_488 = arith.constant 0 : i32
    %dma_wait3A_489 = tpu.memref_slice %arg6[%dma_wait3A_488] : memref<51200xi32, #tpu.memory_space<vmem>> -> memref<1024xi32, #tpu.memory_space<vmem>>
    %dma_wait3A_490 = arith.constant 0 : i32
    %dma_wait3A_491 = tpu.memref_slice %arg2[%dma_wait3A_482, %dma_wait3A_490] : memref<50x16384xi32, #tpu.memory_space<hbm>> -> memref<1x1024xi32, #tpu.memory_space<hbm>>
    %dma_wait3A_492 = tpu.memref_squeeze %dma_wait3A_491 : memref<1x1024xi32, #tpu.memory_space<hbm>> -> memref<1024xi32, #tpu.memory_space<hbm>>
    tpu.wait_dma2 semaphore(%arg11 : memref<!tpu.dma_semaphore, #tpu.memory_space<semaphore_mem>>) src(%dma_wait3A_492 : memref<1024xi32, #tpu.memory_space<hbm>>) dst(%dma_wait3A_489 : memref<1024xi32, #tpu.memory_space<vmem>>)
    %dma_wait3A_493 = arith.constant 0 : i32
    %dma_wait3A_494 = arith.constant 0 : i32
    %dma_wait3A_495 = tpu.memref_slice %arg6[%dma_wait3A_494] : memref<51200xi32, #tpu.memory_space<vmem>> -> memref<1024xi32, #tpu.memory_space<vmem>>
    %dma_wait3A_496 = arith.constant 0 : i32
    %dma_wait3A_497 = tpu.memref_slice %arg2[%dma_wait3A_493, %dma_wait3A_496] : memref<50x16384xi32, #tpu.memory_space<hbm>> -> memref<1x1024xi32, #tpu.memory_space<hbm>>
    %dma_wait3A_498 = tpu.memref_squeeze %dma_wait3A_497 : memref<1x1024xi32, #tpu.memory_space<hbm>> -> memref<1024xi32, #tpu.memory_space<hbm>>
    %dma_wait3A_499 = arith.constant 0 : i32
    %dma_wait3A_500 = tpu.memref_slice %arg6[%dma_wait3A_499] : memref<51200xi32, #tpu.memory_space<vmem>> -> memref<1024xi32, #tpu.memory_space<vmem>>
    %dma_wait3A_501 = arith.constant 0 : i32
    %dma_wait3A_502 = tpu.memref_slice %arg2[%dma_wait3A_493, %dma_wait3A_501] : memref<50x16384xi32, #tpu.memory_space<hbm>> -> memref<1x1024xi32, #tpu.memory_space<hbm>>
    %dma_wait3A_503 = tpu.memref_squeeze %dma_wait3A_502 : memref<1x1024xi32, #tpu.memory_space<hbm>> -> memref<1024xi32, #tpu.memory_space<hbm>>
    tpu.wait_dma2 semaphore(%arg11 : memref<!tpu.dma_semaphore, #tpu.memory_space<semaphore_mem>>) src(%dma_wait3A_503 : memref<1024xi32, #tpu.memory_space<hbm>>) dst(%dma_wait3A_500 : memref<1024xi32, #tpu.memory_space<vmem>>)
    %dma_wait3A_504 = arith.constant 0 : i32
    %dma_wait3A_505 = arith.constant 0 : i32
    %dma_wait3A_506 = tpu.memref_slice %arg6[%dma_wait3A_505] : memref<51200xi32, #tpu.memory_space<vmem>> -> memref<1024xi32, #tpu.memory_space<vmem>>
    %dma_wait3A_507 = arith.constant 0 : i32
    %dma_wait3A_508 = tpu.memref_slice %arg2[%dma_wait3A_504, %dma_wait3A_507] : memref<50x16384xi32, #tpu.memory_space<hbm>> -> memref<1x1024xi32, #tpu.memory_space<hbm>>
    %dma_wait3A_509 = tpu.memref_squeeze %dma_wait3A_508 : memref<1x1024xi32, #tpu.memory_space<hbm>> -> memref<1024xi32, #tpu.memory_space<hbm>>
    %dma_wait3A_510 = arith.constant 0 : i32
    %dma_wait3A_511 = tpu.memref_slice %arg6[%dma_wait3A_510] : memref<51200xi32, #tpu.memory_space<vmem>> -> memref<1024xi32, #tpu.memory_space<vmem>>
    %dma_wait3A_512 = arith.constant 0 : i32
    %dma_wait3A_513 = tpu.memref_slice %arg2[%dma_wait3A_504, %dma_wait3A_512] : memref<50x16384xi32, #tpu.memory_space<hbm>> -> memref<1x1024xi32, #tpu.memory_space<hbm>>
    %dma_wait3A_514 = tpu.memref_squeeze %dma_wait3A_513 : memref<1x1024xi32, #tpu.memory_space<hbm>> -> memref<1024xi32, #tpu.memory_space<hbm>>
    tpu.wait_dma2 semaphore(%arg11 : memref<!tpu.dma_semaphore, #tpu.memory_space<semaphore_mem>>) src(%dma_wait3A_514 : memref<1024xi32, #tpu.memory_space<hbm>>) dst(%dma_wait3A_511 : memref<1024xi32, #tpu.memory_space<vmem>>)
    %dma_wait3A_515 = arith.constant 0 : i32
    %dma_wait3A_516 = arith.constant 0 : i32
    %dma_wait3A_517 = tpu.memref_slice %arg6[%dma_wait3A_516] : memref<51200xi32, #tpu.memory_space<vmem>> -> memref<1024xi32, #tpu.memory_space<vmem>>
    %dma_wait3A_518 = arith.constant 0 : i32
    %dma_wait3A_519 = tpu.memref_slice %arg2[%dma_wait3A_515, %dma_wait3A_518] : memref<50x16384xi32, #tpu.memory_space<hbm>> -> memref<1x1024xi32, #tpu.memory_space<hbm>>
    %dma_wait3A_520 = tpu.memref_squeeze %dma_wait3A_519 : memref<1x1024xi32, #tpu.memory_space<hbm>> -> memref<1024xi32, #tpu.memory_space<hbm>>
    %dma_wait3A_521 = arith.constant 0 : i32
    %dma_wait3A_522 = tpu.memref_slice %arg6[%dma_wait3A_521] : memref<51200xi32, #tpu.memory_space<vmem>> -> memref<1024xi32, #tpu.memory_space<vmem>>
    %dma_wait3A_523 = arith.constant 0 : i32
    %dma_wait3A_524 = tpu.memref_slice %arg2[%dma_wait3A_515, %dma_wait3A_523] : memref<50x16384xi32, #tpu.memory_space<hbm>> -> memref<1x1024xi32, #tpu.memory_space<hbm>>
    %dma_wait3A_525 = tpu.memref_squeeze %dma_wait3A_524 : memref<1x1024xi32, #tpu.memory_space<hbm>> -> memref<1024xi32, #tpu.memory_space<hbm>>
    tpu.wait_dma2 semaphore(%arg11 : memref<!tpu.dma_semaphore, #tpu.memory_space<semaphore_mem>>) src(%dma_wait3A_525 : memref<1024xi32, #tpu.memory_space<hbm>>) dst(%dma_wait3A_522 : memref<1024xi32, #tpu.memory_space<vmem>>)
    %dma_wait3A_526 = arith.constant 0 : i32
    %dma_wait3A_527 = arith.constant 0 : i32
    %dma_wait3A_528 = tpu.memref_slice %arg6[%dma_wait3A_527] : memref<51200xi32, #tpu.memory_space<vmem>> -> memref<1024xi32, #tpu.memory_space<vmem>>
    %dma_wait3A_529 = arith.constant 0 : i32
    %dma_wait3A_530 = tpu.memref_slice %arg2[%dma_wait3A_526, %dma_wait3A_529] : memref<50x16384xi32, #tpu.memory_space<hbm>> -> memref<1x1024xi32, #tpu.memory_space<hbm>>
    %dma_wait3A_531 = tpu.memref_squeeze %dma_wait3A_530 : memref<1x1024xi32, #tpu.memory_space<hbm>> -> memref<1024xi32, #tpu.memory_space<hbm>>
    %dma_wait3A_532 = arith.constant 0 : i32
    %dma_wait3A_533 = tpu.memref_slice %arg6[%dma_wait3A_532] : memref<51200xi32, #tpu.memory_space<vmem>> -> memref<1024xi32, #tpu.memory_space<vmem>>
    %dma_wait3A_534 = arith.constant 0 : i32
    %dma_wait3A_535 = tpu.memref_slice %arg2[%dma_wait3A_526, %dma_wait3A_534] : memref<50x16384xi32, #tpu.memory_space<hbm>> -> memref<1x1024xi32, #tpu.memory_space<hbm>>
    %dma_wait3A_536 = tpu.memref_squeeze %dma_wait3A_535 : memref<1x1024xi32, #tpu.memory_space<hbm>> -> memref<1024xi32, #tpu.memory_space<hbm>>
    tpu.wait_dma2 semaphore(%arg11 : memref<!tpu.dma_semaphore, #tpu.memory_space<semaphore_mem>>) src(%dma_wait3A_536 : memref<1024xi32, #tpu.memory_space<hbm>>) dst(%dma_wait3A_533 : memref<1024xi32, #tpu.memory_space<vmem>>)
    %dma_wait3A_537 = arith.constant 0 : i32
    %dma_wait3A_538 = arith.constant 0 : i32
    %dma_wait3A_539 = tpu.memref_slice %arg6[%dma_wait3A_538] : memref<51200xi32, #tpu.memory_space<vmem>> -> memref<1024xi32, #tpu.memory_space<vmem>>
    %dma_wait3A_540 = arith.constant 0 : i32
    %dma_wait3A_541 = tpu.memref_slice %arg2[%dma_wait3A_537, %dma_wait3A_540] : memref<50x16384xi32, #tpu.memory_space<hbm>> -> memref<1x1024xi32, #tpu.memory_space<hbm>>
    %dma_wait3A_542 = tpu.memref_squeeze %dma_wait3A_541 : memref<1x1024xi32, #tpu.memory_space<hbm>> -> memref<1024xi32, #tpu.memory_space<hbm>>
    %dma_wait3A_543 = arith.constant 0 : i32
    %dma_wait3A_544 = tpu.memref_slice %arg6[%dma_wait3A_543] : memref<51200xi32, #tpu.memory_space<vmem>> -> memref<1024xi32, #tpu.memory_space<vmem>>
    %dma_wait3A_545 = arith.constant 0 : i32
    %dma_wait3A_546 = tpu.memref_slice %arg2[%dma_wait3A_537, %dma_wait3A_545] : memref<50x16384xi32, #tpu.memory_space<hbm>> -> memref<1x1024xi32, #tpu.memory_space<hbm>>
    %dma_wait3A_547 = tpu.memref_squeeze %dma_wait3A_546 : memref<1x1024xi32, #tpu.memory_space<hbm>> -> memref<1024xi32, #tpu.memory_space<hbm>>
    tpu.wait_dma2 semaphore(%arg11 : memref<!tpu.dma_semaphore, #tpu.memory_space<semaphore_mem>>) src(%dma_wait3A_547 : memref<1024xi32, #tpu.memory_space<hbm>>) dst(%dma_wait3A_544 : memref<1024xi32, #tpu.memory_space<vmem>>)
    %dma_wait3A_548 = arith.constant 0 : i32
    %dma_wait3A_549 = arith.constant 0 : i32
    %dma_wait3A_550 = tpu.memref_slice %arg6[%dma_wait3A_549] : memref<51200xi32, #tpu.memory_space<vmem>> -> memref<1024xi32, #tpu.memory_space<vmem>>
    %dma_wait3A_551 = arith.constant 0 : i32
    %dma_wait3A_552 = tpu.memref_slice %arg2[%dma_wait3A_548, %dma_wait3A_551] : memref<50x16384xi32, #tpu.memory_space<hbm>> -> memref<1x1024xi32, #tpu.memory_space<hbm>>
    %dma_wait3A_553 = tpu.memref_squeeze %dma_wait3A_552 : memref<1x1024xi32, #tpu.memory_space<hbm>> -> memref<1024xi32, #tpu.memory_space<hbm>>
    %dma_wait3A_554 = arith.constant 0 : i32
    %dma_wait3A_555 = tpu.memref_slice %arg6[%dma_wait3A_554] : memref<51200xi32, #tpu.memory_space<vmem>> -> memref<1024xi32, #tpu.memory_space<vmem>>
    %dma_wait3A_556 = arith.constant 0 : i32
    %dma_wait3A_557 = tpu.memref_slice %arg2[%dma_wait3A_548, %dma_wait3A_556] : memref<50x16384xi32, #tpu.memory_space<hbm>> -> memref<1x1024xi32, #tpu.memory_space<hbm>>
    %dma_wait3A_558 = tpu.memref_squeeze %dma_wait3A_557 : memref<1x1024xi32, #tpu.memory_space<hbm>> -> memref<1024xi32, #tpu.memory_space<hbm>>
    tpu.wait_dma2 semaphore(%arg11 : memref<!tpu.dma_semaphore, #tpu.memory_space<semaphore_mem>>) src(%dma_wait3A_558 : memref<1024xi32, #tpu.memory_space<hbm>>) dst(%dma_wait3A_555 : memref<1024xi32, #tpu.memory_space<vmem>>)
    %dma_wait3A_559 = arith.constant 0 : i32
    %dma_wait3A_560 = arith.constant 0 : i32
    %dma_wait3A_561 = tpu.memref_slice %arg6[%dma_wait3A_560] : memref<51200xi32, #tpu.memory_space<vmem>> -> memref<1024xi32, #tpu.memory_space<vmem>>
    %dma_wait3A_562 = arith.constant 0 : i32
    %dma_wait3A_563 = tpu.memref_slice %arg2[%dma_wait3A_559, %dma_wait3A_562] : memref<50x16384xi32, #tpu.memory_space<hbm>> -> memref<1x1024xi32, #tpu.memory_space<hbm>>
    %dma_wait3A_564 = tpu.memref_squeeze %dma_wait3A_563 : memref<1x1024xi32, #tpu.memory_space<hbm>> -> memref<1024xi32, #tpu.memory_space<hbm>>
    %dma_wait3A_565 = arith.constant 0 : i32
    %dma_wait3A_566 = tpu.memref_slice %arg6[%dma_wait3A_565] : memref<51200xi32, #tpu.memory_space<vmem>> -> memref<1024xi32, #tpu.memory_space<vmem>>
    %dma_wait3A_567 = arith.constant 0 : i32
    %dma_wait3A_568 = tpu.memref_slice %arg2[%dma_wait3A_559, %dma_wait3A_567] : memref<50x16384xi32, #tpu.memory_space<hbm>> -> memref<1x1024xi32, #tpu.memory_space<hbm>>
    %dma_wait3A_569 = tpu.memref_squeeze %dma_wait3A_568 : memref<1x1024xi32, #tpu.memory_space<hbm>> -> memref<1024xi32, #tpu.memory_space<hbm>>
    tpu.wait_dma2 semaphore(%arg11 : memref<!tpu.dma_semaphore, #tpu.memory_space<semaphore_mem>>) src(%dma_wait3A_569 : memref<1024xi32, #tpu.memory_space<hbm>>) dst(%dma_wait3A_566 : memref<1024xi32, #tpu.memory_space<vmem>>)
    %dma_wait3A_570 = arith.constant 0 : i32
    %dma_wait3A_571 = arith.constant 0 : i32
    %dma_wait3A_572 = tpu.memref_slice %arg6[%dma_wait3A_571] : memref<51200xi32, #tpu.memory_space<vmem>> -> memref<1024xi32, #tpu.memory_space<vmem>>
    %dma_wait3A_573 = arith.constant 0 : i32
    %dma_wait3A_574 = tpu.memref_slice %arg2[%dma_wait3A_570, %dma_wait3A_573] : memref<50x16384xi32, #tpu.memory_space<hbm>> -> memref<1x1024xi32, #tpu.memory_space<hbm>>
    %dma_wait3A_575 = tpu.memref_squeeze %dma_wait3A_574 : memref<1x1024xi32, #tpu.memory_space<hbm>> -> memref<1024xi32, #tpu.memory_space<hbm>>
    %dma_wait3A_576 = arith.constant 0 : i32
    %dma_wait3A_577 = tpu.memref_slice %arg6[%dma_wait3A_576] : memref<51200xi32, #tpu.memory_space<vmem>> -> memref<1024xi32, #tpu.memory_space<vmem>>
    %dma_wait3A_578 = arith.constant 0 : i32
    %dma_wait3A_579 = tpu.memref_slice %arg2[%dma_wait3A_570, %dma_wait3A_578] : memref<50x16384xi32, #tpu.memory_space<hbm>> -> memref<1x1024xi32, #tpu.memory_space<hbm>>
    %dma_wait3A_580 = tpu.memref_squeeze %dma_wait3A_579 : memref<1x1024xi32, #tpu.memory_space<hbm>> -> memref<1024xi32, #tpu.memory_space<hbm>>
    tpu.wait_dma2 semaphore(%arg11 : memref<!tpu.dma_semaphore, #tpu.memory_space<semaphore_mem>>) src(%dma_wait3A_580 : memref<1024xi32, #tpu.memory_space<hbm>>) dst(%dma_wait3A_577 : memref<1024xi32, #tpu.memory_space<vmem>>)
    %dma_wait3A_581 = arith.constant 0 : i32
    %dma_wait3A_582 = arith.constant 0 : i32
    %dma_wait3A_583 = tpu.memref_slice %arg6[%dma_wait3A_582] : memref<51200xi32, #tpu.memory_space<vmem>> -> memref<1024xi32, #tpu.memory_space<vmem>>
    %dma_wait3A_584 = arith.constant 0 : i32
    %dma_wait3A_585 = tpu.memref_slice %arg2[%dma_wait3A_581, %dma_wait3A_584] : memref<50x16384xi32, #tpu.memory_space<hbm>> -> memref<1x1024xi32, #tpu.memory_space<hbm>>
    %dma_wait3A_586 = tpu.memref_squeeze %dma_wait3A_585 : memref<1x1024xi32, #tpu.memory_space<hbm>> -> memref<1024xi32, #tpu.memory_space<hbm>>
    %dma_wait3A_587 = arith.constant 0 : i32
    %dma_wait3A_588 = tpu.memref_slice %arg6[%dma_wait3A_587] : memref<51200xi32, #tpu.memory_space<vmem>> -> memref<1024xi32, #tpu.memory_space<vmem>>
    %dma_wait3A_589 = arith.constant 0 : i32
    %dma_wait3A_590 = tpu.memref_slice %arg2[%dma_wait3A_581, %dma_wait3A_589] : memref<50x16384xi32, #tpu.memory_space<hbm>> -> memref<1x1024xi32, #tpu.memory_space<hbm>>
    %dma_wait3A_591 = tpu.memref_squeeze %dma_wait3A_590 : memref<1x1024xi32, #tpu.memory_space<hbm>> -> memref<1024xi32, #tpu.memory_space<hbm>>
    tpu.wait_dma2 semaphore(%arg11 : memref<!tpu.dma_semaphore, #tpu.memory_space<semaphore_mem>>) src(%dma_wait3A_591 : memref<1024xi32, #tpu.memory_space<hbm>>) dst(%dma_wait3A_588 : memref<1024xi32, #tpu.memory_space<vmem>>)
    %dma_wait3A_592 = arith.constant 0 : i32
    %dma_wait3A_593 = arith.constant 0 : i32
    %dma_wait3A_594 = tpu.memref_slice %arg6[%dma_wait3A_593] : memref<51200xi32, #tpu.memory_space<vmem>> -> memref<1024xi32, #tpu.memory_space<vmem>>
    %dma_wait3A_595 = arith.constant 0 : i32
    %dma_wait3A_596 = tpu.memref_slice %arg2[%dma_wait3A_592, %dma_wait3A_595] : memref<50x16384xi32, #tpu.memory_space<hbm>> -> memref<1x1024xi32, #tpu.memory_space<hbm>>
    %dma_wait3A_597 = tpu.memref_squeeze %dma_wait3A_596 : memref<1x1024xi32, #tpu.memory_space<hbm>> -> memref<1024xi32, #tpu.memory_space<hbm>>
    %dma_wait3A_598 = arith.constant 0 : i32
    %dma_wait3A_599 = tpu.memref_slice %arg6[%dma_wait3A_598] : memref<51200xi32, #tpu.memory_space<vmem>> -> memref<1024xi32, #tpu.memory_space<vmem>>
    %dma_wait3A_600 = arith.constant 0 : i32
    %dma_wait3A_601 = tpu.memref_slice %arg2[%dma_wait3A_592, %dma_wait3A_600] : memref<50x16384xi32, #tpu.memory_space<hbm>> -> memref<1x1024xi32, #tpu.memory_space<hbm>>
    %dma_wait3A_602 = tpu.memref_squeeze %dma_wait3A_601 : memref<1x1024xi32, #tpu.memory_space<hbm>> -> memref<1024xi32, #tpu.memory_space<hbm>>
    tpu.wait_dma2 semaphore(%arg11 : memref<!tpu.dma_semaphore, #tpu.memory_space<semaphore_mem>>) src(%dma_wait3A_602 : memref<1024xi32, #tpu.memory_space<hbm>>) dst(%dma_wait3A_599 : memref<1024xi32, #tpu.memory_space<vmem>>)
    %dma_wait3A_603 = arith.constant 0 : i32
    %dma_wait3A_604 = arith.constant 0 : i32
    %dma_wait3A_605 = tpu.memref_slice %arg6[%dma_wait3A_604] : memref<51200xi32, #tpu.memory_space<vmem>> -> memref<1024xi32, #tpu.memory_space<vmem>>
    %dma_wait3A_606 = arith.constant 0 : i32
    %dma_wait3A_607 = tpu.memref_slice %arg2[%dma_wait3A_603, %dma_wait3A_606] : memref<50x16384xi32, #tpu.memory_space<hbm>> -> memref<1x1024xi32, #tpu.memory_space<hbm>>
    %dma_wait3A_608 = tpu.memref_squeeze %dma_wait3A_607 : memref<1x1024xi32, #tpu.memory_space<hbm>> -> memref<1024xi32, #tpu.memory_space<hbm>>
    %dma_wait3A_609 = arith.constant 0 : i32
    %dma_wait3A_610 = tpu.memref_slice %arg6[%dma_wait3A_609] : memref<51200xi32, #tpu.memory_space<vmem>> -> memref<1024xi32, #tpu.memory_space<vmem>>
    %dma_wait3A_611 = arith.constant 0 : i32
    %dma_wait3A_612 = tpu.memref_slice %arg2[%dma_wait3A_603, %dma_wait3A_611] : memref<50x16384xi32, #tpu.memory_space<hbm>> -> memref<1x1024xi32, #tpu.memory_space<hbm>>
    %dma_wait3A_613 = tpu.memref_squeeze %dma_wait3A_612 : memref<1x1024xi32, #tpu.memory_space<hbm>> -> memref<1024xi32, #tpu.memory_space<hbm>>
    tpu.wait_dma2 semaphore(%arg11 : memref<!tpu.dma_semaphore, #tpu.memory_space<semaphore_mem>>) src(%dma_wait3A_613 : memref<1024xi32, #tpu.memory_space<hbm>>) dst(%dma_wait3A_610 : memref<1024xi32, #tpu.memory_space<vmem>>)
    %dma_wait3A_614 = arith.constant 0 : i32
    %dma_wait3A_615 = arith.constant 0 : i32
    %dma_wait3A_616 = tpu.memref_slice %arg6[%dma_wait3A_615] : memref<51200xi32, #tpu.memory_space<vmem>> -> memref<1024xi32, #tpu.memory_space<vmem>>
    %dma_wait3A_617 = arith.constant 0 : i32
    %dma_wait3A_618 = tpu.memref_slice %arg2[%dma_wait3A_614, %dma_wait3A_617] : memref<50x16384xi32, #tpu.memory_space<hbm>> -> memref<1x1024xi32, #tpu.memory_space<hbm>>
    %dma_wait3A_619 = tpu.memref_squeeze %dma_wait3A_618 : memref<1x1024xi32, #tpu.memory_space<hbm>> -> memref<1024xi32, #tpu.memory_space<hbm>>
    %dma_wait3A_620 = arith.constant 0 : i32
    %dma_wait3A_621 = tpu.memref_slice %arg6[%dma_wait3A_620] : memref<51200xi32, #tpu.memory_space<vmem>> -> memref<1024xi32, #tpu.memory_space<vmem>>
    %dma_wait3A_622 = arith.constant 0 : i32
    %dma_wait3A_623 = tpu.memref_slice %arg2[%dma_wait3A_614, %dma_wait3A_622] : memref<50x16384xi32, #tpu.memory_space<hbm>> -> memref<1x1024xi32, #tpu.memory_space<hbm>>
    %dma_wait3A_624 = tpu.memref_squeeze %dma_wait3A_623 : memref<1x1024xi32, #tpu.memory_space<hbm>> -> memref<1024xi32, #tpu.memory_space<hbm>>
    tpu.wait_dma2 semaphore(%arg11 : memref<!tpu.dma_semaphore, #tpu.memory_space<semaphore_mem>>) src(%dma_wait3A_624 : memref<1024xi32, #tpu.memory_space<hbm>>) dst(%dma_wait3A_621 : memref<1024xi32, #tpu.memory_space<vmem>>)
    %dma_wait3A_625 = arith.constant 0 : i32
    %dma_wait3A_626 = arith.constant 0 : i32
    %dma_wait3A_627 = tpu.memref_slice %arg6[%dma_wait3A_626] : memref<51200xi32, #tpu.memory_space<vmem>> -> memref<1024xi32, #tpu.memory_space<vmem>>
    %dma_wait3A_628 = arith.constant 0 : i32
    %dma_wait3A_629 = tpu.memref_slice %arg2[%dma_wait3A_625, %dma_wait3A_628] : memref<50x16384xi32, #tpu.memory_space<hbm>> -> memref<1x1024xi32, #tpu.memory_space<hbm>>
    %dma_wait3A_630 = tpu.memref_squeeze %dma_wait3A_629 : memref<1x1024xi32, #tpu.memory_space<hbm>> -> memref<1024xi32, #tpu.memory_space<hbm>>
    %dma_wait3A_631 = arith.constant 0 : i32
    %dma_wait3A_632 = tpu.memref_slice %arg6[%dma_wait3A_631] : memref<51200xi32, #tpu.memory_space<vmem>> -> memref<1024xi32, #tpu.memory_space<vmem>>
    %dma_wait3A_633 = arith.constant 0 : i32
    %dma_wait3A_634 = tpu.memref_slice %arg2[%dma_wait3A_625, %dma_wait3A_633] : memref<50x16384xi32, #tpu.memory_space<hbm>> -> memref<1x1024xi32, #tpu.memory_space<hbm>>
    %dma_wait3A_635 = tpu.memref_squeeze %dma_wait3A_634 : memref<1x1024xi32, #tpu.memory_space<hbm>> -> memref<1024xi32, #tpu.memory_space<hbm>>
    tpu.wait_dma2 semaphore(%arg11 : memref<!tpu.dma_semaphore, #tpu.memory_space<semaphore_mem>>) src(%dma_wait3A_635 : memref<1024xi32, #tpu.memory_space<hbm>>) dst(%dma_wait3A_632 : memref<1024xi32, #tpu.memory_space<vmem>>)
    %dma_wait3A_636 = arith.constant 0 : i32
    %dma_wait3A_637 = arith.constant 0 : i32
    %dma_wait3A_638 = tpu.memref_slice %arg6[%dma_wait3A_637] : memref<51200xi32, #tpu.memory_space<vmem>> -> memref<1024xi32, #tpu.memory_space<vmem>>
    %dma_wait3A_639 = arith.constant 0 : i32
    %dma_wait3A_640 = tpu.memref_slice %arg2[%dma_wait3A_636, %dma_wait3A_639] : memref<50x16384xi32, #tpu.memory_space<hbm>> -> memref<1x1024xi32, #tpu.memory_space<hbm>>
    %dma_wait3A_641 = tpu.memref_squeeze %dma_wait3A_640 : memref<1x1024xi32, #tpu.memory_space<hbm>> -> memref<1024xi32, #tpu.memory_space<hbm>>
    %dma_wait3A_642 = arith.constant 0 : i32
    %dma_wait3A_643 = tpu.memref_slice %arg6[%dma_wait3A_642] : memref<51200xi32, #tpu.memory_space<vmem>> -> memref<1024xi32, #tpu.memory_space<vmem>>
    %dma_wait3A_644 = arith.constant 0 : i32
    %dma_wait3A_645 = tpu.memref_slice %arg2[%dma_wait3A_636, %dma_wait3A_644] : memref<50x16384xi32, #tpu.memory_space<hbm>> -> memref<1x1024xi32, #tpu.memory_space<hbm>>
    %dma_wait3A_646 = tpu.memref_squeeze %dma_wait3A_645 : memref<1x1024xi32, #tpu.memory_space<hbm>> -> memref<1024xi32, #tpu.memory_space<hbm>>
    tpu.wait_dma2 semaphore(%arg11 : memref<!tpu.dma_semaphore, #tpu.memory_space<semaphore_mem>>) src(%dma_wait3A_646 : memref<1024xi32, #tpu.memory_space<hbm>>) dst(%dma_wait3A_643 : memref<1024xi32, #tpu.memory_space<vmem>>)
    %dma_wait3A_647 = arith.constant 0 : i32
    %dma_wait3A_648 = arith.constant 0 : i32
    %dma_wait3A_649 = tpu.memref_slice %arg6[%dma_wait3A_648] : memref<51200xi32, #tpu.memory_space<vmem>> -> memref<1024xi32, #tpu.memory_space<vmem>>
    %dma_wait3A_650 = arith.constant 0 : i32
    %dma_wait3A_651 = tpu.memref_slice %arg2[%dma_wait3A_647, %dma_wait3A_650] : memref<50x16384xi32, #tpu.memory_space<hbm>> -> memref<1x1024xi32, #tpu.memory_space<hbm>>
    %dma_wait3A_652 = tpu.memref_squeeze %dma_wait3A_651 : memref<1x1024xi32, #tpu.memory_space<hbm>> -> memref<1024xi32, #tpu.memory_space<hbm>>
    %dma_wait3A_653 = arith.constant 0 : i32
    %dma_wait3A_654 = tpu.memref_slice %arg6[%dma_wait3A_653] : memref<51200xi32, #tpu.memory_space<vmem>> -> memref<1024xi32, #tpu.memory_space<vmem>>
    %dma_wait3A_655 = arith.constant 0 : i32
    %dma_wait3A_656 = tpu.memref_slice %arg2[%dma_wait3A_647, %dma_wait3A_655] : memref<50x16384xi32, #tpu.memory_space<hbm>> -> memref<1x1024xi32, #tpu.memory_space<hbm>>
    %dma_wait3A_657 = tpu.memref_squeeze %dma_wait3A_656 : memref<1x1024xi32, #tpu.memory_space<hbm>> -> memref<1024xi32, #tpu.memory_space<hbm>>
    tpu.wait_dma2 semaphore(%arg11 : memref<!tpu.dma_semaphore, #tpu.memory_space<semaphore_mem>>) src(%dma_wait3A_657 : memref<1024xi32, #tpu.memory_space<hbm>>) dst(%dma_wait3A_654 : memref<1024xi32, #tpu.memory_space<vmem>>)
    %dma_wait3A_658 = arith.constant 0 : i32
    %dma_wait3A_659 = arith.constant 0 : i32
    %dma_wait3A_660 = tpu.memref_slice %arg6[%dma_wait3A_659] : memref<51200xi32, #tpu.memory_space<vmem>> -> memref<1024xi32, #tpu.memory_space<vmem>>
    %dma_wait3A_661 = arith.constant 0 : i32
    %dma_wait3A_662 = tpu.memref_slice %arg2[%dma_wait3A_658, %dma_wait3A_661] : memref<50x16384xi32, #tpu.memory_space<hbm>> -> memref<1x1024xi32, #tpu.memory_space<hbm>>
    %dma_wait3A_663 = tpu.memref_squeeze %dma_wait3A_662 : memref<1x1024xi32, #tpu.memory_space<hbm>> -> memref<1024xi32, #tpu.memory_space<hbm>>
    %dma_wait3A_664 = arith.constant 0 : i32
    %dma_wait3A_665 = tpu.memref_slice %arg6[%dma_wait3A_664] : memref<51200xi32, #tpu.memory_space<vmem>> -> memref<1024xi32, #tpu.memory_space<vmem>>
    %dma_wait3A_666 = arith.constant 0 : i32
    %dma_wait3A_667 = tpu.memref_slice %arg2[%dma_wait3A_658, %dma_wait3A_666] : memref<50x16384xi32, #tpu.memory_space<hbm>> -> memref<1x1024xi32, #tpu.memory_space<hbm>>
    %dma_wait3A_668 = tpu.memref_squeeze %dma_wait3A_667 : memref<1x1024xi32, #tpu.memory_space<hbm>> -> memref<1024xi32, #tpu.memory_space<hbm>>
    tpu.wait_dma2 semaphore(%arg11 : memref<!tpu.dma_semaphore, #tpu.memory_space<semaphore_mem>>) src(%dma_wait3A_668 : memref<1024xi32, #tpu.memory_space<hbm>>) dst(%dma_wait3A_665 : memref<1024xi32, #tpu.memory_space<vmem>>)
    %dma_wait3A_669 = arith.constant 0 : i32
    %dma_wait3A_670 = arith.constant 0 : i32
    %dma_wait3A_671 = tpu.memref_slice %arg6[%dma_wait3A_670] : memref<51200xi32, #tpu.memory_space<vmem>> -> memref<1024xi32, #tpu.memory_space<vmem>>
    %dma_wait3A_672 = arith.constant 0 : i32
    %dma_wait3A_673 = tpu.memref_slice %arg2[%dma_wait3A_669, %dma_wait3A_672] : memref<50x16384xi32, #tpu.memory_space<hbm>> -> memref<1x1024xi32, #tpu.memory_space<hbm>>
    %dma_wait3A_674 = tpu.memref_squeeze %dma_wait3A_673 : memref<1x1024xi32, #tpu.memory_space<hbm>> -> memref<1024xi32, #tpu.memory_space<hbm>>
    %dma_wait3A_675 = arith.constant 0 : i32
    %dma_wait3A_676 = tpu.memref_slice %arg6[%dma_wait3A_675] : memref<51200xi32, #tpu.memory_space<vmem>> -> memref<1024xi32, #tpu.memory_space<vmem>>
    %dma_wait3A_677 = arith.constant 0 : i32
    %dma_wait3A_678 = tpu.memref_slice %arg2[%dma_wait3A_669, %dma_wait3A_677] : memref<50x16384xi32, #tpu.memory_space<hbm>> -> memref<1x1024xi32, #tpu.memory_space<hbm>>
    %dma_wait3A_679 = tpu.memref_squeeze %dma_wait3A_678 : memref<1x1024xi32, #tpu.memory_space<hbm>> -> memref<1024xi32, #tpu.memory_space<hbm>>
    tpu.wait_dma2 semaphore(%arg11 : memref<!tpu.dma_semaphore, #tpu.memory_space<semaphore_mem>>) src(%dma_wait3A_679 : memref<1024xi32, #tpu.memory_space<hbm>>) dst(%dma_wait3A_676 : memref<1024xi32, #tpu.memory_space<vmem>>)
    %dma_wait3A_680 = arith.constant 0 : i32
    %dma_wait3A_681 = arith.constant 0 : i32
    %dma_wait3A_682 = tpu.memref_slice %arg6[%dma_wait3A_681] : memref<51200xi32, #tpu.memory_space<vmem>> -> memref<1024xi32, #tpu.memory_space<vmem>>
    %dma_wait3A_683 = arith.constant 0 : i32
    %dma_wait3A_684 = tpu.memref_slice %arg2[%dma_wait3A_680, %dma_wait3A_683] : memref<50x16384xi32, #tpu.memory_space<hbm>> -> memref<1x1024xi32, #tpu.memory_space<hbm>>
    %dma_wait3A_685 = tpu.memref_squeeze %dma_wait3A_684 : memref<1x1024xi32, #tpu.memory_space<hbm>> -> memref<1024xi32, #tpu.memory_space<hbm>>
    %dma_wait3A_686 = arith.constant 0 : i32
    %dma_wait3A_687 = tpu.memref_slice %arg6[%dma_wait3A_686] : memref<51200xi32, #tpu.memory_space<vmem>> -> memref<1024xi32, #tpu.memory_space<vmem>>
    %dma_wait3A_688 = arith.constant 0 : i32
    %dma_wait3A_689 = tpu.memref_slice %arg2[%dma_wait3A_680, %dma_wait3A_688] : memref<50x16384xi32, #tpu.memory_space<hbm>> -> memref<1x1024xi32, #tpu.memory_space<hbm>>
    %dma_wait3A_690 = tpu.memref_squeeze %dma_wait3A_689 : memref<1x1024xi32, #tpu.memory_space<hbm>> -> memref<1024xi32, #tpu.memory_space<hbm>>
    tpu.wait_dma2 semaphore(%arg11 : memref<!tpu.dma_semaphore, #tpu.memory_space<semaphore_mem>>) src(%dma_wait3A_690 : memref<1024xi32, #tpu.memory_space<hbm>>) dst(%dma_wait3A_687 : memref<1024xi32, #tpu.memory_space<vmem>>)
    %dma_wait3A_691 = arith.constant 0 : i32
    %dma_wait3A_692 = arith.constant 0 : i32
    %dma_wait3A_693 = tpu.memref_slice %arg6[%dma_wait3A_692] : memref<51200xi32, #tpu.memory_space<vmem>> -> memref<1024xi32, #tpu.memory_space<vmem>>
    %dma_wait3A_694 = arith.constant 0 : i32
    %dma_wait3A_695 = tpu.memref_slice %arg2[%dma_wait3A_691, %dma_wait3A_694] : memref<50x16384xi32, #tpu.memory_space<hbm>> -> memref<1x1024xi32, #tpu.memory_space<hbm>>
    %dma_wait3A_696 = tpu.memref_squeeze %dma_wait3A_695 : memref<1x1024xi32, #tpu.memory_space<hbm>> -> memref<1024xi32, #tpu.memory_space<hbm>>
    %dma_wait3A_697 = arith.constant 0 : i32
    %dma_wait3A_698 = tpu.memref_slice %arg6[%dma_wait3A_697] : memref<51200xi32, #tpu.memory_space<vmem>> -> memref<1024xi32, #tpu.memory_space<vmem>>
    %dma_wait3A_699 = arith.constant 0 : i32
    %dma_wait3A_700 = tpu.memref_slice %arg2[%dma_wait3A_691, %dma_wait3A_699] : memref<50x16384xi32, #tpu.memory_space<hbm>> -> memref<1x1024xi32, #tpu.memory_space<hbm>>
    %dma_wait3A_701 = tpu.memref_squeeze %dma_wait3A_700 : memref<1x1024xi32, #tpu.memory_space<hbm>> -> memref<1024xi32, #tpu.memory_space<hbm>>
    tpu.wait_dma2 semaphore(%arg11 : memref<!tpu.dma_semaphore, #tpu.memory_space<semaphore_mem>>) src(%dma_wait3A_701 : memref<1024xi32, #tpu.memory_space<hbm>>) dst(%dma_wait3A_698 : memref<1024xi32, #tpu.memory_space<vmem>>)
    %dma_wait3A_702 = arith.constant 0 : i32
    %dma_wait3A_703 = arith.constant 0 : i32
    %dma_wait3A_704 = tpu.memref_slice %arg6[%dma_wait3A_703] : memref<51200xi32, #tpu.memory_space<vmem>> -> memref<1024xi32, #tpu.memory_space<vmem>>
    %dma_wait3A_705 = arith.constant 0 : i32
    %dma_wait3A_706 = tpu.memref_slice %arg2[%dma_wait3A_702, %dma_wait3A_705] : memref<50x16384xi32, #tpu.memory_space<hbm>> -> memref<1x1024xi32, #tpu.memory_space<hbm>>
    %dma_wait3A_707 = tpu.memref_squeeze %dma_wait3A_706 : memref<1x1024xi32, #tpu.memory_space<hbm>> -> memref<1024xi32, #tpu.memory_space<hbm>>
    %dma_wait3A_708 = arith.constant 0 : i32
    %dma_wait3A_709 = tpu.memref_slice %arg6[%dma_wait3A_708] : memref<51200xi32, #tpu.memory_space<vmem>> -> memref<1024xi32, #tpu.memory_space<vmem>>
    %dma_wait3A_710 = arith.constant 0 : i32
    %dma_wait3A_711 = tpu.memref_slice %arg2[%dma_wait3A_702, %dma_wait3A_710] : memref<50x16384xi32, #tpu.memory_space<hbm>> -> memref<1x1024xi32, #tpu.memory_space<hbm>>
    %dma_wait3A_712 = tpu.memref_squeeze %dma_wait3A_711 : memref<1x1024xi32, #tpu.memory_space<hbm>> -> memref<1024xi32, #tpu.memory_space<hbm>>
    tpu.wait_dma2 semaphore(%arg11 : memref<!tpu.dma_semaphore, #tpu.memory_space<semaphore_mem>>) src(%dma_wait3A_712 : memref<1024xi32, #tpu.memory_space<hbm>>) dst(%dma_wait3A_709 : memref<1024xi32, #tpu.memory_space<vmem>>)
    %dma_wait3A_713 = arith.constant 0 : i32
    %dma_wait3A_714 = arith.constant 0 : i32
    %dma_wait3A_715 = tpu.memref_slice %arg6[%dma_wait3A_714] : memref<51200xi32, #tpu.memory_space<vmem>> -> memref<1024xi32, #tpu.memory_space<vmem>>
    %dma_wait3A_716 = arith.constant 0 : i32
    %dma_wait3A_717 = tpu.memref_slice %arg2[%dma_wait3A_713, %dma_wait3A_716] : memref<50x16384xi32, #tpu.memory_space<hbm>> -> memref<1x1024xi32, #tpu.memory_space<hbm>>
    %dma_wait3A_718 = tpu.memref_squeeze %dma_wait3A_717 : memref<1x1024xi32, #tpu.memory_space<hbm>> -> memref<1024xi32, #tpu.memory_space<hbm>>
    %dma_wait3A_719 = arith.constant 0 : i32
    %dma_wait3A_720 = tpu.memref_slice %arg6[%dma_wait3A_719] : memref<51200xi32, #tpu.memory_space<vmem>> -> memref<1024xi32, #tpu.memory_space<vmem>>
    %dma_wait3A_721 = arith.constant 0 : i32
    %dma_wait3A_722 = tpu.memref_slice %arg2[%dma_wait3A_713, %dma_wait3A_721] : memref<50x16384xi32, #tpu.memory_space<hbm>> -> memref<1x1024xi32, #tpu.memory_space<hbm>>
    %dma_wait3A_723 = tpu.memref_squeeze %dma_wait3A_722 : memref<1x1024xi32, #tpu.memory_space<hbm>> -> memref<1024xi32, #tpu.memory_space<hbm>>
    tpu.wait_dma2 semaphore(%arg11 : memref<!tpu.dma_semaphore, #tpu.memory_space<semaphore_mem>>) src(%dma_wait3A_723 : memref<1024xi32, #tpu.memory_space<hbm>>) dst(%dma_wait3A_720 : memref<1024xi32, #tpu.memory_space<vmem>>)
    %dma_wait3A_724 = arith.constant 0 : i32
    %dma_wait3A_725 = arith.constant 0 : i32
    %dma_wait3A_726 = tpu.memref_slice %arg6[%dma_wait3A_725] : memref<51200xi32, #tpu.memory_space<vmem>> -> memref<1024xi32, #tpu.memory_space<vmem>>
    %dma_wait3A_727 = arith.constant 0 : i32
    %dma_wait3A_728 = tpu.memref_slice %arg2[%dma_wait3A_724, %dma_wait3A_727] : memref<50x16384xi32, #tpu.memory_space<hbm>> -> memref<1x1024xi32, #tpu.memory_space<hbm>>
    %dma_wait3A_729 = tpu.memref_squeeze %dma_wait3A_728 : memref<1x1024xi32, #tpu.memory_space<hbm>> -> memref<1024xi32, #tpu.memory_space<hbm>>
    %dma_wait3A_730 = arith.constant 0 : i32
    %dma_wait3A_731 = tpu.memref_slice %arg6[%dma_wait3A_730] : memref<51200xi32, #tpu.memory_space<vmem>> -> memref<1024xi32, #tpu.memory_space<vmem>>
    %dma_wait3A_732 = arith.constant 0 : i32
    %dma_wait3A_733 = tpu.memref_slice %arg2[%dma_wait3A_724, %dma_wait3A_732] : memref<50x16384xi32, #tpu.memory_space<hbm>> -> memref<1x1024xi32, #tpu.memory_space<hbm>>
    %dma_wait3A_734 = tpu.memref_squeeze %dma_wait3A_733 : memref<1x1024xi32, #tpu.memory_space<hbm>> -> memref<1024xi32, #tpu.memory_space<hbm>>
    tpu.wait_dma2 semaphore(%arg11 : memref<!tpu.dma_semaphore, #tpu.memory_space<semaphore_mem>>) src(%dma_wait3A_734 : memref<1024xi32, #tpu.memory_space<hbm>>) dst(%dma_wait3A_731 : memref<1024xi32, #tpu.memory_space<vmem>>)
    %dma_wait3A_735 = arith.constant 0 : i32
    %dma_wait3A_736 = arith.constant 0 : i32
    %dma_wait3A_737 = tpu.memref_slice %arg6[%dma_wait3A_736] : memref<51200xi32, #tpu.memory_space<vmem>> -> memref<1024xi32, #tpu.memory_space<vmem>>
    %dma_wait3A_738 = arith.constant 0 : i32
    %dma_wait3A_739 = tpu.memref_slice %arg2[%dma_wait3A_735, %dma_wait3A_738] : memref<50x16384xi32, #tpu.memory_space<hbm>> -> memref<1x1024xi32, #tpu.memory_space<hbm>>
    %dma_wait3A_740 = tpu.memref_squeeze %dma_wait3A_739 : memref<1x1024xi32, #tpu.memory_space<hbm>> -> memref<1024xi32, #tpu.memory_space<hbm>>
    %dma_wait3A_741 = arith.constant 0 : i32
    %dma_wait3A_742 = tpu.memref_slice %arg6[%dma_wait3A_741] : memref<51200xi32, #tpu.memory_space<vmem>> -> memref<1024xi32, #tpu.memory_space<vmem>>
    %dma_wait3A_743 = arith.constant 0 : i32
    %dma_wait3A_744 = tpu.memref_slice %arg2[%dma_wait3A_735, %dma_wait3A_743] : memref<50x16384xi32, #tpu.memory_space<hbm>> -> memref<1x1024xi32, #tpu.memory_space<hbm>>
    %dma_wait3A_745 = tpu.memref_squeeze %dma_wait3A_744 : memref<1x1024xi32, #tpu.memory_space<hbm>> -> memref<1024xi32, #tpu.memory_space<hbm>>
    tpu.wait_dma2 semaphore(%arg11 : memref<!tpu.dma_semaphore, #tpu.memory_space<semaphore_mem>>) src(%dma_wait3A_745 : memref<1024xi32, #tpu.memory_space<hbm>>) dst(%dma_wait3A_742 : memref<1024xi32, #tpu.memory_space<vmem>>)
    %dma_wait3A_746 = arith.constant 0 : i32
    %dma_wait3A_747 = arith.constant 0 : i32
    %dma_wait3A_748 = tpu.memref_slice %arg6[%dma_wait3A_747] : memref<51200xi32, #tpu.memory_space<vmem>> -> memref<1024xi32, #tpu.memory_space<vmem>>
    %dma_wait3A_749 = arith.constant 0 : i32
    %dma_wait3A_750 = tpu.memref_slice %arg2[%dma_wait3A_746, %dma_wait3A_749] : memref<50x16384xi32, #tpu.memory_space<hbm>> -> memref<1x1024xi32, #tpu.memory_space<hbm>>
    %dma_wait3A_751 = tpu.memref_squeeze %dma_wait3A_750 : memref<1x1024xi32, #tpu.memory_space<hbm>> -> memref<1024xi32, #tpu.memory_space<hbm>>
    %dma_wait3A_752 = arith.constant 0 : i32
    %dma_wait3A_753 = tpu.memref_slice %arg6[%dma_wait3A_752] : memref<51200xi32, #tpu.memory_space<vmem>> -> memref<1024xi32, #tpu.memory_space<vmem>>
    %dma_wait3A_754 = arith.constant 0 : i32
    %dma_wait3A_755 = tpu.memref_slice %arg2[%dma_wait3A_746, %dma_wait3A_754] : memref<50x16384xi32, #tpu.memory_space<hbm>> -> memref<1x1024xi32, #tpu.memory_space<hbm>>
    %dma_wait3A_756 = tpu.memref_squeeze %dma_wait3A_755 : memref<1x1024xi32, #tpu.memory_space<hbm>> -> memref<1024xi32, #tpu.memory_space<hbm>>
    tpu.wait_dma2 semaphore(%arg11 : memref<!tpu.dma_semaphore, #tpu.memory_space<semaphore_mem>>) src(%dma_wait3A_756 : memref<1024xi32, #tpu.memory_space<hbm>>) dst(%dma_wait3A_753 : memref<1024xi32, #tpu.memory_space<vmem>>)
    %dma_wait3A_757 = arith.constant 0 : i32
    %dma_wait3A_758 = arith.constant 0 : i32
    %dma_wait3A_759 = tpu.memref_slice %arg6[%dma_wait3A_758] : memref<51200xi32, #tpu.memory_space<vmem>> -> memref<1024xi32, #tpu.memory_space<vmem>>
    %dma_wait3A_760 = arith.constant 0 : i32
    %dma_wait3A_761 = tpu.memref_slice %arg2[%dma_wait3A_757, %dma_wait3A_760] : memref<50x16384xi32, #tpu.memory_space<hbm>> -> memref<1x1024xi32, #tpu.memory_space<hbm>>
    %dma_wait3A_762 = tpu.memref_squeeze %dma_wait3A_761 : memref<1x1024xi32, #tpu.memory_space<hbm>> -> memref<1024xi32, #tpu.memory_space<hbm>>
    %dma_wait3A_763 = arith.constant 0 : i32
    %dma_wait3A_764 = tpu.memref_slice %arg6[%dma_wait3A_763] : memref<51200xi32, #tpu.memory_space<vmem>> -> memref<1024xi32, #tpu.memory_space<vmem>>
    %dma_wait3A_765 = arith.constant 0 : i32
    %dma_wait3A_766 = tpu.memref_slice %arg2[%dma_wait3A_757, %dma_wait3A_765] : memref<50x16384xi32, #tpu.memory_space<hbm>> -> memref<1x1024xi32, #tpu.memory_space<hbm>>
    %dma_wait3A_767 = tpu.memref_squeeze %dma_wait3A_766 : memref<1x1024xi32, #tpu.memory_space<hbm>> -> memref<1024xi32, #tpu.memory_space<hbm>>
    tpu.wait_dma2 semaphore(%arg11 : memref<!tpu.dma_semaphore, #tpu.memory_space<semaphore_mem>>) src(%dma_wait3A_767 : memref<1024xi32, #tpu.memory_space<hbm>>) dst(%dma_wait3A_764 : memref<1024xi32, #tpu.memory_space<vmem>>)
    %dma_wait3A_768 = arith.constant 0 : i32
    %dma_wait3A_769 = arith.constant 0 : i32
    %dma_wait3A_770 = tpu.memref_slice %arg6[%dma_wait3A_769] : memref<51200xi32, #tpu.memory_space<vmem>> -> memref<1024xi32, #tpu.memory_space<vmem>>
    %dma_wait3A_771 = arith.constant 0 : i32
    %dma_wait3A_772 = tpu.memref_slice %arg2[%dma_wait3A_768, %dma_wait3A_771] : memref<50x16384xi32, #tpu.memory_space<hbm>> -> memref<1x1024xi32, #tpu.memory_space<hbm>>
    %dma_wait3A_773 = tpu.memref_squeeze %dma_wait3A_772 : memref<1x1024xi32, #tpu.memory_space<hbm>> -> memref<1024xi32, #tpu.memory_space<hbm>>
    %dma_wait3A_774 = arith.constant 0 : i32
    %dma_wait3A_775 = tpu.memref_slice %arg6[%dma_wait3A_774] : memref<51200xi32, #tpu.memory_space<vmem>> -> memref<1024xi32, #tpu.memory_space<vmem>>
    %dma_wait3A_776 = arith.constant 0 : i32
    %dma_wait3A_777 = tpu.memref_slice %arg2[%dma_wait3A_768, %dma_wait3A_776] : memref<50x16384xi32, #tpu.memory_space<hbm>> -> memref<1x1024xi32, #tpu.memory_space<hbm>>
    %dma_wait3A_778 = tpu.memref_squeeze %dma_wait3A_777 : memref<1x1024xi32, #tpu.memory_space<hbm>> -> memref<1024xi32, #tpu.memory_space<hbm>>
    tpu.wait_dma2 semaphore(%arg11 : memref<!tpu.dma_semaphore, #tpu.memory_space<semaphore_mem>>) src(%dma_wait3A_778 : memref<1024xi32, #tpu.memory_space<hbm>>) dst(%dma_wait3A_775 : memref<1024xi32, #tpu.memory_space<vmem>>)
    %dma_wait3A_779 = arith.constant 0 : i32
    %dma_wait3A_780 = arith.constant 0 : i32
    %dma_wait3A_781 = tpu.memref_slice %arg6[%dma_wait3A_780] : memref<51200xi32, #tpu.memory_space<vmem>> -> memref<1024xi32, #tpu.memory_space<vmem>>
    %dma_wait3A_782 = arith.constant 0 : i32
    %dma_wait3A_783 = tpu.memref_slice %arg2[%dma_wait3A_779, %dma_wait3A_782] : memref<50x16384xi32, #tpu.memory_space<hbm>> -> memref<1x1024xi32, #tpu.memory_space<hbm>>
    %dma_wait3A_784 = tpu.memref_squeeze %dma_wait3A_783 : memref<1x1024xi32, #tpu.memory_space<hbm>> -> memref<1024xi32, #tpu.memory_space<hbm>>
    %dma_wait3A_785 = arith.constant 0 : i32
    %dma_wait3A_786 = tpu.memref_slice %arg6[%dma_wait3A_785] : memref<51200xi32, #tpu.memory_space<vmem>> -> memref<1024xi32, #tpu.memory_space<vmem>>
    %dma_wait3A_787 = arith.constant 0 : i32
    %dma_wait3A_788 = tpu.memref_slice %arg2[%dma_wait3A_779, %dma_wait3A_787] : memref<50x16384xi32, #tpu.memory_space<hbm>> -> memref<1x1024xi32, #tpu.memory_space<hbm>>
    %dma_wait3A_789 = tpu.memref_squeeze %dma_wait3A_788 : memref<1x1024xi32, #tpu.memory_space<hbm>> -> memref<1024xi32, #tpu.memory_space<hbm>>
    tpu.wait_dma2 semaphore(%arg11 : memref<!tpu.dma_semaphore, #tpu.memory_space<semaphore_mem>>) src(%dma_wait3A_789 : memref<1024xi32, #tpu.memory_space<hbm>>) dst(%dma_wait3A_786 : memref<1024xi32, #tpu.memory_space<vmem>>)
    %dma_wait3A_790 = arith.constant 0 : i32
    %dma_wait3A_791 = arith.constant 0 : i32
    %dma_wait3A_792 = tpu.memref_slice %arg6[%dma_wait3A_791] : memref<51200xi32, #tpu.memory_space<vmem>> -> memref<1024xi32, #tpu.memory_space<vmem>>
    %dma_wait3A_793 = arith.constant 0 : i32
    %dma_wait3A_794 = tpu.memref_slice %arg2[%dma_wait3A_790, %dma_wait3A_793] : memref<50x16384xi32, #tpu.memory_space<hbm>> -> memref<1x1024xi32, #tpu.memory_space<hbm>>
    %dma_wait3A_795 = tpu.memref_squeeze %dma_wait3A_794 : memref<1x1024xi32, #tpu.memory_space<hbm>> -> memref<1024xi32, #tpu.memory_space<hbm>>
    %dma_wait3A_796 = arith.constant 0 : i32
    %dma_wait3A_797 = tpu.memref_slice %arg6[%dma_wait3A_796] : memref<51200xi32, #tpu.memory_space<vmem>> -> memref<1024xi32, #tpu.memory_space<vmem>>
    %dma_wait3A_798 = arith.constant 0 : i32
    %dma_wait3A_799 = tpu.memref_slice %arg2[%dma_wait3A_790, %dma_wait3A_798] : memref<50x16384xi32, #tpu.memory_space<hbm>> -> memref<1x1024xi32, #tpu.memory_space<hbm>>
    %dma_wait3A_800 = tpu.memref_squeeze %dma_wait3A_799 : memref<1x1024xi32, #tpu.memory_space<hbm>> -> memref<1024xi32, #tpu.memory_space<hbm>>
    tpu.wait_dma2 semaphore(%arg11 : memref<!tpu.dma_semaphore, #tpu.memory_space<semaphore_mem>>) src(%dma_wait3A_800 : memref<1024xi32, #tpu.memory_space<hbm>>) dst(%dma_wait3A_797 : memref<1024xi32, #tpu.memory_space<vmem>>)
    %dma_wait3A_801 = arith.constant 0 : i32
    %dma_wait3A_802 = arith.constant 0 : i32
    %dma_wait3A_803 = tpu.memref_slice %arg6[%dma_wait3A_802] : memref<51200xi32, #tpu.memory_space<vmem>> -> memref<1024xi32, #tpu.memory_space<vmem>>
    %dma_wait3A_804 = arith.constant 0 : i32
    %dma_wait3A_805 = tpu.memref_slice %arg2[%dma_wait3A_801, %dma_wait3A_804] : memref<50x16384xi32, #tpu.memory_space<hbm>> -> memref<1x1024xi32, #tpu.memory_space<hbm>>
    %dma_wait3A_806 = tpu.memref_squeeze %dma_wait3A_805 : memref<1x1024xi32, #tpu.memory_space<hbm>> -> memref<1024xi32, #tpu.memory_space<hbm>>
    %dma_wait3A_807 = arith.constant 0 : i32
    %dma_wait3A_808 = tpu.memref_slice %arg6[%dma_wait3A_807] : memref<51200xi32, #tpu.memory_space<vmem>> -> memref<1024xi32, #tpu.memory_space<vmem>>
    %dma_wait3A_809 = arith.constant 0 : i32
    %dma_wait3A_810 = tpu.memref_slice %arg2[%dma_wait3A_801, %dma_wait3A_809] : memref<50x16384xi32, #tpu.memory_space<hbm>> -> memref<1x1024xi32, #tpu.memory_space<hbm>>
    %dma_wait3A_811 = tpu.memref_squeeze %dma_wait3A_810 : memref<1x1024xi32, #tpu.memory_space<hbm>> -> memref<1024xi32, #tpu.memory_space<hbm>>
    tpu.wait_dma2 semaphore(%arg11 : memref<!tpu.dma_semaphore, #tpu.memory_space<semaphore_mem>>) src(%dma_wait3A_811 : memref<1024xi32, #tpu.memory_space<hbm>>) dst(%dma_wait3A_808 : memref<1024xi32, #tpu.memory_space<vmem>>)
    %dma_wait3A_812 = arith.constant 0 : i32
    %dma_wait3A_813 = arith.constant 0 : i32
    %dma_wait3A_814 = tpu.memref_slice %arg6[%dma_wait3A_813] : memref<51200xi32, #tpu.memory_space<vmem>> -> memref<1024xi32, #tpu.memory_space<vmem>>
    %dma_wait3A_815 = arith.constant 0 : i32
    %dma_wait3A_816 = tpu.memref_slice %arg2[%dma_wait3A_812, %dma_wait3A_815] : memref<50x16384xi32, #tpu.memory_space<hbm>> -> memref<1x1024xi32, #tpu.memory_space<hbm>>
    %dma_wait3A_817 = tpu.memref_squeeze %dma_wait3A_816 : memref<1x1024xi32, #tpu.memory_space<hbm>> -> memref<1024xi32, #tpu.memory_space<hbm>>
    %dma_wait3A_818 = arith.constant 0 : i32
    %dma_wait3A_819 = tpu.memref_slice %arg6[%dma_wait3A_818] : memref<51200xi32, #tpu.memory_space<vmem>> -> memref<1024xi32, #tpu.memory_space<vmem>>
    %dma_wait3A_820 = arith.constant 0 : i32
    %dma_wait3A_821 = tpu.memref_slice %arg2[%dma_wait3A_812, %dma_wait3A_820] : memref<50x16384xi32, #tpu.memory_space<hbm>> -> memref<1x1024xi32, #tpu.memory_space<hbm>>
    %dma_wait3A_822 = tpu.memref_squeeze %dma_wait3A_821 : memref<1x1024xi32, #tpu.memory_space<hbm>> -> memref<1024xi32, #tpu.memory_space<hbm>>
    tpu.wait_dma2 semaphore(%arg11 : memref<!tpu.dma_semaphore, #tpu.memory_space<semaphore_mem>>) src(%dma_wait3A_822 : memref<1024xi32, #tpu.memory_space<hbm>>) dst(%dma_wait3A_819 : memref<1024xi32, #tpu.memory_space<vmem>>)
    %dma_wait3A_823 = arith.constant 0 : i32
    %dma_wait3A_824 = arith.constant 0 : i32
    %dma_wait3A_825 = tpu.memref_slice %arg6[%dma_wait3A_824] : memref<51200xi32, #tpu.memory_space<vmem>> -> memref<1024xi32, #tpu.memory_space<vmem>>
    %dma_wait3A_826 = arith.constant 0 : i32
    %dma_wait3A_827 = tpu.memref_slice %arg2[%dma_wait3A_823, %dma_wait3A_826] : memref<50x16384xi32, #tpu.memory_space<hbm>> -> memref<1x1024xi32, #tpu.memory_space<hbm>>
    %dma_wait3A_828 = tpu.memref_squeeze %dma_wait3A_827 : memref<1x1024xi32, #tpu.memory_space<hbm>> -> memref<1024xi32, #tpu.memory_space<hbm>>
    %dma_wait3A_829 = arith.constant 0 : i32
    %dma_wait3A_830 = tpu.memref_slice %arg6[%dma_wait3A_829] : memref<51200xi32, #tpu.memory_space<vmem>> -> memref<1024xi32, #tpu.memory_space<vmem>>
    %dma_wait3A_831 = arith.constant 0 : i32
    %dma_wait3A_832 = tpu.memref_slice %arg2[%dma_wait3A_823, %dma_wait3A_831] : memref<50x16384xi32, #tpu.memory_space<hbm>> -> memref<1x1024xi32, #tpu.memory_space<hbm>>
    %dma_wait3A_833 = tpu.memref_squeeze %dma_wait3A_832 : memref<1x1024xi32, #tpu.memory_space<hbm>> -> memref<1024xi32, #tpu.memory_space<hbm>>
    tpu.wait_dma2 semaphore(%arg11 : memref<!tpu.dma_semaphore, #tpu.memory_space<semaphore_mem>>) src(%dma_wait3A_833 : memref<1024xi32, #tpu.memory_space<hbm>>) dst(%dma_wait3A_830 : memref<1024xi32, #tpu.memory_space<vmem>>)
    %dma_wait3A_834 = arith.constant 0 : i32
    %dma_wait3A_835 = arith.constant 0 : i32
    %dma_wait3A_836 = tpu.memref_slice %arg6[%dma_wait3A_835] : memref<51200xi32, #tpu.memory_space<vmem>> -> memref<1024xi32, #tpu.memory_space<vmem>>
    %dma_wait3A_837 = arith.constant 0 : i32
    %dma_wait3A_838 = tpu.memref_slice %arg2[%dma_wait3A_834, %dma_wait3A_837] : memref<50x16384xi32, #tpu.memory_space<hbm>> -> memref<1x1024xi32, #tpu.memory_space<hbm>>
    %dma_wait3A_839 = tpu.memref_squeeze %dma_wait3A_838 : memref<1x1024xi32, #tpu.memory_space<hbm>> -> memref<1024xi32, #tpu.memory_space<hbm>>
    %dma_wait3A_840 = arith.constant 0 : i32
    %dma_wait3A_841 = tpu.memref_slice %arg6[%dma_wait3A_840] : memref<51200xi32, #tpu.memory_space<vmem>> -> memref<1024xi32, #tpu.memory_space<vmem>>
    %dma_wait3A_842 = arith.constant 0 : i32
    %dma_wait3A_843 = tpu.memref_slice %arg2[%dma_wait3A_834, %dma_wait3A_842] : memref<50x16384xi32, #tpu.memory_space<hbm>> -> memref<1x1024xi32, #tpu.memory_space<hbm>>
    %dma_wait3A_844 = tpu.memref_squeeze %dma_wait3A_843 : memref<1x1024xi32, #tpu.memory_space<hbm>> -> memref<1024xi32, #tpu.memory_space<hbm>>
    tpu.wait_dma2 semaphore(%arg11 : memref<!tpu.dma_semaphore, #tpu.memory_space<semaphore_mem>>) src(%dma_wait3A_844 : memref<1024xi32, #tpu.memory_space<hbm>>) dst(%dma_wait3A_841 : memref<1024xi32, #tpu.memory_space<vmem>>)
    %dma_wait3A_845 = arith.constant 0 : i32
    %dma_wait3A_846 = arith.constant 0 : i32
    %dma_wait3A_847 = tpu.memref_slice %arg6[%dma_wait3A_846] : memref<51200xi32, #tpu.memory_space<vmem>> -> memref<1024xi32, #tpu.memory_space<vmem>>
    %dma_wait3A_848 = arith.constant 0 : i32
    %dma_wait3A_849 = tpu.memref_slice %arg2[%dma_wait3A_845, %dma_wait3A_848] : memref<50x16384xi32, #tpu.memory_space<hbm>> -> memref<1x1024xi32, #tpu.memory_space<hbm>>
    %dma_wait3A_850 = tpu.memref_squeeze %dma_wait3A_849 : memref<1x1024xi32, #tpu.memory_space<hbm>> -> memref<1024xi32, #tpu.memory_space<hbm>>
    %dma_wait3A_851 = arith.constant 0 : i32
    %dma_wait3A_852 = tpu.memref_slice %arg6[%dma_wait3A_851] : memref<51200xi32, #tpu.memory_space<vmem>> -> memref<1024xi32, #tpu.memory_space<vmem>>
    %dma_wait3A_853 = arith.constant 0 : i32
    %dma_wait3A_854 = tpu.memref_slice %arg2[%dma_wait3A_845, %dma_wait3A_853] : memref<50x16384xi32, #tpu.memory_space<hbm>> -> memref<1x1024xi32, #tpu.memory_space<hbm>>
    %dma_wait3A_855 = tpu.memref_squeeze %dma_wait3A_854 : memref<1x1024xi32, #tpu.memory_space<hbm>> -> memref<1024xi32, #tpu.memory_space<hbm>>
    tpu.wait_dma2 semaphore(%arg11 : memref<!tpu.dma_semaphore, #tpu.memory_space<semaphore_mem>>) src(%dma_wait3A_855 : memref<1024xi32, #tpu.memory_space<hbm>>) dst(%dma_wait3A_852 : memref<1024xi32, #tpu.memory_space<vmem>>)
    %dma_wait3A_856 = arith.constant 0 : i32
    %dma_wait3A_857 = arith.constant 0 : i32
    %dma_wait3A_858 = tpu.memref_slice %arg6[%dma_wait3A_857] : memref<51200xi32, #tpu.memory_space<vmem>> -> memref<1024xi32, #tpu.memory_space<vmem>>
    %dma_wait3A_859 = arith.constant 0 : i32
    %dma_wait3A_860 = tpu.memref_slice %arg2[%dma_wait3A_856, %dma_wait3A_859] : memref<50x16384xi32, #tpu.memory_space<hbm>> -> memref<1x1024xi32, #tpu.memory_space<hbm>>
    %dma_wait3A_861 = tpu.memref_squeeze %dma_wait3A_860 : memref<1x1024xi32, #tpu.memory_space<hbm>> -> memref<1024xi32, #tpu.memory_space<hbm>>
    %dma_wait3A_862 = arith.constant 0 : i32
    %dma_wait3A_863 = tpu.memref_slice %arg6[%dma_wait3A_862] : memref<51200xi32, #tpu.memory_space<vmem>> -> memref<1024xi32, #tpu.memory_space<vmem>>
    %dma_wait3A_864 = arith.constant 0 : i32
    %dma_wait3A_865 = tpu.memref_slice %arg2[%dma_wait3A_856, %dma_wait3A_864] : memref<50x16384xi32, #tpu.memory_space<hbm>> -> memref<1x1024xi32, #tpu.memory_space<hbm>>
    %dma_wait3A_866 = tpu.memref_squeeze %dma_wait3A_865 : memref<1x1024xi32, #tpu.memory_space<hbm>> -> memref<1024xi32, #tpu.memory_space<hbm>>
    tpu.wait_dma2 semaphore(%arg11 : memref<!tpu.dma_semaphore, #tpu.memory_space<semaphore_mem>>) src(%dma_wait3A_866 : memref<1024xi32, #tpu.memory_space<hbm>>) dst(%dma_wait3A_863 : memref<1024xi32, #tpu.memory_space<vmem>>)
    %dma_wait3A_867 = arith.constant 0 : i32
    %dma_wait3A_868 = arith.constant 0 : i32
    %dma_wait3A_869 = tpu.memref_slice %arg6[%dma_wait3A_868] : memref<51200xi32, #tpu.memory_space<vmem>> -> memref<1024xi32, #tpu.memory_space<vmem>>
    %dma_wait3A_870 = arith.constant 0 : i32
    %dma_wait3A_871 = tpu.memref_slice %arg2[%dma_wait3A_867, %dma_wait3A_870] : memref<50x16384xi32, #tpu.memory_space<hbm>> -> memref<1x1024xi32, #tpu.memory_space<hbm>>
    %dma_wait3A_872 = tpu.memref_squeeze %dma_wait3A_871 : memref<1x1024xi32, #tpu.memory_space<hbm>> -> memref<1024xi32, #tpu.memory_space<hbm>>
    %dma_wait3A_873 = arith.constant 0 : i32
    %dma_wait3A_874 = tpu.memref_slice %arg6[%dma_wait3A_873] : memref<51200xi32, #tpu.memory_space<vmem>> -> memref<1024xi32, #tpu.memory_space<vmem>>
    %dma_wait3A_875 = arith.constant 0 : i32
    %dma_wait3A_876 = tpu.memref_slice %arg2[%dma_wait3A_867, %dma_wait3A_875] : memref<50x16384xi32, #tpu.memory_space<hbm>> -> memref<1x1024xi32, #tpu.memory_space<hbm>>
    %dma_wait3A_877 = tpu.memref_squeeze %dma_wait3A_876 : memref<1x1024xi32, #tpu.memory_space<hbm>> -> memref<1024xi32, #tpu.memory_space<hbm>>
    tpu.wait_dma2 semaphore(%arg11 : memref<!tpu.dma_semaphore, #tpu.memory_space<semaphore_mem>>) src(%dma_wait3A_877 : memref<1024xi32, #tpu.memory_space<hbm>>) dst(%dma_wait3A_874 : memref<1024xi32, #tpu.memory_space<vmem>>)
    %dma_wait3A_878 = arith.constant 0 : i32
    %dma_wait3A_879 = arith.constant 0 : i32
    %dma_wait3A_880 = tpu.memref_slice %arg6[%dma_wait3A_879] : memref<51200xi32, #tpu.memory_space<vmem>> -> memref<1024xi32, #tpu.memory_space<vmem>>
    %dma_wait3A_881 = arith.constant 0 : i32
    %dma_wait3A_882 = tpu.memref_slice %arg2[%dma_wait3A_878, %dma_wait3A_881] : memref<50x16384xi32, #tpu.memory_space<hbm>> -> memref<1x1024xi32, #tpu.memory_space<hbm>>
    %dma_wait3A_883 = tpu.memref_squeeze %dma_wait3A_882 : memref<1x1024xi32, #tpu.memory_space<hbm>> -> memref<1024xi32, #tpu.memory_space<hbm>>
    %dma_wait3A_884 = arith.constant 0 : i32
    %dma_wait3A_885 = tpu.memref_slice %arg6[%dma_wait3A_884] : memref<51200xi32, #tpu.memory_space<vmem>> -> memref<1024xi32, #tpu.memory_space<vmem>>
    %dma_wait3A_886 = arith.constant 0 : i32
    %dma_wait3A_887 = tpu.memref_slice %arg2[%dma_wait3A_878, %dma_wait3A_886] : memref<50x16384xi32, #tpu.memory_space<hbm>> -> memref<1x1024xi32, #tpu.memory_space<hbm>>
    %dma_wait3A_888 = tpu.memref_squeeze %dma_wait3A_887 : memref<1x1024xi32, #tpu.memory_space<hbm>> -> memref<1024xi32, #tpu.memory_space<hbm>>
    tpu.wait_dma2 semaphore(%arg11 : memref<!tpu.dma_semaphore, #tpu.memory_space<semaphore_mem>>) src(%dma_wait3A_888 : memref<1024xi32, #tpu.memory_space<hbm>>) dst(%dma_wait3A_885 : memref<1024xi32, #tpu.memory_space<vmem>>)
    %dma_wait3A_889 = arith.constant 0 : i32
    %dma_wait3A_890 = arith.constant 0 : i32
    %dma_wait3A_891 = tpu.memref_slice %arg6[%dma_wait3A_890] : memref<51200xi32, #tpu.memory_space<vmem>> -> memref<1024xi32, #tpu.memory_space<vmem>>
    %dma_wait3A_892 = arith.constant 0 : i32
    %dma_wait3A_893 = tpu.memref_slice %arg2[%dma_wait3A_889, %dma_wait3A_892] : memref<50x16384xi32, #tpu.memory_space<hbm>> -> memref<1x1024xi32, #tpu.memory_space<hbm>>
    %dma_wait3A_894 = tpu.memref_squeeze %dma_wait3A_893 : memref<1x1024xi32, #tpu.memory_space<hbm>> -> memref<1024xi32, #tpu.memory_space<hbm>>
    %dma_wait3A_895 = arith.constant 0 : i32
    %dma_wait3A_896 = tpu.memref_slice %arg6[%dma_wait3A_895] : memref<51200xi32, #tpu.memory_space<vmem>> -> memref<1024xi32, #tpu.memory_space<vmem>>
    %dma_wait3A_897 = arith.constant 0 : i32
    %dma_wait3A_898 = tpu.memref_slice %arg2[%dma_wait3A_889, %dma_wait3A_897] : memref<50x16384xi32, #tpu.memory_space<hbm>> -> memref<1x1024xi32, #tpu.memory_space<hbm>>
    %dma_wait3A_899 = tpu.memref_squeeze %dma_wait3A_898 : memref<1x1024xi32, #tpu.memory_space<hbm>> -> memref<1024xi32, #tpu.memory_space<hbm>>
    tpu.wait_dma2 semaphore(%arg11 : memref<!tpu.dma_semaphore, #tpu.memory_space<semaphore_mem>>) src(%dma_wait3A_899 : memref<1024xi32, #tpu.memory_space<hbm>>) dst(%dma_wait3A_896 : memref<1024xi32, #tpu.memory_space<vmem>>)
    %dma_wait3A_900 = arith.constant 0 : i32
    %dma_wait3A_901 = arith.constant 0 : i32
    %dma_wait3A_902 = tpu.memref_slice %arg6[%dma_wait3A_901] : memref<51200xi32, #tpu.memory_space<vmem>> -> memref<1024xi32, #tpu.memory_space<vmem>>
    %dma_wait3A_903 = arith.constant 0 : i32
    %dma_wait3A_904 = tpu.memref_slice %arg2[%dma_wait3A_900, %dma_wait3A_903] : memref<50x16384xi32, #tpu.memory_space<hbm>> -> memref<1x1024xi32, #tpu.memory_space<hbm>>
    %dma_wait3A_905 = tpu.memref_squeeze %dma_wait3A_904 : memref<1x1024xi32, #tpu.memory_space<hbm>> -> memref<1024xi32, #tpu.memory_space<hbm>>
    %dma_wait3A_906 = arith.constant 0 : i32
    %dma_wait3A_907 = tpu.memref_slice %arg6[%dma_wait3A_906] : memref<51200xi32, #tpu.memory_space<vmem>> -> memref<1024xi32, #tpu.memory_space<vmem>>
    %dma_wait3A_908 = arith.constant 0 : i32
    %dma_wait3A_909 = tpu.memref_slice %arg2[%dma_wait3A_900, %dma_wait3A_908] : memref<50x16384xi32, #tpu.memory_space<hbm>> -> memref<1x1024xi32, #tpu.memory_space<hbm>>
    %dma_wait3A_910 = tpu.memref_squeeze %dma_wait3A_909 : memref<1x1024xi32, #tpu.memory_space<hbm>> -> memref<1024xi32, #tpu.memory_space<hbm>>
    tpu.wait_dma2 semaphore(%arg11 : memref<!tpu.dma_semaphore, #tpu.memory_space<semaphore_mem>>) src(%dma_wait3A_910 : memref<1024xi32, #tpu.memory_space<hbm>>) dst(%dma_wait3A_907 : memref<1024xi32, #tpu.memory_space<vmem>>)
    %dma_wait3A_911 = arith.constant 0 : i32
    %dma_wait3A_912 = arith.constant 0 : i32
    %dma_wait3A_913 = tpu.memref_slice %arg6[%dma_wait3A_912] : memref<51200xi32, #tpu.memory_space<vmem>> -> memref<1024xi32, #tpu.memory_space<vmem>>
    %dma_wait3A_914 = arith.constant 0 : i32
    %dma_wait3A_915 = tpu.memref_slice %arg2[%dma_wait3A_911, %dma_wait3A_914] : memref<50x16384xi32, #tpu.memory_space<hbm>> -> memref<1x1024xi32, #tpu.memory_space<hbm>>
    %dma_wait3A_916 = tpu.memref_squeeze %dma_wait3A_915 : memref<1x1024xi32, #tpu.memory_space<hbm>> -> memref<1024xi32, #tpu.memory_space<hbm>>
    %dma_wait3A_917 = arith.constant 0 : i32
    %dma_wait3A_918 = tpu.memref_slice %arg6[%dma_wait3A_917] : memref<51200xi32, #tpu.memory_space<vmem>> -> memref<1024xi32, #tpu.memory_space<vmem>>
    %dma_wait3A_919 = arith.constant 0 : i32
    %dma_wait3A_920 = tpu.memref_slice %arg2[%dma_wait3A_911, %dma_wait3A_919] : memref<50x16384xi32, #tpu.memory_space<hbm>> -> memref<1x1024xi32, #tpu.memory_space<hbm>>
    %dma_wait3A_921 = tpu.memref_squeeze %dma_wait3A_920 : memref<1x1024xi32, #tpu.memory_space<hbm>> -> memref<1024xi32, #tpu.memory_space<hbm>>
    tpu.wait_dma2 semaphore(%arg11 : memref<!tpu.dma_semaphore, #tpu.memory_space<semaphore_mem>>) src(%dma_wait3A_921 : memref<1024xi32, #tpu.memory_space<hbm>>) dst(%dma_wait3A_918 : memref<1024xi32, #tpu.memory_space<vmem>>)
    %dma_wait3A_922 = arith.constant 0 : i32
    %dma_wait3A_923 = arith.constant 0 : i32
    %dma_wait3A_924 = tpu.memref_slice %arg6[%dma_wait3A_923] : memref<51200xi32, #tpu.memory_space<vmem>> -> memref<1024xi32, #tpu.memory_space<vmem>>
    %dma_wait3A_925 = arith.constant 0 : i32
    %dma_wait3A_926 = tpu.memref_slice %arg2[%dma_wait3A_922, %dma_wait3A_925] : memref<50x16384xi32, #tpu.memory_space<hbm>> -> memref<1x1024xi32, #tpu.memory_space<hbm>>
    %dma_wait3A_927 = tpu.memref_squeeze %dma_wait3A_926 : memref<1x1024xi32, #tpu.memory_space<hbm>> -> memref<1024xi32, #tpu.memory_space<hbm>>
    %dma_wait3A_928 = arith.constant 0 : i32
    %dma_wait3A_929 = tpu.memref_slice %arg6[%dma_wait3A_928] : memref<51200xi32, #tpu.memory_space<vmem>> -> memref<1024xi32, #tpu.memory_space<vmem>>
    %dma_wait3A_930 = arith.constant 0 : i32
    %dma_wait3A_931 = tpu.memref_slice %arg2[%dma_wait3A_922, %dma_wait3A_930] : memref<50x16384xi32, #tpu.memory_space<hbm>> -> memref<1x1024xi32, #tpu.memory_space<hbm>>
    %dma_wait3A_932 = tpu.memref_squeeze %dma_wait3A_931 : memref<1x1024xi32, #tpu.memory_space<hbm>> -> memref<1024xi32, #tpu.memory_space<hbm>>
    tpu.wait_dma2 semaphore(%arg11 : memref<!tpu.dma_semaphore, #tpu.memory_space<semaphore_mem>>) src(%dma_wait3A_932 : memref<1024xi32, #tpu.memory_space<hbm>>) dst(%dma_wait3A_929 : memref<1024xi32, #tpu.memory_space<vmem>>)
    %dma_wait3A_933 = arith.constant 0 : i32
    %dma_wait3A_934 = arith.constant 0 : i32
    %dma_wait3A_935 = tpu.memref_slice %arg6[%dma_wait3A_934] : memref<51200xi32, #tpu.memory_space<vmem>> -> memref<1024xi32, #tpu.memory_space<vmem>>
    %dma_wait3A_936 = arith.constant 0 : i32
    %dma_wait3A_937 = tpu.memref_slice %arg2[%dma_wait3A_933, %dma_wait3A_936] : memref<50x16384xi32, #tpu.memory_space<hbm>> -> memref<1x1024xi32, #tpu.memory_space<hbm>>
    %dma_wait3A_938 = tpu.memref_squeeze %dma_wait3A_937 : memref<1x1024xi32, #tpu.memory_space<hbm>> -> memref<1024xi32, #tpu.memory_space<hbm>>
    %dma_wait3A_939 = arith.constant 0 : i32
    %dma_wait3A_940 = tpu.memref_slice %arg6[%dma_wait3A_939] : memref<51200xi32, #tpu.memory_space<vmem>> -> memref<1024xi32, #tpu.memory_space<vmem>>
    %dma_wait3A_941 = arith.constant 0 : i32
    %dma_wait3A_942 = tpu.memref_slice %arg2[%dma_wait3A_933, %dma_wait3A_941] : memref<50x16384xi32, #tpu.memory_space<hbm>> -> memref<1x1024xi32, #tpu.memory_space<hbm>>
    %dma_wait3A_943 = tpu.memref_squeeze %dma_wait3A_942 : memref<1x1024xi32, #tpu.memory_space<hbm>> -> memref<1024xi32, #tpu.memory_space<hbm>>
    tpu.wait_dma2 semaphore(%arg11 : memref<!tpu.dma_semaphore, #tpu.memory_space<semaphore_mem>>) src(%dma_wait3A_943 : memref<1024xi32, #tpu.memory_space<hbm>>) dst(%dma_wait3A_940 : memref<1024xi32, #tpu.memory_space<vmem>>)
    %dma_wait3A_944 = arith.constant 0 : i32
    %dma_wait3A_945 = arith.constant 0 : i32
    %dma_wait3A_946 = tpu.memref_slice %arg6[%dma_wait3A_945] : memref<51200xi32, #tpu.memory_space<vmem>> -> memref<1024xi32, #tpu.memory_space<vmem>>
    %dma_wait3A_947 = arith.constant 0 : i32
    %dma_wait3A_948 = tpu.memref_slice %arg2[%dma_wait3A_944, %dma_wait3A_947] : memref<50x16384xi32, #tpu.memory_space<hbm>> -> memref<1x1024xi32, #tpu.memory_space<hbm>>
    %dma_wait3A_949 = tpu.memref_squeeze %dma_wait3A_948 : memref<1x1024xi32, #tpu.memory_space<hbm>> -> memref<1024xi32, #tpu.memory_space<hbm>>
    %dma_wait3A_950 = arith.constant 0 : i32
    %dma_wait3A_951 = tpu.memref_slice %arg6[%dma_wait3A_950] : memref<51200xi32, #tpu.memory_space<vmem>> -> memref<1024xi32, #tpu.memory_space<vmem>>
    %dma_wait3A_952 = arith.constant 0 : i32
    %dma_wait3A_953 = tpu.memref_slice %arg2[%dma_wait3A_944, %dma_wait3A_952] : memref<50x16384xi32, #tpu.memory_space<hbm>> -> memref<1x1024xi32, #tpu.memory_space<hbm>>
    %dma_wait3A_954 = tpu.memref_squeeze %dma_wait3A_953 : memref<1x1024xi32, #tpu.memory_space<hbm>> -> memref<1024xi32, #tpu.memory_space<hbm>>
    tpu.wait_dma2 semaphore(%arg11 : memref<!tpu.dma_semaphore, #tpu.memory_space<semaphore_mem>>) src(%dma_wait3A_954 : memref<1024xi32, #tpu.memory_space<hbm>>) dst(%dma_wait3A_951 : memref<1024xi32, #tpu.memory_space<vmem>>)
    %dma_wait3A_955 = arith.constant 0 : i32
    %dma_wait3A_956 = arith.constant 0 : i32
    %dma_wait3A_957 = tpu.memref_slice %arg6[%dma_wait3A_956] : memref<51200xi32, #tpu.memory_space<vmem>> -> memref<1024xi32, #tpu.memory_space<vmem>>
    %dma_wait3A_958 = arith.constant 0 : i32
    %dma_wait3A_959 = tpu.memref_slice %arg2[%dma_wait3A_955, %dma_wait3A_958] : memref<50x16384xi32, #tpu.memory_space<hbm>> -> memref<1x1024xi32, #tpu.memory_space<hbm>>
    %dma_wait3A_960 = tpu.memref_squeeze %dma_wait3A_959 : memref<1x1024xi32, #tpu.memory_space<hbm>> -> memref<1024xi32, #tpu.memory_space<hbm>>
    %dma_wait3A_961 = arith.constant 0 : i32
    %dma_wait3A_962 = tpu.memref_slice %arg6[%dma_wait3A_961] : memref<51200xi32, #tpu.memory_space<vmem>> -> memref<1024xi32, #tpu.memory_space<vmem>>
    %dma_wait3A_963 = arith.constant 0 : i32
    %dma_wait3A_964 = tpu.memref_slice %arg2[%dma_wait3A_955, %dma_wait3A_963] : memref<50x16384xi32, #tpu.memory_space<hbm>> -> memref<1x1024xi32, #tpu.memory_space<hbm>>
    %dma_wait3A_965 = tpu.memref_squeeze %dma_wait3A_964 : memref<1x1024xi32, #tpu.memory_space<hbm>> -> memref<1024xi32, #tpu.memory_space<hbm>>
    tpu.wait_dma2 semaphore(%arg11 : memref<!tpu.dma_semaphore, #tpu.memory_space<semaphore_mem>>) src(%dma_wait3A_965 : memref<1024xi32, #tpu.memory_space<hbm>>) dst(%dma_wait3A_962 : memref<1024xi32, #tpu.memory_space<vmem>>)
    %dma_wait3A_966 = arith.constant 0 : i32
    %dma_wait3A_967 = arith.constant 0 : i32
    %dma_wait3A_968 = tpu.memref_slice %arg6[%dma_wait3A_967] : memref<51200xi32, #tpu.memory_space<vmem>> -> memref<1024xi32, #tpu.memory_space<vmem>>
    %dma_wait3A_969 = arith.constant 0 : i32
    %dma_wait3A_970 = tpu.memref_slice %arg2[%dma_wait3A_966, %dma_wait3A_969] : memref<50x16384xi32, #tpu.memory_space<hbm>> -> memref<1x1024xi32, #tpu.memory_space<hbm>>
    %dma_wait3A_971 = tpu.memref_squeeze %dma_wait3A_970 : memref<1x1024xi32, #tpu.memory_space<hbm>> -> memref<1024xi32, #tpu.memory_space<hbm>>
    %dma_wait3A_972 = arith.constant 0 : i32
    %dma_wait3A_973 = tpu.memref_slice %arg6[%dma_wait3A_972] : memref<51200xi32, #tpu.memory_space<vmem>> -> memref<1024xi32, #tpu.memory_space<vmem>>
    %dma_wait3A_974 = arith.constant 0 : i32
    %dma_wait3A_975 = tpu.memref_slice %arg2[%dma_wait3A_966, %dma_wait3A_974] : memref<50x16384xi32, #tpu.memory_space<hbm>> -> memref<1x1024xi32, #tpu.memory_space<hbm>>
    %dma_wait3A_976 = tpu.memref_squeeze %dma_wait3A_975 : memref<1x1024xi32, #tpu.memory_space<hbm>> -> memref<1024xi32, #tpu.memory_space<hbm>>
    tpu.wait_dma2 semaphore(%arg11 : memref<!tpu.dma_semaphore, #tpu.memory_space<semaphore_mem>>) src(%dma_wait3A_976 : memref<1024xi32, #tpu.memory_space<hbm>>) dst(%dma_wait3A_973 : memref<1024xi32, #tpu.memory_space<vmem>>)
    %dma_wait3A_977 = arith.constant 0 : i32
    %dma_wait3A_978 = arith.constant 0 : i32
    %dma_wait3A_979 = tpu.memref_slice %arg6[%dma_wait3A_978] : memref<51200xi32, #tpu.memory_space<vmem>> -> memref<1024xi32, #tpu.memory_space<vmem>>
    %dma_wait3A_980 = arith.constant 0 : i32
    %dma_wait3A_981 = tpu.memref_slice %arg2[%dma_wait3A_977, %dma_wait3A_980] : memref<50x16384xi32, #tpu.memory_space<hbm>> -> memref<1x1024xi32, #tpu.memory_space<hbm>>
    %dma_wait3A_982 = tpu.memref_squeeze %dma_wait3A_981 : memref<1x1024xi32, #tpu.memory_space<hbm>> -> memref<1024xi32, #tpu.memory_space<hbm>>
    %dma_wait3A_983 = arith.constant 0 : i32
    %dma_wait3A_984 = tpu.memref_slice %arg6[%dma_wait3A_983] : memref<51200xi32, #tpu.memory_space<vmem>> -> memref<1024xi32, #tpu.memory_space<vmem>>
    %dma_wait3A_985 = arith.constant 0 : i32
    %dma_wait3A_986 = tpu.memref_slice %arg2[%dma_wait3A_977, %dma_wait3A_985] : memref<50x16384xi32, #tpu.memory_space<hbm>> -> memref<1x1024xi32, #tpu.memory_space<hbm>>
    %dma_wait3A_987 = tpu.memref_squeeze %dma_wait3A_986 : memref<1x1024xi32, #tpu.memory_space<hbm>> -> memref<1024xi32, #tpu.memory_space<hbm>>
    tpu.wait_dma2 semaphore(%arg11 : memref<!tpu.dma_semaphore, #tpu.memory_space<semaphore_mem>>) src(%dma_wait3A_987 : memref<1024xi32, #tpu.memory_space<hbm>>) dst(%dma_wait3A_984 : memref<1024xi32, #tpu.memory_space<vmem>>)
    %dma_wait3A_988 = arith.constant 0 : i32
    %dma_wait3A_989 = arith.constant 0 : i32
    %dma_wait3A_990 = tpu.memref_slice %arg6[%dma_wait3A_989] : memref<51200xi32, #tpu.memory_space<vmem>> -> memref<1024xi32, #tpu.memory_space<vmem>>
    %dma_wait3A_991 = arith.constant 0 : i32
    %dma_wait3A_992 = tpu.memref_slice %arg2[%dma_wait3A_988, %dma_wait3A_991] : memref<50x16384xi32, #tpu.memory_space<hbm>> -> memref<1x1024xi32, #tpu.memory_space<hbm>>
    %dma_wait3A_993 = tpu.memref_squeeze %dma_wait3A_992 : memref<1x1024xi32, #tpu.memory_space<hbm>> -> memref<1024xi32, #tpu.memory_space<hbm>>
    %dma_wait3A_994 = arith.constant 0 : i32
    %dma_wait3A_995 = tpu.memref_slice %arg6[%dma_wait3A_994] : memref<51200xi32, #tpu.memory_space<vmem>> -> memref<1024xi32, #tpu.memory_space<vmem>>
    %dma_wait3A_996 = arith.constant 0 : i32
    %dma_wait3A_997 = tpu.memref_slice %arg2[%dma_wait3A_988, %dma_wait3A_996] : memref<50x16384xi32, #tpu.memory_space<hbm>> -> memref<1x1024xi32, #tpu.memory_space<hbm>>
    %dma_wait3A_998 = tpu.memref_squeeze %dma_wait3A_997 : memref<1x1024xi32, #tpu.memory_space<hbm>> -> memref<1024xi32, #tpu.memory_space<hbm>>
    tpu.wait_dma2 semaphore(%arg11 : memref<!tpu.dma_semaphore, #tpu.memory_space<semaphore_mem>>) src(%dma_wait3A_998 : memref<1024xi32, #tpu.memory_space<hbm>>) dst(%dma_wait3A_995 : memref<1024xi32, #tpu.memory_space<vmem>>)
    %mul3A_999 = arith.constant 32 : i32
    %mul3A_1000 = arith.muli %arg0, %mul3A_999 : i32
    %lt3A = arith.constant 15 : i32
    %lt3A_1001 = arith.cmpi slt, %arg1, %lt3A : i32
    %convert_element_type3A = arith.extui %lt3A_1001 : i1 to i32
    %cond3A = arith.constant 0 : i32
    %cond3A_1002 = arith.cmpi ne, %convert_element_type3A, %cond3A : i32
    scf.if %cond3A_1002 {
      %mul3A_1013 = arith.constant 62464 : i32
      %mul3A_1014 = arith.muli %arg1, %mul3A_1013 : i32
      %dma_start3A_1015 = tpu.memref_slice %arg10[%mul3A_1014] : memref<1000000xf32, #tpu.memory_space<vmem_shared>> -> memref<62464xf32, #tpu.memory_space<vmem_shared>>
      %dma_start3A_1016 = arith.constant 0 : i32
      %dma_start3A_1017 = tpu.memref_slice %arg3[%mul3A_1000, %dma_start3A_1016] : memref<64x1000000xf32, #tpu.memory_space<hbm>> -> memref<1x1000000xf32, #tpu.memory_space<hbm>>
      %dma_start3A_1018 = tpu.memref_squeeze %dma_start3A_1017 : memref<1x1000000xf32, #tpu.memory_space<hbm>> -> memref<1000000xf32, #tpu.memory_space<hbm>>
      %dma_start3A_1019 = tpu.memref_slice %dma_start3A_1018[%mul3A_1014] : memref<1000000xf32, #tpu.memory_space<hbm>> -> memref<62464xf32, #tpu.memory_space<hbm>>
      tpu.enqueue_dma source(%dma_start3A_1019 : memref<62464xf32, #tpu.memory_space<hbm>>) target(%dma_start3A_1015 : memref<62464xf32, #tpu.memory_space<vmem_shared>>) target_semaphore(%arg15 : memref<!tpu.dma_semaphore, #tpu.memory_space<semaphore_mem>>)
    } else {
    }
    %eq3A = arith.constant 15 : i32
    %eq3A_1003 = arith.cmpi eq, %arg1, %eq3A : i32
    %convert_element_type3A_1004 = arith.extui %eq3A_1003 : i1 to i32
    %cond3A_1005 = arith.constant 0 : i32
    %cond3A_1006 = arith.cmpi ne, %convert_element_type3A_1004, %cond3A_1005 : i32
    scf.if %cond3A_1006 {
      %dma_start3A_1013 = arith.constant 936960 : i32
      %dma_start3A_1014 = tpu.memref_slice %arg10[%dma_start3A_1013] : memref<1000000xf32, #tpu.memory_space<vmem_shared>> -> memref<62976xf32, #tpu.memory_space<vmem_shared>>
      %dma_start3A_1015 = arith.constant 0 : i32
      %dma_start3A_1016 = tpu.memref_slice %arg3[%mul3A_1000, %dma_start3A_1015] : memref<64x1000000xf32, #tpu.memory_space<hbm>> -> memref<1x1000000xf32, #tpu.memory_space<hbm>>
      %dma_start3A_1017 = tpu.memref_squeeze %dma_start3A_1016 : memref<1x1000000xf32, #tpu.memory_space<hbm>> -> memref<1000000xf32, #tpu.memory_space<hbm>>
      %dma_start3A_1018 = arith.constant 936960 : i32
      %dma_start3A_1019 = tpu.memref_slice %dma_start3A_1017[%dma_start3A_1018] : memref<1000000xf32, #tpu.memory_space<hbm>> -> memref<62976xf32, #tpu.memory_space<hbm>>
      tpu.enqueue_dma source(%dma_start3A_1019 : memref<62976xf32, #tpu.memory_space<hbm>>) target(%dma_start3A_1014 : memref<62976xf32, #tpu.memory_space<vmem_shared>>) target_semaphore(%arg15 : memref<!tpu.dma_semaphore, #tpu.memory_space<semaphore_mem>>)
      %mul3A_1020 = arith.constant 128 : i32
      %mul3A_1021 = arith.muli %mul3A_1000, %mul3A_1020 : i32
      "tpu.region"() ({
        %run_scoped3A = tpu.sem_alloc : memref<!tpu.dma_semaphore, #tpu.memory_space<semaphore_mem>>
        %dma_start3A_1022 = tpu.memref_slice %arg4[%mul3A_1021] : memref<8192xf32, #tpu.memory_space<hbm>> -> memref<128xf32, #tpu.memory_space<hbm>>
        %dma_start3A_1023 = tpu.memref_slice %arg4[%mul3A_1021] : memref<8192xf32, #tpu.memory_space<hbm>> -> memref<128xf32, #tpu.memory_space<hbm>>
        tpu.enqueue_dma source(%dma_start3A_1023 : memref<128xf32, #tpu.memory_space<hbm>>) target(%arg9 : memref<128xf32, #tpu.memory_space<vmem>>) target_semaphore(%run_scoped3A : memref<!tpu.dma_semaphore, #tpu.memory_space<semaphore_mem>>)
        %dma_wait3A_1024 = tpu.memref_slice %arg4[%mul3A_1021] : memref<8192xf32, #tpu.memory_space<hbm>> -> memref<128xf32, #tpu.memory_space<hbm>>
        %dma_wait3A_1025 = tpu.memref_slice %arg4[%mul3A_1021] : memref<8192xf32, #tpu.memory_space<hbm>> -> memref<128xf32, #tpu.memory_space<hbm>>
        tpu.wait_dma2 semaphore(%run_scoped3A : memref<!tpu.dma_semaphore, #tpu.memory_space<semaphore_mem>>) src(%dma_wait3A_1025 : memref<128xf32, #tpu.memory_space<hbm>>) dst(%arg9 : memref<128xf32, #tpu.memory_space<vmem>>)
        tpu.yield
      }) : () -> ()
      "tpu.region"() ({
        %run_scoped3A = tpu.sem_alloc : memref<!tpu.dma_semaphore, #tpu.memory_space<semaphore_mem>>
        %dma_start3A_1022 = arith.constant 999872 : i32
        %dma_start3A_1023 = tpu.memref_slice %arg10[%dma_start3A_1022] : memref<1000000xf32, #tpu.memory_space<vmem_shared>> -> memref<128xf32, #tpu.memory_space<vmem_shared>>
        %dma_start3A_1024 = arith.constant 999872 : i32
        %dma_start3A_1025 = tpu.memref_slice %arg10[%dma_start3A_1024] : memref<1000000xf32, #tpu.memory_space<vmem_shared>> -> memref<128xf32, #tpu.memory_space<vmem_shared>>
        tpu.enqueue_dma source(%arg9 : memref<128xf32, #tpu.memory_space<vmem>>) target(%dma_start3A_1025 : memref<128xf32, #tpu.memory_space<vmem_shared>>) target_semaphore(%run_scoped3A : memref<!tpu.dma_semaphore, #tpu.memory_space<semaphore_mem>>)
        %dma_wait3A_1026 = arith.constant 999872 : i32
        %dma_wait3A_1027 = tpu.memref_slice %arg10[%dma_wait3A_1026] : memref<1000000xf32, #tpu.memory_space<vmem_shared>> -> memref<128xf32, #tpu.memory_space<vmem_shared>>
        %dma_wait3A_1028 = arith.constant 999872 : i32
        %dma_wait3A_1029 = tpu.memref_slice %arg10[%dma_wait3A_1028] : memref<1000000xf32, #tpu.memory_space<vmem_shared>> -> memref<128xf32, #tpu.memory_space<vmem_shared>>
        tpu.wait_dma2 semaphore(%run_scoped3A : memref<!tpu.dma_semaphore, #tpu.memory_space<semaphore_mem>>) src(%arg9 : memref<128xf32, #tpu.memory_space<vmem>>) dst(%dma_wait3A_1029 : memref<128xf32, #tpu.memory_space<vmem_shared>>)
        tpu.yield
      }) : () -> ()
    } else {
    }
    %scan3A = arith.constant 0 : i32
    %scan3A_1007 = arith.constant 0 : i32
    %scan3A_1008 = arith.constant 32 : i32
    %scan3A_1009 = arith.addi %scan3A_1007, %scan3A_1008 : i32
    %scan3A_1010 = arith.constant 1 : i32
    %scan3A_1011 = scf.for %scan3A_1013 = %scan3A_1007 to %scan3A_1009 step %scan3A_1010 iter_args(%scan3A_1014 = %scan3A) -> (i32)  : i32 {
      %mul3A_1015 = arith.constant 32 : i32
      %mul3A_1016 = arith.muli %arg0, %mul3A_1015 : i32
      %add3A = arith.addi %mul3A_1016, %scan3A_1013 : i32
      %jit3A = arith.constant 8 : i32
      %div3A = arith.divsi %add3A, %jit3A : i32
      %sign3A = arith.constant 0 : i32
      %sign3A_1017 = arith.cmpi sgt, %add3A, %sign3A : i32
      %sign3A_1018 = arith.extui %sign3A_1017 : i1 to i32
      %sign3A_1019 = arith.constant 0 : i32
      %sign3A_1020 = arith.cmpi slt, %add3A, %sign3A_1019 : i32
      %sign3A_1021 = arith.extui %sign3A_1020 : i1 to i32
      %sign3A_1022 = arith.subi %sign3A_1018, %sign3A_1021 : i32
      %sign3A_1023 = arith.constant 0 : i32
      %sign3A_1024 = arith.cmpi sgt, %jit3A, %sign3A_1023 : i32
      %sign3A_1025 = arith.extui %sign3A_1024 : i1 to i32
      %sign3A_1026 = arith.constant 0 : i32
      %sign3A_1027 = arith.cmpi slt, %jit3A, %sign3A_1026 : i32
      %sign3A_1028 = arith.extui %sign3A_1027 : i1 to i32
      %sign3A_1029 = arith.subi %sign3A_1025, %sign3A_1028 : i32
      %ne3A = arith.cmpi ne, %sign3A_1022, %sign3A_1029 : i32
      %rem3A = arith.remsi %add3A, %jit3A : i32
      %ne3A_1030 = arith.constant 0 : i32
      %ne3A_1031 = arith.cmpi ne, %rem3A, %ne3A_1030 : i32
      %and3A = arith.andi %ne3A, %ne3A_1031 : i1
      %sub3A = arith.constant 1 : i32
      %sub3A_1032 = arith.subi %div3A, %sub3A : i32
      %select_n3A = arith.select %and3A, %sub3A_1032, %div3A : i32
      %jit3A_1033 = arith.constant 8 : i32
      %eq3A_1034 = arith.constant 0 : i32
      %eq3A_1035 = arith.cmpi eq, %jit3A_1033, %eq3A_1034 : i32
      %jit3A_1036 = arith.constant 1 : i32
      %select_n3A_1037 = arith.select %eq3A_1035, %jit3A_1036, %jit3A_1033 : i32
      %rem3A_1038 = arith.remsi %add3A, %select_n3A_1037 : i32
      %ne3A_1039 = arith.constant 0 : i32
      %ne3A_1040 = arith.cmpi ne, %rem3A_1038, %ne3A_1039 : i32
      %lt3A_1041 = arith.constant 0 : i32
      %lt3A_1042 = arith.cmpi slt, %rem3A_1038, %lt3A_1041 : i32
      %lt3A_1043 = arith.constant 0 : i32
      %lt3A_1044 = arith.cmpi slt, %select_n3A_1037, %lt3A_1043 : i32
      %ne3A_1045 = arith.xori %lt3A_1042, %lt3A_1044 : i1
      %and3A_1046 = arith.andi %ne3A_1045, %ne3A_1040 : i1
      %add3A_1047 = arith.addi %rem3A_1038, %select_n3A_1037 : i32
      %select_n3A_1048 = arith.select %and3A_1046, %add3A_1047, %rem3A_1038 : i32
      %lt3A_1049 = arith.constant 15 : i32
      %lt3A_1050 = arith.cmpi slt, %arg1, %lt3A_1049 : i32
      %convert_element_type3A_1051 = arith.extui %lt3A_1050 : i1 to i32
      %cond3A_1052 = arith.constant 0 : i32
      %cond3A_1053 = arith.cmpi ne, %convert_element_type3A_1051, %cond3A_1052 : i32
      scf.if %cond3A_1053 {
        %dma_wait3A_1495 = arith.constant 0 : i32
        %dma_wait3A_1496 = arith.constant 0 : i32
        %dma_wait3A_1497 = tpu.memref_slice %arg10[%dma_wait3A_1496] : memref<1000000xf32, #tpu.memory_space<vmem_shared>> -> memref<62464xf32, #tpu.memory_space<vmem_shared>>
        %dma_wait3A_1498 = arith.constant 0 : i32
        %dma_wait3A_1499 = tpu.memref_slice %arg3[%dma_wait3A_1495, %dma_wait3A_1498] : memref<64x1000000xf32, #tpu.memory_space<hbm>> -> memref<1x1000000xf32, #tpu.memory_space<hbm>>
        %dma_wait3A_1500 = tpu.memref_squeeze %dma_wait3A_1499 : memref<1x1000000xf32, #tpu.memory_space<hbm>> -> memref<1000000xf32, #tpu.memory_space<hbm>>
        %dma_wait3A_1501 = arith.constant 0 : i32
        %dma_wait3A_1502 = tpu.memref_slice %dma_wait3A_1500[%dma_wait3A_1501] : memref<1000000xf32, #tpu.memory_space<hbm>> -> memref<62464xf32, #tpu.memory_space<hbm>>
        tpu.wait_dma2 semaphore(%arg15 : memref<!tpu.dma_semaphore, #tpu.memory_space<semaphore_mem>>) src(%dma_wait3A_1502 : memref<62464xf32, #tpu.memory_space<hbm>>) dst(%dma_wait3A_1497 : memref<62464xf32, #tpu.memory_space<vmem_shared>>)
      } else {
      }
      %eq3A_1054 = arith.constant 15 : i32
      %eq3A_1055 = arith.cmpi eq, %arg1, %eq3A_1054 : i32
      %convert_element_type3A_1056 = arith.extui %eq3A_1055 : i1 to i32
      %cond3A_1057 = arith.constant 0 : i32
      %cond3A_1058 = arith.cmpi ne, %convert_element_type3A_1056, %cond3A_1057 : i32
      scf.if %cond3A_1058 {
        %dma_wait3A_1495 = arith.constant 0 : i32
        %dma_wait3A_1496 = arith.constant 0 : i32
        %dma_wait3A_1497 = tpu.memref_slice %arg10[%dma_wait3A_1496] : memref<1000000xf32, #tpu.memory_space<vmem_shared>> -> memref<62976xf32, #tpu.memory_space<vmem_shared>>
        %dma_wait3A_1498 = arith.constant 0 : i32
        %dma_wait3A_1499 = tpu.memref_slice %arg3[%dma_wait3A_1495, %dma_wait3A_1498] : memref<64x1000000xf32, #tpu.memory_space<hbm>> -> memref<1x1000000xf32, #tpu.memory_space<hbm>>
        %dma_wait3A_1500 = tpu.memref_squeeze %dma_wait3A_1499 : memref<1x1000000xf32, #tpu.memory_space<hbm>> -> memref<1000000xf32, #tpu.memory_space<hbm>>
        %dma_wait3A_1501 = arith.constant 0 : i32
        %dma_wait3A_1502 = tpu.memref_slice %dma_wait3A_1500[%dma_wait3A_1501] : memref<1000000xf32, #tpu.memory_space<hbm>> -> memref<62976xf32, #tpu.memory_space<hbm>>
        tpu.wait_dma2 semaphore(%arg15 : memref<!tpu.dma_semaphore, #tpu.memory_space<semaphore_mem>>) src(%dma_wait3A_1502 : memref<62976xf32, #tpu.memory_space<hbm>>) dst(%dma_wait3A_1497 : memref<62976xf32, #tpu.memory_space<vmem_shared>>)
      } else {
      }
      %barrier3A = arith.constant 0 : index
      tpu.barrier barrier_id(%barrier3A)
      %dma_start3A_1059 = arith.constant 0 : i32
      %dma_start3A_1060 = arith.constant 0 : i32
      %dma_start3A_1061 = tpu.memref_slice %arg7[%dma_start3A_1059, %dma_start3A_1060] : memref<50x128xf32, #tpu.memory_space<vmem>> -> memref<1x128xf32, #tpu.memory_space<vmem>>
      %dma_start3A_1062 = tpu.memref_squeeze %dma_start3A_1061 : memref<1x128xf32, #tpu.memory_space<vmem>> -> memref<128xf32, #tpu.memory_space<vmem>>
      %dma_start3A_1063 = arith.constant 0 : i32
      %dma_start3A_1064 = tpu.memref_slice %arg6[%dma_start3A_1063] : memref<51200xi32, #tpu.memory_space<vmem>> -> memref<128xi32, #tpu.memory_space<vmem>>
      %dma_start3A_1065 = arith.constant 0 : i32
      %dma_start3A_1066 = tpu.memref_slice %arg10[%dma_start3A_1065] : memref<1000000xf32, #tpu.memory_space<vmem_shared>> -> memref<1000000xf32, #tpu.memory_space<vmem_shared>>
      tpu.enqueue_indirect_dma source(%dma_start3A_1066 : memref<1000000xf32, #tpu.memory_space<vmem_shared>>) target(%dma_start3A_1062 : memref<128xf32, #tpu.memory_space<vmem>>) offsets(%dma_start3A_1064 : memref<128xi32, #tpu.memory_space<vmem>>) semaphore(%arg11 : memref<!tpu.dma_semaphore, #tpu.memory_space<semaphore_mem>>)
      %dma_start3A_1067 = arith.constant 1 : i32
      %dma_start3A_1068 = arith.constant 0 : i32
      %dma_start3A_1069 = tpu.memref_slice %arg7[%dma_start3A_1067, %dma_start3A_1068] : memref<50x128xf32, #tpu.memory_space<vmem>> -> memref<1x128xf32, #tpu.memory_space<vmem>>
      %dma_start3A_1070 = tpu.memref_squeeze %dma_start3A_1069 : memref<1x128xf32, #tpu.memory_space<vmem>> -> memref<128xf32, #tpu.memory_space<vmem>>
      %dma_start3A_1071 = arith.constant 1024 : i32
      %dma_start3A_1072 = tpu.memref_slice %arg6[%dma_start3A_1071] : memref<51200xi32, #tpu.memory_space<vmem>> -> memref<128xi32, #tpu.memory_space<vmem>>
      %dma_start3A_1073 = arith.constant 0 : i32
      %dma_start3A_1074 = tpu.memref_slice %arg10[%dma_start3A_1073] : memref<1000000xf32, #tpu.memory_space<vmem_shared>> -> memref<1000000xf32, #tpu.memory_space<vmem_shared>>
      tpu.enqueue_indirect_dma source(%dma_start3A_1074 : memref<1000000xf32, #tpu.memory_space<vmem_shared>>) target(%dma_start3A_1070 : memref<128xf32, #tpu.memory_space<vmem>>) offsets(%dma_start3A_1072 : memref<128xi32, #tpu.memory_space<vmem>>) semaphore(%arg11 : memref<!tpu.dma_semaphore, #tpu.memory_space<semaphore_mem>>)
      %dma_start3A_1075 = arith.constant 2 : i32
      %dma_start3A_1076 = arith.constant 0 : i32
      %dma_start3A_1077 = tpu.memref_slice %arg7[%dma_start3A_1075, %dma_start3A_1076] : memref<50x128xf32, #tpu.memory_space<vmem>> -> memref<1x128xf32, #tpu.memory_space<vmem>>
      %dma_start3A_1078 = tpu.memref_squeeze %dma_start3A_1077 : memref<1x128xf32, #tpu.memory_space<vmem>> -> memref<128xf32, #tpu.memory_space<vmem>>
      %dma_start3A_1079 = arith.constant 2048 : i32
      %dma_start3A_1080 = tpu.memref_slice %arg6[%dma_start3A_1079] : memref<51200xi32, #tpu.memory_space<vmem>> -> memref<128xi32, #tpu.memory_space<vmem>>
      %dma_start3A_1081 = arith.constant 0 : i32
      %dma_start3A_1082 = tpu.memref_slice %arg10[%dma_start3A_1081] : memref<1000000xf32, #tpu.memory_space<vmem_shared>> -> memref<1000000xf32, #tpu.memory_space<vmem_shared>>
      tpu.enqueue_indirect_dma source(%dma_start3A_1082 : memref<1000000xf32, #tpu.memory_space<vmem_shared>>) target(%dma_start3A_1078 : memref<128xf32, #tpu.memory_space<vmem>>) offsets(%dma_start3A_1080 : memref<128xi32, #tpu.memory_space<vmem>>) semaphore(%arg11 : memref<!tpu.dma_semaphore, #tpu.memory_space<semaphore_mem>>)
      %dma_start3A_1083 = arith.constant 3 : i32
      %dma_start3A_1084 = arith.constant 0 : i32
      %dma_start3A_1085 = tpu.memref_slice %arg7[%dma_start3A_1083, %dma_start3A_1084] : memref<50x128xf32, #tpu.memory_space<vmem>> -> memref<1x128xf32, #tpu.memory_space<vmem>>
      %dma_start3A_1086 = tpu.memref_squeeze %dma_start3A_1085 : memref<1x128xf32, #tpu.memory_space<vmem>> -> memref<128xf32, #tpu.memory_space<vmem>>
      %dma_start3A_1087 = arith.constant 3072 : i32
      %dma_start3A_1088 = tpu.memref_slice %arg6[%dma_start3A_1087] : memref<51200xi32, #tpu.memory_space<vmem>> -> memref<128xi32, #tpu.memory_space<vmem>>
      %dma_start3A_1089 = arith.constant 0 : i32
      %dma_start3A_1090 = tpu.memref_slice %arg10[%dma_start3A_1089] : memref<1000000xf32, #tpu.memory_space<vmem_shared>> -> memref<1000000xf32, #tpu.memory_space<vmem_shared>>
      tpu.enqueue_indirect_dma source(%dma_start3A_1090 : memref<1000000xf32, #tpu.memory_space<vmem_shared>>) target(%dma_start3A_1086 : memref<128xf32, #tpu.memory_space<vmem>>) offsets(%dma_start3A_1088 : memref<128xi32, #tpu.memory_space<vmem>>) semaphore(%arg11 : memref<!tpu.dma_semaphore, #tpu.memory_space<semaphore_mem>>)
      %dma_start3A_1091 = arith.constant 4 : i32
      %dma_start3A_1092 = arith.constant 0 : i32
      %dma_start3A_1093 = tpu.memref_slice %arg7[%dma_start3A_1091, %dma_start3A_1092] : memref<50x128xf32, #tpu.memory_space<vmem>> -> memref<1x128xf32, #tpu.memory_space<vmem>>
      %dma_start3A_1094 = tpu.memref_squeeze %dma_start3A_1093 : memref<1x128xf32, #tpu.memory_space<vmem>> -> memref<128xf32, #tpu.memory_space<vmem>>
      %dma_start3A_1095 = arith.constant 4096 : i32
      %dma_start3A_1096 = tpu.memref_slice %arg6[%dma_start3A_1095] : memref<51200xi32, #tpu.memory_space<vmem>> -> memref<128xi32, #tpu.memory_space<vmem>>
      %dma_start3A_1097 = arith.constant 0 : i32
      %dma_start3A_1098 = tpu.memref_slice %arg10[%dma_start3A_1097] : memref<1000000xf32, #tpu.memory_space<vmem_shared>> -> memref<1000000xf32, #tpu.memory_space<vmem_shared>>
      tpu.enqueue_indirect_dma source(%dma_start3A_1098 : memref<1000000xf32, #tpu.memory_space<vmem_shared>>) target(%dma_start3A_1094 : memref<128xf32, #tpu.memory_space<vmem>>) offsets(%dma_start3A_1096 : memref<128xi32, #tpu.memory_space<vmem>>) semaphore(%arg11 : memref<!tpu.dma_semaphore, #tpu.memory_space<semaphore_mem>>)
      %dma_start3A_1099 = arith.constant 5 : i32
      %dma_start3A_1100 = arith.constant 0 : i32
      %dma_start3A_1101 = tpu.memref_slice %arg7[%dma_start3A_1099, %dma_start3A_1100] : memref<50x128xf32, #tpu.memory_space<vmem>> -> memref<1x128xf32, #tpu.memory_space<vmem>>
      %dma_start3A_1102 = tpu.memref_squeeze %dma_start3A_1101 : memref<1x128xf32, #tpu.memory_space<vmem>> -> memref<128xf32, #tpu.memory_space<vmem>>
      %dma_start3A_1103 = arith.constant 5120 : i32
      %dma_start3A_1104 = tpu.memref_slice %arg6[%dma_start3A_1103] : memref<51200xi32, #tpu.memory_space<vmem>> -> memref<128xi32, #tpu.memory_space<vmem>>
      %dma_start3A_1105 = arith.constant 0 : i32
      %dma_start3A_1106 = tpu.memref_slice %arg10[%dma_start3A_1105] : memref<1000000xf32, #tpu.memory_space<vmem_shared>> -> memref<1000000xf32, #tpu.memory_space<vmem_shared>>
      tpu.enqueue_indirect_dma source(%dma_start3A_1106 : memref<1000000xf32, #tpu.memory_space<vmem_shared>>) target(%dma_start3A_1102 : memref<128xf32, #tpu.memory_space<vmem>>) offsets(%dma_start3A_1104 : memref<128xi32, #tpu.memory_space<vmem>>) semaphore(%arg11 : memref<!tpu.dma_semaphore, #tpu.memory_space<semaphore_mem>>)
      %dma_start3A_1107 = arith.constant 6 : i32
      %dma_start3A_1108 = arith.constant 0 : i32
      %dma_start3A_1109 = tpu.memref_slice %arg7[%dma_start3A_1107, %dma_start3A_1108] : memref<50x128xf32, #tpu.memory_space<vmem>> -> memref<1x128xf32, #tpu.memory_space<vmem>>
      %dma_start3A_1110 = tpu.memref_squeeze %dma_start3A_1109 : memref<1x128xf32, #tpu.memory_space<vmem>> -> memref<128xf32, #tpu.memory_space<vmem>>
      %dma_start3A_1111 = arith.constant 6144 : i32
      %dma_start3A_1112 = tpu.memref_slice %arg6[%dma_start3A_1111] : memref<51200xi32, #tpu.memory_space<vmem>> -> memref<128xi32, #tpu.memory_space<vmem>>
      %dma_start3A_1113 = arith.constant 0 : i32
      %dma_start3A_1114 = tpu.memref_slice %arg10[%dma_start3A_1113] : memref<1000000xf32, #tpu.memory_space<vmem_shared>> -> memref<1000000xf32, #tpu.memory_space<vmem_shared>>
      tpu.enqueue_indirect_dma source(%dma_start3A_1114 : memref<1000000xf32, #tpu.memory_space<vmem_shared>>) target(%dma_start3A_1110 : memref<128xf32, #tpu.memory_space<vmem>>) offsets(%dma_start3A_1112 : memref<128xi32, #tpu.memory_space<vmem>>) semaphore(%arg11 : memref<!tpu.dma_semaphore, #tpu.memory_space<semaphore_mem>>)
      %dma_start3A_1115 = arith.constant 7 : i32
      %dma_start3A_1116 = arith.constant 0 : i32
      %dma_start3A_1117 = tpu.memref_slice %arg7[%dma_start3A_1115, %dma_start3A_1116] : memref<50x128xf32, #tpu.memory_space<vmem>> -> memref<1x128xf32, #tpu.memory_space<vmem>>
      %dma_start3A_1118 = tpu.memref_squeeze %dma_start3A_1117 : memref<1x128xf32, #tpu.memory_space<vmem>> -> memref<128xf32, #tpu.memory_space<vmem>>
      %dma_start3A_1119 = arith.constant 7168 : i32
      %dma_start3A_1120 = tpu.memref_slice %arg6[%dma_start3A_1119] : memref<51200xi32, #tpu.memory_space<vmem>> -> memref<128xi32, #tpu.memory_space<vmem>>
      %dma_start3A_1121 = arith.constant 0 : i32
      %dma_start3A_1122 = tpu.memref_slice %arg10[%dma_start3A_1121] : memref<1000000xf32, #tpu.memory_space<vmem_shared>> -> memref<1000000xf32, #tpu.memory_space<vmem_shared>>
      tpu.enqueue_indirect_dma source(%dma_start3A_1122 : memref<1000000xf32, #tpu.memory_space<vmem_shared>>) target(%dma_start3A_1118 : memref<128xf32, #tpu.memory_space<vmem>>) offsets(%dma_start3A_1120 : memref<128xi32, #tpu.memory_space<vmem>>) semaphore(%arg11 : memref<!tpu.dma_semaphore, #tpu.memory_space<semaphore_mem>>)
      %dma_start3A_1123 = arith.constant 8 : i32
      %dma_start3A_1124 = arith.constant 0 : i32
      %dma_start3A_1125 = tpu.memref_slice %arg7[%dma_start3A_1123, %dma_start3A_1124] : memref<50x128xf32, #tpu.memory_space<vmem>> -> memref<1x128xf32, #tpu.memory_space<vmem>>
      %dma_start3A_1126 = tpu.memref_squeeze %dma_start3A_1125 : memref<1x128xf32, #tpu.memory_space<vmem>> -> memref<128xf32, #tpu.memory_space<vmem>>
      %dma_start3A_1127 = arith.constant 8192 : i32
      %dma_start3A_1128 = tpu.memref_slice %arg6[%dma_start3A_1127] : memref<51200xi32, #tpu.memory_space<vmem>> -> memref<128xi32, #tpu.memory_space<vmem>>
      %dma_start3A_1129 = arith.constant 0 : i32
      %dma_start3A_1130 = tpu.memref_slice %arg10[%dma_start3A_1129] : memref<1000000xf32, #tpu.memory_space<vmem_shared>> -> memref<1000000xf32, #tpu.memory_space<vmem_shared>>
      tpu.enqueue_indirect_dma source(%dma_start3A_1130 : memref<1000000xf32, #tpu.memory_space<vmem_shared>>) target(%dma_start3A_1126 : memref<128xf32, #tpu.memory_space<vmem>>) offsets(%dma_start3A_1128 : memref<128xi32, #tpu.memory_space<vmem>>) semaphore(%arg11 : memref<!tpu.dma_semaphore, #tpu.memory_space<semaphore_mem>>)
      %dma_start3A_1131 = arith.constant 9 : i32
      %dma_start3A_1132 = arith.constant 0 : i32
      %dma_start3A_1133 = tpu.memref_slice %arg7[%dma_start3A_1131, %dma_start3A_1132] : memref<50x128xf32, #tpu.memory_space<vmem>> -> memref<1x128xf32, #tpu.memory_space<vmem>>
      %dma_start3A_1134 = tpu.memref_squeeze %dma_start3A_1133 : memref<1x128xf32, #tpu.memory_space<vmem>> -> memref<128xf32, #tpu.memory_space<vmem>>
      %dma_start3A_1135 = arith.constant 9216 : i32
      %dma_start3A_1136 = tpu.memref_slice %arg6[%dma_start3A_1135] : memref<51200xi32, #tpu.memory_space<vmem>> -> memref<128xi32, #tpu.memory_space<vmem>>
      %dma_start3A_1137 = arith.constant 0 : i32
      %dma_start3A_1138 = tpu.memref_slice %arg10[%dma_start3A_1137] : memref<1000000xf32, #tpu.memory_space<vmem_shared>> -> memref<1000000xf32, #tpu.memory_space<vmem_shared>>
      tpu.enqueue_indirect_dma source(%dma_start3A_1138 : memref<1000000xf32, #tpu.memory_space<vmem_shared>>) target(%dma_start3A_1134 : memref<128xf32, #tpu.memory_space<vmem>>) offsets(%dma_start3A_1136 : memref<128xi32, #tpu.memory_space<vmem>>) semaphore(%arg11 : memref<!tpu.dma_semaphore, #tpu.memory_space<semaphore_mem>>)
      %dma_start3A_1139 = arith.constant 10 : i32
      %dma_start3A_1140 = arith.constant 0 : i32
      %dma_start3A_1141 = tpu.memref_slice %arg7[%dma_start3A_1139, %dma_start3A_1140] : memref<50x128xf32, #tpu.memory_space<vmem>> -> memref<1x128xf32, #tpu.memory_space<vmem>>
      %dma_start3A_1142 = tpu.memref_squeeze %dma_start3A_1141 : memref<1x128xf32, #tpu.memory_space<vmem>> -> memref<128xf32, #tpu.memory_space<vmem>>
      %dma_start3A_1143 = arith.constant 10240 : i32
      %dma_start3A_1144 = tpu.memref_slice %arg6[%dma_start3A_1143] : memref<51200xi32, #tpu.memory_space<vmem>> -> memref<128xi32, #tpu.memory_space<vmem>>
      %dma_start3A_1145 = arith.constant 0 : i32
      %dma_start3A_1146 = tpu.memref_slice %arg10[%dma_start3A_1145] : memref<1000000xf32, #tpu.memory_space<vmem_shared>> -> memref<1000000xf32, #tpu.memory_space<vmem_shared>>
      tpu.enqueue_indirect_dma source(%dma_start3A_1146 : memref<1000000xf32, #tpu.memory_space<vmem_shared>>) target(%dma_start3A_1142 : memref<128xf32, #tpu.memory_space<vmem>>) offsets(%dma_start3A_1144 : memref<128xi32, #tpu.memory_space<vmem>>) semaphore(%arg11 : memref<!tpu.dma_semaphore, #tpu.memory_space<semaphore_mem>>)
      %dma_start3A_1147 = arith.constant 11 : i32
      %dma_start3A_1148 = arith.constant 0 : i32
      %dma_start3A_1149 = tpu.memref_slice %arg7[%dma_start3A_1147, %dma_start3A_1148] : memref<50x128xf32, #tpu.memory_space<vmem>> -> memref<1x128xf32, #tpu.memory_space<vmem>>
      %dma_start3A_1150 = tpu.memref_squeeze %dma_start3A_1149 : memref<1x128xf32, #tpu.memory_space<vmem>> -> memref<128xf32, #tpu.memory_space<vmem>>
      %dma_start3A_1151 = arith.constant 11264 : i32
      %dma_start3A_1152 = tpu.memref_slice %arg6[%dma_start3A_1151] : memref<51200xi32, #tpu.memory_space<vmem>> -> memref<128xi32, #tpu.memory_space<vmem>>
      %dma_start3A_1153 = arith.constant 0 : i32
      %dma_start3A_1154 = tpu.memref_slice %arg10[%dma_start3A_1153] : memref<1000000xf32, #tpu.memory_space<vmem_shared>> -> memref<1000000xf32, #tpu.memory_space<vmem_shared>>
      tpu.enqueue_indirect_dma source(%dma_start3A_1154 : memref<1000000xf32, #tpu.memory_space<vmem_shared>>) target(%dma_start3A_1150 : memref<128xf32, #tpu.memory_space<vmem>>) offsets(%dma_start3A_1152 : memref<128xi32, #tpu.memory_space<vmem>>) semaphore(%arg11 : memref<!tpu.dma_semaphore, #tpu.memory_space<semaphore_mem>>)
      %dma_start3A_1155 = arith.constant 12 : i32
      %dma_start3A_1156 = arith.constant 0 : i32
      %dma_start3A_1157 = tpu.memref_slice %arg7[%dma_start3A_1155, %dma_start3A_1156] : memref<50x128xf32, #tpu.memory_space<vmem>> -> memref<1x128xf32, #tpu.memory_space<vmem>>
      %dma_start3A_1158 = tpu.memref_squeeze %dma_start3A_1157 : memref<1x128xf32, #tpu.memory_space<vmem>> -> memref<128xf32, #tpu.memory_space<vmem>>
      %dma_start3A_1159 = arith.constant 12288 : i32
      %dma_start3A_1160 = tpu.memref_slice %arg6[%dma_start3A_1159] : memref<51200xi32, #tpu.memory_space<vmem>> -> memref<128xi32, #tpu.memory_space<vmem>>
      %dma_start3A_1161 = arith.constant 0 : i32
      %dma_start3A_1162 = tpu.memref_slice %arg10[%dma_start3A_1161] : memref<1000000xf32, #tpu.memory_space<vmem_shared>> -> memref<1000000xf32, #tpu.memory_space<vmem_shared>>
      tpu.enqueue_indirect_dma source(%dma_start3A_1162 : memref<1000000xf32, #tpu.memory_space<vmem_shared>>) target(%dma_start3A_1158 : memref<128xf32, #tpu.memory_space<vmem>>) offsets(%dma_start3A_1160 : memref<128xi32, #tpu.memory_space<vmem>>) semaphore(%arg11 : memref<!tpu.dma_semaphore, #tpu.memory_space<semaphore_mem>>)
      %dma_start3A_1163 = arith.constant 13 : i32
      %dma_start3A_1164 = arith.constant 0 : i32
      %dma_start3A_1165 = tpu.memref_slice %arg7[%dma_start3A_1163, %dma_start3A_1164] : memref<50x128xf32, #tpu.memory_space<vmem>> -> memref<1x128xf32, #tpu.memory_space<vmem>>
      %dma_start3A_1166 = tpu.memref_squeeze %dma_start3A_1165 : memref<1x128xf32, #tpu.memory_space<vmem>> -> memref<128xf32, #tpu.memory_space<vmem>>
      %dma_start3A_1167 = arith.constant 13312 : i32
      %dma_start3A_1168 = tpu.memref_slice %arg6[%dma_start3A_1167] : memref<51200xi32, #tpu.memory_space<vmem>> -> memref<128xi32, #tpu.memory_space<vmem>>
      %dma_start3A_1169 = arith.constant 0 : i32
      %dma_start3A_1170 = tpu.memref_slice %arg10[%dma_start3A_1169] : memref<1000000xf32, #tpu.memory_space<vmem_shared>> -> memref<1000000xf32, #tpu.memory_space<vmem_shared>>
      tpu.enqueue_indirect_dma source(%dma_start3A_1170 : memref<1000000xf32, #tpu.memory_space<vmem_shared>>) target(%dma_start3A_1166 : memref<128xf32, #tpu.memory_space<vmem>>) offsets(%dma_start3A_1168 : memref<128xi32, #tpu.memory_space<vmem>>) semaphore(%arg11 : memref<!tpu.dma_semaphore, #tpu.memory_space<semaphore_mem>>)
      %dma_start3A_1171 = arith.constant 14 : i32
      %dma_start3A_1172 = arith.constant 0 : i32
      %dma_start3A_1173 = tpu.memref_slice %arg7[%dma_start3A_1171, %dma_start3A_1172] : memref<50x128xf32, #tpu.memory_space<vmem>> -> memref<1x128xf32, #tpu.memory_space<vmem>>
      %dma_start3A_1174 = tpu.memref_squeeze %dma_start3A_1173 : memref<1x128xf32, #tpu.memory_space<vmem>> -> memref<128xf32, #tpu.memory_space<vmem>>
      %dma_start3A_1175 = arith.constant 14336 : i32
      %dma_start3A_1176 = tpu.memref_slice %arg6[%dma_start3A_1175] : memref<51200xi32, #tpu.memory_space<vmem>> -> memref<128xi32, #tpu.memory_space<vmem>>
      %dma_start3A_1177 = arith.constant 0 : i32
      %dma_start3A_1178 = tpu.memref_slice %arg10[%dma_start3A_1177] : memref<1000000xf32, #tpu.memory_space<vmem_shared>> -> memref<1000000xf32, #tpu.memory_space<vmem_shared>>
      tpu.enqueue_indirect_dma source(%dma_start3A_1178 : memref<1000000xf32, #tpu.memory_space<vmem_shared>>) target(%dma_start3A_1174 : memref<128xf32, #tpu.memory_space<vmem>>) offsets(%dma_start3A_1176 : memref<128xi32, #tpu.memory_space<vmem>>) semaphore(%arg11 : memref<!tpu.dma_semaphore, #tpu.memory_space<semaphore_mem>>)
      %dma_start3A_1179 = arith.constant 15 : i32
      %dma_start3A_1180 = arith.constant 0 : i32
      %dma_start3A_1181 = tpu.memref_slice %arg7[%dma_start3A_1179, %dma_start3A_1180] : memref<50x128xf32, #tpu.memory_space<vmem>> -> memref<1x128xf32, #tpu.memory_space<vmem>>
      %dma_start3A_1182 = tpu.memref_squeeze %dma_start3A_1181 : memref<1x128xf32, #tpu.memory_space<vmem>> -> memref<128xf32, #tpu.memory_space<vmem>>
      %dma_start3A_1183 = arith.constant 15360 : i32
      %dma_start3A_1184 = tpu.memref_slice %arg6[%dma_start3A_1183] : memref<51200xi32, #tpu.memory_space<vmem>> -> memref<128xi32, #tpu.memory_space<vmem>>
      %dma_start3A_1185 = arith.constant 0 : i32
      %dma_start3A_1186 = tpu.memref_slice %arg10[%dma_start3A_1185] : memref<1000000xf32, #tpu.memory_space<vmem_shared>> -> memref<1000000xf32, #tpu.memory_space<vmem_shared>>
      tpu.enqueue_indirect_dma source(%dma_start3A_1186 : memref<1000000xf32, #tpu.memory_space<vmem_shared>>) target(%dma_start3A_1182 : memref<128xf32, #tpu.memory_space<vmem>>) offsets(%dma_start3A_1184 : memref<128xi32, #tpu.memory_space<vmem>>) semaphore(%arg11 : memref<!tpu.dma_semaphore, #tpu.memory_space<semaphore_mem>>)
      %dma_start3A_1187 = arith.constant 16 : i32
      %dma_start3A_1188 = arith.constant 0 : i32
      %dma_start3A_1189 = tpu.memref_slice %arg7[%dma_start3A_1187, %dma_start3A_1188] : memref<50x128xf32, #tpu.memory_space<vmem>> -> memref<1x128xf32, #tpu.memory_space<vmem>>
      %dma_start3A_1190 = tpu.memref_squeeze %dma_start3A_1189 : memref<1x128xf32, #tpu.memory_space<vmem>> -> memref<128xf32, #tpu.memory_space<vmem>>
      %dma_start3A_1191 = arith.constant 16384 : i32
      %dma_start3A_1192 = tpu.memref_slice %arg6[%dma_start3A_1191] : memref<51200xi32, #tpu.memory_space<vmem>> -> memref<128xi32, #tpu.memory_space<vmem>>
      %dma_start3A_1193 = arith.constant 0 : i32
      %dma_start3A_1194 = tpu.memref_slice %arg10[%dma_start3A_1193] : memref<1000000xf32, #tpu.memory_space<vmem_shared>> -> memref<1000000xf32, #tpu.memory_space<vmem_shared>>
      tpu.enqueue_indirect_dma source(%dma_start3A_1194 : memref<1000000xf32, #tpu.memory_space<vmem_shared>>) target(%dma_start3A_1190 : memref<128xf32, #tpu.memory_space<vmem>>) offsets(%dma_start3A_1192 : memref<128xi32, #tpu.memory_space<vmem>>) semaphore(%arg11 : memref<!tpu.dma_semaphore, #tpu.memory_space<semaphore_mem>>)
      %dma_start3A_1195 = arith.constant 17 : i32
      %dma_start3A_1196 = arith.constant 0 : i32
      %dma_start3A_1197 = tpu.memref_slice %arg7[%dma_start3A_1195, %dma_start3A_1196] : memref<50x128xf32, #tpu.memory_space<vmem>> -> memref<1x128xf32, #tpu.memory_space<vmem>>
      %dma_start3A_1198 = tpu.memref_squeeze %dma_start3A_1197 : memref<1x128xf32, #tpu.memory_space<vmem>> -> memref<128xf32, #tpu.memory_space<vmem>>
      %dma_start3A_1199 = arith.constant 17408 : i32
      %dma_start3A_1200 = tpu.memref_slice %arg6[%dma_start3A_1199] : memref<51200xi32, #tpu.memory_space<vmem>> -> memref<128xi32, #tpu.memory_space<vmem>>
      %dma_start3A_1201 = arith.constant 0 : i32
      %dma_start3A_1202 = tpu.memref_slice %arg10[%dma_start3A_1201] : memref<1000000xf32, #tpu.memory_space<vmem_shared>> -> memref<1000000xf32, #tpu.memory_space<vmem_shared>>
      tpu.enqueue_indirect_dma source(%dma_start3A_1202 : memref<1000000xf32, #tpu.memory_space<vmem_shared>>) target(%dma_start3A_1198 : memref<128xf32, #tpu.memory_space<vmem>>) offsets(%dma_start3A_1200 : memref<128xi32, #tpu.memory_space<vmem>>) semaphore(%arg11 : memref<!tpu.dma_semaphore, #tpu.memory_space<semaphore_mem>>)
      %dma_start3A_1203 = arith.constant 18 : i32
      %dma_start3A_1204 = arith.constant 0 : i32
      %dma_start3A_1205 = tpu.memref_slice %arg7[%dma_start3A_1203, %dma_start3A_1204] : memref<50x128xf32, #tpu.memory_space<vmem>> -> memref<1x128xf32, #tpu.memory_space<vmem>>
      %dma_start3A_1206 = tpu.memref_squeeze %dma_start3A_1205 : memref<1x128xf32, #tpu.memory_space<vmem>> -> memref<128xf32, #tpu.memory_space<vmem>>
      %dma_start3A_1207 = arith.constant 18432 : i32
      %dma_start3A_1208 = tpu.memref_slice %arg6[%dma_start3A_1207] : memref<51200xi32, #tpu.memory_space<vmem>> -> memref<128xi32, #tpu.memory_space<vmem>>
      %dma_start3A_1209 = arith.constant 0 : i32
      %dma_start3A_1210 = tpu.memref_slice %arg10[%dma_start3A_1209] : memref<1000000xf32, #tpu.memory_space<vmem_shared>> -> memref<1000000xf32, #tpu.memory_space<vmem_shared>>
      tpu.enqueue_indirect_dma source(%dma_start3A_1210 : memref<1000000xf32, #tpu.memory_space<vmem_shared>>) target(%dma_start3A_1206 : memref<128xf32, #tpu.memory_space<vmem>>) offsets(%dma_start3A_1208 : memref<128xi32, #tpu.memory_space<vmem>>) semaphore(%arg11 : memref<!tpu.dma_semaphore, #tpu.memory_space<semaphore_mem>>)
      %dma_start3A_1211 = arith.constant 19 : i32
      %dma_start3A_1212 = arith.constant 0 : i32
      %dma_start3A_1213 = tpu.memref_slice %arg7[%dma_start3A_1211, %dma_start3A_1212] : memref<50x128xf32, #tpu.memory_space<vmem>> -> memref<1x128xf32, #tpu.memory_space<vmem>>
      %dma_start3A_1214 = tpu.memref_squeeze %dma_start3A_1213 : memref<1x128xf32, #tpu.memory_space<vmem>> -> memref<128xf32, #tpu.memory_space<vmem>>
      %dma_start3A_1215 = arith.constant 19456 : i32
      %dma_start3A_1216 = tpu.memref_slice %arg6[%dma_start3A_1215] : memref<51200xi32, #tpu.memory_space<vmem>> -> memref<128xi32, #tpu.memory_space<vmem>>
      %dma_start3A_1217 = arith.constant 0 : i32
      %dma_start3A_1218 = tpu.memref_slice %arg10[%dma_start3A_1217] : memref<1000000xf32, #tpu.memory_space<vmem_shared>> -> memref<1000000xf32, #tpu.memory_space<vmem_shared>>
      tpu.enqueue_indirect_dma source(%dma_start3A_1218 : memref<1000000xf32, #tpu.memory_space<vmem_shared>>) target(%dma_start3A_1214 : memref<128xf32, #tpu.memory_space<vmem>>) offsets(%dma_start3A_1216 : memref<128xi32, #tpu.memory_space<vmem>>) semaphore(%arg11 : memref<!tpu.dma_semaphore, #tpu.memory_space<semaphore_mem>>)
      %dma_start3A_1219 = arith.constant 20 : i32
      %dma_start3A_1220 = arith.constant 0 : i32
      %dma_start3A_1221 = tpu.memref_slice %arg7[%dma_start3A_1219, %dma_start3A_1220] : memref<50x128xf32, #tpu.memory_space<vmem>> -> memref<1x128xf32, #tpu.memory_space<vmem>>
      %dma_start3A_1222 = tpu.memref_squeeze %dma_start3A_1221 : memref<1x128xf32, #tpu.memory_space<vmem>> -> memref<128xf32, #tpu.memory_space<vmem>>
      %dma_start3A_1223 = arith.constant 20480 : i32
      %dma_start3A_1224 = tpu.memref_slice %arg6[%dma_start3A_1223] : memref<51200xi32, #tpu.memory_space<vmem>> -> memref<128xi32, #tpu.memory_space<vmem>>
      %dma_start3A_1225 = arith.constant 0 : i32
      %dma_start3A_1226 = tpu.memref_slice %arg10[%dma_start3A_1225] : memref<1000000xf32, #tpu.memory_space<vmem_shared>> -> memref<1000000xf32, #tpu.memory_space<vmem_shared>>
      tpu.enqueue_indirect_dma source(%dma_start3A_1226 : memref<1000000xf32, #tpu.memory_space<vmem_shared>>) target(%dma_start3A_1222 : memref<128xf32, #tpu.memory_space<vmem>>) offsets(%dma_start3A_1224 : memref<128xi32, #tpu.memory_space<vmem>>) semaphore(%arg11 : memref<!tpu.dma_semaphore, #tpu.memory_space<semaphore_mem>>)
      %dma_start3A_1227 = arith.constant 21 : i32
      %dma_start3A_1228 = arith.constant 0 : i32
      %dma_start3A_1229 = tpu.memref_slice %arg7[%dma_start3A_1227, %dma_start3A_1228] : memref<50x128xf32, #tpu.memory_space<vmem>> -> memref<1x128xf32, #tpu.memory_space<vmem>>
      %dma_start3A_1230 = tpu.memref_squeeze %dma_start3A_1229 : memref<1x128xf32, #tpu.memory_space<vmem>> -> memref<128xf32, #tpu.memory_space<vmem>>
      %dma_start3A_1231 = arith.constant 21504 : i32
      %dma_start3A_1232 = tpu.memref_slice %arg6[%dma_start3A_1231] : memref<51200xi32, #tpu.memory_space<vmem>> -> memref<128xi32, #tpu.memory_space<vmem>>
      %dma_start3A_1233 = arith.constant 0 : i32
      %dma_start3A_1234 = tpu.memref_slice %arg10[%dma_start3A_1233] : memref<1000000xf32, #tpu.memory_space<vmem_shared>> -> memref<1000000xf32, #tpu.memory_space<vmem_shared>>
      tpu.enqueue_indirect_dma source(%dma_start3A_1234 : memref<1000000xf32, #tpu.memory_space<vmem_shared>>) target(%dma_start3A_1230 : memref<128xf32, #tpu.memory_space<vmem>>) offsets(%dma_start3A_1232 : memref<128xi32, #tpu.memory_space<vmem>>) semaphore(%arg11 : memref<!tpu.dma_semaphore, #tpu.memory_space<semaphore_mem>>)
      %dma_start3A_1235 = arith.constant 22 : i32
      %dma_start3A_1236 = arith.constant 0 : i32
      %dma_start3A_1237 = tpu.memref_slice %arg7[%dma_start3A_1235, %dma_start3A_1236] : memref<50x128xf32, #tpu.memory_space<vmem>> -> memref<1x128xf32, #tpu.memory_space<vmem>>
      %dma_start3A_1238 = tpu.memref_squeeze %dma_start3A_1237 : memref<1x128xf32, #tpu.memory_space<vmem>> -> memref<128xf32, #tpu.memory_space<vmem>>
      %dma_start3A_1239 = arith.constant 22528 : i32
      %dma_start3A_1240 = tpu.memref_slice %arg6[%dma_start3A_1239] : memref<51200xi32, #tpu.memory_space<vmem>> -> memref<128xi32, #tpu.memory_space<vmem>>
      %dma_start3A_1241 = arith.constant 0 : i32
      %dma_start3A_1242 = tpu.memref_slice %arg10[%dma_start3A_1241] : memref<1000000xf32, #tpu.memory_space<vmem_shared>> -> memref<1000000xf32, #tpu.memory_space<vmem_shared>>
      tpu.enqueue_indirect_dma source(%dma_start3A_1242 : memref<1000000xf32, #tpu.memory_space<vmem_shared>>) target(%dma_start3A_1238 : memref<128xf32, #tpu.memory_space<vmem>>) offsets(%dma_start3A_1240 : memref<128xi32, #tpu.memory_space<vmem>>) semaphore(%arg11 : memref<!tpu.dma_semaphore, #tpu.memory_space<semaphore_mem>>)
      %dma_start3A_1243 = arith.constant 23 : i32
      %dma_start3A_1244 = arith.constant 0 : i32
      %dma_start3A_1245 = tpu.memref_slice %arg7[%dma_start3A_1243, %dma_start3A_1244] : memref<50x128xf32, #tpu.memory_space<vmem>> -> memref<1x128xf32, #tpu.memory_space<vmem>>
      %dma_start3A_1246 = tpu.memref_squeeze %dma_start3A_1245 : memref<1x128xf32, #tpu.memory_space<vmem>> -> memref<128xf32, #tpu.memory_space<vmem>>
      %dma_start3A_1247 = arith.constant 23552 : i32
      %dma_start3A_1248 = tpu.memref_slice %arg6[%dma_start3A_1247] : memref<51200xi32, #tpu.memory_space<vmem>> -> memref<128xi32, #tpu.memory_space<vmem>>
      %dma_start3A_1249 = arith.constant 0 : i32
      %dma_start3A_1250 = tpu.memref_slice %arg10[%dma_start3A_1249] : memref<1000000xf32, #tpu.memory_space<vmem_shared>> -> memref<1000000xf32, #tpu.memory_space<vmem_shared>>
      tpu.enqueue_indirect_dma source(%dma_start3A_1250 : memref<1000000xf32, #tpu.memory_space<vmem_shared>>) target(%dma_start3A_1246 : memref<128xf32, #tpu.memory_space<vmem>>) offsets(%dma_start3A_1248 : memref<128xi32, #tpu.memory_space<vmem>>) semaphore(%arg11 : memref<!tpu.dma_semaphore, #tpu.memory_space<semaphore_mem>>)
      %dma_start3A_1251 = arith.constant 24 : i32
      %dma_start3A_1252 = arith.constant 0 : i32
      %dma_start3A_1253 = tpu.memref_slice %arg7[%dma_start3A_1251, %dma_start3A_1252] : memref<50x128xf32, #tpu.memory_space<vmem>> -> memref<1x128xf32, #tpu.memory_space<vmem>>
      %dma_start3A_1254 = tpu.memref_squeeze %dma_start3A_1253 : memref<1x128xf32, #tpu.memory_space<vmem>> -> memref<128xf32, #tpu.memory_space<vmem>>
      %dma_start3A_1255 = arith.constant 24576 : i32
      %dma_start3A_1256 = tpu.memref_slice %arg6[%dma_start3A_1255] : memref<51200xi32, #tpu.memory_space<vmem>> -> memref<128xi32, #tpu.memory_space<vmem>>
      %dma_start3A_1257 = arith.constant 0 : i32
      %dma_start3A_1258 = tpu.memref_slice %arg10[%dma_start3A_1257] : memref<1000000xf32, #tpu.memory_space<vmem_shared>> -> memref<1000000xf32, #tpu.memory_space<vmem_shared>>
      tpu.enqueue_indirect_dma source(%dma_start3A_1258 : memref<1000000xf32, #tpu.memory_space<vmem_shared>>) target(%dma_start3A_1254 : memref<128xf32, #tpu.memory_space<vmem>>) offsets(%dma_start3A_1256 : memref<128xi32, #tpu.memory_space<vmem>>) semaphore(%arg11 : memref<!tpu.dma_semaphore, #tpu.memory_space<semaphore_mem>>)
      %dma_start3A_1259 = arith.constant 25 : i32
      %dma_start3A_1260 = arith.constant 0 : i32
      %dma_start3A_1261 = tpu.memref_slice %arg7[%dma_start3A_1259, %dma_start3A_1260] : memref<50x128xf32, #tpu.memory_space<vmem>> -> memref<1x128xf32, #tpu.memory_space<vmem>>
      %dma_start3A_1262 = tpu.memref_squeeze %dma_start3A_1261 : memref<1x128xf32, #tpu.memory_space<vmem>> -> memref<128xf32, #tpu.memory_space<vmem>>
      %dma_start3A_1263 = arith.constant 25600 : i32
      %dma_start3A_1264 = tpu.memref_slice %arg6[%dma_start3A_1263] : memref<51200xi32, #tpu.memory_space<vmem>> -> memref<128xi32, #tpu.memory_space<vmem>>
      %dma_start3A_1265 = arith.constant 0 : i32
      %dma_start3A_1266 = tpu.memref_slice %arg10[%dma_start3A_1265] : memref<1000000xf32, #tpu.memory_space<vmem_shared>> -> memref<1000000xf32, #tpu.memory_space<vmem_shared>>
      tpu.enqueue_indirect_dma source(%dma_start3A_1266 : memref<1000000xf32, #tpu.memory_space<vmem_shared>>) target(%dma_start3A_1262 : memref<128xf32, #tpu.memory_space<vmem>>) offsets(%dma_start3A_1264 : memref<128xi32, #tpu.memory_space<vmem>>) semaphore(%arg11 : memref<!tpu.dma_semaphore, #tpu.memory_space<semaphore_mem>>)
      %dma_start3A_1267 = arith.constant 26 : i32
      %dma_start3A_1268 = arith.constant 0 : i32
      %dma_start3A_1269 = tpu.memref_slice %arg7[%dma_start3A_1267, %dma_start3A_1268] : memref<50x128xf32, #tpu.memory_space<vmem>> -> memref<1x128xf32, #tpu.memory_space<vmem>>
      %dma_start3A_1270 = tpu.memref_squeeze %dma_start3A_1269 : memref<1x128xf32, #tpu.memory_space<vmem>> -> memref<128xf32, #tpu.memory_space<vmem>>
      %dma_start3A_1271 = arith.constant 26624 : i32
      %dma_start3A_1272 = tpu.memref_slice %arg6[%dma_start3A_1271] : memref<51200xi32, #tpu.memory_space<vmem>> -> memref<128xi32, #tpu.memory_space<vmem>>
      %dma_start3A_1273 = arith.constant 0 : i32
      %dma_start3A_1274 = tpu.memref_slice %arg10[%dma_start3A_1273] : memref<1000000xf32, #tpu.memory_space<vmem_shared>> -> memref<1000000xf32, #tpu.memory_space<vmem_shared>>
      tpu.enqueue_indirect_dma source(%dma_start3A_1274 : memref<1000000xf32, #tpu.memory_space<vmem_shared>>) target(%dma_start3A_1270 : memref<128xf32, #tpu.memory_space<vmem>>) offsets(%dma_start3A_1272 : memref<128xi32, #tpu.memory_space<vmem>>) semaphore(%arg11 : memref<!tpu.dma_semaphore, #tpu.memory_space<semaphore_mem>>)
      %dma_start3A_1275 = arith.constant 27 : i32
      %dma_start3A_1276 = arith.constant 0 : i32
      %dma_start3A_1277 = tpu.memref_slice %arg7[%dma_start3A_1275, %dma_start3A_1276] : memref<50x128xf32, #tpu.memory_space<vmem>> -> memref<1x128xf32, #tpu.memory_space<vmem>>
      %dma_start3A_1278 = tpu.memref_squeeze %dma_start3A_1277 : memref<1x128xf32, #tpu.memory_space<vmem>> -> memref<128xf32, #tpu.memory_space<vmem>>
      %dma_start3A_1279 = arith.constant 27648 : i32
      %dma_start3A_1280 = tpu.memref_slice %arg6[%dma_start3A_1279] : memref<51200xi32, #tpu.memory_space<vmem>> -> memref<128xi32, #tpu.memory_space<vmem>>
      %dma_start3A_1281 = arith.constant 0 : i32
      %dma_start3A_1282 = tpu.memref_slice %arg10[%dma_start3A_1281] : memref<1000000xf32, #tpu.memory_space<vmem_shared>> -> memref<1000000xf32, #tpu.memory_space<vmem_shared>>
      tpu.enqueue_indirect_dma source(%dma_start3A_1282 : memref<1000000xf32, #tpu.memory_space<vmem_shared>>) target(%dma_start3A_1278 : memref<128xf32, #tpu.memory_space<vmem>>) offsets(%dma_start3A_1280 : memref<128xi32, #tpu.memory_space<vmem>>) semaphore(%arg11 : memref<!tpu.dma_semaphore, #tpu.memory_space<semaphore_mem>>)
      %dma_start3A_1283 = arith.constant 28 : i32
      %dma_start3A_1284 = arith.constant 0 : i32
      %dma_start3A_1285 = tpu.memref_slice %arg7[%dma_start3A_1283, %dma_start3A_1284] : memref<50x128xf32, #tpu.memory_space<vmem>> -> memref<1x128xf32, #tpu.memory_space<vmem>>
      %dma_start3A_1286 = tpu.memref_squeeze %dma_start3A_1285 : memref<1x128xf32, #tpu.memory_space<vmem>> -> memref<128xf32, #tpu.memory_space<vmem>>
      %dma_start3A_1287 = arith.constant 28672 : i32
      %dma_start3A_1288 = tpu.memref_slice %arg6[%dma_start3A_1287] : memref<51200xi32, #tpu.memory_space<vmem>> -> memref<128xi32, #tpu.memory_space<vmem>>
      %dma_start3A_1289 = arith.constant 0 : i32
      %dma_start3A_1290 = tpu.memref_slice %arg10[%dma_start3A_1289] : memref<1000000xf32, #tpu.memory_space<vmem_shared>> -> memref<1000000xf32, #tpu.memory_space<vmem_shared>>
      tpu.enqueue_indirect_dma source(%dma_start3A_1290 : memref<1000000xf32, #tpu.memory_space<vmem_shared>>) target(%dma_start3A_1286 : memref<128xf32, #tpu.memory_space<vmem>>) offsets(%dma_start3A_1288 : memref<128xi32, #tpu.memory_space<vmem>>) semaphore(%arg11 : memref<!tpu.dma_semaphore, #tpu.memory_space<semaphore_mem>>)
      %dma_start3A_1291 = arith.constant 29 : i32
      %dma_start3A_1292 = arith.constant 0 : i32
      %dma_start3A_1293 = tpu.memref_slice %arg7[%dma_start3A_1291, %dma_start3A_1292] : memref<50x128xf32, #tpu.memory_space<vmem>> -> memref<1x128xf32, #tpu.memory_space<vmem>>
      %dma_start3A_1294 = tpu.memref_squeeze %dma_start3A_1293 : memref<1x128xf32, #tpu.memory_space<vmem>> -> memref<128xf32, #tpu.memory_space<vmem>>
      %dma_start3A_1295 = arith.constant 29696 : i32
      %dma_start3A_1296 = tpu.memref_slice %arg6[%dma_start3A_1295] : memref<51200xi32, #tpu.memory_space<vmem>> -> memref<128xi32, #tpu.memory_space<vmem>>
      %dma_start3A_1297 = arith.constant 0 : i32
      %dma_start3A_1298 = tpu.memref_slice %arg10[%dma_start3A_1297] : memref<1000000xf32, #tpu.memory_space<vmem_shared>> -> memref<1000000xf32, #tpu.memory_space<vmem_shared>>
      tpu.enqueue_indirect_dma source(%dma_start3A_1298 : memref<1000000xf32, #tpu.memory_space<vmem_shared>>) target(%dma_start3A_1294 : memref<128xf32, #tpu.memory_space<vmem>>) offsets(%dma_start3A_1296 : memref<128xi32, #tpu.memory_space<vmem>>) semaphore(%arg11 : memref<!tpu.dma_semaphore, #tpu.memory_space<semaphore_mem>>)
      %dma_start3A_1299 = arith.constant 30 : i32
      %dma_start3A_1300 = arith.constant 0 : i32
      %dma_start3A_1301 = tpu.memref_slice %arg7[%dma_start3A_1299, %dma_start3A_1300] : memref<50x128xf32, #tpu.memory_space<vmem>> -> memref<1x128xf32, #tpu.memory_space<vmem>>
      %dma_start3A_1302 = tpu.memref_squeeze %dma_start3A_1301 : memref<1x128xf32, #tpu.memory_space<vmem>> -> memref<128xf32, #tpu.memory_space<vmem>>
      %dma_start3A_1303 = arith.constant 30720 : i32
      %dma_start3A_1304 = tpu.memref_slice %arg6[%dma_start3A_1303] : memref<51200xi32, #tpu.memory_space<vmem>> -> memref<128xi32, #tpu.memory_space<vmem>>
      %dma_start3A_1305 = arith.constant 0 : i32
      %dma_start3A_1306 = tpu.memref_slice %arg10[%dma_start3A_1305] : memref<1000000xf32, #tpu.memory_space<vmem_shared>> -> memref<1000000xf32, #tpu.memory_space<vmem_shared>>
      tpu.enqueue_indirect_dma source(%dma_start3A_1306 : memref<1000000xf32, #tpu.memory_space<vmem_shared>>) target(%dma_start3A_1302 : memref<128xf32, #tpu.memory_space<vmem>>) offsets(%dma_start3A_1304 : memref<128xi32, #tpu.memory_space<vmem>>) semaphore(%arg11 : memref<!tpu.dma_semaphore, #tpu.memory_space<semaphore_mem>>)
      %dma_start3A_1307 = arith.constant 31 : i32
      %dma_start3A_1308 = arith.constant 0 : i32
      %dma_start3A_1309 = tpu.memref_slice %arg7[%dma_start3A_1307, %dma_start3A_1308] : memref<50x128xf32, #tpu.memory_space<vmem>> -> memref<1x128xf32, #tpu.memory_space<vmem>>
      %dma_start3A_1310 = tpu.memref_squeeze %dma_start3A_1309 : memref<1x128xf32, #tpu.memory_space<vmem>> -> memref<128xf32, #tpu.memory_space<vmem>>
      %dma_start3A_1311 = arith.constant 31744 : i32
      %dma_start3A_1312 = tpu.memref_slice %arg6[%dma_start3A_1311] : memref<51200xi32, #tpu.memory_space<vmem>> -> memref<128xi32, #tpu.memory_space<vmem>>
      %dma_start3A_1313 = arith.constant 0 : i32
      %dma_start3A_1314 = tpu.memref_slice %arg10[%dma_start3A_1313] : memref<1000000xf32, #tpu.memory_space<vmem_shared>> -> memref<1000000xf32, #tpu.memory_space<vmem_shared>>
      tpu.enqueue_indirect_dma source(%dma_start3A_1314 : memref<1000000xf32, #tpu.memory_space<vmem_shared>>) target(%dma_start3A_1310 : memref<128xf32, #tpu.memory_space<vmem>>) offsets(%dma_start3A_1312 : memref<128xi32, #tpu.memory_space<vmem>>) semaphore(%arg11 : memref<!tpu.dma_semaphore, #tpu.memory_space<semaphore_mem>>)
      %dma_start3A_1315 = arith.constant 32 : i32
      %dma_start3A_1316 = arith.constant 0 : i32
      %dma_start3A_1317 = tpu.memref_slice %arg7[%dma_start3A_1315, %dma_start3A_1316] : memref<50x128xf32, #tpu.memory_space<vmem>> -> memref<1x128xf32, #tpu.memory_space<vmem>>
      %dma_start3A_1318 = tpu.memref_squeeze %dma_start3A_1317 : memref<1x128xf32, #tpu.memory_space<vmem>> -> memref<128xf32, #tpu.memory_space<vmem>>
      %dma_start3A_1319 = arith.constant 32768 : i32
      %dma_start3A_1320 = tpu.memref_slice %arg6[%dma_start3A_1319] : memref<51200xi32, #tpu.memory_space<vmem>> -> memref<128xi32, #tpu.memory_space<vmem>>
      %dma_start3A_1321 = arith.constant 0 : i32
      %dma_start3A_1322 = tpu.memref_slice %arg10[%dma_start3A_1321] : memref<1000000xf32, #tpu.memory_space<vmem_shared>> -> memref<1000000xf32, #tpu.memory_space<vmem_shared>>
      tpu.enqueue_indirect_dma source(%dma_start3A_1322 : memref<1000000xf32, #tpu.memory_space<vmem_shared>>) target(%dma_start3A_1318 : memref<128xf32, #tpu.memory_space<vmem>>) offsets(%dma_start3A_1320 : memref<128xi32, #tpu.memory_space<vmem>>) semaphore(%arg11 : memref<!tpu.dma_semaphore, #tpu.memory_space<semaphore_mem>>)
      %dma_start3A_1323 = arith.constant 33 : i32
      %dma_start3A_1324 = arith.constant 0 : i32
      %dma_start3A_1325 = tpu.memref_slice %arg7[%dma_start3A_1323, %dma_start3A_1324] : memref<50x128xf32, #tpu.memory_space<vmem>> -> memref<1x128xf32, #tpu.memory_space<vmem>>
      %dma_start3A_1326 = tpu.memref_squeeze %dma_start3A_1325 : memref<1x128xf32, #tpu.memory_space<vmem>> -> memref<128xf32, #tpu.memory_space<vmem>>
      %dma_start3A_1327 = arith.constant 33792 : i32
      %dma_start3A_1328 = tpu.memref_slice %arg6[%dma_start3A_1327] : memref<51200xi32, #tpu.memory_space<vmem>> -> memref<128xi32, #tpu.memory_space<vmem>>
      %dma_start3A_1329 = arith.constant 0 : i32
      %dma_start3A_1330 = tpu.memref_slice %arg10[%dma_start3A_1329] : memref<1000000xf32, #tpu.memory_space<vmem_shared>> -> memref<1000000xf32, #tpu.memory_space<vmem_shared>>
      tpu.enqueue_indirect_dma source(%dma_start3A_1330 : memref<1000000xf32, #tpu.memory_space<vmem_shared>>) target(%dma_start3A_1326 : memref<128xf32, #tpu.memory_space<vmem>>) offsets(%dma_start3A_1328 : memref<128xi32, #tpu.memory_space<vmem>>) semaphore(%arg11 : memref<!tpu.dma_semaphore, #tpu.memory_space<semaphore_mem>>)
      %dma_start3A_1331 = arith.constant 34 : i32
      %dma_start3A_1332 = arith.constant 0 : i32
      %dma_start3A_1333 = tpu.memref_slice %arg7[%dma_start3A_1331, %dma_start3A_1332] : memref<50x128xf32, #tpu.memory_space<vmem>> -> memref<1x128xf32, #tpu.memory_space<vmem>>
      %dma_start3A_1334 = tpu.memref_squeeze %dma_start3A_1333 : memref<1x128xf32, #tpu.memory_space<vmem>> -> memref<128xf32, #tpu.memory_space<vmem>>
      %dma_start3A_1335 = arith.constant 34816 : i32
      %dma_start3A_1336 = tpu.memref_slice %arg6[%dma_start3A_1335] : memref<51200xi32, #tpu.memory_space<vmem>> -> memref<128xi32, #tpu.memory_space<vmem>>
      %dma_start3A_1337 = arith.constant 0 : i32
      %dma_start3A_1338 = tpu.memref_slice %arg10[%dma_start3A_1337] : memref<1000000xf32, #tpu.memory_space<vmem_shared>> -> memref<1000000xf32, #tpu.memory_space<vmem_shared>>
      tpu.enqueue_indirect_dma source(%dma_start3A_1338 : memref<1000000xf32, #tpu.memory_space<vmem_shared>>) target(%dma_start3A_1334 : memref<128xf32, #tpu.memory_space<vmem>>) offsets(%dma_start3A_1336 : memref<128xi32, #tpu.memory_space<vmem>>) semaphore(%arg11 : memref<!tpu.dma_semaphore, #tpu.memory_space<semaphore_mem>>)
      %dma_start3A_1339 = arith.constant 35 : i32
      %dma_start3A_1340 = arith.constant 0 : i32
      %dma_start3A_1341 = tpu.memref_slice %arg7[%dma_start3A_1339, %dma_start3A_1340] : memref<50x128xf32, #tpu.memory_space<vmem>> -> memref<1x128xf32, #tpu.memory_space<vmem>>
      %dma_start3A_1342 = tpu.memref_squeeze %dma_start3A_1341 : memref<1x128xf32, #tpu.memory_space<vmem>> -> memref<128xf32, #tpu.memory_space<vmem>>
      %dma_start3A_1343 = arith.constant 35840 : i32
      %dma_start3A_1344 = tpu.memref_slice %arg6[%dma_start3A_1343] : memref<51200xi32, #tpu.memory_space<vmem>> -> memref<128xi32, #tpu.memory_space<vmem>>
      %dma_start3A_1345 = arith.constant 0 : i32
      %dma_start3A_1346 = tpu.memref_slice %arg10[%dma_start3A_1345] : memref<1000000xf32, #tpu.memory_space<vmem_shared>> -> memref<1000000xf32, #tpu.memory_space<vmem_shared>>
      tpu.enqueue_indirect_dma source(%dma_start3A_1346 : memref<1000000xf32, #tpu.memory_space<vmem_shared>>) target(%dma_start3A_1342 : memref<128xf32, #tpu.memory_space<vmem>>) offsets(%dma_start3A_1344 : memref<128xi32, #tpu.memory_space<vmem>>) semaphore(%arg11 : memref<!tpu.dma_semaphore, #tpu.memory_space<semaphore_mem>>)
      %dma_start3A_1347 = arith.constant 36 : i32
      %dma_start3A_1348 = arith.constant 0 : i32
      %dma_start3A_1349 = tpu.memref_slice %arg7[%dma_start3A_1347, %dma_start3A_1348] : memref<50x128xf32, #tpu.memory_space<vmem>> -> memref<1x128xf32, #tpu.memory_space<vmem>>
      %dma_start3A_1350 = tpu.memref_squeeze %dma_start3A_1349 : memref<1x128xf32, #tpu.memory_space<vmem>> -> memref<128xf32, #tpu.memory_space<vmem>>
      %dma_start3A_1351 = arith.constant 36864 : i32
      %dma_start3A_1352 = tpu.memref_slice %arg6[%dma_start3A_1351] : memref<51200xi32, #tpu.memory_space<vmem>> -> memref<128xi32, #tpu.memory_space<vmem>>
      %dma_start3A_1353 = arith.constant 0 : i32
      %dma_start3A_1354 = tpu.memref_slice %arg10[%dma_start3A_1353] : memref<1000000xf32, #tpu.memory_space<vmem_shared>> -> memref<1000000xf32, #tpu.memory_space<vmem_shared>>
      tpu.enqueue_indirect_dma source(%dma_start3A_1354 : memref<1000000xf32, #tpu.memory_space<vmem_shared>>) target(%dma_start3A_1350 : memref<128xf32, #tpu.memory_space<vmem>>) offsets(%dma_start3A_1352 : memref<128xi32, #tpu.memory_space<vmem>>) semaphore(%arg11 : memref<!tpu.dma_semaphore, #tpu.memory_space<semaphore_mem>>)
      %dma_start3A_1355 = arith.constant 37 : i32
      %dma_start3A_1356 = arith.constant 0 : i32
      %dma_start3A_1357 = tpu.memref_slice %arg7[%dma_start3A_1355, %dma_start3A_1356] : memref<50x128xf32, #tpu.memory_space<vmem>> -> memref<1x128xf32, #tpu.memory_space<vmem>>
      %dma_start3A_1358 = tpu.memref_squeeze %dma_start3A_1357 : memref<1x128xf32, #tpu.memory_space<vmem>> -> memref<128xf32, #tpu.memory_space<vmem>>
      %dma_start3A_1359 = arith.constant 37888 : i32
      %dma_start3A_1360 = tpu.memref_slice %arg6[%dma_start3A_1359] : memref<51200xi32, #tpu.memory_space<vmem>> -> memref<128xi32, #tpu.memory_space<vmem>>
      %dma_start3A_1361 = arith.constant 0 : i32
      %dma_start3A_1362 = tpu.memref_slice %arg10[%dma_start3A_1361] : memref<1000000xf32, #tpu.memory_space<vmem_shared>> -> memref<1000000xf32, #tpu.memory_space<vmem_shared>>
      tpu.enqueue_indirect_dma source(%dma_start3A_1362 : memref<1000000xf32, #tpu.memory_space<vmem_shared>>) target(%dma_start3A_1358 : memref<128xf32, #tpu.memory_space<vmem>>) offsets(%dma_start3A_1360 : memref<128xi32, #tpu.memory_space<vmem>>) semaphore(%arg11 : memref<!tpu.dma_semaphore, #tpu.memory_space<semaphore_mem>>)
      %dma_start3A_1363 = arith.constant 38 : i32
      %dma_start3A_1364 = arith.constant 0 : i32
      %dma_start3A_1365 = tpu.memref_slice %arg7[%dma_start3A_1363, %dma_start3A_1364] : memref<50x128xf32, #tpu.memory_space<vmem>> -> memref<1x128xf32, #tpu.memory_space<vmem>>
      %dma_start3A_1366 = tpu.memref_squeeze %dma_start3A_1365 : memref<1x128xf32, #tpu.memory_space<vmem>> -> memref<128xf32, #tpu.memory_space<vmem>>
      %dma_start3A_1367 = arith.constant 38912 : i32
      %dma_start3A_1368 = tpu.memref_slice %arg6[%dma_start3A_1367] : memref<51200xi32, #tpu.memory_space<vmem>> -> memref<128xi32, #tpu.memory_space<vmem>>
      %dma_start3A_1369 = arith.constant 0 : i32
      %dma_start3A_1370 = tpu.memref_slice %arg10[%dma_start3A_1369] : memref<1000000xf32, #tpu.memory_space<vmem_shared>> -> memref<1000000xf32, #tpu.memory_space<vmem_shared>>
      tpu.enqueue_indirect_dma source(%dma_start3A_1370 : memref<1000000xf32, #tpu.memory_space<vmem_shared>>) target(%dma_start3A_1366 : memref<128xf32, #tpu.memory_space<vmem>>) offsets(%dma_start3A_1368 : memref<128xi32, #tpu.memory_space<vmem>>) semaphore(%arg11 : memref<!tpu.dma_semaphore, #tpu.memory_space<semaphore_mem>>)
      %dma_start3A_1371 = arith.constant 39 : i32
      %dma_start3A_1372 = arith.constant 0 : i32
      %dma_start3A_1373 = tpu.memref_slice %arg7[%dma_start3A_1371, %dma_start3A_1372] : memref<50x128xf32, #tpu.memory_space<vmem>> -> memref<1x128xf32, #tpu.memory_space<vmem>>
      %dma_start3A_1374 = tpu.memref_squeeze %dma_start3A_1373 : memref<1x128xf32, #tpu.memory_space<vmem>> -> memref<128xf32, #tpu.memory_space<vmem>>
      %dma_start3A_1375 = arith.constant 39936 : i32
      %dma_start3A_1376 = tpu.memref_slice %arg6[%dma_start3A_1375] : memref<51200xi32, #tpu.memory_space<vmem>> -> memref<128xi32, #tpu.memory_space<vmem>>
      %dma_start3A_1377 = arith.constant 0 : i32
      %dma_start3A_1378 = tpu.memref_slice %arg10[%dma_start3A_1377] : memref<1000000xf32, #tpu.memory_space<vmem_shared>> -> memref<1000000xf32, #tpu.memory_space<vmem_shared>>
      tpu.enqueue_indirect_dma source(%dma_start3A_1378 : memref<1000000xf32, #tpu.memory_space<vmem_shared>>) target(%dma_start3A_1374 : memref<128xf32, #tpu.memory_space<vmem>>) offsets(%dma_start3A_1376 : memref<128xi32, #tpu.memory_space<vmem>>) semaphore(%arg11 : memref<!tpu.dma_semaphore, #tpu.memory_space<semaphore_mem>>)
      %dma_start3A_1379 = arith.constant 40 : i32
      %dma_start3A_1380 = arith.constant 0 : i32
      %dma_start3A_1381 = tpu.memref_slice %arg7[%dma_start3A_1379, %dma_start3A_1380] : memref<50x128xf32, #tpu.memory_space<vmem>> -> memref<1x128xf32, #tpu.memory_space<vmem>>
      %dma_start3A_1382 = tpu.memref_squeeze %dma_start3A_1381 : memref<1x128xf32, #tpu.memory_space<vmem>> -> memref<128xf32, #tpu.memory_space<vmem>>
      %dma_start3A_1383 = arith.constant 40960 : i32
      %dma_start3A_1384 = tpu.memref_slice %arg6[%dma_start3A_1383] : memref<51200xi32, #tpu.memory_space<vmem>> -> memref<128xi32, #tpu.memory_space<vmem>>
      %dma_start3A_1385 = arith.constant 0 : i32
      %dma_start3A_1386 = tpu.memref_slice %arg10[%dma_start3A_1385] : memref<1000000xf32, #tpu.memory_space<vmem_shared>> -> memref<1000000xf32, #tpu.memory_space<vmem_shared>>
      tpu.enqueue_indirect_dma source(%dma_start3A_1386 : memref<1000000xf32, #tpu.memory_space<vmem_shared>>) target(%dma_start3A_1382 : memref<128xf32, #tpu.memory_space<vmem>>) offsets(%dma_start3A_1384 : memref<128xi32, #tpu.memory_space<vmem>>) semaphore(%arg11 : memref<!tpu.dma_semaphore, #tpu.memory_space<semaphore_mem>>)
      %dma_start3A_1387 = arith.constant 41 : i32
      %dma_start3A_1388 = arith.constant 0 : i32
      %dma_start3A_1389 = tpu.memref_slice %arg7[%dma_start3A_1387, %dma_start3A_1388] : memref<50x128xf32, #tpu.memory_space<vmem>> -> memref<1x128xf32, #tpu.memory_space<vmem>>
      %dma_start3A_1390 = tpu.memref_squeeze %dma_start3A_1389 : memref<1x128xf32, #tpu.memory_space<vmem>> -> memref<128xf32, #tpu.memory_space<vmem>>
      %dma_start3A_1391 = arith.constant 41984 : i32
      %dma_start3A_1392 = tpu.memref_slice %arg6[%dma_start3A_1391] : memref<51200xi32, #tpu.memory_space<vmem>> -> memref<128xi32, #tpu.memory_space<vmem>>
      %dma_start3A_1393 = arith.constant 0 : i32
      %dma_start3A_1394 = tpu.memref_slice %arg10[%dma_start3A_1393] : memref<1000000xf32, #tpu.memory_space<vmem_shared>> -> memref<1000000xf32, #tpu.memory_space<vmem_shared>>
      tpu.enqueue_indirect_dma source(%dma_start3A_1394 : memref<1000000xf32, #tpu.memory_space<vmem_shared>>) target(%dma_start3A_1390 : memref<128xf32, #tpu.memory_space<vmem>>) offsets(%dma_start3A_1392 : memref<128xi32, #tpu.memory_space<vmem>>) semaphore(%arg11 : memref<!tpu.dma_semaphore, #tpu.memory_space<semaphore_mem>>)
      %dma_start3A_1395 = arith.constant 42 : i32
      %dma_start3A_1396 = arith.constant 0 : i32
      %dma_start3A_1397 = tpu.memref_slice %arg7[%dma_start3A_1395, %dma_start3A_1396] : memref<50x128xf32, #tpu.memory_space<vmem>> -> memref<1x128xf32, #tpu.memory_space<vmem>>
      %dma_start3A_1398 = tpu.memref_squeeze %dma_start3A_1397 : memref<1x128xf32, #tpu.memory_space<vmem>> -> memref<128xf32, #tpu.memory_space<vmem>>
      %dma_start3A_1399 = arith.constant 43008 : i32
      %dma_start3A_1400 = tpu.memref_slice %arg6[%dma_start3A_1399] : memref<51200xi32, #tpu.memory_space<vmem>> -> memref<128xi32, #tpu.memory_space<vmem>>
      %dma_start3A_1401 = arith.constant 0 : i32
      %dma_start3A_1402 = tpu.memref_slice %arg10[%dma_start3A_1401] : memref<1000000xf32, #tpu.memory_space<vmem_shared>> -> memref<1000000xf32, #tpu.memory_space<vmem_shared>>
      tpu.enqueue_indirect_dma source(%dma_start3A_1402 : memref<1000000xf32, #tpu.memory_space<vmem_shared>>) target(%dma_start3A_1398 : memref<128xf32, #tpu.memory_space<vmem>>) offsets(%dma_start3A_1400 : memref<128xi32, #tpu.memory_space<vmem>>) semaphore(%arg11 : memref<!tpu.dma_semaphore, #tpu.memory_space<semaphore_mem>>)
      %dma_start3A_1403 = arith.constant 43 : i32
      %dma_start3A_1404 = arith.constant 0 : i32
      %dma_start3A_1405 = tpu.memref_slice %arg7[%dma_start3A_1403, %dma_start3A_1404] : memref<50x128xf32, #tpu.memory_space<vmem>> -> memref<1x128xf32, #tpu.memory_space<vmem>>
      %dma_start3A_1406 = tpu.memref_squeeze %dma_start3A_1405 : memref<1x128xf32, #tpu.memory_space<vmem>> -> memref<128xf32, #tpu.memory_space<vmem>>
      %dma_start3A_1407 = arith.constant 44032 : i32
      %dma_start3A_1408 = tpu.memref_slice %arg6[%dma_start3A_1407] : memref<51200xi32, #tpu.memory_space<vmem>> -> memref<128xi32, #tpu.memory_space<vmem>>
      %dma_start3A_1409 = arith.constant 0 : i32
      %dma_start3A_1410 = tpu.memref_slice %arg10[%dma_start3A_1409] : memref<1000000xf32, #tpu.memory_space<vmem_shared>> -> memref<1000000xf32, #tpu.memory_space<vmem_shared>>
      tpu.enqueue_indirect_dma source(%dma_start3A_1410 : memref<1000000xf32, #tpu.memory_space<vmem_shared>>) target(%dma_start3A_1406 : memref<128xf32, #tpu.memory_space<vmem>>) offsets(%dma_start3A_1408 : memref<128xi32, #tpu.memory_space<vmem>>) semaphore(%arg11 : memref<!tpu.dma_semaphore, #tpu.memory_space<semaphore_mem>>)
      %dma_start3A_1411 = arith.constant 44 : i32
      %dma_start3A_1412 = arith.constant 0 : i32
      %dma_start3A_1413 = tpu.memref_slice %arg7[%dma_start3A_1411, %dma_start3A_1412] : memref<50x128xf32, #tpu.memory_space<vmem>> -> memref<1x128xf32, #tpu.memory_space<vmem>>
      %dma_start3A_1414 = tpu.memref_squeeze %dma_start3A_1413 : memref<1x128xf32, #tpu.memory_space<vmem>> -> memref<128xf32, #tpu.memory_space<vmem>>
      %dma_start3A_1415 = arith.constant 45056 : i32
      %dma_start3A_1416 = tpu.memref_slice %arg6[%dma_start3A_1415] : memref<51200xi32, #tpu.memory_space<vmem>> -> memref<128xi32, #tpu.memory_space<vmem>>
      %dma_start3A_1417 = arith.constant 0 : i32
      %dma_start3A_1418 = tpu.memref_slice %arg10[%dma_start3A_1417] : memref<1000000xf32, #tpu.memory_space<vmem_shared>> -> memref<1000000xf32, #tpu.memory_space<vmem_shared>>
      tpu.enqueue_indirect_dma source(%dma_start3A_1418 : memref<1000000xf32, #tpu.memory_space<vmem_shared>>) target(%dma_start3A_1414 : memref<128xf32, #tpu.memory_space<vmem>>) offsets(%dma_start3A_1416 : memref<128xi32, #tpu.memory_space<vmem>>) semaphore(%arg11 : memref<!tpu.dma_semaphore, #tpu.memory_space<semaphore_mem>>)
      %dma_start3A_1419 = arith.constant 45 : i32
      %dma_start3A_1420 = arith.constant 0 : i32
      %dma_start3A_1421 = tpu.memref_slice %arg7[%dma_start3A_1419, %dma_start3A_1420] : memref<50x128xf32, #tpu.memory_space<vmem>> -> memref<1x128xf32, #tpu.memory_space<vmem>>
      %dma_start3A_1422 = tpu.memref_squeeze %dma_start3A_1421 : memref<1x128xf32, #tpu.memory_space<vmem>> -> memref<128xf32, #tpu.memory_space<vmem>>
      %dma_start3A_1423 = arith.constant 46080 : i32
      %dma_start3A_1424 = tpu.memref_slice %arg6[%dma_start3A_1423] : memref<51200xi32, #tpu.memory_space<vmem>> -> memref<128xi32, #tpu.memory_space<vmem>>
      %dma_start3A_1425 = arith.constant 0 : i32
      %dma_start3A_1426 = tpu.memref_slice %arg10[%dma_start3A_1425] : memref<1000000xf32, #tpu.memory_space<vmem_shared>> -> memref<1000000xf32, #tpu.memory_space<vmem_shared>>
      tpu.enqueue_indirect_dma source(%dma_start3A_1426 : memref<1000000xf32, #tpu.memory_space<vmem_shared>>) target(%dma_start3A_1422 : memref<128xf32, #tpu.memory_space<vmem>>) offsets(%dma_start3A_1424 : memref<128xi32, #tpu.memory_space<vmem>>) semaphore(%arg11 : memref<!tpu.dma_semaphore, #tpu.memory_space<semaphore_mem>>)
      %dma_start3A_1427 = arith.constant 46 : i32
      %dma_start3A_1428 = arith.constant 0 : i32
      %dma_start3A_1429 = tpu.memref_slice %arg7[%dma_start3A_1427, %dma_start3A_1428] : memref<50x128xf32, #tpu.memory_space<vmem>> -> memref<1x128xf32, #tpu.memory_space<vmem>>
      %dma_start3A_1430 = tpu.memref_squeeze %dma_start3A_1429 : memref<1x128xf32, #tpu.memory_space<vmem>> -> memref<128xf32, #tpu.memory_space<vmem>>
      %dma_start3A_1431 = arith.constant 47104 : i32
      %dma_start3A_1432 = tpu.memref_slice %arg6[%dma_start3A_1431] : memref<51200xi32, #tpu.memory_space<vmem>> -> memref<128xi32, #tpu.memory_space<vmem>>
      %dma_start3A_1433 = arith.constant 0 : i32
      %dma_start3A_1434 = tpu.memref_slice %arg10[%dma_start3A_1433] : memref<1000000xf32, #tpu.memory_space<vmem_shared>> -> memref<1000000xf32, #tpu.memory_space<vmem_shared>>
      tpu.enqueue_indirect_dma source(%dma_start3A_1434 : memref<1000000xf32, #tpu.memory_space<vmem_shared>>) target(%dma_start3A_1430 : memref<128xf32, #tpu.memory_space<vmem>>) offsets(%dma_start3A_1432 : memref<128xi32, #tpu.memory_space<vmem>>) semaphore(%arg11 : memref<!tpu.dma_semaphore, #tpu.memory_space<semaphore_mem>>)
      %dma_start3A_1435 = arith.constant 47 : i32
      %dma_start3A_1436 = arith.constant 0 : i32
      %dma_start3A_1437 = tpu.memref_slice %arg7[%dma_start3A_1435, %dma_start3A_1436] : memref<50x128xf32, #tpu.memory_space<vmem>> -> memref<1x128xf32, #tpu.memory_space<vmem>>
      %dma_start3A_1438 = tpu.memref_squeeze %dma_start3A_1437 : memref<1x128xf32, #tpu.memory_space<vmem>> -> memref<128xf32, #tpu.memory_space<vmem>>
      %dma_start3A_1439 = arith.constant 48128 : i32
      %dma_start3A_1440 = tpu.memref_slice %arg6[%dma_start3A_1439] : memref<51200xi32, #tpu.memory_space<vmem>> -> memref<128xi32, #tpu.memory_space<vmem>>
      %dma_start3A_1441 = arith.constant 0 : i32
      %dma_start3A_1442 = tpu.memref_slice %arg10[%dma_start3A_1441] : memref<1000000xf32, #tpu.memory_space<vmem_shared>> -> memref<1000000xf32, #tpu.memory_space<vmem_shared>>
      tpu.enqueue_indirect_dma source(%dma_start3A_1442 : memref<1000000xf32, #tpu.memory_space<vmem_shared>>) target(%dma_start3A_1438 : memref<128xf32, #tpu.memory_space<vmem>>) offsets(%dma_start3A_1440 : memref<128xi32, #tpu.memory_space<vmem>>) semaphore(%arg11 : memref<!tpu.dma_semaphore, #tpu.memory_space<semaphore_mem>>)
      %dma_start3A_1443 = arith.constant 48 : i32
      %dma_start3A_1444 = arith.constant 0 : i32
      %dma_start3A_1445 = tpu.memref_slice %arg7[%dma_start3A_1443, %dma_start3A_1444] : memref<50x128xf32, #tpu.memory_space<vmem>> -> memref<1x128xf32, #tpu.memory_space<vmem>>
      %dma_start3A_1446 = tpu.memref_squeeze %dma_start3A_1445 : memref<1x128xf32, #tpu.memory_space<vmem>> -> memref<128xf32, #tpu.memory_space<vmem>>
      %dma_start3A_1447 = arith.constant 49152 : i32
      %dma_start3A_1448 = tpu.memref_slice %arg6[%dma_start3A_1447] : memref<51200xi32, #tpu.memory_space<vmem>> -> memref<128xi32, #tpu.memory_space<vmem>>
      %dma_start3A_1449 = arith.constant 0 : i32
      %dma_start3A_1450 = tpu.memref_slice %arg10[%dma_start3A_1449] : memref<1000000xf32, #tpu.memory_space<vmem_shared>> -> memref<1000000xf32, #tpu.memory_space<vmem_shared>>
      tpu.enqueue_indirect_dma source(%dma_start3A_1450 : memref<1000000xf32, #tpu.memory_space<vmem_shared>>) target(%dma_start3A_1446 : memref<128xf32, #tpu.memory_space<vmem>>) offsets(%dma_start3A_1448 : memref<128xi32, #tpu.memory_space<vmem>>) semaphore(%arg11 : memref<!tpu.dma_semaphore, #tpu.memory_space<semaphore_mem>>)
      %dma_start3A_1451 = arith.constant 49 : i32
      %dma_start3A_1452 = arith.constant 0 : i32
      %dma_start3A_1453 = tpu.memref_slice %arg7[%dma_start3A_1451, %dma_start3A_1452] : memref<50x128xf32, #tpu.memory_space<vmem>> -> memref<1x128xf32, #tpu.memory_space<vmem>>
      %dma_start3A_1454 = tpu.memref_squeeze %dma_start3A_1453 : memref<1x128xf32, #tpu.memory_space<vmem>> -> memref<128xf32, #tpu.memory_space<vmem>>
      %dma_start3A_1455 = arith.constant 50176 : i32
      %dma_start3A_1456 = tpu.memref_slice %arg6[%dma_start3A_1455] : memref<51200xi32, #tpu.memory_space<vmem>> -> memref<128xi32, #tpu.memory_space<vmem>>
      %dma_start3A_1457 = arith.constant 0 : i32
      %dma_start3A_1458 = tpu.memref_slice %arg10[%dma_start3A_1457] : memref<1000000xf32, #tpu.memory_space<vmem_shared>> -> memref<1000000xf32, #tpu.memory_space<vmem_shared>>
      tpu.enqueue_indirect_dma source(%dma_start3A_1458 : memref<1000000xf32, #tpu.memory_space<vmem_shared>>) target(%dma_start3A_1454 : memref<128xf32, #tpu.memory_space<vmem>>) offsets(%dma_start3A_1456 : memref<128xi32, #tpu.memory_space<vmem>>) semaphore(%arg11 : memref<!tpu.dma_semaphore, #tpu.memory_space<semaphore_mem>>)
      %scan3A_1459 = arith.constant 0 : i32
      %scan3A_1460 = arith.constant 0 : i32
      %scan3A_1461 = arith.constant 4 : i32
      %scan3A_1462 = arith.addi %scan3A_1460, %scan3A_1461 : i32
      %scan3A_1463 = arith.constant 1 : i32
      %scan3A_1464 = scf.for %scan3A_1495 = %scan3A_1460 to %scan3A_1462 step %scan3A_1463 iter_args(%scan3A_1496 = %scan3A_1459) -> (i32)  : i32 {
        %gt3A = arith.constant 0 : i32
        %gt3A_1497 = arith.cmpi sgt, %scan3A_1495, %gt3A : i32
        %convert_element_type3A_1498 = arith.extui %gt3A_1497 : i1 to i32
        %cond3A_1499 = arith.constant 0 : i32
        %cond3A_1500 = arith.cmpi ne, %convert_element_type3A_1498, %cond3A_1499 : i32
        scf.if %cond3A_1500 {
          %dma_wait3A_2111 = arith.constant 0 : i32
          %dma_wait3A_2112 = arith.constant 0 : i32
          %dma_wait3A_2113 = arith.constant 0 : i32
          %dma_wait3A_2114 = arith.constant 0 : i32
          %dma_wait3A_2115 = arith.constant 0 : i32
          %dma_wait3A_2116 = tpu.memref_slice %arg5[%dma_wait3A_2114, %dma_wait3A_2111, %dma_wait3A_2112, %dma_wait3A_2113, %dma_wait3A_2115] : memref<50x8x128x8x128xf32, #tpu.memory_space<hbm>> -> memref<50x1x1x1x128xf32, #tpu.memory_space<hbm>>
          %dma_wait3A_2117 = tpu.memref_squeeze %dma_wait3A_2116 : memref<50x1x1x1x128xf32, #tpu.memory_space<hbm>> -> memref<50x128xf32, #tpu.memory_space<hbm>>
          %dma_wait3A_2118 = arith.constant 0 : i32
          %dma_wait3A_2119 = arith.constant 0 : i32
          %dma_wait3A_2120 = tpu.memref_slice %arg5[%dma_wait3A_2118, %dma_wait3A_2111, %dma_wait3A_2112, %dma_wait3A_2113, %dma_wait3A_2119] : memref<50x8x128x8x128xf32, #tpu.memory_space<hbm>> -> memref<50x1x1x1x128xf32, #tpu.memory_space<hbm>>
          %dma_wait3A_2121 = tpu.memref_squeeze %dma_wait3A_2120 : memref<50x1x1x1x128xf32, #tpu.memory_space<hbm>> -> memref<50x128xf32, #tpu.memory_space<hbm>>
          tpu.wait_dma2 semaphore(%arg14 : memref<!tpu.dma_semaphore, #tpu.memory_space<semaphore_mem>>) src(%arg8 : memref<50x128xf32, #tpu.memory_space<vmem>>) dst(%dma_wait3A_2121 : memref<50x128xf32, #tpu.memory_space<hbm>>)
        } else {
        }
        %mul3A_1501 = arith.constant 2 : i32
        %mul3A_1502 = arith.muli %mul3A_1501, %scan3A_1495 : i32
        %add3A_1503 = arith.constant 1 : i32
        %add3A_1504 = arith.addi %mul3A_1502, %add3A_1503 : i32
        %mul3A_1505 = arith.constant 128 : i32
        %mul3A_1506 = arith.muli %add3A_1504, %mul3A_1505 : i32
        %add3A_1507 = arith.constant 0 : i32
        %add3A_1508 = arith.addi %add3A_1507, %mul3A_1506 : i32
        %dma_start3A_1509 = arith.constant 0 : i32
        %dma_start3A_1510 = arith.constant 0 : i32
        %dma_start3A_1511 = tpu.memref_slice %arg8[%dma_start3A_1509, %dma_start3A_1510] : memref<50x128xf32, #tpu.memory_space<vmem>> -> memref<1x128xf32, #tpu.memory_space<vmem>>
        %dma_start3A_1512 = tpu.memref_squeeze %dma_start3A_1511 : memref<1x128xf32, #tpu.memory_space<vmem>> -> memref<128xf32, #tpu.memory_space<vmem>>
        %dma_start3A_1513 = tpu.memref_slice %arg6[%add3A_1508] : memref<51200xi32, #tpu.memory_space<vmem>> -> memref<128xi32, #tpu.memory_space<vmem>>
        %dma_start3A_1514 = arith.constant 0 : i32
        %dma_start3A_1515 = tpu.memref_slice %arg10[%dma_start3A_1514] : memref<1000000xf32, #tpu.memory_space<vmem_shared>> -> memref<1000000xf32, #tpu.memory_space<vmem_shared>>
        tpu.enqueue_indirect_dma source(%dma_start3A_1515 : memref<1000000xf32, #tpu.memory_space<vmem_shared>>) target(%dma_start3A_1512 : memref<128xf32, #tpu.memory_space<vmem>>) offsets(%dma_start3A_1513 : memref<128xi32, #tpu.memory_space<vmem>>) semaphore(%arg12 : memref<!tpu.dma_semaphore, #tpu.memory_space<semaphore_mem>>)
        %mul3A_1516 = arith.constant 128 : i32
        %mul3A_1517 = arith.muli %add3A_1504, %mul3A_1516 : i32
        %add3A_1518 = arith.constant 1024 : i32
        %add3A_1519 = arith.addi %add3A_1518, %mul3A_1517 : i32
        %dma_start3A_1520 = arith.constant 1 : i32
        %dma_start3A_1521 = arith.constant 0 : i32
        %dma_start3A_1522 = tpu.memref_slice %arg8[%dma_start3A_1520, %dma_start3A_1521] : memref<50x128xf32, #tpu.memory_space<vmem>> -> memref<1x128xf32, #tpu.memory_space<vmem>>
        %dma_start3A_1523 = tpu.memref_squeeze %dma_start3A_1522 : memref<1x128xf32, #tpu.memory_space<vmem>> -> memref<128xf32, #tpu.memory_space<vmem>>
        %dma_start3A_1524 = tpu.memref_slice %arg6[%add3A_1519] : memref<51200xi32, #tpu.memory_space<vmem>> -> memref<128xi32, #tpu.memory_space<vmem>>
        %dma_start3A_1525 = arith.constant 0 : i32
        %dma_start3A_1526 = tpu.memref_slice %arg10[%dma_start3A_1525] : memref<1000000xf32, #tpu.memory_space<vmem_shared>> -> memref<1000000xf32, #tpu.memory_space<vmem_shared>>
        tpu.enqueue_indirect_dma source(%dma_start3A_1526 : memref<1000000xf32, #tpu.memory_space<vmem_shared>>) target(%dma_start3A_1523 : memref<128xf32, #tpu.memory_space<vmem>>) offsets(%dma_start3A_1524 : memref<128xi32, #tpu.memory_space<vmem>>) semaphore(%arg12 : memref<!tpu.dma_semaphore, #tpu.memory_space<semaphore_mem>>)
        %mul3A_1527 = arith.constant 128 : i32
        %mul3A_1528 = arith.muli %add3A_1504, %mul3A_1527 : i32
        %add3A_1529 = arith.constant 2048 : i32
        %add3A_1530 = arith.addi %add3A_1529, %mul3A_1528 : i32
        %dma_start3A_1531 = arith.constant 2 : i32
        %dma_start3A_1532 = arith.constant 0 : i32
        %dma_start3A_1533 = tpu.memref_slice %arg8[%dma_start3A_1531, %dma_start3A_1532] : memref<50x128xf32, #tpu.memory_space<vmem>> -> memref<1x128xf32, #tpu.memory_space<vmem>>
        %dma_start3A_1534 = tpu.memref_squeeze %dma_start3A_1533 : memref<1x128xf32, #tpu.memory_space<vmem>> -> memref<128xf32, #tpu.memory_space<vmem>>
        %dma_start3A_1535 = tpu.memref_slice %arg6[%add3A_1530] : memref<51200xi32, #tpu.memory_space<vmem>> -> memref<128xi32, #tpu.memory_space<vmem>>
        %dma_start3A_1536 = arith.constant 0 : i32
        %dma_start3A_1537 = tpu.memref_slice %arg10[%dma_start3A_1536] : memref<1000000xf32, #tpu.memory_space<vmem_shared>> -> memref<1000000xf32, #tpu.memory_space<vmem_shared>>
        tpu.enqueue_indirect_dma source(%dma_start3A_1537 : memref<1000000xf32, #tpu.memory_space<vmem_shared>>) target(%dma_start3A_1534 : memref<128xf32, #tpu.memory_space<vmem>>) offsets(%dma_start3A_1535 : memref<128xi32, #tpu.memory_space<vmem>>) semaphore(%arg12 : memref<!tpu.dma_semaphore, #tpu.memory_space<semaphore_mem>>)
        %mul3A_1538 = arith.constant 128 : i32
        %mul3A_1539 = arith.muli %add3A_1504, %mul3A_1538 : i32
        %add3A_1540 = arith.constant 3072 : i32
        %add3A_1541 = arith.addi %add3A_1540, %mul3A_1539 : i32
        %dma_start3A_1542 = arith.constant 3 : i32
        %dma_start3A_1543 = arith.constant 0 : i32
        %dma_start3A_1544 = tpu.memref_slice %arg8[%dma_start3A_1542, %dma_start3A_1543] : memref<50x128xf32, #tpu.memory_space<vmem>> -> memref<1x128xf32, #tpu.memory_space<vmem>>
        %dma_start3A_1545 = tpu.memref_squeeze %dma_start3A_1544 : memref<1x128xf32, #tpu.memory_space<vmem>> -> memref<128xf32, #tpu.memory_space<vmem>>
        %dma_start3A_1546 = tpu.memref_slice %arg6[%add3A_1541] : memref<51200xi32, #tpu.memory_space<vmem>> -> memref<128xi32, #tpu.memory_space<vmem>>
        %dma_start3A_1547 = arith.constant 0 : i32
        %dma_start3A_1548 = tpu.memref_slice %arg10[%dma_start3A_1547] : memref<1000000xf32, #tpu.memory_space<vmem_shared>> -> memref<1000000xf32, #tpu.memory_space<vmem_shared>>
        tpu.enqueue_indirect_dma source(%dma_start3A_1548 : memref<1000000xf32, #tpu.memory_space<vmem_shared>>) target(%dma_start3A_1545 : memref<128xf32, #tpu.memory_space<vmem>>) offsets(%dma_start3A_1546 : memref<128xi32, #tpu.memory_space<vmem>>) semaphore(%arg12 : memref<!tpu.dma_semaphore, #tpu.memory_space<semaphore_mem>>)
        %mul3A_1549 = arith.constant 128 : i32
        %mul3A_1550 = arith.muli %add3A_1504, %mul3A_1549 : i32
        %add3A_1551 = arith.constant 4096 : i32
        %add3A_1552 = arith.addi %add3A_1551, %mul3A_1550 : i32
        %dma_start3A_1553 = arith.constant 4 : i32
        %dma_start3A_1554 = arith.constant 0 : i32
        %dma_start3A_1555 = tpu.memref_slice %arg8[%dma_start3A_1553, %dma_start3A_1554] : memref<50x128xf32, #tpu.memory_space<vmem>> -> memref<1x128xf32, #tpu.memory_space<vmem>>
        %dma_start3A_1556 = tpu.memref_squeeze %dma_start3A_1555 : memref<1x128xf32, #tpu.memory_space<vmem>> -> memref<128xf32, #tpu.memory_space<vmem>>
        %dma_start3A_1557 = tpu.memref_slice %arg6[%add3A_1552] : memref<51200xi32, #tpu.memory_space<vmem>> -> memref<128xi32, #tpu.memory_space<vmem>>
        %dma_start3A_1558 = arith.constant 0 : i32
        %dma_start3A_1559 = tpu.memref_slice %arg10[%dma_start3A_1558] : memref<1000000xf32, #tpu.memory_space<vmem_shared>> -> memref<1000000xf32, #tpu.memory_space<vmem_shared>>
        tpu.enqueue_indirect_dma source(%dma_start3A_1559 : memref<1000000xf32, #tpu.memory_space<vmem_shared>>) target(%dma_start3A_1556 : memref<128xf32, #tpu.memory_space<vmem>>) offsets(%dma_start3A_1557 : memref<128xi32, #tpu.memory_space<vmem>>) semaphore(%arg12 : memref<!tpu.dma_semaphore, #tpu.memory_space<semaphore_mem>>)
        %mul3A_1560 = arith.constant 128 : i32
        %mul3A_1561 = arith.muli %add3A_1504, %mul3A_1560 : i32
        %add3A_1562 = arith.constant 5120 : i32
        %add3A_1563 = arith.addi %add3A_1562, %mul3A_1561 : i32
        %dma_start3A_1564 = arith.constant 5 : i32
        %dma_start3A_1565 = arith.constant 0 : i32
        %dma_start3A_1566 = tpu.memref_slice %arg8[%dma_start3A_1564, %dma_start3A_1565] : memref<50x128xf32, #tpu.memory_space<vmem>> -> memref<1x128xf32, #tpu.memory_space<vmem>>
        %dma_start3A_1567 = tpu.memref_squeeze %dma_start3A_1566 : memref<1x128xf32, #tpu.memory_space<vmem>> -> memref<128xf32, #tpu.memory_space<vmem>>
        %dma_start3A_1568 = tpu.memref_slice %arg6[%add3A_1563] : memref<51200xi32, #tpu.memory_space<vmem>> -> memref<128xi32, #tpu.memory_space<vmem>>
        %dma_start3A_1569 = arith.constant 0 : i32
        %dma_start3A_1570 = tpu.memref_slice %arg10[%dma_start3A_1569] : memref<1000000xf32, #tpu.memory_space<vmem_shared>> -> memref<1000000xf32, #tpu.memory_space<vmem_shared>>
        tpu.enqueue_indirect_dma source(%dma_start3A_1570 : memref<1000000xf32, #tpu.memory_space<vmem_shared>>) target(%dma_start3A_1567 : memref<128xf32, #tpu.memory_space<vmem>>) offsets(%dma_start3A_1568 : memref<128xi32, #tpu.memory_space<vmem>>) semaphore(%arg12 : memref<!tpu.dma_semaphore, #tpu.memory_space<semaphore_mem>>)
        %mul3A_1571 = arith.constant 128 : i32
        %mul3A_1572 = arith.muli %add3A_1504, %mul3A_1571 : i32
        %add3A_1573 = arith.constant 6144 : i32
        %add3A_1574 = arith.addi %add3A_1573, %mul3A_1572 : i32
        %dma_start3A_1575 = arith.constant 6 : i32
        %dma_start3A_1576 = arith.constant 0 : i32
        %dma_start3A_1577 = tpu.memref_slice %arg8[%dma_start3A_1575, %dma_start3A_1576] : memref<50x128xf32, #tpu.memory_space<vmem>> -> memref<1x128xf32, #tpu.memory_space<vmem>>
        %dma_start3A_1578 = tpu.memref_squeeze %dma_start3A_1577 : memref<1x128xf32, #tpu.memory_space<vmem>> -> memref<128xf32, #tpu.memory_space<vmem>>
        %dma_start3A_1579 = tpu.memref_slice %arg6[%add3A_1574] : memref<51200xi32, #tpu.memory_space<vmem>> -> memref<128xi32, #tpu.memory_space<vmem>>
        %dma_start3A_1580 = arith.constant 0 : i32
        %dma_start3A_1581 = tpu.memref_slice %arg10[%dma_start3A_1580] : memref<1000000xf32, #tpu.memory_space<vmem_shared>> -> memref<1000000xf32, #tpu.memory_space<vmem_shared>>
        tpu.enqueue_indirect_dma source(%dma_start3A_1581 : memref<1000000xf32, #tpu.memory_space<vmem_shared>>) target(%dma_start3A_1578 : memref<128xf32, #tpu.memory_space<vmem>>) offsets(%dma_start3A_1579 : memref<128xi32, #tpu.memory_space<vmem>>) semaphore(%arg12 : memref<!tpu.dma_semaphore, #tpu.memory_space<semaphore_mem>>)
        %mul3A_1582 = arith.constant 128 : i32
        %mul3A_1583 = arith.muli %add3A_1504, %mul3A_1582 : i32
        %add3A_1584 = arith.constant 7168 : i32
        %add3A_1585 = arith.addi %add3A_1584, %mul3A_1583 : i32
        %dma_start3A_1586 = arith.constant 7 : i32
        %dma_start3A_1587 = arith.constant 0 : i32
        %dma_start3A_1588 = tpu.memref_slice %arg8[%dma_start3A_1586, %dma_start3A_1587] : memref<50x128xf32, #tpu.memory_space<vmem>> -> memref<1x128xf32, #tpu.memory_space<vmem>>
        %dma_start3A_1589 = tpu.memref_squeeze %dma_start3A_1588 : memref<1x128xf32, #tpu.memory_space<vmem>> -> memref<128xf32, #tpu.memory_space<vmem>>
        %dma_start3A_1590 = tpu.memref_slice %arg6[%add3A_1585] : memref<51200xi32, #tpu.memory_space<vmem>> -> memref<128xi32, #tpu.memory_space<vmem>>
        %dma_start3A_1591 = arith.constant 0 : i32
        %dma_start3A_1592 = tpu.memref_slice %arg10[%dma_start3A_1591] : memref<1000000xf32, #tpu.memory_space<vmem_shared>> -> memref<1000000xf32, #tpu.memory_space<vmem_shared>>
        tpu.enqueue_indirect_dma source(%dma_start3A_1592 : memref<1000000xf32, #tpu.memory_space<vmem_shared>>) target(%dma_start3A_1589 : memref<128xf32, #tpu.memory_space<vmem>>) offsets(%dma_start3A_1590 : memref<128xi32, #tpu.memory_space<vmem>>) semaphore(%arg12 : memref<!tpu.dma_semaphore, #tpu.memory_space<semaphore_mem>>)
        %mul3A_1593 = arith.constant 128 : i32
        %mul3A_1594 = arith.muli %add3A_1504, %mul3A_1593 : i32
        %add3A_1595 = arith.constant 8192 : i32
        %add3A_1596 = arith.addi %add3A_1595, %mul3A_1594 : i32
        %dma_start3A_1597 = arith.constant 8 : i32
        %dma_start3A_1598 = arith.constant 0 : i32
        %dma_start3A_1599 = tpu.memref_slice %arg8[%dma_start3A_1597, %dma_start3A_1598] : memref<50x128xf32, #tpu.memory_space<vmem>> -> memref<1x128xf32, #tpu.memory_space<vmem>>
        %dma_start3A_1600 = tpu.memref_squeeze %dma_start3A_1599 : memref<1x128xf32, #tpu.memory_space<vmem>> -> memref<128xf32, #tpu.memory_space<vmem>>
        %dma_start3A_1601 = tpu.memref_slice %arg6[%add3A_1596] : memref<51200xi32, #tpu.memory_space<vmem>> -> memref<128xi32, #tpu.memory_space<vmem>>
        %dma_start3A_1602 = arith.constant 0 : i32
        %dma_start3A_1603 = tpu.memref_slice %arg10[%dma_start3A_1602] : memref<1000000xf32, #tpu.memory_space<vmem_shared>> -> memref<1000000xf32, #tpu.memory_space<vmem_shared>>
        tpu.enqueue_indirect_dma source(%dma_start3A_1603 : memref<1000000xf32, #tpu.memory_space<vmem_shared>>) target(%dma_start3A_1600 : memref<128xf32, #tpu.memory_space<vmem>>) offsets(%dma_start3A_1601 : memref<128xi32, #tpu.memory_space<vmem>>) semaphore(%arg12 : memref<!tpu.dma_semaphore, #tpu.memory_space<semaphore_mem>>)
        %mul3A_1604 = arith.constant 128 : i32
        %mul3A_1605 = arith.muli %add3A_1504, %mul3A_1604 : i32
        %add3A_1606 = arith.constant 9216 : i32
        %add3A_1607 = arith.addi %add3A_1606, %mul3A_1605 : i32
        %dma_start3A_1608 = arith.constant 9 : i32
        %dma_start3A_1609 = arith.constant 0 : i32
        %dma_start3A_1610 = tpu.memref_slice %arg8[%dma_start3A_1608, %dma_start3A_1609] : memref<50x128xf32, #tpu.memory_space<vmem>> -> memref<1x128xf32, #tpu.memory_space<vmem>>
        %dma_start3A_1611 = tpu.memref_squeeze %dma_start3A_1610 : memref<1x128xf32, #tpu.memory_space<vmem>> -> memref<128xf32, #tpu.memory_space<vmem>>
        %dma_start3A_1612 = tpu.memref_slice %arg6[%add3A_1607] : memref<51200xi32, #tpu.memory_space<vmem>> -> memref<128xi32, #tpu.memory_space<vmem>>
        %dma_start3A_1613 = arith.constant 0 : i32
        %dma_start3A_1614 = tpu.memref_slice %arg10[%dma_start3A_1613] : memref<1000000xf32, #tpu.memory_space<vmem_shared>> -> memref<1000000xf32, #tpu.memory_space<vmem_shared>>
        tpu.enqueue_indirect_dma source(%dma_start3A_1614 : memref<1000000xf32, #tpu.memory_space<vmem_shared>>) target(%dma_start3A_1611 : memref<128xf32, #tpu.memory_space<vmem>>) offsets(%dma_start3A_1612 : memref<128xi32, #tpu.memory_space<vmem>>) semaphore(%arg12 : memref<!tpu.dma_semaphore, #tpu.memory_space<semaphore_mem>>)
        %mul3A_1615 = arith.constant 128 : i32
        %mul3A_1616 = arith.muli %add3A_1504, %mul3A_1615 : i32
        %add3A_1617 = arith.constant 10240 : i32
        %add3A_1618 = arith.addi %add3A_1617, %mul3A_1616 : i32
        %dma_start3A_1619 = arith.constant 10 : i32
        %dma_start3A_1620 = arith.constant 0 : i32
        %dma_start3A_1621 = tpu.memref_slice %arg8[%dma_start3A_1619, %dma_start3A_1620] : memref<50x128xf32, #tpu.memory_space<vmem>> -> memref<1x128xf32, #tpu.memory_space<vmem>>
        %dma_start3A_1622 = tpu.memref_squeeze %dma_start3A_1621 : memref<1x128xf32, #tpu.memory_space<vmem>> -> memref<128xf32, #tpu.memory_space<vmem>>
        %dma_start3A_1623 = tpu.memref_slice %arg6[%add3A_1618] : memref<51200xi32, #tpu.memory_space<vmem>> -> memref<128xi32, #tpu.memory_space<vmem>>
        %dma_start3A_1624 = arith.constant 0 : i32
        %dma_start3A_1625 = tpu.memref_slice %arg10[%dma_start3A_1624] : memref<1000000xf32, #tpu.memory_space<vmem_shared>> -> memref<1000000xf32, #tpu.memory_space<vmem_shared>>
        tpu.enqueue_indirect_dma source(%dma_start3A_1625 : memref<1000000xf32, #tpu.memory_space<vmem_shared>>) target(%dma_start3A_1622 : memref<128xf32, #tpu.memory_space<vmem>>) offsets(%dma_start3A_1623 : memref<128xi32, #tpu.memory_space<vmem>>) semaphore(%arg12 : memref<!tpu.dma_semaphore, #tpu.memory_space<semaphore_mem>>)
        %mul3A_1626 = arith.constant 128 : i32
        %mul3A_1627 = arith.muli %add3A_1504, %mul3A_1626 : i32
        %add3A_1628 = arith.constant 11264 : i32
        %add3A_1629 = arith.addi %add3A_1628, %mul3A_1627 : i32
        %dma_start3A_1630 = arith.constant 11 : i32
        %dma_start3A_1631 = arith.constant 0 : i32
        %dma_start3A_1632 = tpu.memref_slice %arg8[%dma_start3A_1630, %dma_start3A_1631] : memref<50x128xf32, #tpu.memory_space<vmem>> -> memref<1x128xf32, #tpu.memory_space<vmem>>
        %dma_start3A_1633 = tpu.memref_squeeze %dma_start3A_1632 : memref<1x128xf32, #tpu.memory_space<vmem>> -> memref<128xf32, #tpu.memory_space<vmem>>
        %dma_start3A_1634 = tpu.memref_slice %arg6[%add3A_1629] : memref<51200xi32, #tpu.memory_space<vmem>> -> memref<128xi32, #tpu.memory_space<vmem>>
        %dma_start3A_1635 = arith.constant 0 : i32
        %dma_start3A_1636 = tpu.memref_slice %arg10[%dma_start3A_1635] : memref<1000000xf32, #tpu.memory_space<vmem_shared>> -> memref<1000000xf32, #tpu.memory_space<vmem_shared>>
        tpu.enqueue_indirect_dma source(%dma_start3A_1636 : memref<1000000xf32, #tpu.memory_space<vmem_shared>>) target(%dma_start3A_1633 : memref<128xf32, #tpu.memory_space<vmem>>) offsets(%dma_start3A_1634 : memref<128xi32, #tpu.memory_space<vmem>>) semaphore(%arg12 : memref<!tpu.dma_semaphore, #tpu.memory_space<semaphore_mem>>)
        %mul3A_1637 = arith.constant 128 : i32
        %mul3A_1638 = arith.muli %add3A_1504, %mul3A_1637 : i32
        %add3A_1639 = arith.constant 12288 : i32
        %add3A_1640 = arith.addi %add3A_1639, %mul3A_1638 : i32
        %dma_start3A_1641 = arith.constant 12 : i32
        %dma_start3A_1642 = arith.constant 0 : i32
        %dma_start3A_1643 = tpu.memref_slice %arg8[%dma_start3A_1641, %dma_start3A_1642] : memref<50x128xf32, #tpu.memory_space<vmem>> -> memref<1x128xf32, #tpu.memory_space<vmem>>
        %dma_start3A_1644 = tpu.memref_squeeze %dma_start3A_1643 : memref<1x128xf32, #tpu.memory_space<vmem>> -> memref<128xf32, #tpu.memory_space<vmem>>
        %dma_start3A_1645 = tpu.memref_slice %arg6[%add3A_1640] : memref<51200xi32, #tpu.memory_space<vmem>> -> memref<128xi32, #tpu.memory_space<vmem>>
        %dma_start3A_1646 = arith.constant 0 : i32
        %dma_start3A_1647 = tpu.memref_slice %arg10[%dma_start3A_1646] : memref<1000000xf32, #tpu.memory_space<vmem_shared>> -> memref<1000000xf32, #tpu.memory_space<vmem_shared>>
        tpu.enqueue_indirect_dma source(%dma_start3A_1647 : memref<1000000xf32, #tpu.memory_space<vmem_shared>>) target(%dma_start3A_1644 : memref<128xf32, #tpu.memory_space<vmem>>) offsets(%dma_start3A_1645 : memref<128xi32, #tpu.memory_space<vmem>>) semaphore(%arg12 : memref<!tpu.dma_semaphore, #tpu.memory_space<semaphore_mem>>)
        %mul3A_1648 = arith.constant 128 : i32
        %mul3A_1649 = arith.muli %add3A_1504, %mul3A_1648 : i32
        %add3A_1650 = arith.constant 13312 : i32
        %add3A_1651 = arith.addi %add3A_1650, %mul3A_1649 : i32
        %dma_start3A_1652 = arith.constant 13 : i32
        %dma_start3A_1653 = arith.constant 0 : i32
        %dma_start3A_1654 = tpu.memref_slice %arg8[%dma_start3A_1652, %dma_start3A_1653] : memref<50x128xf32, #tpu.memory_space<vmem>> -> memref<1x128xf32, #tpu.memory_space<vmem>>
        %dma_start3A_1655 = tpu.memref_squeeze %dma_start3A_1654 : memref<1x128xf32, #tpu.memory_space<vmem>> -> memref<128xf32, #tpu.memory_space<vmem>>
        %dma_start3A_1656 = tpu.memref_slice %arg6[%add3A_1651] : memref<51200xi32, #tpu.memory_space<vmem>> -> memref<128xi32, #tpu.memory_space<vmem>>
        %dma_start3A_1657 = arith.constant 0 : i32
        %dma_start3A_1658 = tpu.memref_slice %arg10[%dma_start3A_1657] : memref<1000000xf32, #tpu.memory_space<vmem_shared>> -> memref<1000000xf32, #tpu.memory_space<vmem_shared>>
        tpu.enqueue_indirect_dma source(%dma_start3A_1658 : memref<1000000xf32, #tpu.memory_space<vmem_shared>>) target(%dma_start3A_1655 : memref<128xf32, #tpu.memory_space<vmem>>) offsets(%dma_start3A_1656 : memref<128xi32, #tpu.memory_space<vmem>>) semaphore(%arg12 : memref<!tpu.dma_semaphore, #tpu.memory_space<semaphore_mem>>)
        %mul3A_1659 = arith.constant 128 : i32
        %mul3A_1660 = arith.muli %add3A_1504, %mul3A_1659 : i32
        %add3A_1661 = arith.constant 14336 : i32
        %add3A_1662 = arith.addi %add3A_1661, %mul3A_1660 : i32
        %dma_start3A_1663 = arith.constant 14 : i32
        %dma_start3A_1664 = arith.constant 0 : i32
        %dma_start3A_1665 = tpu.memref_slice %arg8[%dma_start3A_1663, %dma_start3A_1664] : memref<50x128xf32, #tpu.memory_space<vmem>> -> memref<1x128xf32, #tpu.memory_space<vmem>>
        %dma_start3A_1666 = tpu.memref_squeeze %dma_start3A_1665 : memref<1x128xf32, #tpu.memory_space<vmem>> -> memref<128xf32, #tpu.memory_space<vmem>>
        %dma_start3A_1667 = tpu.memref_slice %arg6[%add3A_1662] : memref<51200xi32, #tpu.memory_space<vmem>> -> memref<128xi32, #tpu.memory_space<vmem>>
        %dma_start3A_1668 = arith.constant 0 : i32
        %dma_start3A_1669 = tpu.memref_slice %arg10[%dma_start3A_1668] : memref<1000000xf32, #tpu.memory_space<vmem_shared>> -> memref<1000000xf32, #tpu.memory_space<vmem_shared>>
        tpu.enqueue_indirect_dma source(%dma_start3A_1669 : memref<1000000xf32, #tpu.memory_space<vmem_shared>>) target(%dma_start3A_1666 : memref<128xf32, #tpu.memory_space<vmem>>) offsets(%dma_start3A_1667 : memref<128xi32, #tpu.memory_space<vmem>>) semaphore(%arg12 : memref<!tpu.dma_semaphore, #tpu.memory_space<semaphore_mem>>)
        %mul3A_1670 = arith.constant 128 : i32
        %mul3A_1671 = arith.muli %add3A_1504, %mul3A_1670 : i32
        %add3A_1672 = arith.constant 15360 : i32
        %add3A_1673 = arith.addi %add3A_1672, %mul3A_1671 : i32
        %dma_start3A_1674 = arith.constant 15 : i32
        %dma_start3A_1675 = arith.constant 0 : i32
        %dma_start3A_1676 = tpu.memref_slice %arg8[%dma_start3A_1674, %dma_start3A_1675] : memref<50x128xf32, #tpu.memory_space<vmem>> -> memref<1x128xf32, #tpu.memory_space<vmem>>
        %dma_start3A_1677 = tpu.memref_squeeze %dma_start3A_1676 : memref<1x128xf32, #tpu.memory_space<vmem>> -> memref<128xf32, #tpu.memory_space<vmem>>
        %dma_start3A_1678 = tpu.memref_slice %arg6[%add3A_1673] : memref<51200xi32, #tpu.memory_space<vmem>> -> memref<128xi32, #tpu.memory_space<vmem>>
        %dma_start3A_1679 = arith.constant 0 : i32
        %dma_start3A_1680 = tpu.memref_slice %arg10[%dma_start3A_1679] : memref<1000000xf32, #tpu.memory_space<vmem_shared>> -> memref<1000000xf32, #tpu.memory_space<vmem_shared>>
        tpu.enqueue_indirect_dma source(%dma_start3A_1680 : memref<1000000xf32, #tpu.memory_space<vmem_shared>>) target(%dma_start3A_1677 : memref<128xf32, #tpu.memory_space<vmem>>) offsets(%dma_start3A_1678 : memref<128xi32, #tpu.memory_space<vmem>>) semaphore(%arg12 : memref<!tpu.dma_semaphore, #tpu.memory_space<semaphore_mem>>)
        %mul3A_1681 = arith.constant 128 : i32
        %mul3A_1682 = arith.muli %add3A_1504, %mul3A_1681 : i32
        %add3A_1683 = arith.constant 16384 : i32
        %add3A_1684 = arith.addi %add3A_1683, %mul3A_1682 : i32
        %dma_start3A_1685 = arith.constant 16 : i32
        %dma_start3A_1686 = arith.constant 0 : i32
        %dma_start3A_1687 = tpu.memref_slice %arg8[%dma_start3A_1685, %dma_start3A_1686] : memref<50x128xf32, #tpu.memory_space<vmem>> -> memref<1x128xf32, #tpu.memory_space<vmem>>
        %dma_start3A_1688 = tpu.memref_squeeze %dma_start3A_1687 : memref<1x128xf32, #tpu.memory_space<vmem>> -> memref<128xf32, #tpu.memory_space<vmem>>
        %dma_start3A_1689 = tpu.memref_slice %arg6[%add3A_1684] : memref<51200xi32, #tpu.memory_space<vmem>> -> memref<128xi32, #tpu.memory_space<vmem>>
        %dma_start3A_1690 = arith.constant 0 : i32
        %dma_start3A_1691 = tpu.memref_slice %arg10[%dma_start3A_1690] : memref<1000000xf32, #tpu.memory_space<vmem_shared>> -> memref<1000000xf32, #tpu.memory_space<vmem_shared>>
        tpu.enqueue_indirect_dma source(%dma_start3A_1691 : memref<1000000xf32, #tpu.memory_space<vmem_shared>>) target(%dma_start3A_1688 : memref<128xf32, #tpu.memory_space<vmem>>) offsets(%dma_start3A_1689 : memref<128xi32, #tpu.memory_space<vmem>>) semaphore(%arg12 : memref<!tpu.dma_semaphore, #tpu.memory_space<semaphore_mem>>)
        %mul3A_1692 = arith.constant 128 : i32
        %mul3A_1693 = arith.muli %add3A_1504, %mul3A_1692 : i32
        %add3A_1694 = arith.constant 17408 : i32
        %add3A_1695 = arith.addi %add3A_1694, %mul3A_1693 : i32
        %dma_start3A_1696 = arith.constant 17 : i32
        %dma_start3A_1697 = arith.constant 0 : i32
        %dma_start3A_1698 = tpu.memref_slice %arg8[%dma_start3A_1696, %dma_start3A_1697] : memref<50x128xf32, #tpu.memory_space<vmem>> -> memref<1x128xf32, #tpu.memory_space<vmem>>
        %dma_start3A_1699 = tpu.memref_squeeze %dma_start3A_1698 : memref<1x128xf32, #tpu.memory_space<vmem>> -> memref<128xf32, #tpu.memory_space<vmem>>
        %dma_start3A_1700 = tpu.memref_slice %arg6[%add3A_1695] : memref<51200xi32, #tpu.memory_space<vmem>> -> memref<128xi32, #tpu.memory_space<vmem>>
        %dma_start3A_1701 = arith.constant 0 : i32
        %dma_start3A_1702 = tpu.memref_slice %arg10[%dma_start3A_1701] : memref<1000000xf32, #tpu.memory_space<vmem_shared>> -> memref<1000000xf32, #tpu.memory_space<vmem_shared>>
        tpu.enqueue_indirect_dma source(%dma_start3A_1702 : memref<1000000xf32, #tpu.memory_space<vmem_shared>>) target(%dma_start3A_1699 : memref<128xf32, #tpu.memory_space<vmem>>) offsets(%dma_start3A_1700 : memref<128xi32, #tpu.memory_space<vmem>>) semaphore(%arg12 : memref<!tpu.dma_semaphore, #tpu.memory_space<semaphore_mem>>)
        %mul3A_1703 = arith.constant 128 : i32
        %mul3A_1704 = arith.muli %add3A_1504, %mul3A_1703 : i32
        %add3A_1705 = arith.constant 18432 : i32
        %add3A_1706 = arith.addi %add3A_1705, %mul3A_1704 : i32
        %dma_start3A_1707 = arith.constant 18 : i32
        %dma_start3A_1708 = arith.constant 0 : i32
        %dma_start3A_1709 = tpu.memref_slice %arg8[%dma_start3A_1707, %dma_start3A_1708] : memref<50x128xf32, #tpu.memory_space<vmem>> -> memref<1x128xf32, #tpu.memory_space<vmem>>
        %dma_start3A_1710 = tpu.memref_squeeze %dma_start3A_1709 : memref<1x128xf32, #tpu.memory_space<vmem>> -> memref<128xf32, #tpu.memory_space<vmem>>
        %dma_start3A_1711 = tpu.memref_slice %arg6[%add3A_1706] : memref<51200xi32, #tpu.memory_space<vmem>> -> memref<128xi32, #tpu.memory_space<vmem>>
        %dma_start3A_1712 = arith.constant 0 : i32
        %dma_start3A_1713 = tpu.memref_slice %arg10[%dma_start3A_1712] : memref<1000000xf32, #tpu.memory_space<vmem_shared>> -> memref<1000000xf32, #tpu.memory_space<vmem_shared>>
        tpu.enqueue_indirect_dma source(%dma_start3A_1713 : memref<1000000xf32, #tpu.memory_space<vmem_shared>>) target(%dma_start3A_1710 : memref<128xf32, #tpu.memory_space<vmem>>) offsets(%dma_start3A_1711 : memref<128xi32, #tpu.memory_space<vmem>>) semaphore(%arg12 : memref<!tpu.dma_semaphore, #tpu.memory_space<semaphore_mem>>)
        %mul3A_1714 = arith.constant 128 : i32
        %mul3A_1715 = arith.muli %add3A_1504, %mul3A_1714 : i32
        %add3A_1716 = arith.constant 19456 : i32
        %add3A_1717 = arith.addi %add3A_1716, %mul3A_1715 : i32
        %dma_start3A_1718 = arith.constant 19 : i32
        %dma_start3A_1719 = arith.constant 0 : i32
        %dma_start3A_1720 = tpu.memref_slice %arg8[%dma_start3A_1718, %dma_start3A_1719] : memref<50x128xf32, #tpu.memory_space<vmem>> -> memref<1x128xf32, #tpu.memory_space<vmem>>
        %dma_start3A_1721 = tpu.memref_squeeze %dma_start3A_1720 : memref<1x128xf32, #tpu.memory_space<vmem>> -> memref<128xf32, #tpu.memory_space<vmem>>
        %dma_start3A_1722 = tpu.memref_slice %arg6[%add3A_1717] : memref<51200xi32, #tpu.memory_space<vmem>> -> memref<128xi32, #tpu.memory_space<vmem>>
        %dma_start3A_1723 = arith.constant 0 : i32
        %dma_start3A_1724 = tpu.memref_slice %arg10[%dma_start3A_1723] : memref<1000000xf32, #tpu.memory_space<vmem_shared>> -> memref<1000000xf32, #tpu.memory_space<vmem_shared>>
        tpu.enqueue_indirect_dma source(%dma_start3A_1724 : memref<1000000xf32, #tpu.memory_space<vmem_shared>>) target(%dma_start3A_1721 : memref<128xf32, #tpu.memory_space<vmem>>) offsets(%dma_start3A_1722 : memref<128xi32, #tpu.memory_space<vmem>>) semaphore(%arg12 : memref<!tpu.dma_semaphore, #tpu.memory_space<semaphore_mem>>)
        %mul3A_1725 = arith.constant 128 : i32
        %mul3A_1726 = arith.muli %add3A_1504, %mul3A_1725 : i32
        %add3A_1727 = arith.constant 20480 : i32
        %add3A_1728 = arith.addi %add3A_1727, %mul3A_1726 : i32
        %dma_start3A_1729 = arith.constant 20 : i32
        %dma_start3A_1730 = arith.constant 0 : i32
        %dma_start3A_1731 = tpu.memref_slice %arg8[%dma_start3A_1729, %dma_start3A_1730] : memref<50x128xf32, #tpu.memory_space<vmem>> -> memref<1x128xf32, #tpu.memory_space<vmem>>
        %dma_start3A_1732 = tpu.memref_squeeze %dma_start3A_1731 : memref<1x128xf32, #tpu.memory_space<vmem>> -> memref<128xf32, #tpu.memory_space<vmem>>
        %dma_start3A_1733 = tpu.memref_slice %arg6[%add3A_1728] : memref<51200xi32, #tpu.memory_space<vmem>> -> memref<128xi32, #tpu.memory_space<vmem>>
        %dma_start3A_1734 = arith.constant 0 : i32
        %dma_start3A_1735 = tpu.memref_slice %arg10[%dma_start3A_1734] : memref<1000000xf32, #tpu.memory_space<vmem_shared>> -> memref<1000000xf32, #tpu.memory_space<vmem_shared>>
        tpu.enqueue_indirect_dma source(%dma_start3A_1735 : memref<1000000xf32, #tpu.memory_space<vmem_shared>>) target(%dma_start3A_1732 : memref<128xf32, #tpu.memory_space<vmem>>) offsets(%dma_start3A_1733 : memref<128xi32, #tpu.memory_space<vmem>>) semaphore(%arg12 : memref<!tpu.dma_semaphore, #tpu.memory_space<semaphore_mem>>)
        %mul3A_1736 = arith.constant 128 : i32
        %mul3A_1737 = arith.muli %add3A_1504, %mul3A_1736 : i32
        %add3A_1738 = arith.constant 21504 : i32
        %add3A_1739 = arith.addi %add3A_1738, %mul3A_1737 : i32
        %dma_start3A_1740 = arith.constant 21 : i32
        %dma_start3A_1741 = arith.constant 0 : i32
        %dma_start3A_1742 = tpu.memref_slice %arg8[%dma_start3A_1740, %dma_start3A_1741] : memref<50x128xf32, #tpu.memory_space<vmem>> -> memref<1x128xf32, #tpu.memory_space<vmem>>
        %dma_start3A_1743 = tpu.memref_squeeze %dma_start3A_1742 : memref<1x128xf32, #tpu.memory_space<vmem>> -> memref<128xf32, #tpu.memory_space<vmem>>
        %dma_start3A_1744 = tpu.memref_slice %arg6[%add3A_1739] : memref<51200xi32, #tpu.memory_space<vmem>> -> memref<128xi32, #tpu.memory_space<vmem>>
        %dma_start3A_1745 = arith.constant 0 : i32
        %dma_start3A_1746 = tpu.memref_slice %arg10[%dma_start3A_1745] : memref<1000000xf32, #tpu.memory_space<vmem_shared>> -> memref<1000000xf32, #tpu.memory_space<vmem_shared>>
        tpu.enqueue_indirect_dma source(%dma_start3A_1746 : memref<1000000xf32, #tpu.memory_space<vmem_shared>>) target(%dma_start3A_1743 : memref<128xf32, #tpu.memory_space<vmem>>) offsets(%dma_start3A_1744 : memref<128xi32, #tpu.memory_space<vmem>>) semaphore(%arg12 : memref<!tpu.dma_semaphore, #tpu.memory_space<semaphore_mem>>)
        %mul3A_1747 = arith.constant 128 : i32
        %mul3A_1748 = arith.muli %add3A_1504, %mul3A_1747 : i32
        %add3A_1749 = arith.constant 22528 : i32
        %add3A_1750 = arith.addi %add3A_1749, %mul3A_1748 : i32
        %dma_start3A_1751 = arith.constant 22 : i32
        %dma_start3A_1752 = arith.constant 0 : i32
        %dma_start3A_1753 = tpu.memref_slice %arg8[%dma_start3A_1751, %dma_start3A_1752] : memref<50x128xf32, #tpu.memory_space<vmem>> -> memref<1x128xf32, #tpu.memory_space<vmem>>
        %dma_start3A_1754 = tpu.memref_squeeze %dma_start3A_1753 : memref<1x128xf32, #tpu.memory_space<vmem>> -> memref<128xf32, #tpu.memory_space<vmem>>
        %dma_start3A_1755 = tpu.memref_slice %arg6[%add3A_1750] : memref<51200xi32, #tpu.memory_space<vmem>> -> memref<128xi32, #tpu.memory_space<vmem>>
        %dma_start3A_1756 = arith.constant 0 : i32
        %dma_start3A_1757 = tpu.memref_slice %arg10[%dma_start3A_1756] : memref<1000000xf32, #tpu.memory_space<vmem_shared>> -> memref<1000000xf32, #tpu.memory_space<vmem_shared>>
        tpu.enqueue_indirect_dma source(%dma_start3A_1757 : memref<1000000xf32, #tpu.memory_space<vmem_shared>>) target(%dma_start3A_1754 : memref<128xf32, #tpu.memory_space<vmem>>) offsets(%dma_start3A_1755 : memref<128xi32, #tpu.memory_space<vmem>>) semaphore(%arg12 : memref<!tpu.dma_semaphore, #tpu.memory_space<semaphore_mem>>)
        %mul3A_1758 = arith.constant 128 : i32
        %mul3A_1759 = arith.muli %add3A_1504, %mul3A_1758 : i32
        %add3A_1760 = arith.constant 23552 : i32
        %add3A_1761 = arith.addi %add3A_1760, %mul3A_1759 : i32
        %dma_start3A_1762 = arith.constant 23 : i32
        %dma_start3A_1763 = arith.constant 0 : i32
        %dma_start3A_1764 = tpu.memref_slice %arg8[%dma_start3A_1762, %dma_start3A_1763] : memref<50x128xf32, #tpu.memory_space<vmem>> -> memref<1x128xf32, #tpu.memory_space<vmem>>
        %dma_start3A_1765 = tpu.memref_squeeze %dma_start3A_1764 : memref<1x128xf32, #tpu.memory_space<vmem>> -> memref<128xf32, #tpu.memory_space<vmem>>
        %dma_start3A_1766 = tpu.memref_slice %arg6[%add3A_1761] : memref<51200xi32, #tpu.memory_space<vmem>> -> memref<128xi32, #tpu.memory_space<vmem>>
        %dma_start3A_1767 = arith.constant 0 : i32
        %dma_start3A_1768 = tpu.memref_slice %arg10[%dma_start3A_1767] : memref<1000000xf32, #tpu.memory_space<vmem_shared>> -> memref<1000000xf32, #tpu.memory_space<vmem_shared>>
        tpu.enqueue_indirect_dma source(%dma_start3A_1768 : memref<1000000xf32, #tpu.memory_space<vmem_shared>>) target(%dma_start3A_1765 : memref<128xf32, #tpu.memory_space<vmem>>) offsets(%dma_start3A_1766 : memref<128xi32, #tpu.memory_space<vmem>>) semaphore(%arg12 : memref<!tpu.dma_semaphore, #tpu.memory_space<semaphore_mem>>)
        %mul3A_1769 = arith.constant 128 : i32
        %mul3A_1770 = arith.muli %add3A_1504, %mul3A_1769 : i32
        %add3A_1771 = arith.constant 24576 : i32
        %add3A_1772 = arith.addi %add3A_1771, %mul3A_1770 : i32
        %dma_start3A_1773 = arith.constant 24 : i32
        %dma_start3A_1774 = arith.constant 0 : i32
        %dma_start3A_1775 = tpu.memref_slice %arg8[%dma_start3A_1773, %dma_start3A_1774] : memref<50x128xf32, #tpu.memory_space<vmem>> -> memref<1x128xf32, #tpu.memory_space<vmem>>
        %dma_start3A_1776 = tpu.memref_squeeze %dma_start3A_1775 : memref<1x128xf32, #tpu.memory_space<vmem>> -> memref<128xf32, #tpu.memory_space<vmem>>
        %dma_start3A_1777 = tpu.memref_slice %arg6[%add3A_1772] : memref<51200xi32, #tpu.memory_space<vmem>> -> memref<128xi32, #tpu.memory_space<vmem>>
        %dma_start3A_1778 = arith.constant 0 : i32
        %dma_start3A_1779 = tpu.memref_slice %arg10[%dma_start3A_1778] : memref<1000000xf32, #tpu.memory_space<vmem_shared>> -> memref<1000000xf32, #tpu.memory_space<vmem_shared>>
        tpu.enqueue_indirect_dma source(%dma_start3A_1779 : memref<1000000xf32, #tpu.memory_space<vmem_shared>>) target(%dma_start3A_1776 : memref<128xf32, #tpu.memory_space<vmem>>) offsets(%dma_start3A_1777 : memref<128xi32, #tpu.memory_space<vmem>>) semaphore(%arg12 : memref<!tpu.dma_semaphore, #tpu.memory_space<semaphore_mem>>)
        %mul3A_1780 = arith.constant 128 : i32
        %mul3A_1781 = arith.muli %add3A_1504, %mul3A_1780 : i32
        %add3A_1782 = arith.constant 25600 : i32
        %add3A_1783 = arith.addi %add3A_1782, %mul3A_1781 : i32
        %dma_start3A_1784 = arith.constant 25 : i32
        %dma_start3A_1785 = arith.constant 0 : i32
        %dma_start3A_1786 = tpu.memref_slice %arg8[%dma_start3A_1784, %dma_start3A_1785] : memref<50x128xf32, #tpu.memory_space<vmem>> -> memref<1x128xf32, #tpu.memory_space<vmem>>
        %dma_start3A_1787 = tpu.memref_squeeze %dma_start3A_1786 : memref<1x128xf32, #tpu.memory_space<vmem>> -> memref<128xf32, #tpu.memory_space<vmem>>
        %dma_start3A_1788 = tpu.memref_slice %arg6[%add3A_1783] : memref<51200xi32, #tpu.memory_space<vmem>> -> memref<128xi32, #tpu.memory_space<vmem>>
        %dma_start3A_1789 = arith.constant 0 : i32
        %dma_start3A_1790 = tpu.memref_slice %arg10[%dma_start3A_1789] : memref<1000000xf32, #tpu.memory_space<vmem_shared>> -> memref<1000000xf32, #tpu.memory_space<vmem_shared>>
        tpu.enqueue_indirect_dma source(%dma_start3A_1790 : memref<1000000xf32, #tpu.memory_space<vmem_shared>>) target(%dma_start3A_1787 : memref<128xf32, #tpu.memory_space<vmem>>) offsets(%dma_start3A_1788 : memref<128xi32, #tpu.memory_space<vmem>>) semaphore(%arg12 : memref<!tpu.dma_semaphore, #tpu.memory_space<semaphore_mem>>)
        %mul3A_1791 = arith.constant 128 : i32
        %mul3A_1792 = arith.muli %add3A_1504, %mul3A_1791 : i32
        %add3A_1793 = arith.constant 26624 : i32
        %add3A_1794 = arith.addi %add3A_1793, %mul3A_1792 : i32
        %dma_start3A_1795 = arith.constant 26 : i32
        %dma_start3A_1796 = arith.constant 0 : i32
        %dma_start3A_1797 = tpu.memref_slice %arg8[%dma_start3A_1795, %dma_start3A_1796] : memref<50x128xf32, #tpu.memory_space<vmem>> -> memref<1x128xf32, #tpu.memory_space<vmem>>
        %dma_start3A_1798 = tpu.memref_squeeze %dma_start3A_1797 : memref<1x128xf32, #tpu.memory_space<vmem>> -> memref<128xf32, #tpu.memory_space<vmem>>
        %dma_start3A_1799 = tpu.memref_slice %arg6[%add3A_1794] : memref<51200xi32, #tpu.memory_space<vmem>> -> memref<128xi32, #tpu.memory_space<vmem>>
        %dma_start3A_1800 = arith.constant 0 : i32
        %dma_start3A_1801 = tpu.memref_slice %arg10[%dma_start3A_1800] : memref<1000000xf32, #tpu.memory_space<vmem_shared>> -> memref<1000000xf32, #tpu.memory_space<vmem_shared>>
        tpu.enqueue_indirect_dma source(%dma_start3A_1801 : memref<1000000xf32, #tpu.memory_space<vmem_shared>>) target(%dma_start3A_1798 : memref<128xf32, #tpu.memory_space<vmem>>) offsets(%dma_start3A_1799 : memref<128xi32, #tpu.memory_space<vmem>>) semaphore(%arg12 : memref<!tpu.dma_semaphore, #tpu.memory_space<semaphore_mem>>)
        %mul3A_1802 = arith.constant 128 : i32
        %mul3A_1803 = arith.muli %add3A_1504, %mul3A_1802 : i32
        %add3A_1804 = arith.constant 27648 : i32
        %add3A_1805 = arith.addi %add3A_1804, %mul3A_1803 : i32
        %dma_start3A_1806 = arith.constant 27 : i32
        %dma_start3A_1807 = arith.constant 0 : i32
        %dma_start3A_1808 = tpu.memref_slice %arg8[%dma_start3A_1806, %dma_start3A_1807] : memref<50x128xf32, #tpu.memory_space<vmem>> -> memref<1x128xf32, #tpu.memory_space<vmem>>
        %dma_start3A_1809 = tpu.memref_squeeze %dma_start3A_1808 : memref<1x128xf32, #tpu.memory_space<vmem>> -> memref<128xf32, #tpu.memory_space<vmem>>
        %dma_start3A_1810 = tpu.memref_slice %arg6[%add3A_1805] : memref<51200xi32, #tpu.memory_space<vmem>> -> memref<128xi32, #tpu.memory_space<vmem>>
        %dma_start3A_1811 = arith.constant 0 : i32
        %dma_start3A_1812 = tpu.memref_slice %arg10[%dma_start3A_1811] : memref<1000000xf32, #tpu.memory_space<vmem_shared>> -> memref<1000000xf32, #tpu.memory_space<vmem_shared>>
        tpu.enqueue_indirect_dma source(%dma_start3A_1812 : memref<1000000xf32, #tpu.memory_space<vmem_shared>>) target(%dma_start3A_1809 : memref<128xf32, #tpu.memory_space<vmem>>) offsets(%dma_start3A_1810 : memref<128xi32, #tpu.memory_space<vmem>>) semaphore(%arg12 : memref<!tpu.dma_semaphore, #tpu.memory_space<semaphore_mem>>)
        %mul3A_1813 = arith.constant 128 : i32
        %mul3A_1814 = arith.muli %add3A_1504, %mul3A_1813 : i32
        %add3A_1815 = arith.constant 28672 : i32
        %add3A_1816 = arith.addi %add3A_1815, %mul3A_1814 : i32
        %dma_start3A_1817 = arith.constant 28 : i32
        %dma_start3A_1818 = arith.constant 0 : i32
        %dma_start3A_1819 = tpu.memref_slice %arg8[%dma_start3A_1817, %dma_start3A_1818] : memref<50x128xf32, #tpu.memory_space<vmem>> -> memref<1x128xf32, #tpu.memory_space<vmem>>
        %dma_start3A_1820 = tpu.memref_squeeze %dma_start3A_1819 : memref<1x128xf32, #tpu.memory_space<vmem>> -> memref<128xf32, #tpu.memory_space<vmem>>
        %dma_start3A_1821 = tpu.memref_slice %arg6[%add3A_1816] : memref<51200xi32, #tpu.memory_space<vmem>> -> memref<128xi32, #tpu.memory_space<vmem>>
        %dma_start3A_1822 = arith.constant 0 : i32
        %dma_start3A_1823 = tpu.memref_slice %arg10[%dma_start3A_1822] : memref<1000000xf32, #tpu.memory_space<vmem_shared>> -> memref<1000000xf32, #tpu.memory_space<vmem_shared>>
        tpu.enqueue_indirect_dma source(%dma_start3A_1823 : memref<1000000xf32, #tpu.memory_space<vmem_shared>>) target(%dma_start3A_1820 : memref<128xf32, #tpu.memory_space<vmem>>) offsets(%dma_start3A_1821 : memref<128xi32, #tpu.memory_space<vmem>>) semaphore(%arg12 : memref<!tpu.dma_semaphore, #tpu.memory_space<semaphore_mem>>)
        %mul3A_1824 = arith.constant 128 : i32
        %mul3A_1825 = arith.muli %add3A_1504, %mul3A_1824 : i32
        %add3A_1826 = arith.constant 29696 : i32
        %add3A_1827 = arith.addi %add3A_1826, %mul3A_1825 : i32
        %dma_start3A_1828 = arith.constant 29 : i32
        %dma_start3A_1829 = arith.constant 0 : i32
        %dma_start3A_1830 = tpu.memref_slice %arg8[%dma_start3A_1828, %dma_start3A_1829] : memref<50x128xf32, #tpu.memory_space<vmem>> -> memref<1x128xf32, #tpu.memory_space<vmem>>
        %dma_start3A_1831 = tpu.memref_squeeze %dma_start3A_1830 : memref<1x128xf32, #tpu.memory_space<vmem>> -> memref<128xf32, #tpu.memory_space<vmem>>
        %dma_start3A_1832 = tpu.memref_slice %arg6[%add3A_1827] : memref<51200xi32, #tpu.memory_space<vmem>> -> memref<128xi32, #tpu.memory_space<vmem>>
        %dma_start3A_1833 = arith.constant 0 : i32
        %dma_start3A_1834 = tpu.memref_slice %arg10[%dma_start3A_1833] : memref<1000000xf32, #tpu.memory_space<vmem_shared>> -> memref<1000000xf32, #tpu.memory_space<vmem_shared>>
        tpu.enqueue_indirect_dma source(%dma_start3A_1834 : memref<1000000xf32, #tpu.memory_space<vmem_shared>>) target(%dma_start3A_1831 : memref<128xf32, #tpu.memory_space<vmem>>) offsets(%dma_start3A_1832 : memref<128xi32, #tpu.memory_space<vmem>>) semaphore(%arg12 : memref<!tpu.dma_semaphore, #tpu.memory_space<semaphore_mem>>)
        %mul3A_1835 = arith.constant 128 : i32
        %mul3A_1836 = arith.muli %add3A_1504, %mul3A_1835 : i32
        %add3A_1837 = arith.constant 30720 : i32
        %add3A_1838 = arith.addi %add3A_1837, %mul3A_1836 : i32
        %dma_start3A_1839 = arith.constant 30 : i32
        %dma_start3A_1840 = arith.constant 0 : i32
        %dma_start3A_1841 = tpu.memref_slice %arg8[%dma_start3A_1839, %dma_start3A_1840] : memref<50x128xf32, #tpu.memory_space<vmem>> -> memref<1x128xf32, #tpu.memory_space<vmem>>
        %dma_start3A_1842 = tpu.memref_squeeze %dma_start3A_1841 : memref<1x128xf32, #tpu.memory_space<vmem>> -> memref<128xf32, #tpu.memory_space<vmem>>
        %dma_start3A_1843 = tpu.memref_slice %arg6[%add3A_1838] : memref<51200xi32, #tpu.memory_space<vmem>> -> memref<128xi32, #tpu.memory_space<vmem>>
        %dma_start3A_1844 = arith.constant 0 : i32
        %dma_start3A_1845 = tpu.memref_slice %arg10[%dma_start3A_1844] : memref<1000000xf32, #tpu.memory_space<vmem_shared>> -> memref<1000000xf32, #tpu.memory_space<vmem_shared>>
        tpu.enqueue_indirect_dma source(%dma_start3A_1845 : memref<1000000xf32, #tpu.memory_space<vmem_shared>>) target(%dma_start3A_1842 : memref<128xf32, #tpu.memory_space<vmem>>) offsets(%dma_start3A_1843 : memref<128xi32, #tpu.memory_space<vmem>>) semaphore(%arg12 : memref<!tpu.dma_semaphore, #tpu.memory_space<semaphore_mem>>)
        %mul3A_1846 = arith.constant 128 : i32
        %mul3A_1847 = arith.muli %add3A_1504, %mul3A_1846 : i32
        %add3A_1848 = arith.constant 31744 : i32
        %add3A_1849 = arith.addi %add3A_1848, %mul3A_1847 : i32
        %dma_start3A_1850 = arith.constant 31 : i32
        %dma_start3A_1851 = arith.constant 0 : i32
        %dma_start3A_1852 = tpu.memref_slice %arg8[%dma_start3A_1850, %dma_start3A_1851] : memref<50x128xf32, #tpu.memory_space<vmem>> -> memref<1x128xf32, #tpu.memory_space<vmem>>
        %dma_start3A_1853 = tpu.memref_squeeze %dma_start3A_1852 : memref<1x128xf32, #tpu.memory_space<vmem>> -> memref<128xf32, #tpu.memory_space<vmem>>
        %dma_start3A_1854 = tpu.memref_slice %arg6[%add3A_1849] : memref<51200xi32, #tpu.memory_space<vmem>> -> memref<128xi32, #tpu.memory_space<vmem>>
        %dma_start3A_1855 = arith.constant 0 : i32
        %dma_start3A_1856 = tpu.memref_slice %arg10[%dma_start3A_1855] : memref<1000000xf32, #tpu.memory_space<vmem_shared>> -> memref<1000000xf32, #tpu.memory_space<vmem_shared>>
        tpu.enqueue_indirect_dma source(%dma_start3A_1856 : memref<1000000xf32, #tpu.memory_space<vmem_shared>>) target(%dma_start3A_1853 : memref<128xf32, #tpu.memory_space<vmem>>) offsets(%dma_start3A_1854 : memref<128xi32, #tpu.memory_space<vmem>>) semaphore(%arg12 : memref<!tpu.dma_semaphore, #tpu.memory_space<semaphore_mem>>)
        %mul3A_1857 = arith.constant 128 : i32
        %mul3A_1858 = arith.muli %add3A_1504, %mul3A_1857 : i32
        %add3A_1859 = arith.constant 32768 : i32
        %add3A_1860 = arith.addi %add3A_1859, %mul3A_1858 : i32
        %dma_start3A_1861 = arith.constant 32 : i32
        %dma_start3A_1862 = arith.constant 0 : i32
        %dma_start3A_1863 = tpu.memref_slice %arg8[%dma_start3A_1861, %dma_start3A_1862] : memref<50x128xf32, #tpu.memory_space<vmem>> -> memref<1x128xf32, #tpu.memory_space<vmem>>
        %dma_start3A_1864 = tpu.memref_squeeze %dma_start3A_1863 : memref<1x128xf32, #tpu.memory_space<vmem>> -> memref<128xf32, #tpu.memory_space<vmem>>
        %dma_start3A_1865 = tpu.memref_slice %arg6[%add3A_1860] : memref<51200xi32, #tpu.memory_space<vmem>> -> memref<128xi32, #tpu.memory_space<vmem>>
        %dma_start3A_1866 = arith.constant 0 : i32
        %dma_start3A_1867 = tpu.memref_slice %arg10[%dma_start3A_1866] : memref<1000000xf32, #tpu.memory_space<vmem_shared>> -> memref<1000000xf32, #tpu.memory_space<vmem_shared>>
        tpu.enqueue_indirect_dma source(%dma_start3A_1867 : memref<1000000xf32, #tpu.memory_space<vmem_shared>>) target(%dma_start3A_1864 : memref<128xf32, #tpu.memory_space<vmem>>) offsets(%dma_start3A_1865 : memref<128xi32, #tpu.memory_space<vmem>>) semaphore(%arg12 : memref<!tpu.dma_semaphore, #tpu.memory_space<semaphore_mem>>)
        %mul3A_1868 = arith.constant 128 : i32
        %mul3A_1869 = arith.muli %add3A_1504, %mul3A_1868 : i32
        %add3A_1870 = arith.constant 33792 : i32
        %add3A_1871 = arith.addi %add3A_1870, %mul3A_1869 : i32
        %dma_start3A_1872 = arith.constant 33 : i32
        %dma_start3A_1873 = arith.constant 0 : i32
        %dma_start3A_1874 = tpu.memref_slice %arg8[%dma_start3A_1872, %dma_start3A_1873] : memref<50x128xf32, #tpu.memory_space<vmem>> -> memref<1x128xf32, #tpu.memory_space<vmem>>
        %dma_start3A_1875 = tpu.memref_squeeze %dma_start3A_1874 : memref<1x128xf32, #tpu.memory_space<vmem>> -> memref<128xf32, #tpu.memory_space<vmem>>
        %dma_start3A_1876 = tpu.memref_slice %arg6[%add3A_1871] : memref<51200xi32, #tpu.memory_space<vmem>> -> memref<128xi32, #tpu.memory_space<vmem>>
        %dma_start3A_1877 = arith.constant 0 : i32
        %dma_start3A_1878 = tpu.memref_slice %arg10[%dma_start3A_1877] : memref<1000000xf32, #tpu.memory_space<vmem_shared>> -> memref<1000000xf32, #tpu.memory_space<vmem_shared>>
        tpu.enqueue_indirect_dma source(%dma_start3A_1878 : memref<1000000xf32, #tpu.memory_space<vmem_shared>>) target(%dma_start3A_1875 : memref<128xf32, #tpu.memory_space<vmem>>) offsets(%dma_start3A_1876 : memref<128xi32, #tpu.memory_space<vmem>>) semaphore(%arg12 : memref<!tpu.dma_semaphore, #tpu.memory_space<semaphore_mem>>)
        %mul3A_1879 = arith.constant 128 : i32
        %mul3A_1880 = arith.muli %add3A_1504, %mul3A_1879 : i32
        %add3A_1881 = arith.constant 34816 : i32
        %add3A_1882 = arith.addi %add3A_1881, %mul3A_1880 : i32
        %dma_start3A_1883 = arith.constant 34 : i32
        %dma_start3A_1884 = arith.constant 0 : i32
        %dma_start3A_1885 = tpu.memref_slice %arg8[%dma_start3A_1883, %dma_start3A_1884] : memref<50x128xf32, #tpu.memory_space<vmem>> -> memref<1x128xf32, #tpu.memory_space<vmem>>
        %dma_start3A_1886 = tpu.memref_squeeze %dma_start3A_1885 : memref<1x128xf32, #tpu.memory_space<vmem>> -> memref<128xf32, #tpu.memory_space<vmem>>
        %dma_start3A_1887 = tpu.memref_slice %arg6[%add3A_1882] : memref<51200xi32, #tpu.memory_space<vmem>> -> memref<128xi32, #tpu.memory_space<vmem>>
        %dma_start3A_1888 = arith.constant 0 : i32
        %dma_start3A_1889 = tpu.memref_slice %arg10[%dma_start3A_1888] : memref<1000000xf32, #tpu.memory_space<vmem_shared>> -> memref<1000000xf32, #tpu.memory_space<vmem_shared>>
        tpu.enqueue_indirect_dma source(%dma_start3A_1889 : memref<1000000xf32, #tpu.memory_space<vmem_shared>>) target(%dma_start3A_1886 : memref<128xf32, #tpu.memory_space<vmem>>) offsets(%dma_start3A_1887 : memref<128xi32, #tpu.memory_space<vmem>>) semaphore(%arg12 : memref<!tpu.dma_semaphore, #tpu.memory_space<semaphore_mem>>)
        %mul3A_1890 = arith.constant 128 : i32
        %mul3A_1891 = arith.muli %add3A_1504, %mul3A_1890 : i32
        %add3A_1892 = arith.constant 35840 : i32
        %add3A_1893 = arith.addi %add3A_1892, %mul3A_1891 : i32
        %dma_start3A_1894 = arith.constant 35 : i32
        %dma_start3A_1895 = arith.constant 0 : i32
        %dma_start3A_1896 = tpu.memref_slice %arg8[%dma_start3A_1894, %dma_start3A_1895] : memref<50x128xf32, #tpu.memory_space<vmem>> -> memref<1x128xf32, #tpu.memory_space<vmem>>
        %dma_start3A_1897 = tpu.memref_squeeze %dma_start3A_1896 : memref<1x128xf32, #tpu.memory_space<vmem>> -> memref<128xf32, #tpu.memory_space<vmem>>
        %dma_start3A_1898 = tpu.memref_slice %arg6[%add3A_1893] : memref<51200xi32, #tpu.memory_space<vmem>> -> memref<128xi32, #tpu.memory_space<vmem>>
        %dma_start3A_1899 = arith.constant 0 : i32
        %dma_start3A_1900 = tpu.memref_slice %arg10[%dma_start3A_1899] : memref<1000000xf32, #tpu.memory_space<vmem_shared>> -> memref<1000000xf32, #tpu.memory_space<vmem_shared>>
        tpu.enqueue_indirect_dma source(%dma_start3A_1900 : memref<1000000xf32, #tpu.memory_space<vmem_shared>>) target(%dma_start3A_1897 : memref<128xf32, #tpu.memory_space<vmem>>) offsets(%dma_start3A_1898 : memref<128xi32, #tpu.memory_space<vmem>>) semaphore(%arg12 : memref<!tpu.dma_semaphore, #tpu.memory_space<semaphore_mem>>)
        %mul3A_1901 = arith.constant 128 : i32
        %mul3A_1902 = arith.muli %add3A_1504, %mul3A_1901 : i32
        %add3A_1903 = arith.constant 36864 : i32
        %add3A_1904 = arith.addi %add3A_1903, %mul3A_1902 : i32
        %dma_start3A_1905 = arith.constant 36 : i32
        %dma_start3A_1906 = arith.constant 0 : i32
        %dma_start3A_1907 = tpu.memref_slice %arg8[%dma_start3A_1905, %dma_start3A_1906] : memref<50x128xf32, #tpu.memory_space<vmem>> -> memref<1x128xf32, #tpu.memory_space<vmem>>
        %dma_start3A_1908 = tpu.memref_squeeze %dma_start3A_1907 : memref<1x128xf32, #tpu.memory_space<vmem>> -> memref<128xf32, #tpu.memory_space<vmem>>
        %dma_start3A_1909 = tpu.memref_slice %arg6[%add3A_1904] : memref<51200xi32, #tpu.memory_space<vmem>> -> memref<128xi32, #tpu.memory_space<vmem>>
        %dma_start3A_1910 = arith.constant 0 : i32
        %dma_start3A_1911 = tpu.memref_slice %arg10[%dma_start3A_1910] : memref<1000000xf32, #tpu.memory_space<vmem_shared>> -> memref<1000000xf32, #tpu.memory_space<vmem_shared>>
        tpu.enqueue_indirect_dma source(%dma_start3A_1911 : memref<1000000xf32, #tpu.memory_space<vmem_shared>>) target(%dma_start3A_1908 : memref<128xf32, #tpu.memory_space<vmem>>) offsets(%dma_start3A_1909 : memref<128xi32, #tpu.memory_space<vmem>>) semaphore(%arg12 : memref<!tpu.dma_semaphore, #tpu.memory_space<semaphore_mem>>)
        %mul3A_1912 = arith.constant 128 : i32
        %mul3A_1913 = arith.muli %add3A_1504, %mul3A_1912 : i32
        %add3A_1914 = arith.constant 37888 : i32
        %add3A_1915 = arith.addi %add3A_1914, %mul3A_1913 : i32
        %dma_start3A_1916 = arith.constant 37 : i32
        %dma_start3A_1917 = arith.constant 0 : i32
        %dma_start3A_1918 = tpu.memref_slice %arg8[%dma_start3A_1916, %dma_start3A_1917] : memref<50x128xf32, #tpu.memory_space<vmem>> -> memref<1x128xf32, #tpu.memory_space<vmem>>
        %dma_start3A_1919 = tpu.memref_squeeze %dma_start3A_1918 : memref<1x128xf32, #tpu.memory_space<vmem>> -> memref<128xf32, #tpu.memory_space<vmem>>
        %dma_start3A_1920 = tpu.memref_slice %arg6[%add3A_1915] : memref<51200xi32, #tpu.memory_space<vmem>> -> memref<128xi32, #tpu.memory_space<vmem>>
        %dma_start3A_1921 = arith.constant 0 : i32
        %dma_start3A_1922 = tpu.memref_slice %arg10[%dma_start3A_1921] : memref<1000000xf32, #tpu.memory_space<vmem_shared>> -> memref<1000000xf32, #tpu.memory_space<vmem_shared>>
        tpu.enqueue_indirect_dma source(%dma_start3A_1922 : memref<1000000xf32, #tpu.memory_space<vmem_shared>>) target(%dma_start3A_1919 : memref<128xf32, #tpu.memory_space<vmem>>) offsets(%dma_start3A_1920 : memref<128xi32, #tpu.memory_space<vmem>>) semaphore(%arg12 : memref<!tpu.dma_semaphore, #tpu.memory_space<semaphore_mem>>)
        %mul3A_1923 = arith.constant 128 : i32
        %mul3A_1924 = arith.muli %add3A_1504, %mul3A_1923 : i32
        %add3A_1925 = arith.constant 38912 : i32
        %add3A_1926 = arith.addi %add3A_1925, %mul3A_1924 : i32
        %dma_start3A_1927 = arith.constant 38 : i32
        %dma_start3A_1928 = arith.constant 0 : i32
        %dma_start3A_1929 = tpu.memref_slice %arg8[%dma_start3A_1927, %dma_start3A_1928] : memref<50x128xf32, #tpu.memory_space<vmem>> -> memref<1x128xf32, #tpu.memory_space<vmem>>
        %dma_start3A_1930 = tpu.memref_squeeze %dma_start3A_1929 : memref<1x128xf32, #tpu.memory_space<vmem>> -> memref<128xf32, #tpu.memory_space<vmem>>
        %dma_start3A_1931 = tpu.memref_slice %arg6[%add3A_1926] : memref<51200xi32, #tpu.memory_space<vmem>> -> memref<128xi32, #tpu.memory_space<vmem>>
        %dma_start3A_1932 = arith.constant 0 : i32
        %dma_start3A_1933 = tpu.memref_slice %arg10[%dma_start3A_1932] : memref<1000000xf32, #tpu.memory_space<vmem_shared>> -> memref<1000000xf32, #tpu.memory_space<vmem_shared>>
        tpu.enqueue_indirect_dma source(%dma_start3A_1933 : memref<1000000xf32, #tpu.memory_space<vmem_shared>>) target(%dma_start3A_1930 : memref<128xf32, #tpu.memory_space<vmem>>) offsets(%dma_start3A_1931 : memref<128xi32, #tpu.memory_space<vmem>>) semaphore(%arg12 : memref<!tpu.dma_semaphore, #tpu.memory_space<semaphore_mem>>)
        %mul3A_1934 = arith.constant 128 : i32
        %mul3A_1935 = arith.muli %add3A_1504, %mul3A_1934 : i32
        %add3A_1936 = arith.constant 39936 : i32
        %add3A_1937 = arith.addi %add3A_1936, %mul3A_1935 : i32
        %dma_start3A_1938 = arith.constant 39 : i32
        %dma_start3A_1939 = arith.constant 0 : i32
        %dma_start3A_1940 = tpu.memref_slice %arg8[%dma_start3A_1938, %dma_start3A_1939] : memref<50x128xf32, #tpu.memory_space<vmem>> -> memref<1x128xf32, #tpu.memory_space<vmem>>
        %dma_start3A_1941 = tpu.memref_squeeze %dma_start3A_1940 : memref<1x128xf32, #tpu.memory_space<vmem>> -> memref<128xf32, #tpu.memory_space<vmem>>
        %dma_start3A_1942 = tpu.memref_slice %arg6[%add3A_1937] : memref<51200xi32, #tpu.memory_space<vmem>> -> memref<128xi32, #tpu.memory_space<vmem>>
        %dma_start3A_1943 = arith.constant 0 : i32
        %dma_start3A_1944 = tpu.memref_slice %arg10[%dma_start3A_1943] : memref<1000000xf32, #tpu.memory_space<vmem_shared>> -> memref<1000000xf32, #tpu.memory_space<vmem_shared>>
        tpu.enqueue_indirect_dma source(%dma_start3A_1944 : memref<1000000xf32, #tpu.memory_space<vmem_shared>>) target(%dma_start3A_1941 : memref<128xf32, #tpu.memory_space<vmem>>) offsets(%dma_start3A_1942 : memref<128xi32, #tpu.memory_space<vmem>>) semaphore(%arg12 : memref<!tpu.dma_semaphore, #tpu.memory_space<semaphore_mem>>)
        %mul3A_1945 = arith.constant 128 : i32
        %mul3A_1946 = arith.muli %add3A_1504, %mul3A_1945 : i32
        %add3A_1947 = arith.constant 40960 : i32
        %add3A_1948 = arith.addi %add3A_1947, %mul3A_1946 : i32
        %dma_start3A_1949 = arith.constant 40 : i32
        %dma_start3A_1950 = arith.constant 0 : i32
        %dma_start3A_1951 = tpu.memref_slice %arg8[%dma_start3A_1949, %dma_start3A_1950] : memref<50x128xf32, #tpu.memory_space<vmem>> -> memref<1x128xf32, #tpu.memory_space<vmem>>
        %dma_start3A_1952 = tpu.memref_squeeze %dma_start3A_1951 : memref<1x128xf32, #tpu.memory_space<vmem>> -> memref<128xf32, #tpu.memory_space<vmem>>
        %dma_start3A_1953 = tpu.memref_slice %arg6[%add3A_1948] : memref<51200xi32, #tpu.memory_space<vmem>> -> memref<128xi32, #tpu.memory_space<vmem>>
        %dma_start3A_1954 = arith.constant 0 : i32
        %dma_start3A_1955 = tpu.memref_slice %arg10[%dma_start3A_1954] : memref<1000000xf32, #tpu.memory_space<vmem_shared>> -> memref<1000000xf32, #tpu.memory_space<vmem_shared>>
        tpu.enqueue_indirect_dma source(%dma_start3A_1955 : memref<1000000xf32, #tpu.memory_space<vmem_shared>>) target(%dma_start3A_1952 : memref<128xf32, #tpu.memory_space<vmem>>) offsets(%dma_start3A_1953 : memref<128xi32, #tpu.memory_space<vmem>>) semaphore(%arg12 : memref<!tpu.dma_semaphore, #tpu.memory_space<semaphore_mem>>)
        %mul3A_1956 = arith.constant 128 : i32
        %mul3A_1957 = arith.muli %add3A_1504, %mul3A_1956 : i32
        %add3A_1958 = arith.constant 41984 : i32
        %add3A_1959 = arith.addi %add3A_1958, %mul3A_1957 : i32
        %dma_start3A_1960 = arith.constant 41 : i32
        %dma_start3A_1961 = arith.constant 0 : i32
        %dma_start3A_1962 = tpu.memref_slice %arg8[%dma_start3A_1960, %dma_start3A_1961] : memref<50x128xf32, #tpu.memory_space<vmem>> -> memref<1x128xf32, #tpu.memory_space<vmem>>
        %dma_start3A_1963 = tpu.memref_squeeze %dma_start3A_1962 : memref<1x128xf32, #tpu.memory_space<vmem>> -> memref<128xf32, #tpu.memory_space<vmem>>
        %dma_start3A_1964 = tpu.memref_slice %arg6[%add3A_1959] : memref<51200xi32, #tpu.memory_space<vmem>> -> memref<128xi32, #tpu.memory_space<vmem>>
        %dma_start3A_1965 = arith.constant 0 : i32
        %dma_start3A_1966 = tpu.memref_slice %arg10[%dma_start3A_1965] : memref<1000000xf32, #tpu.memory_space<vmem_shared>> -> memref<1000000xf32, #tpu.memory_space<vmem_shared>>
        tpu.enqueue_indirect_dma source(%dma_start3A_1966 : memref<1000000xf32, #tpu.memory_space<vmem_shared>>) target(%dma_start3A_1963 : memref<128xf32, #tpu.memory_space<vmem>>) offsets(%dma_start3A_1964 : memref<128xi32, #tpu.memory_space<vmem>>) semaphore(%arg12 : memref<!tpu.dma_semaphore, #tpu.memory_space<semaphore_mem>>)
        %mul3A_1967 = arith.constant 128 : i32
        %mul3A_1968 = arith.muli %add3A_1504, %mul3A_1967 : i32
        %add3A_1969 = arith.constant 43008 : i32
        %add3A_1970 = arith.addi %add3A_1969, %mul3A_1968 : i32
        %dma_start3A_1971 = arith.constant 42 : i32
        %dma_start3A_1972 = arith.constant 0 : i32
        %dma_start3A_1973 = tpu.memref_slice %arg8[%dma_start3A_1971, %dma_start3A_1972] : memref<50x128xf32, #tpu.memory_space<vmem>> -> memref<1x128xf32, #tpu.memory_space<vmem>>
        %dma_start3A_1974 = tpu.memref_squeeze %dma_start3A_1973 : memref<1x128xf32, #tpu.memory_space<vmem>> -> memref<128xf32, #tpu.memory_space<vmem>>
        %dma_start3A_1975 = tpu.memref_slice %arg6[%add3A_1970] : memref<51200xi32, #tpu.memory_space<vmem>> -> memref<128xi32, #tpu.memory_space<vmem>>
        %dma_start3A_1976 = arith.constant 0 : i32
        %dma_start3A_1977 = tpu.memref_slice %arg10[%dma_start3A_1976] : memref<1000000xf32, #tpu.memory_space<vmem_shared>> -> memref<1000000xf32, #tpu.memory_space<vmem_shared>>
        tpu.enqueue_indirect_dma source(%dma_start3A_1977 : memref<1000000xf32, #tpu.memory_space<vmem_shared>>) target(%dma_start3A_1974 : memref<128xf32, #tpu.memory_space<vmem>>) offsets(%dma_start3A_1975 : memref<128xi32, #tpu.memory_space<vmem>>) semaphore(%arg12 : memref<!tpu.dma_semaphore, #tpu.memory_space<semaphore_mem>>)
        %mul3A_1978 = arith.constant 128 : i32
        %mul3A_1979 = arith.muli %add3A_1504, %mul3A_1978 : i32
        %add3A_1980 = arith.constant 44032 : i32
        %add3A_1981 = arith.addi %add3A_1980, %mul3A_1979 : i32
        %dma_start3A_1982 = arith.constant 43 : i32
        %dma_start3A_1983 = arith.constant 0 : i32
        %dma_start3A_1984 = tpu.memref_slice %arg8[%dma_start3A_1982, %dma_start3A_1983] : memref<50x128xf32, #tpu.memory_space<vmem>> -> memref<1x128xf32, #tpu.memory_space<vmem>>
        %dma_start3A_1985 = tpu.memref_squeeze %dma_start3A_1984 : memref<1x128xf32, #tpu.memory_space<vmem>> -> memref<128xf32, #tpu.memory_space<vmem>>
        %dma_start3A_1986 = tpu.memref_slice %arg6[%add3A_1981] : memref<51200xi32, #tpu.memory_space<vmem>> -> memref<128xi32, #tpu.memory_space<vmem>>
        %dma_start3A_1987 = arith.constant 0 : i32
        %dma_start3A_1988 = tpu.memref_slice %arg10[%dma_start3A_1987] : memref<1000000xf32, #tpu.memory_space<vmem_shared>> -> memref<1000000xf32, #tpu.memory_space<vmem_shared>>
        tpu.enqueue_indirect_dma source(%dma_start3A_1988 : memref<1000000xf32, #tpu.memory_space<vmem_shared>>) target(%dma_start3A_1985 : memref<128xf32, #tpu.memory_space<vmem>>) offsets(%dma_start3A_1986 : memref<128xi32, #tpu.memory_space<vmem>>) semaphore(%arg12 : memref<!tpu.dma_semaphore, #tpu.memory_space<semaphore_mem>>)
        %mul3A_1989 = arith.constant 128 : i32
        %mul3A_1990 = arith.muli %add3A_1504, %mul3A_1989 : i32
        %add3A_1991 = arith.constant 45056 : i32
        %add3A_1992 = arith.addi %add3A_1991, %mul3A_1990 : i32
        %dma_start3A_1993 = arith.constant 44 : i32
        %dma_start3A_1994 = arith.constant 0 : i32
        %dma_start3A_1995 = tpu.memref_slice %arg8[%dma_start3A_1993, %dma_start3A_1994] : memref<50x128xf32, #tpu.memory_space<vmem>> -> memref<1x128xf32, #tpu.memory_space<vmem>>
        %dma_start3A_1996 = tpu.memref_squeeze %dma_start3A_1995 : memref<1x128xf32, #tpu.memory_space<vmem>> -> memref<128xf32, #tpu.memory_space<vmem>>
        %dma_start3A_1997 = tpu.memref_slice %arg6[%add3A_1992] : memref<51200xi32, #tpu.memory_space<vmem>> -> memref<128xi32, #tpu.memory_space<vmem>>
        %dma_start3A_1998 = arith.constant 0 : i32
        %dma_start3A_1999 = tpu.memref_slice %arg10[%dma_start3A_1998] : memref<1000000xf32, #tpu.memory_space<vmem_shared>> -> memref<1000000xf32, #tpu.memory_space<vmem_shared>>
        tpu.enqueue_indirect_dma source(%dma_start3A_1999 : memref<1000000xf32, #tpu.memory_space<vmem_shared>>) target(%dma_start3A_1996 : memref<128xf32, #tpu.memory_space<vmem>>) offsets(%dma_start3A_1997 : memref<128xi32, #tpu.memory_space<vmem>>) semaphore(%arg12 : memref<!tpu.dma_semaphore, #tpu.memory_space<semaphore_mem>>)
        %mul3A_2000 = arith.constant 128 : i32
        %mul3A_2001 = arith.muli %add3A_1504, %mul3A_2000 : i32
        %add3A_2002 = arith.constant 46080 : i32
        %add3A_2003 = arith.addi %add3A_2002, %mul3A_2001 : i32
        %dma_start3A_2004 = arith.constant 45 : i32
        %dma_start3A_2005 = arith.constant 0 : i32
        %dma_start3A_2006 = tpu.memref_slice %arg8[%dma_start3A_2004, %dma_start3A_2005] : memref<50x128xf32, #tpu.memory_space<vmem>> -> memref<1x128xf32, #tpu.memory_space<vmem>>
        %dma_start3A_2007 = tpu.memref_squeeze %dma_start3A_2006 : memref<1x128xf32, #tpu.memory_space<vmem>> -> memref<128xf32, #tpu.memory_space<vmem>>
        %dma_start3A_2008 = tpu.memref_slice %arg6[%add3A_2003] : memref<51200xi32, #tpu.memory_space<vmem>> -> memref<128xi32, #tpu.memory_space<vmem>>
        %dma_start3A_2009 = arith.constant 0 : i32
        %dma_start3A_2010 = tpu.memref_slice %arg10[%dma_start3A_2009] : memref<1000000xf32, #tpu.memory_space<vmem_shared>> -> memref<1000000xf32, #tpu.memory_space<vmem_shared>>
        tpu.enqueue_indirect_dma source(%dma_start3A_2010 : memref<1000000xf32, #tpu.memory_space<vmem_shared>>) target(%dma_start3A_2007 : memref<128xf32, #tpu.memory_space<vmem>>) offsets(%dma_start3A_2008 : memref<128xi32, #tpu.memory_space<vmem>>) semaphore(%arg12 : memref<!tpu.dma_semaphore, #tpu.memory_space<semaphore_mem>>)
        %mul3A_2011 = arith.constant 128 : i32
        %mul3A_2012 = arith.muli %add3A_1504, %mul3A_2011 : i32
        %add3A_2013 = arith.constant 47104 : i32
        %add3A_2014 = arith.addi %add3A_2013, %mul3A_2012 : i32
        %dma_start3A_2015 = arith.constant 46 : i32
        %dma_start3A_2016 = arith.constant 0 : i32
        %dma_start3A_2017 = tpu.memref_slice %arg8[%dma_start3A_2015, %dma_start3A_2016] : memref<50x128xf32, #tpu.memory_space<vmem>> -> memref<1x128xf32, #tpu.memory_space<vmem>>
        %dma_start3A_2018 = tpu.memref_squeeze %dma_start3A_2017 : memref<1x128xf32, #tpu.memory_space<vmem>> -> memref<128xf32, #tpu.memory_space<vmem>>
        %dma_start3A_2019 = tpu.memref_slice %arg6[%add3A_2014] : memref<51200xi32, #tpu.memory_space<vmem>> -> memref<128xi32, #tpu.memory_space<vmem>>
        %dma_start3A_2020 = arith.constant 0 : i32
        %dma_start3A_2021 = tpu.memref_slice %arg10[%dma_start3A_2020] : memref<1000000xf32, #tpu.memory_space<vmem_shared>> -> memref<1000000xf32, #tpu.memory_space<vmem_shared>>
        tpu.enqueue_indirect_dma source(%dma_start3A_2021 : memref<1000000xf32, #tpu.memory_space<vmem_shared>>) target(%dma_start3A_2018 : memref<128xf32, #tpu.memory_space<vmem>>) offsets(%dma_start3A_2019 : memref<128xi32, #tpu.memory_space<vmem>>) semaphore(%arg12 : memref<!tpu.dma_semaphore, #tpu.memory_space<semaphore_mem>>)
        %mul3A_2022 = arith.constant 128 : i32
        %mul3A_2023 = arith.muli %add3A_1504, %mul3A_2022 : i32
        %add3A_2024 = arith.constant 48128 : i32
        %add3A_2025 = arith.addi %add3A_2024, %mul3A_2023 : i32
        %dma_start3A_2026 = arith.constant 47 : i32
        %dma_start3A_2027 = arith.constant 0 : i32
        %dma_start3A_2028 = tpu.memref_slice %arg8[%dma_start3A_2026, %dma_start3A_2027] : memref<50x128xf32, #tpu.memory_space<vmem>> -> memref<1x128xf32, #tpu.memory_space<vmem>>
        %dma_start3A_2029 = tpu.memref_squeeze %dma_start3A_2028 : memref<1x128xf32, #tpu.memory_space<vmem>> -> memref<128xf32, #tpu.memory_space<vmem>>
        %dma_start3A_2030 = tpu.memref_slice %arg6[%add3A_2025] : memref<51200xi32, #tpu.memory_space<vmem>> -> memref<128xi32, #tpu.memory_space<vmem>>
        %dma_start3A_2031 = arith.constant 0 : i32
        %dma_start3A_2032 = tpu.memref_slice %arg10[%dma_start3A_2031] : memref<1000000xf32, #tpu.memory_space<vmem_shared>> -> memref<1000000xf32, #tpu.memory_space<vmem_shared>>
        tpu.enqueue_indirect_dma source(%dma_start3A_2032 : memref<1000000xf32, #tpu.memory_space<vmem_shared>>) target(%dma_start3A_2029 : memref<128xf32, #tpu.memory_space<vmem>>) offsets(%dma_start3A_2030 : memref<128xi32, #tpu.memory_space<vmem>>) semaphore(%arg12 : memref<!tpu.dma_semaphore, #tpu.memory_space<semaphore_mem>>)
        %mul3A_2033 = arith.constant 128 : i32
        %mul3A_2034 = arith.muli %add3A_1504, %mul3A_2033 : i32
        %add3A_2035 = arith.constant 49152 : i32
        %add3A_2036 = arith.addi %add3A_2035, %mul3A_2034 : i32
        %dma_start3A_2037 = arith.constant 48 : i32
        %dma_start3A_2038 = arith.constant 0 : i32
        %dma_start3A_2039 = tpu.memref_slice %arg8[%dma_start3A_2037, %dma_start3A_2038] : memref<50x128xf32, #tpu.memory_space<vmem>> -> memref<1x128xf32, #tpu.memory_space<vmem>>
        %dma_start3A_2040 = tpu.memref_squeeze %dma_start3A_2039 : memref<1x128xf32, #tpu.memory_space<vmem>> -> memref<128xf32, #tpu.memory_space<vmem>>
        %dma_start3A_2041 = tpu.memref_slice %arg6[%add3A_2036] : memref<51200xi32, #tpu.memory_space<vmem>> -> memref<128xi32, #tpu.memory_space<vmem>>
        %dma_start3A_2042 = arith.constant 0 : i32
        %dma_start3A_2043 = tpu.memref_slice %arg10[%dma_start3A_2042] : memref<1000000xf32, #tpu.memory_space<vmem_shared>> -> memref<1000000xf32, #tpu.memory_space<vmem_shared>>
        tpu.enqueue_indirect_dma source(%dma_start3A_2043 : memref<1000000xf32, #tpu.memory_space<vmem_shared>>) target(%dma_start3A_2040 : memref<128xf32, #tpu.memory_space<vmem>>) offsets(%dma_start3A_2041 : memref<128xi32, #tpu.memory_space<vmem>>) semaphore(%arg12 : memref<!tpu.dma_semaphore, #tpu.memory_space<semaphore_mem>>)
        %mul3A_2044 = arith.constant 128 : i32
        %mul3A_2045 = arith.muli %add3A_1504, %mul3A_2044 : i32
        %add3A_2046 = arith.constant 50176 : i32
        %add3A_2047 = arith.addi %add3A_2046, %mul3A_2045 : i32
        %dma_start3A_2048 = arith.constant 49 : i32
        %dma_start3A_2049 = arith.constant 0 : i32
        %dma_start3A_2050 = tpu.memref_slice %arg8[%dma_start3A_2048, %dma_start3A_2049] : memref<50x128xf32, #tpu.memory_space<vmem>> -> memref<1x128xf32, #tpu.memory_space<vmem>>
        %dma_start3A_2051 = tpu.memref_squeeze %dma_start3A_2050 : memref<1x128xf32, #tpu.memory_space<vmem>> -> memref<128xf32, #tpu.memory_space<vmem>>
        %dma_start3A_2052 = tpu.memref_slice %arg6[%add3A_2047] : memref<51200xi32, #tpu.memory_space<vmem>> -> memref<128xi32, #tpu.memory_space<vmem>>
        %dma_start3A_2053 = arith.constant 0 : i32
        %dma_start3A_2054 = tpu.memref_slice %arg10[%dma_start3A_2053] : memref<1000000xf32, #tpu.memory_space<vmem_shared>> -> memref<1000000xf32, #tpu.memory_space<vmem_shared>>
        tpu.enqueue_indirect_dma source(%dma_start3A_2054 : memref<1000000xf32, #tpu.memory_space<vmem_shared>>) target(%dma_start3A_2051 : memref<128xf32, #tpu.memory_space<vmem>>) offsets(%dma_start3A_2052 : memref<128xi32, #tpu.memory_space<vmem>>) semaphore(%arg12 : memref<!tpu.dma_semaphore, #tpu.memory_space<semaphore_mem>>)
        %dma_wait3A_2055 = arith.constant 0 : i32
        %dma_wait3A_2056 = arith.constant 0 : i32
        %dma_wait3A_2057 = arith.constant 0 : i32
        %dma_wait3A_2058 = arith.constant 0 : i32
        %dma_wait3A_2059 = arith.constant 0 : i32
        %dma_wait3A_2060 = tpu.memref_slice %arg5[%dma_wait3A_2058, %dma_wait3A_2055, %dma_wait3A_2056, %dma_wait3A_2057, %dma_wait3A_2059] : memref<50x8x128x8x128xf32, #tpu.memory_space<hbm>> -> memref<50x1x1x1x128xf32, #tpu.memory_space<hbm>>
        %dma_wait3A_2061 = tpu.memref_squeeze %dma_wait3A_2060 : memref<50x1x1x1x128xf32, #tpu.memory_space<hbm>> -> memref<50x128xf32, #tpu.memory_space<hbm>>
        %dma_wait3A_2062 = arith.constant 0 : i32
        %dma_wait3A_2063 = arith.constant 0 : i32
        %dma_wait3A_2064 = tpu.memref_slice %arg5[%dma_wait3A_2062, %dma_wait3A_2055, %dma_wait3A_2056, %dma_wait3A_2057, %dma_wait3A_2063] : memref<50x8x128x8x128xf32, #tpu.memory_space<hbm>> -> memref<50x1x1x1x128xf32, #tpu.memory_space<hbm>>
        %dma_wait3A_2065 = tpu.memref_squeeze %dma_wait3A_2064 : memref<50x1x1x1x128xf32, #tpu.memory_space<hbm>> -> memref<50x128xf32, #tpu.memory_space<hbm>>
        tpu.wait_dma2 semaphore(%arg11 : memref<!tpu.dma_semaphore, #tpu.memory_space<semaphore_mem>>) src(%dma_wait3A_2065 : memref<50x128xf32, #tpu.memory_space<hbm>>) dst(%arg7 : memref<50x128xf32, #tpu.memory_space<vmem>>)
        %mul3A_2066 = arith.constant 2 : i32
        %mul3A_2067 = arith.muli %mul3A_2066, %scan3A_1495 : i32
        %mul3A_2068 = arith.constant 8 : i32
        %mul3A_2069 = arith.muli %arg1, %mul3A_2068 : i32
        %add3A_2070 = arith.addi %mul3A_2069, %mul3A_2067 : i32
        %dma_start3A_2071 = arith.constant 0 : i32
        %dma_start3A_2072 = arith.constant 0 : i32
        %dma_start3A_2073 = tpu.memref_slice %arg5[%dma_start3A_2071, %select_n3A, %add3A_2070, %select_n3A_1048, %dma_start3A_2072] : memref<50x8x128x8x128xf32, #tpu.memory_space<hbm>> -> memref<50x1x1x1x128xf32, #tpu.memory_space<hbm>>
        %dma_start3A_2074 = tpu.memref_squeeze %dma_start3A_2073 : memref<50x1x1x1x128xf32, #tpu.memory_space<hbm>> -> memref<50x128xf32, #tpu.memory_space<hbm>>
        %dma_start3A_2075 = arith.constant 0 : i32
        %dma_start3A_2076 = arith.constant 0 : i32
        %dma_start3A_2077 = tpu.memref_slice %arg5[%dma_start3A_2075, %select_n3A, %add3A_2070, %select_n3A_1048, %dma_start3A_2076] : memref<50x8x128x8x128xf32, #tpu.memory_space<hbm>> -> memref<50x1x1x1x128xf32, #tpu.memory_space<hbm>>
        %dma_start3A_2078 = tpu.memref_squeeze %dma_start3A_2077 : memref<50x1x1x1x128xf32, #tpu.memory_space<hbm>> -> memref<50x128xf32, #tpu.memory_space<hbm>>
        tpu.enqueue_dma source(%arg7 : memref<50x128xf32, #tpu.memory_space<vmem>>) target(%dma_start3A_2078 : memref<50x128xf32, #tpu.memory_space<hbm>>) target_semaphore(%arg13 : memref<!tpu.dma_semaphore, #tpu.memory_space<semaphore_mem>>)
        %lt3A_2079 = arith.constant 3 : i32
        %lt3A_2080 = arith.cmpi slt, %scan3A_1495, %lt3A_2079 : i32
        %convert_element_type3A_2081 = arith.extui %lt3A_2080 : i1 to i32
        %cond3A_2082 = arith.constant 0 : i32
        %cond3A_2083 = arith.cmpi ne, %convert_element_type3A_2081, %cond3A_2082 : i32
        scf.if %cond3A_2083 {
          %dma_wait3A_2111 = arith.constant 0 : i32
          %dma_wait3A_2112 = arith.constant 0 : i32
          %dma_wait3A_2113 = arith.constant 0 : i32
          %dma_wait3A_2114 = arith.constant 0 : i32
          %dma_wait3A_2115 = arith.constant 0 : i32
          %dma_wait3A_2116 = tpu.memref_slice %arg5[%dma_wait3A_2114, %dma_wait3A_2111, %dma_wait3A_2112, %dma_wait3A_2113, %dma_wait3A_2115] : memref<50x8x128x8x128xf32, #tpu.memory_space<hbm>> -> memref<50x1x1x1x128xf32, #tpu.memory_space<hbm>>
          %dma_wait3A_2117 = tpu.memref_squeeze %dma_wait3A_2116 : memref<50x1x1x1x128xf32, #tpu.memory_space<hbm>> -> memref<50x128xf32, #tpu.memory_space<hbm>>
          %dma_wait3A_2118 = arith.constant 0 : i32
          %dma_wait3A_2119 = arith.constant 0 : i32
          %dma_wait3A_2120 = tpu.memref_slice %arg5[%dma_wait3A_2118, %dma_wait3A_2111, %dma_wait3A_2112, %dma_wait3A_2113, %dma_wait3A_2119] : memref<50x8x128x8x128xf32, #tpu.memory_space<hbm>> -> memref<50x1x1x1x128xf32, #tpu.memory_space<hbm>>
          %dma_wait3A_2121 = tpu.memref_squeeze %dma_wait3A_2120 : memref<50x1x1x1x128xf32, #tpu.memory_space<hbm>> -> memref<50x128xf32, #tpu.memory_space<hbm>>
          tpu.wait_dma2 semaphore(%arg13 : memref<!tpu.dma_semaphore, #tpu.memory_space<semaphore_mem>>) src(%arg7 : memref<50x128xf32, #tpu.memory_space<vmem>>) dst(%dma_wait3A_2121 : memref<50x128xf32, #tpu.memory_space<hbm>>)
          %mul3A_2122 = arith.constant 2 : i32
          %mul3A_2123 = arith.muli %mul3A_2122, %scan3A_1495 : i32
          %add3A_2124 = arith.constant 2 : i32
          %add3A_2125 = arith.addi %mul3A_2123, %add3A_2124 : i32
          %mul3A_2126 = arith.constant 128 : i32
          %mul3A_2127 = arith.muli %add3A_2125, %mul3A_2126 : i32
          %add3A_2128 = arith.constant 0 : i32
          %add3A_2129 = arith.addi %add3A_2128, %mul3A_2127 : i32
          %dma_start3A_2130 = arith.constant 0 : i32
          %dma_start3A_2131 = arith.constant 0 : i32
          %dma_start3A_2132 = tpu.memref_slice %arg7[%dma_start3A_2130, %dma_start3A_2131] : memref<50x128xf32, #tpu.memory_space<vmem>> -> memref<1x128xf32, #tpu.memory_space<vmem>>
          %dma_start3A_2133 = tpu.memref_squeeze %dma_start3A_2132 : memref<1x128xf32, #tpu.memory_space<vmem>> -> memref<128xf32, #tpu.memory_space<vmem>>
          %dma_start3A_2134 = tpu.memref_slice %arg6[%add3A_2129] : memref<51200xi32, #tpu.memory_space<vmem>> -> memref<128xi32, #tpu.memory_space<vmem>>
          %dma_start3A_2135 = arith.constant 0 : i32
          %dma_start3A_2136 = tpu.memref_slice %arg10[%dma_start3A_2135] : memref<1000000xf32, #tpu.memory_space<vmem_shared>> -> memref<1000000xf32, #tpu.memory_space<vmem_shared>>
          tpu.enqueue_indirect_dma source(%dma_start3A_2136 : memref<1000000xf32, #tpu.memory_space<vmem_shared>>) target(%dma_start3A_2133 : memref<128xf32, #tpu.memory_space<vmem>>) offsets(%dma_start3A_2134 : memref<128xi32, #tpu.memory_space<vmem>>) semaphore(%arg11 : memref<!tpu.dma_semaphore, #tpu.memory_space<semaphore_mem>>)
          %mul3A_2137 = arith.constant 128 : i32
          %mul3A_2138 = arith.muli %add3A_2125, %mul3A_2137 : i32
          %add3A_2139 = arith.constant 1024 : i32
          %add3A_2140 = arith.addi %add3A_2139, %mul3A_2138 : i32
          %dma_start3A_2141 = arith.constant 1 : i32
          %dma_start3A_2142 = arith.constant 0 : i32
          %dma_start3A_2143 = tpu.memref_slice %arg7[%dma_start3A_2141, %dma_start3A_2142] : memref<50x128xf32, #tpu.memory_space<vmem>> -> memref<1x128xf32, #tpu.memory_space<vmem>>
          %dma_start3A_2144 = tpu.memref_squeeze %dma_start3A_2143 : memref<1x128xf32, #tpu.memory_space<vmem>> -> memref<128xf32, #tpu.memory_space<vmem>>
          %dma_start3A_2145 = tpu.memref_slice %arg6[%add3A_2140] : memref<51200xi32, #tpu.memory_space<vmem>> -> memref<128xi32, #tpu.memory_space<vmem>>
          %dma_start3A_2146 = arith.constant 0 : i32
          %dma_start3A_2147 = tpu.memref_slice %arg10[%dma_start3A_2146] : memref<1000000xf32, #tpu.memory_space<vmem_shared>> -> memref<1000000xf32, #tpu.memory_space<vmem_shared>>
          tpu.enqueue_indirect_dma source(%dma_start3A_2147 : memref<1000000xf32, #tpu.memory_space<vmem_shared>>) target(%dma_start3A_2144 : memref<128xf32, #tpu.memory_space<vmem>>) offsets(%dma_start3A_2145 : memref<128xi32, #tpu.memory_space<vmem>>) semaphore(%arg11 : memref<!tpu.dma_semaphore, #tpu.memory_space<semaphore_mem>>)
          %mul3A_2148 = arith.constant 128 : i32
          %mul3A_2149 = arith.muli %add3A_2125, %mul3A_2148 : i32
          %add3A_2150 = arith.constant 2048 : i32
          %add3A_2151 = arith.addi %add3A_2150, %mul3A_2149 : i32
          %dma_start3A_2152 = arith.constant 2 : i32
          %dma_start3A_2153 = arith.constant 0 : i32
          %dma_start3A_2154 = tpu.memref_slice %arg7[%dma_start3A_2152, %dma_start3A_2153] : memref<50x128xf32, #tpu.memory_space<vmem>> -> memref<1x128xf32, #tpu.memory_space<vmem>>
          %dma_start3A_2155 = tpu.memref_squeeze %dma_start3A_2154 : memref<1x128xf32, #tpu.memory_space<vmem>> -> memref<128xf32, #tpu.memory_space<vmem>>
          %dma_start3A_2156 = tpu.memref_slice %arg6[%add3A_2151] : memref<51200xi32, #tpu.memory_space<vmem>> -> memref<128xi32, #tpu.memory_space<vmem>>
          %dma_start3A_2157 = arith.constant 0 : i32
          %dma_start3A_2158 = tpu.memref_slice %arg10[%dma_start3A_2157] : memref<1000000xf32, #tpu.memory_space<vmem_shared>> -> memref<1000000xf32, #tpu.memory_space<vmem_shared>>
          tpu.enqueue_indirect_dma source(%dma_start3A_2158 : memref<1000000xf32, #tpu.memory_space<vmem_shared>>) target(%dma_start3A_2155 : memref<128xf32, #tpu.memory_space<vmem>>) offsets(%dma_start3A_2156 : memref<128xi32, #tpu.memory_space<vmem>>) semaphore(%arg11 : memref<!tpu.dma_semaphore, #tpu.memory_space<semaphore_mem>>)
          %mul3A_2159 = arith.constant 128 : i32
          %mul3A_2160 = arith.muli %add3A_2125, %mul3A_2159 : i32
          %add3A_2161 = arith.constant 3072 : i32
          %add3A_2162 = arith.addi %add3A_2161, %mul3A_2160 : i32
          %dma_start3A_2163 = arith.constant 3 : i32
          %dma_start3A_2164 = arith.constant 0 : i32
          %dma_start3A_2165 = tpu.memref_slice %arg7[%dma_start3A_2163, %dma_start3A_2164] : memref<50x128xf32, #tpu.memory_space<vmem>> -> memref<1x128xf32, #tpu.memory_space<vmem>>
          %dma_start3A_2166 = tpu.memref_squeeze %dma_start3A_2165 : memref<1x128xf32, #tpu.memory_space<vmem>> -> memref<128xf32, #tpu.memory_space<vmem>>
          %dma_start3A_2167 = tpu.memref_slice %arg6[%add3A_2162] : memref<51200xi32, #tpu.memory_space<vmem>> -> memref<128xi32, #tpu.memory_space<vmem>>
          %dma_start3A_2168 = arith.constant 0 : i32
          %dma_start3A_2169 = tpu.memref_slice %arg10[%dma_start3A_2168] : memref<1000000xf32, #tpu.memory_space<vmem_shared>> -> memref<1000000xf32, #tpu.memory_space<vmem_shared>>
          tpu.enqueue_indirect_dma source(%dma_start3A_2169 : memref<1000000xf32, #tpu.memory_space<vmem_shared>>) target(%dma_start3A_2166 : memref<128xf32, #tpu.memory_space<vmem>>) offsets(%dma_start3A_2167 : memref<128xi32, #tpu.memory_space<vmem>>) semaphore(%arg11 : memref<!tpu.dma_semaphore, #tpu.memory_space<semaphore_mem>>)
          %mul3A_2170 = arith.constant 128 : i32
          %mul3A_2171 = arith.muli %add3A_2125, %mul3A_2170 : i32
          %add3A_2172 = arith.constant 4096 : i32
          %add3A_2173 = arith.addi %add3A_2172, %mul3A_2171 : i32
          %dma_start3A_2174 = arith.constant 4 : i32
          %dma_start3A_2175 = arith.constant 0 : i32
          %dma_start3A_2176 = tpu.memref_slice %arg7[%dma_start3A_2174, %dma_start3A_2175] : memref<50x128xf32, #tpu.memory_space<vmem>> -> memref<1x128xf32, #tpu.memory_space<vmem>>
          %dma_start3A_2177 = tpu.memref_squeeze %dma_start3A_2176 : memref<1x128xf32, #tpu.memory_space<vmem>> -> memref<128xf32, #tpu.memory_space<vmem>>
          %dma_start3A_2178 = tpu.memref_slice %arg6[%add3A_2173] : memref<51200xi32, #tpu.memory_space<vmem>> -> memref<128xi32, #tpu.memory_space<vmem>>
          %dma_start3A_2179 = arith.constant 0 : i32
          %dma_start3A_2180 = tpu.memref_slice %arg10[%dma_start3A_2179] : memref<1000000xf32, #tpu.memory_space<vmem_shared>> -> memref<1000000xf32, #tpu.memory_space<vmem_shared>>
          tpu.enqueue_indirect_dma source(%dma_start3A_2180 : memref<1000000xf32, #tpu.memory_space<vmem_shared>>) target(%dma_start3A_2177 : memref<128xf32, #tpu.memory_space<vmem>>) offsets(%dma_start3A_2178 : memref<128xi32, #tpu.memory_space<vmem>>) semaphore(%arg11 : memref<!tpu.dma_semaphore, #tpu.memory_space<semaphore_mem>>)
          %mul3A_2181 = arith.constant 128 : i32
          %mul3A_2182 = arith.muli %add3A_2125, %mul3A_2181 : i32
          %add3A_2183 = arith.constant 5120 : i32
          %add3A_2184 = arith.addi %add3A_2183, %mul3A_2182 : i32
          %dma_start3A_2185 = arith.constant 5 : i32
          %dma_start3A_2186 = arith.constant 0 : i32
          %dma_start3A_2187 = tpu.memref_slice %arg7[%dma_start3A_2185, %dma_start3A_2186] : memref<50x128xf32, #tpu.memory_space<vmem>> -> memref<1x128xf32, #tpu.memory_space<vmem>>
          %dma_start3A_2188 = tpu.memref_squeeze %dma_start3A_2187 : memref<1x128xf32, #tpu.memory_space<vmem>> -> memref<128xf32, #tpu.memory_space<vmem>>
          %dma_start3A_2189 = tpu.memref_slice %arg6[%add3A_2184] : memref<51200xi32, #tpu.memory_space<vmem>> -> memref<128xi32, #tpu.memory_space<vmem>>
          %dma_start3A_2190 = arith.constant 0 : i32
          %dma_start3A_2191 = tpu.memref_slice %arg10[%dma_start3A_2190] : memref<1000000xf32, #tpu.memory_space<vmem_shared>> -> memref<1000000xf32, #tpu.memory_space<vmem_shared>>
          tpu.enqueue_indirect_dma source(%dma_start3A_2191 : memref<1000000xf32, #tpu.memory_space<vmem_shared>>) target(%dma_start3A_2188 : memref<128xf32, #tpu.memory_space<vmem>>) offsets(%dma_start3A_2189 : memref<128xi32, #tpu.memory_space<vmem>>) semaphore(%arg11 : memref<!tpu.dma_semaphore, #tpu.memory_space<semaphore_mem>>)
          %mul3A_2192 = arith.constant 128 : i32
          %mul3A_2193 = arith.muli %add3A_2125, %mul3A_2192 : i32
          %add3A_2194 = arith.constant 6144 : i32
          %add3A_2195 = arith.addi %add3A_2194, %mul3A_2193 : i32
          %dma_start3A_2196 = arith.constant 6 : i32
          %dma_start3A_2197 = arith.constant 0 : i32
          %dma_start3A_2198 = tpu.memref_slice %arg7[%dma_start3A_2196, %dma_start3A_2197] : memref<50x128xf32, #tpu.memory_space<vmem>> -> memref<1x128xf32, #tpu.memory_space<vmem>>
          %dma_start3A_2199 = tpu.memref_squeeze %dma_start3A_2198 : memref<1x128xf32, #tpu.memory_space<vmem>> -> memref<128xf32, #tpu.memory_space<vmem>>
          %dma_start3A_2200 = tpu.memref_slice %arg6[%add3A_2195] : memref<51200xi32, #tpu.memory_space<vmem>> -> memref<128xi32, #tpu.memory_space<vmem>>
          %dma_start3A_2201 = arith.constant 0 : i32
          %dma_start3A_2202 = tpu.memref_slice %arg10[%dma_start3A_2201] : memref<1000000xf32, #tpu.memory_space<vmem_shared>> -> memref<1000000xf32, #tpu.memory_space<vmem_shared>>
          tpu.enqueue_indirect_dma source(%dma_start3A_2202 : memref<1000000xf32, #tpu.memory_space<vmem_shared>>) target(%dma_start3A_2199 : memref<128xf32, #tpu.memory_space<vmem>>) offsets(%dma_start3A_2200 : memref<128xi32, #tpu.memory_space<vmem>>) semaphore(%arg11 : memref<!tpu.dma_semaphore, #tpu.memory_space<semaphore_mem>>)
          %mul3A_2203 = arith.constant 128 : i32
          %mul3A_2204 = arith.muli %add3A_2125, %mul3A_2203 : i32
          %add3A_2205 = arith.constant 7168 : i32
          %add3A_2206 = arith.addi %add3A_2205, %mul3A_2204 : i32
          %dma_start3A_2207 = arith.constant 7 : i32
          %dma_start3A_2208 = arith.constant 0 : i32
          %dma_start3A_2209 = tpu.memref_slice %arg7[%dma_start3A_2207, %dma_start3A_2208] : memref<50x128xf32, #tpu.memory_space<vmem>> -> memref<1x128xf32, #tpu.memory_space<vmem>>
          %dma_start3A_2210 = tpu.memref_squeeze %dma_start3A_2209 : memref<1x128xf32, #tpu.memory_space<vmem>> -> memref<128xf32, #tpu.memory_space<vmem>>
          %dma_start3A_2211 = tpu.memref_slice %arg6[%add3A_2206] : memref<51200xi32, #tpu.memory_space<vmem>> -> memref<128xi32, #tpu.memory_space<vmem>>
          %dma_start3A_2212 = arith.constant 0 : i32
          %dma_start3A_2213 = tpu.memref_slice %arg10[%dma_start3A_2212] : memref<1000000xf32, #tpu.memory_space<vmem_shared>> -> memref<1000000xf32, #tpu.memory_space<vmem_shared>>
          tpu.enqueue_indirect_dma source(%dma_start3A_2213 : memref<1000000xf32, #tpu.memory_space<vmem_shared>>) target(%dma_start3A_2210 : memref<128xf32, #tpu.memory_space<vmem>>) offsets(%dma_start3A_2211 : memref<128xi32, #tpu.memory_space<vmem>>) semaphore(%arg11 : memref<!tpu.dma_semaphore, #tpu.memory_space<semaphore_mem>>)
          %mul3A_2214 = arith.constant 128 : i32
          %mul3A_2215 = arith.muli %add3A_2125, %mul3A_2214 : i32
          %add3A_2216 = arith.constant 8192 : i32
          %add3A_2217 = arith.addi %add3A_2216, %mul3A_2215 : i32
          %dma_start3A_2218 = arith.constant 8 : i32
          %dma_start3A_2219 = arith.constant 0 : i32
          %dma_start3A_2220 = tpu.memref_slice %arg7[%dma_start3A_2218, %dma_start3A_2219] : memref<50x128xf32, #tpu.memory_space<vmem>> -> memref<1x128xf32, #tpu.memory_space<vmem>>
          %dma_start3A_2221 = tpu.memref_squeeze %dma_start3A_2220 : memref<1x128xf32, #tpu.memory_space<vmem>> -> memref<128xf32, #tpu.memory_space<vmem>>
          %dma_start3A_2222 = tpu.memref_slice %arg6[%add3A_2217] : memref<51200xi32, #tpu.memory_space<vmem>> -> memref<128xi32, #tpu.memory_space<vmem>>
          %dma_start3A_2223 = arith.constant 0 : i32
          %dma_start3A_2224 = tpu.memref_slice %arg10[%dma_start3A_2223] : memref<1000000xf32, #tpu.memory_space<vmem_shared>> -> memref<1000000xf32, #tpu.memory_space<vmem_shared>>
          tpu.enqueue_indirect_dma source(%dma_start3A_2224 : memref<1000000xf32, #tpu.memory_space<vmem_shared>>) target(%dma_start3A_2221 : memref<128xf32, #tpu.memory_space<vmem>>) offsets(%dma_start3A_2222 : memref<128xi32, #tpu.memory_space<vmem>>) semaphore(%arg11 : memref<!tpu.dma_semaphore, #tpu.memory_space<semaphore_mem>>)
          %mul3A_2225 = arith.constant 128 : i32
          %mul3A_2226 = arith.muli %add3A_2125, %mul3A_2225 : i32
          %add3A_2227 = arith.constant 9216 : i32
          %add3A_2228 = arith.addi %add3A_2227, %mul3A_2226 : i32
          %dma_start3A_2229 = arith.constant 9 : i32
          %dma_start3A_2230 = arith.constant 0 : i32
          %dma_start3A_2231 = tpu.memref_slice %arg7[%dma_start3A_2229, %dma_start3A_2230] : memref<50x128xf32, #tpu.memory_space<vmem>> -> memref<1x128xf32, #tpu.memory_space<vmem>>
          %dma_start3A_2232 = tpu.memref_squeeze %dma_start3A_2231 : memref<1x128xf32, #tpu.memory_space<vmem>> -> memref<128xf32, #tpu.memory_space<vmem>>
          %dma_start3A_2233 = tpu.memref_slice %arg6[%add3A_2228] : memref<51200xi32, #tpu.memory_space<vmem>> -> memref<128xi32, #tpu.memory_space<vmem>>
          %dma_start3A_2234 = arith.constant 0 : i32
          %dma_start3A_2235 = tpu.memref_slice %arg10[%dma_start3A_2234] : memref<1000000xf32, #tpu.memory_space<vmem_shared>> -> memref<1000000xf32, #tpu.memory_space<vmem_shared>>
          tpu.enqueue_indirect_dma source(%dma_start3A_2235 : memref<1000000xf32, #tpu.memory_space<vmem_shared>>) target(%dma_start3A_2232 : memref<128xf32, #tpu.memory_space<vmem>>) offsets(%dma_start3A_2233 : memref<128xi32, #tpu.memory_space<vmem>>) semaphore(%arg11 : memref<!tpu.dma_semaphore, #tpu.memory_space<semaphore_mem>>)
          %mul3A_2236 = arith.constant 128 : i32
          %mul3A_2237 = arith.muli %add3A_2125, %mul3A_2236 : i32
          %add3A_2238 = arith.constant 10240 : i32
          %add3A_2239 = arith.addi %add3A_2238, %mul3A_2237 : i32
          %dma_start3A_2240 = arith.constant 10 : i32
          %dma_start3A_2241 = arith.constant 0 : i32
          %dma_start3A_2242 = tpu.memref_slice %arg7[%dma_start3A_2240, %dma_start3A_2241] : memref<50x128xf32, #tpu.memory_space<vmem>> -> memref<1x128xf32, #tpu.memory_space<vmem>>
          %dma_start3A_2243 = tpu.memref_squeeze %dma_start3A_2242 : memref<1x128xf32, #tpu.memory_space<vmem>> -> memref<128xf32, #tpu.memory_space<vmem>>
          %dma_start3A_2244 = tpu.memref_slice %arg6[%add3A_2239] : memref<51200xi32, #tpu.memory_space<vmem>> -> memref<128xi32, #tpu.memory_space<vmem>>
          %dma_start3A_2245 = arith.constant 0 : i32
          %dma_start3A_2246 = tpu.memref_slice %arg10[%dma_start3A_2245] : memref<1000000xf32, #tpu.memory_space<vmem_shared>> -> memref<1000000xf32, #tpu.memory_space<vmem_shared>>
          tpu.enqueue_indirect_dma source(%dma_start3A_2246 : memref<1000000xf32, #tpu.memory_space<vmem_shared>>) target(%dma_start3A_2243 : memref<128xf32, #tpu.memory_space<vmem>>) offsets(%dma_start3A_2244 : memref<128xi32, #tpu.memory_space<vmem>>) semaphore(%arg11 : memref<!tpu.dma_semaphore, #tpu.memory_space<semaphore_mem>>)
          %mul3A_2247 = arith.constant 128 : i32
          %mul3A_2248 = arith.muli %add3A_2125, %mul3A_2247 : i32
          %add3A_2249 = arith.constant 11264 : i32
          %add3A_2250 = arith.addi %add3A_2249, %mul3A_2248 : i32
          %dma_start3A_2251 = arith.constant 11 : i32
          %dma_start3A_2252 = arith.constant 0 : i32
          %dma_start3A_2253 = tpu.memref_slice %arg7[%dma_start3A_2251, %dma_start3A_2252] : memref<50x128xf32, #tpu.memory_space<vmem>> -> memref<1x128xf32, #tpu.memory_space<vmem>>
          %dma_start3A_2254 = tpu.memref_squeeze %dma_start3A_2253 : memref<1x128xf32, #tpu.memory_space<vmem>> -> memref<128xf32, #tpu.memory_space<vmem>>
          %dma_start3A_2255 = tpu.memref_slice %arg6[%add3A_2250] : memref<51200xi32, #tpu.memory_space<vmem>> -> memref<128xi32, #tpu.memory_space<vmem>>
          %dma_start3A_2256 = arith.constant 0 : i32
          %dma_start3A_2257 = tpu.memref_slice %arg10[%dma_start3A_2256] : memref<1000000xf32, #tpu.memory_space<vmem_shared>> -> memref<1000000xf32, #tpu.memory_space<vmem_shared>>
          tpu.enqueue_indirect_dma source(%dma_start3A_2257 : memref<1000000xf32, #tpu.memory_space<vmem_shared>>) target(%dma_start3A_2254 : memref<128xf32, #tpu.memory_space<vmem>>) offsets(%dma_start3A_2255 : memref<128xi32, #tpu.memory_space<vmem>>) semaphore(%arg11 : memref<!tpu.dma_semaphore, #tpu.memory_space<semaphore_mem>>)
          %mul3A_2258 = arith.constant 128 : i32
          %mul3A_2259 = arith.muli %add3A_2125, %mul3A_2258 : i32
          %add3A_2260 = arith.constant 12288 : i32
          %add3A_2261 = arith.addi %add3A_2260, %mul3A_2259 : i32
          %dma_start3A_2262 = arith.constant 12 : i32
          %dma_start3A_2263 = arith.constant 0 : i32
          %dma_start3A_2264 = tpu.memref_slice %arg7[%dma_start3A_2262, %dma_start3A_2263] : memref<50x128xf32, #tpu.memory_space<vmem>> -> memref<1x128xf32, #tpu.memory_space<vmem>>
          %dma_start3A_2265 = tpu.memref_squeeze %dma_start3A_2264 : memref<1x128xf32, #tpu.memory_space<vmem>> -> memref<128xf32, #tpu.memory_space<vmem>>
          %dma_start3A_2266 = tpu.memref_slice %arg6[%add3A_2261] : memref<51200xi32, #tpu.memory_space<vmem>> -> memref<128xi32, #tpu.memory_space<vmem>>
          %dma_start3A_2267 = arith.constant 0 : i32
          %dma_start3A_2268 = tpu.memref_slice %arg10[%dma_start3A_2267] : memref<1000000xf32, #tpu.memory_space<vmem_shared>> -> memref<1000000xf32, #tpu.memory_space<vmem_shared>>
          tpu.enqueue_indirect_dma source(%dma_start3A_2268 : memref<1000000xf32, #tpu.memory_space<vmem_shared>>) target(%dma_start3A_2265 : memref<128xf32, #tpu.memory_space<vmem>>) offsets(%dma_start3A_2266 : memref<128xi32, #tpu.memory_space<vmem>>) semaphore(%arg11 : memref<!tpu.dma_semaphore, #tpu.memory_space<semaphore_mem>>)
          %mul3A_2269 = arith.constant 128 : i32
          %mul3A_2270 = arith.muli %add3A_2125, %mul3A_2269 : i32
          %add3A_2271 = arith.constant 13312 : i32
          %add3A_2272 = arith.addi %add3A_2271, %mul3A_2270 : i32
          %dma_start3A_2273 = arith.constant 13 : i32
          %dma_start3A_2274 = arith.constant 0 : i32
          %dma_start3A_2275 = tpu.memref_slice %arg7[%dma_start3A_2273, %dma_start3A_2274] : memref<50x128xf32, #tpu.memory_space<vmem>> -> memref<1x128xf32, #tpu.memory_space<vmem>>
          %dma_start3A_2276 = tpu.memref_squeeze %dma_start3A_2275 : memref<1x128xf32, #tpu.memory_space<vmem>> -> memref<128xf32, #tpu.memory_space<vmem>>
          %dma_start3A_2277 = tpu.memref_slice %arg6[%add3A_2272] : memref<51200xi32, #tpu.memory_space<vmem>> -> memref<128xi32, #tpu.memory_space<vmem>>
          %dma_start3A_2278 = arith.constant 0 : i32
          %dma_start3A_2279 = tpu.memref_slice %arg10[%dma_start3A_2278] : memref<1000000xf32, #tpu.memory_space<vmem_shared>> -> memref<1000000xf32, #tpu.memory_space<vmem_shared>>
          tpu.enqueue_indirect_dma source(%dma_start3A_2279 : memref<1000000xf32, #tpu.memory_space<vmem_shared>>) target(%dma_start3A_2276 : memref<128xf32, #tpu.memory_space<vmem>>) offsets(%dma_start3A_2277 : memref<128xi32, #tpu.memory_space<vmem>>) semaphore(%arg11 : memref<!tpu.dma_semaphore, #tpu.memory_space<semaphore_mem>>)
          %mul3A_2280 = arith.constant 128 : i32
          %mul3A_2281 = arith.muli %add3A_2125, %mul3A_2280 : i32
          %add3A_2282 = arith.constant 14336 : i32
          %add3A_2283 = arith.addi %add3A_2282, %mul3A_2281 : i32
          %dma_start3A_2284 = arith.constant 14 : i32
          %dma_start3A_2285 = arith.constant 0 : i32
          %dma_start3A_2286 = tpu.memref_slice %arg7[%dma_start3A_2284, %dma_start3A_2285] : memref<50x128xf32, #tpu.memory_space<vmem>> -> memref<1x128xf32, #tpu.memory_space<vmem>>
          %dma_start3A_2287 = tpu.memref_squeeze %dma_start3A_2286 : memref<1x128xf32, #tpu.memory_space<vmem>> -> memref<128xf32, #tpu.memory_space<vmem>>
          %dma_start3A_2288 = tpu.memref_slice %arg6[%add3A_2283] : memref<51200xi32, #tpu.memory_space<vmem>> -> memref<128xi32, #tpu.memory_space<vmem>>
          %dma_start3A_2289 = arith.constant 0 : i32
          %dma_start3A_2290 = tpu.memref_slice %arg10[%dma_start3A_2289] : memref<1000000xf32, #tpu.memory_space<vmem_shared>> -> memref<1000000xf32, #tpu.memory_space<vmem_shared>>
          tpu.enqueue_indirect_dma source(%dma_start3A_2290 : memref<1000000xf32, #tpu.memory_space<vmem_shared>>) target(%dma_start3A_2287 : memref<128xf32, #tpu.memory_space<vmem>>) offsets(%dma_start3A_2288 : memref<128xi32, #tpu.memory_space<vmem>>) semaphore(%arg11 : memref<!tpu.dma_semaphore, #tpu.memory_space<semaphore_mem>>)
          %mul3A_2291 = arith.constant 128 : i32
          %mul3A_2292 = arith.muli %add3A_2125, %mul3A_2291 : i32
          %add3A_2293 = arith.constant 15360 : i32
          %add3A_2294 = arith.addi %add3A_2293, %mul3A_2292 : i32
          %dma_start3A_2295 = arith.constant 15 : i32
          %dma_start3A_2296 = arith.constant 0 : i32
          %dma_start3A_2297 = tpu.memref_slice %arg7[%dma_start3A_2295, %dma_start3A_2296] : memref<50x128xf32, #tpu.memory_space<vmem>> -> memref<1x128xf32, #tpu.memory_space<vmem>>
          %dma_start3A_2298 = tpu.memref_squeeze %dma_start3A_2297 : memref<1x128xf32, #tpu.memory_space<vmem>> -> memref<128xf32, #tpu.memory_space<vmem>>
          %dma_start3A_2299 = tpu.memref_slice %arg6[%add3A_2294] : memref<51200xi32, #tpu.memory_space<vmem>> -> memref<128xi32, #tpu.memory_space<vmem>>
          %dma_start3A_2300 = arith.constant 0 : i32
          %dma_start3A_2301 = tpu.memref_slice %arg10[%dma_start3A_2300] : memref<1000000xf32, #tpu.memory_space<vmem_shared>> -> memref<1000000xf32, #tpu.memory_space<vmem_shared>>
          tpu.enqueue_indirect_dma source(%dma_start3A_2301 : memref<1000000xf32, #tpu.memory_space<vmem_shared>>) target(%dma_start3A_2298 : memref<128xf32, #tpu.memory_space<vmem>>) offsets(%dma_start3A_2299 : memref<128xi32, #tpu.memory_space<vmem>>) semaphore(%arg11 : memref<!tpu.dma_semaphore, #tpu.memory_space<semaphore_mem>>)
          %mul3A_2302 = arith.constant 128 : i32
          %mul3A_2303 = arith.muli %add3A_2125, %mul3A_2302 : i32
          %add3A_2304 = arith.constant 16384 : i32
          %add3A_2305 = arith.addi %add3A_2304, %mul3A_2303 : i32
          %dma_start3A_2306 = arith.constant 16 : i32
          %dma_start3A_2307 = arith.constant 0 : i32
          %dma_start3A_2308 = tpu.memref_slice %arg7[%dma_start3A_2306, %dma_start3A_2307] : memref<50x128xf32, #tpu.memory_space<vmem>> -> memref<1x128xf32, #tpu.memory_space<vmem>>
          %dma_start3A_2309 = tpu.memref_squeeze %dma_start3A_2308 : memref<1x128xf32, #tpu.memory_space<vmem>> -> memref<128xf32, #tpu.memory_space<vmem>>
          %dma_start3A_2310 = tpu.memref_slice %arg6[%add3A_2305] : memref<51200xi32, #tpu.memory_space<vmem>> -> memref<128xi32, #tpu.memory_space<vmem>>
          %dma_start3A_2311 = arith.constant 0 : i32
          %dma_start3A_2312 = tpu.memref_slice %arg10[%dma_start3A_2311] : memref<1000000xf32, #tpu.memory_space<vmem_shared>> -> memref<1000000xf32, #tpu.memory_space<vmem_shared>>
          tpu.enqueue_indirect_dma source(%dma_start3A_2312 : memref<1000000xf32, #tpu.memory_space<vmem_shared>>) target(%dma_start3A_2309 : memref<128xf32, #tpu.memory_space<vmem>>) offsets(%dma_start3A_2310 : memref<128xi32, #tpu.memory_space<vmem>>) semaphore(%arg11 : memref<!tpu.dma_semaphore, #tpu.memory_space<semaphore_mem>>)
          %mul3A_2313 = arith.constant 128 : i32
          %mul3A_2314 = arith.muli %add3A_2125, %mul3A_2313 : i32
          %add3A_2315 = arith.constant 17408 : i32
          %add3A_2316 = arith.addi %add3A_2315, %mul3A_2314 : i32
          %dma_start3A_2317 = arith.constant 17 : i32
          %dma_start3A_2318 = arith.constant 0 : i32
          %dma_start3A_2319 = tpu.memref_slice %arg7[%dma_start3A_2317, %dma_start3A_2318] : memref<50x128xf32, #tpu.memory_space<vmem>> -> memref<1x128xf32, #tpu.memory_space<vmem>>
          %dma_start3A_2320 = tpu.memref_squeeze %dma_start3A_2319 : memref<1x128xf32, #tpu.memory_space<vmem>> -> memref<128xf32, #tpu.memory_space<vmem>>
          %dma_start3A_2321 = tpu.memref_slice %arg6[%add3A_2316] : memref<51200xi32, #tpu.memory_space<vmem>> -> memref<128xi32, #tpu.memory_space<vmem>>
          %dma_start3A_2322 = arith.constant 0 : i32
          %dma_start3A_2323 = tpu.memref_slice %arg10[%dma_start3A_2322] : memref<1000000xf32, #tpu.memory_space<vmem_shared>> -> memref<1000000xf32, #tpu.memory_space<vmem_shared>>
          tpu.enqueue_indirect_dma source(%dma_start3A_2323 : memref<1000000xf32, #tpu.memory_space<vmem_shared>>) target(%dma_start3A_2320 : memref<128xf32, #tpu.memory_space<vmem>>) offsets(%dma_start3A_2321 : memref<128xi32, #tpu.memory_space<vmem>>) semaphore(%arg11 : memref<!tpu.dma_semaphore, #tpu.memory_space<semaphore_mem>>)
          %mul3A_2324 = arith.constant 128 : i32
          %mul3A_2325 = arith.muli %add3A_2125, %mul3A_2324 : i32
          %add3A_2326 = arith.constant 18432 : i32
          %add3A_2327 = arith.addi %add3A_2326, %mul3A_2325 : i32
          %dma_start3A_2328 = arith.constant 18 : i32
          %dma_start3A_2329 = arith.constant 0 : i32
          %dma_start3A_2330 = tpu.memref_slice %arg7[%dma_start3A_2328, %dma_start3A_2329] : memref<50x128xf32, #tpu.memory_space<vmem>> -> memref<1x128xf32, #tpu.memory_space<vmem>>
          %dma_start3A_2331 = tpu.memref_squeeze %dma_start3A_2330 : memref<1x128xf32, #tpu.memory_space<vmem>> -> memref<128xf32, #tpu.memory_space<vmem>>
          %dma_start3A_2332 = tpu.memref_slice %arg6[%add3A_2327] : memref<51200xi32, #tpu.memory_space<vmem>> -> memref<128xi32, #tpu.memory_space<vmem>>
          %dma_start3A_2333 = arith.constant 0 : i32
          %dma_start3A_2334 = tpu.memref_slice %arg10[%dma_start3A_2333] : memref<1000000xf32, #tpu.memory_space<vmem_shared>> -> memref<1000000xf32, #tpu.memory_space<vmem_shared>>
          tpu.enqueue_indirect_dma source(%dma_start3A_2334 : memref<1000000xf32, #tpu.memory_space<vmem_shared>>) target(%dma_start3A_2331 : memref<128xf32, #tpu.memory_space<vmem>>) offsets(%dma_start3A_2332 : memref<128xi32, #tpu.memory_space<vmem>>) semaphore(%arg11 : memref<!tpu.dma_semaphore, #tpu.memory_space<semaphore_mem>>)
          %mul3A_2335 = arith.constant 128 : i32
          %mul3A_2336 = arith.muli %add3A_2125, %mul3A_2335 : i32
          %add3A_2337 = arith.constant 19456 : i32
          %add3A_2338 = arith.addi %add3A_2337, %mul3A_2336 : i32
          %dma_start3A_2339 = arith.constant 19 : i32
          %dma_start3A_2340 = arith.constant 0 : i32
          %dma_start3A_2341 = tpu.memref_slice %arg7[%dma_start3A_2339, %dma_start3A_2340] : memref<50x128xf32, #tpu.memory_space<vmem>> -> memref<1x128xf32, #tpu.memory_space<vmem>>
          %dma_start3A_2342 = tpu.memref_squeeze %dma_start3A_2341 : memref<1x128xf32, #tpu.memory_space<vmem>> -> memref<128xf32, #tpu.memory_space<vmem>>
          %dma_start3A_2343 = tpu.memref_slice %arg6[%add3A_2338] : memref<51200xi32, #tpu.memory_space<vmem>> -> memref<128xi32, #tpu.memory_space<vmem>>
          %dma_start3A_2344 = arith.constant 0 : i32
          %dma_start3A_2345 = tpu.memref_slice %arg10[%dma_start3A_2344] : memref<1000000xf32, #tpu.memory_space<vmem_shared>> -> memref<1000000xf32, #tpu.memory_space<vmem_shared>>
          tpu.enqueue_indirect_dma source(%dma_start3A_2345 : memref<1000000xf32, #tpu.memory_space<vmem_shared>>) target(%dma_start3A_2342 : memref<128xf32, #tpu.memory_space<vmem>>) offsets(%dma_start3A_2343 : memref<128xi32, #tpu.memory_space<vmem>>) semaphore(%arg11 : memref<!tpu.dma_semaphore, #tpu.memory_space<semaphore_mem>>)
          %mul3A_2346 = arith.constant 128 : i32
          %mul3A_2347 = arith.muli %add3A_2125, %mul3A_2346 : i32
          %add3A_2348 = arith.constant 20480 : i32
          %add3A_2349 = arith.addi %add3A_2348, %mul3A_2347 : i32
          %dma_start3A_2350 = arith.constant 20 : i32
          %dma_start3A_2351 = arith.constant 0 : i32
          %dma_start3A_2352 = tpu.memref_slice %arg7[%dma_start3A_2350, %dma_start3A_2351] : memref<50x128xf32, #tpu.memory_space<vmem>> -> memref<1x128xf32, #tpu.memory_space<vmem>>
          %dma_start3A_2353 = tpu.memref_squeeze %dma_start3A_2352 : memref<1x128xf32, #tpu.memory_space<vmem>> -> memref<128xf32, #tpu.memory_space<vmem>>
          %dma_start3A_2354 = tpu.memref_slice %arg6[%add3A_2349] : memref<51200xi32, #tpu.memory_space<vmem>> -> memref<128xi32, #tpu.memory_space<vmem>>
          %dma_start3A_2355 = arith.constant 0 : i32
          %dma_start3A_2356 = tpu.memref_slice %arg10[%dma_start3A_2355] : memref<1000000xf32, #tpu.memory_space<vmem_shared>> -> memref<1000000xf32, #tpu.memory_space<vmem_shared>>
          tpu.enqueue_indirect_dma source(%dma_start3A_2356 : memref<1000000xf32, #tpu.memory_space<vmem_shared>>) target(%dma_start3A_2353 : memref<128xf32, #tpu.memory_space<vmem>>) offsets(%dma_start3A_2354 : memref<128xi32, #tpu.memory_space<vmem>>) semaphore(%arg11 : memref<!tpu.dma_semaphore, #tpu.memory_space<semaphore_mem>>)
          %mul3A_2357 = arith.constant 128 : i32
          %mul3A_2358 = arith.muli %add3A_2125, %mul3A_2357 : i32
          %add3A_2359 = arith.constant 21504 : i32
          %add3A_2360 = arith.addi %add3A_2359, %mul3A_2358 : i32
          %dma_start3A_2361 = arith.constant 21 : i32
          %dma_start3A_2362 = arith.constant 0 : i32
          %dma_start3A_2363 = tpu.memref_slice %arg7[%dma_start3A_2361, %dma_start3A_2362] : memref<50x128xf32, #tpu.memory_space<vmem>> -> memref<1x128xf32, #tpu.memory_space<vmem>>
          %dma_start3A_2364 = tpu.memref_squeeze %dma_start3A_2363 : memref<1x128xf32, #tpu.memory_space<vmem>> -> memref<128xf32, #tpu.memory_space<vmem>>
          %dma_start3A_2365 = tpu.memref_slice %arg6[%add3A_2360] : memref<51200xi32, #tpu.memory_space<vmem>> -> memref<128xi32, #tpu.memory_space<vmem>>
          %dma_start3A_2366 = arith.constant 0 : i32
          %dma_start3A_2367 = tpu.memref_slice %arg10[%dma_start3A_2366] : memref<1000000xf32, #tpu.memory_space<vmem_shared>> -> memref<1000000xf32, #tpu.memory_space<vmem_shared>>
          tpu.enqueue_indirect_dma source(%dma_start3A_2367 : memref<1000000xf32, #tpu.memory_space<vmem_shared>>) target(%dma_start3A_2364 : memref<128xf32, #tpu.memory_space<vmem>>) offsets(%dma_start3A_2365 : memref<128xi32, #tpu.memory_space<vmem>>) semaphore(%arg11 : memref<!tpu.dma_semaphore, #tpu.memory_space<semaphore_mem>>)
          %mul3A_2368 = arith.constant 128 : i32
          %mul3A_2369 = arith.muli %add3A_2125, %mul3A_2368 : i32
          %add3A_2370 = arith.constant 22528 : i32
          %add3A_2371 = arith.addi %add3A_2370, %mul3A_2369 : i32
          %dma_start3A_2372 = arith.constant 22 : i32
          %dma_start3A_2373 = arith.constant 0 : i32
          %dma_start3A_2374 = tpu.memref_slice %arg7[%dma_start3A_2372, %dma_start3A_2373] : memref<50x128xf32, #tpu.memory_space<vmem>> -> memref<1x128xf32, #tpu.memory_space<vmem>>
          %dma_start3A_2375 = tpu.memref_squeeze %dma_start3A_2374 : memref<1x128xf32, #tpu.memory_space<vmem>> -> memref<128xf32, #tpu.memory_space<vmem>>
          %dma_start3A_2376 = tpu.memref_slice %arg6[%add3A_2371] : memref<51200xi32, #tpu.memory_space<vmem>> -> memref<128xi32, #tpu.memory_space<vmem>>
          %dma_start3A_2377 = arith.constant 0 : i32
          %dma_start3A_2378 = tpu.memref_slice %arg10[%dma_start3A_2377] : memref<1000000xf32, #tpu.memory_space<vmem_shared>> -> memref<1000000xf32, #tpu.memory_space<vmem_shared>>
          tpu.enqueue_indirect_dma source(%dma_start3A_2378 : memref<1000000xf32, #tpu.memory_space<vmem_shared>>) target(%dma_start3A_2375 : memref<128xf32, #tpu.memory_space<vmem>>) offsets(%dma_start3A_2376 : memref<128xi32, #tpu.memory_space<vmem>>) semaphore(%arg11 : memref<!tpu.dma_semaphore, #tpu.memory_space<semaphore_mem>>)
          %mul3A_2379 = arith.constant 128 : i32
          %mul3A_2380 = arith.muli %add3A_2125, %mul3A_2379 : i32
          %add3A_2381 = arith.constant 23552 : i32
          %add3A_2382 = arith.addi %add3A_2381, %mul3A_2380 : i32
          %dma_start3A_2383 = arith.constant 23 : i32
          %dma_start3A_2384 = arith.constant 0 : i32
          %dma_start3A_2385 = tpu.memref_slice %arg7[%dma_start3A_2383, %dma_start3A_2384] : memref<50x128xf32, #tpu.memory_space<vmem>> -> memref<1x128xf32, #tpu.memory_space<vmem>>
          %dma_start3A_2386 = tpu.memref_squeeze %dma_start3A_2385 : memref<1x128xf32, #tpu.memory_space<vmem>> -> memref<128xf32, #tpu.memory_space<vmem>>
          %dma_start3A_2387 = tpu.memref_slice %arg6[%add3A_2382] : memref<51200xi32, #tpu.memory_space<vmem>> -> memref<128xi32, #tpu.memory_space<vmem>>
          %dma_start3A_2388 = arith.constant 0 : i32
          %dma_start3A_2389 = tpu.memref_slice %arg10[%dma_start3A_2388] : memref<1000000xf32, #tpu.memory_space<vmem_shared>> -> memref<1000000xf32, #tpu.memory_space<vmem_shared>>
          tpu.enqueue_indirect_dma source(%dma_start3A_2389 : memref<1000000xf32, #tpu.memory_space<vmem_shared>>) target(%dma_start3A_2386 : memref<128xf32, #tpu.memory_space<vmem>>) offsets(%dma_start3A_2387 : memref<128xi32, #tpu.memory_space<vmem>>) semaphore(%arg11 : memref<!tpu.dma_semaphore, #tpu.memory_space<semaphore_mem>>)
          %mul3A_2390 = arith.constant 128 : i32
          %mul3A_2391 = arith.muli %add3A_2125, %mul3A_2390 : i32
          %add3A_2392 = arith.constant 24576 : i32
          %add3A_2393 = arith.addi %add3A_2392, %mul3A_2391 : i32
          %dma_start3A_2394 = arith.constant 24 : i32
          %dma_start3A_2395 = arith.constant 0 : i32
          %dma_start3A_2396 = tpu.memref_slice %arg7[%dma_start3A_2394, %dma_start3A_2395] : memref<50x128xf32, #tpu.memory_space<vmem>> -> memref<1x128xf32, #tpu.memory_space<vmem>>
          %dma_start3A_2397 = tpu.memref_squeeze %dma_start3A_2396 : memref<1x128xf32, #tpu.memory_space<vmem>> -> memref<128xf32, #tpu.memory_space<vmem>>
          %dma_start3A_2398 = tpu.memref_slice %arg6[%add3A_2393] : memref<51200xi32, #tpu.memory_space<vmem>> -> memref<128xi32, #tpu.memory_space<vmem>>
          %dma_start3A_2399 = arith.constant 0 : i32
          %dma_start3A_2400 = tpu.memref_slice %arg10[%dma_start3A_2399] : memref<1000000xf32, #tpu.memory_space<vmem_shared>> -> memref<1000000xf32, #tpu.memory_space<vmem_shared>>
          tpu.enqueue_indirect_dma source(%dma_start3A_2400 : memref<1000000xf32, #tpu.memory_space<vmem_shared>>) target(%dma_start3A_2397 : memref<128xf32, #tpu.memory_space<vmem>>) offsets(%dma_start3A_2398 : memref<128xi32, #tpu.memory_space<vmem>>) semaphore(%arg11 : memref<!tpu.dma_semaphore, #tpu.memory_space<semaphore_mem>>)
          %mul3A_2401 = arith.constant 128 : i32
          %mul3A_2402 = arith.muli %add3A_2125, %mul3A_2401 : i32
          %add3A_2403 = arith.constant 25600 : i32
          %add3A_2404 = arith.addi %add3A_2403, %mul3A_2402 : i32
          %dma_start3A_2405 = arith.constant 25 : i32
          %dma_start3A_2406 = arith.constant 0 : i32
          %dma_start3A_2407 = tpu.memref_slice %arg7[%dma_start3A_2405, %dma_start3A_2406] : memref<50x128xf32, #tpu.memory_space<vmem>> -> memref<1x128xf32, #tpu.memory_space<vmem>>
          %dma_start3A_2408 = tpu.memref_squeeze %dma_start3A_2407 : memref<1x128xf32, #tpu.memory_space<vmem>> -> memref<128xf32, #tpu.memory_space<vmem>>
          %dma_start3A_2409 = tpu.memref_slice %arg6[%add3A_2404] : memref<51200xi32, #tpu.memory_space<vmem>> -> memref<128xi32, #tpu.memory_space<vmem>>
          %dma_start3A_2410 = arith.constant 0 : i32
          %dma_start3A_2411 = tpu.memref_slice %arg10[%dma_start3A_2410] : memref<1000000xf32, #tpu.memory_space<vmem_shared>> -> memref<1000000xf32, #tpu.memory_space<vmem_shared>>
          tpu.enqueue_indirect_dma source(%dma_start3A_2411 : memref<1000000xf32, #tpu.memory_space<vmem_shared>>) target(%dma_start3A_2408 : memref<128xf32, #tpu.memory_space<vmem>>) offsets(%dma_start3A_2409 : memref<128xi32, #tpu.memory_space<vmem>>) semaphore(%arg11 : memref<!tpu.dma_semaphore, #tpu.memory_space<semaphore_mem>>)
          %mul3A_2412 = arith.constant 128 : i32
          %mul3A_2413 = arith.muli %add3A_2125, %mul3A_2412 : i32
          %add3A_2414 = arith.constant 26624 : i32
          %add3A_2415 = arith.addi %add3A_2414, %mul3A_2413 : i32
          %dma_start3A_2416 = arith.constant 26 : i32
          %dma_start3A_2417 = arith.constant 0 : i32
          %dma_start3A_2418 = tpu.memref_slice %arg7[%dma_start3A_2416, %dma_start3A_2417] : memref<50x128xf32, #tpu.memory_space<vmem>> -> memref<1x128xf32, #tpu.memory_space<vmem>>
          %dma_start3A_2419 = tpu.memref_squeeze %dma_start3A_2418 : memref<1x128xf32, #tpu.memory_space<vmem>> -> memref<128xf32, #tpu.memory_space<vmem>>
          %dma_start3A_2420 = tpu.memref_slice %arg6[%add3A_2415] : memref<51200xi32, #tpu.memory_space<vmem>> -> memref<128xi32, #tpu.memory_space<vmem>>
          %dma_start3A_2421 = arith.constant 0 : i32
          %dma_start3A_2422 = tpu.memref_slice %arg10[%dma_start3A_2421] : memref<1000000xf32, #tpu.memory_space<vmem_shared>> -> memref<1000000xf32, #tpu.memory_space<vmem_shared>>
          tpu.enqueue_indirect_dma source(%dma_start3A_2422 : memref<1000000xf32, #tpu.memory_space<vmem_shared>>) target(%dma_start3A_2419 : memref<128xf32, #tpu.memory_space<vmem>>) offsets(%dma_start3A_2420 : memref<128xi32, #tpu.memory_space<vmem>>) semaphore(%arg11 : memref<!tpu.dma_semaphore, #tpu.memory_space<semaphore_mem>>)
          %mul3A_2423 = arith.constant 128 : i32
          %mul3A_2424 = arith.muli %add3A_2125, %mul3A_2423 : i32
          %add3A_2425 = arith.constant 27648 : i32
          %add3A_2426 = arith.addi %add3A_2425, %mul3A_2424 : i32
          %dma_start3A_2427 = arith.constant 27 : i32
          %dma_start3A_2428 = arith.constant 0 : i32
          %dma_start3A_2429 = tpu.memref_slice %arg7[%dma_start3A_2427, %dma_start3A_2428] : memref<50x128xf32, #tpu.memory_space<vmem>> -> memref<1x128xf32, #tpu.memory_space<vmem>>
          %dma_start3A_2430 = tpu.memref_squeeze %dma_start3A_2429 : memref<1x128xf32, #tpu.memory_space<vmem>> -> memref<128xf32, #tpu.memory_space<vmem>>
          %dma_start3A_2431 = tpu.memref_slice %arg6[%add3A_2426] : memref<51200xi32, #tpu.memory_space<vmem>> -> memref<128xi32, #tpu.memory_space<vmem>>
          %dma_start3A_2432 = arith.constant 0 : i32
          %dma_start3A_2433 = tpu.memref_slice %arg10[%dma_start3A_2432] : memref<1000000xf32, #tpu.memory_space<vmem_shared>> -> memref<1000000xf32, #tpu.memory_space<vmem_shared>>
          tpu.enqueue_indirect_dma source(%dma_start3A_2433 : memref<1000000xf32, #tpu.memory_space<vmem_shared>>) target(%dma_start3A_2430 : memref<128xf32, #tpu.memory_space<vmem>>) offsets(%dma_start3A_2431 : memref<128xi32, #tpu.memory_space<vmem>>) semaphore(%arg11 : memref<!tpu.dma_semaphore, #tpu.memory_space<semaphore_mem>>)
          %mul3A_2434 = arith.constant 128 : i32
          %mul3A_2435 = arith.muli %add3A_2125, %mul3A_2434 : i32
          %add3A_2436 = arith.constant 28672 : i32
          %add3A_2437 = arith.addi %add3A_2436, %mul3A_2435 : i32
          %dma_start3A_2438 = arith.constant 28 : i32
          %dma_start3A_2439 = arith.constant 0 : i32
          %dma_start3A_2440 = tpu.memref_slice %arg7[%dma_start3A_2438, %dma_start3A_2439] : memref<50x128xf32, #tpu.memory_space<vmem>> -> memref<1x128xf32, #tpu.memory_space<vmem>>
          %dma_start3A_2441 = tpu.memref_squeeze %dma_start3A_2440 : memref<1x128xf32, #tpu.memory_space<vmem>> -> memref<128xf32, #tpu.memory_space<vmem>>
          %dma_start3A_2442 = tpu.memref_slice %arg6[%add3A_2437] : memref<51200xi32, #tpu.memory_space<vmem>> -> memref<128xi32, #tpu.memory_space<vmem>>
          %dma_start3A_2443 = arith.constant 0 : i32
          %dma_start3A_2444 = tpu.memref_slice %arg10[%dma_start3A_2443] : memref<1000000xf32, #tpu.memory_space<vmem_shared>> -> memref<1000000xf32, #tpu.memory_space<vmem_shared>>
          tpu.enqueue_indirect_dma source(%dma_start3A_2444 : memref<1000000xf32, #tpu.memory_space<vmem_shared>>) target(%dma_start3A_2441 : memref<128xf32, #tpu.memory_space<vmem>>) offsets(%dma_start3A_2442 : memref<128xi32, #tpu.memory_space<vmem>>) semaphore(%arg11 : memref<!tpu.dma_semaphore, #tpu.memory_space<semaphore_mem>>)
          %mul3A_2445 = arith.constant 128 : i32
          %mul3A_2446 = arith.muli %add3A_2125, %mul3A_2445 : i32
          %add3A_2447 = arith.constant 29696 : i32
          %add3A_2448 = arith.addi %add3A_2447, %mul3A_2446 : i32
          %dma_start3A_2449 = arith.constant 29 : i32
          %dma_start3A_2450 = arith.constant 0 : i32
          %dma_start3A_2451 = tpu.memref_slice %arg7[%dma_start3A_2449, %dma_start3A_2450] : memref<50x128xf32, #tpu.memory_space<vmem>> -> memref<1x128xf32, #tpu.memory_space<vmem>>
          %dma_start3A_2452 = tpu.memref_squeeze %dma_start3A_2451 : memref<1x128xf32, #tpu.memory_space<vmem>> -> memref<128xf32, #tpu.memory_space<vmem>>
          %dma_start3A_2453 = tpu.memref_slice %arg6[%add3A_2448] : memref<51200xi32, #tpu.memory_space<vmem>> -> memref<128xi32, #tpu.memory_space<vmem>>
          %dma_start3A_2454 = arith.constant 0 : i32
          %dma_start3A_2455 = tpu.memref_slice %arg10[%dma_start3A_2454] : memref<1000000xf32, #tpu.memory_space<vmem_shared>> -> memref<1000000xf32, #tpu.memory_space<vmem_shared>>
          tpu.enqueue_indirect_dma source(%dma_start3A_2455 : memref<1000000xf32, #tpu.memory_space<vmem_shared>>) target(%dma_start3A_2452 : memref<128xf32, #tpu.memory_space<vmem>>) offsets(%dma_start3A_2453 : memref<128xi32, #tpu.memory_space<vmem>>) semaphore(%arg11 : memref<!tpu.dma_semaphore, #tpu.memory_space<semaphore_mem>>)
          %mul3A_2456 = arith.constant 128 : i32
          %mul3A_2457 = arith.muli %add3A_2125, %mul3A_2456 : i32
          %add3A_2458 = arith.constant 30720 : i32
          %add3A_2459 = arith.addi %add3A_2458, %mul3A_2457 : i32
          %dma_start3A_2460 = arith.constant 30 : i32
          %dma_start3A_2461 = arith.constant 0 : i32
          %dma_start3A_2462 = tpu.memref_slice %arg7[%dma_start3A_2460, %dma_start3A_2461] : memref<50x128xf32, #tpu.memory_space<vmem>> -> memref<1x128xf32, #tpu.memory_space<vmem>>
          %dma_start3A_2463 = tpu.memref_squeeze %dma_start3A_2462 : memref<1x128xf32, #tpu.memory_space<vmem>> -> memref<128xf32, #tpu.memory_space<vmem>>
          %dma_start3A_2464 = tpu.memref_slice %arg6[%add3A_2459] : memref<51200xi32, #tpu.memory_space<vmem>> -> memref<128xi32, #tpu.memory_space<vmem>>
          %dma_start3A_2465 = arith.constant 0 : i32
          %dma_start3A_2466 = tpu.memref_slice %arg10[%dma_start3A_2465] : memref<1000000xf32, #tpu.memory_space<vmem_shared>> -> memref<1000000xf32, #tpu.memory_space<vmem_shared>>
          tpu.enqueue_indirect_dma source(%dma_start3A_2466 : memref<1000000xf32, #tpu.memory_space<vmem_shared>>) target(%dma_start3A_2463 : memref<128xf32, #tpu.memory_space<vmem>>) offsets(%dma_start3A_2464 : memref<128xi32, #tpu.memory_space<vmem>>) semaphore(%arg11 : memref<!tpu.dma_semaphore, #tpu.memory_space<semaphore_mem>>)
          %mul3A_2467 = arith.constant 128 : i32
          %mul3A_2468 = arith.muli %add3A_2125, %mul3A_2467 : i32
          %add3A_2469 = arith.constant 31744 : i32
          %add3A_2470 = arith.addi %add3A_2469, %mul3A_2468 : i32
          %dma_start3A_2471 = arith.constant 31 : i32
          %dma_start3A_2472 = arith.constant 0 : i32
          %dma_start3A_2473 = tpu.memref_slice %arg7[%dma_start3A_2471, %dma_start3A_2472] : memref<50x128xf32, #tpu.memory_space<vmem>> -> memref<1x128xf32, #tpu.memory_space<vmem>>
          %dma_start3A_2474 = tpu.memref_squeeze %dma_start3A_2473 : memref<1x128xf32, #tpu.memory_space<vmem>> -> memref<128xf32, #tpu.memory_space<vmem>>
          %dma_start3A_2475 = tpu.memref_slice %arg6[%add3A_2470] : memref<51200xi32, #tpu.memory_space<vmem>> -> memref<128xi32, #tpu.memory_space<vmem>>
          %dma_start3A_2476 = arith.constant 0 : i32
          %dma_start3A_2477 = tpu.memref_slice %arg10[%dma_start3A_2476] : memref<1000000xf32, #tpu.memory_space<vmem_shared>> -> memref<1000000xf32, #tpu.memory_space<vmem_shared>>
          tpu.enqueue_indirect_dma source(%dma_start3A_2477 : memref<1000000xf32, #tpu.memory_space<vmem_shared>>) target(%dma_start3A_2474 : memref<128xf32, #tpu.memory_space<vmem>>) offsets(%dma_start3A_2475 : memref<128xi32, #tpu.memory_space<vmem>>) semaphore(%arg11 : memref<!tpu.dma_semaphore, #tpu.memory_space<semaphore_mem>>)
          %mul3A_2478 = arith.constant 128 : i32
          %mul3A_2479 = arith.muli %add3A_2125, %mul3A_2478 : i32
          %add3A_2480 = arith.constant 32768 : i32
          %add3A_2481 = arith.addi %add3A_2480, %mul3A_2479 : i32
          %dma_start3A_2482 = arith.constant 32 : i32
          %dma_start3A_2483 = arith.constant 0 : i32
          %dma_start3A_2484 = tpu.memref_slice %arg7[%dma_start3A_2482, %dma_start3A_2483] : memref<50x128xf32, #tpu.memory_space<vmem>> -> memref<1x128xf32, #tpu.memory_space<vmem>>
          %dma_start3A_2485 = tpu.memref_squeeze %dma_start3A_2484 : memref<1x128xf32, #tpu.memory_space<vmem>> -> memref<128xf32, #tpu.memory_space<vmem>>
          %dma_start3A_2486 = tpu.memref_slice %arg6[%add3A_2481] : memref<51200xi32, #tpu.memory_space<vmem>> -> memref<128xi32, #tpu.memory_space<vmem>>
          %dma_start3A_2487 = arith.constant 0 : i32
          %dma_start3A_2488 = tpu.memref_slice %arg10[%dma_start3A_2487] : memref<1000000xf32, #tpu.memory_space<vmem_shared>> -> memref<1000000xf32, #tpu.memory_space<vmem_shared>>
          tpu.enqueue_indirect_dma source(%dma_start3A_2488 : memref<1000000xf32, #tpu.memory_space<vmem_shared>>) target(%dma_start3A_2485 : memref<128xf32, #tpu.memory_space<vmem>>) offsets(%dma_start3A_2486 : memref<128xi32, #tpu.memory_space<vmem>>) semaphore(%arg11 : memref<!tpu.dma_semaphore, #tpu.memory_space<semaphore_mem>>)
          %mul3A_2489 = arith.constant 128 : i32
          %mul3A_2490 = arith.muli %add3A_2125, %mul3A_2489 : i32
          %add3A_2491 = arith.constant 33792 : i32
          %add3A_2492 = arith.addi %add3A_2491, %mul3A_2490 : i32
          %dma_start3A_2493 = arith.constant 33 : i32
          %dma_start3A_2494 = arith.constant 0 : i32
          %dma_start3A_2495 = tpu.memref_slice %arg7[%dma_start3A_2493, %dma_start3A_2494] : memref<50x128xf32, #tpu.memory_space<vmem>> -> memref<1x128xf32, #tpu.memory_space<vmem>>
          %dma_start3A_2496 = tpu.memref_squeeze %dma_start3A_2495 : memref<1x128xf32, #tpu.memory_space<vmem>> -> memref<128xf32, #tpu.memory_space<vmem>>
          %dma_start3A_2497 = tpu.memref_slice %arg6[%add3A_2492] : memref<51200xi32, #tpu.memory_space<vmem>> -> memref<128xi32, #tpu.memory_space<vmem>>
          %dma_start3A_2498 = arith.constant 0 : i32
          %dma_start3A_2499 = tpu.memref_slice %arg10[%dma_start3A_2498] : memref<1000000xf32, #tpu.memory_space<vmem_shared>> -> memref<1000000xf32, #tpu.memory_space<vmem_shared>>
          tpu.enqueue_indirect_dma source(%dma_start3A_2499 : memref<1000000xf32, #tpu.memory_space<vmem_shared>>) target(%dma_start3A_2496 : memref<128xf32, #tpu.memory_space<vmem>>) offsets(%dma_start3A_2497 : memref<128xi32, #tpu.memory_space<vmem>>) semaphore(%arg11 : memref<!tpu.dma_semaphore, #tpu.memory_space<semaphore_mem>>)
          %mul3A_2500 = arith.constant 128 : i32
          %mul3A_2501 = arith.muli %add3A_2125, %mul3A_2500 : i32
          %add3A_2502 = arith.constant 34816 : i32
          %add3A_2503 = arith.addi %add3A_2502, %mul3A_2501 : i32
          %dma_start3A_2504 = arith.constant 34 : i32
          %dma_start3A_2505 = arith.constant 0 : i32
          %dma_start3A_2506 = tpu.memref_slice %arg7[%dma_start3A_2504, %dma_start3A_2505] : memref<50x128xf32, #tpu.memory_space<vmem>> -> memref<1x128xf32, #tpu.memory_space<vmem>>
          %dma_start3A_2507 = tpu.memref_squeeze %dma_start3A_2506 : memref<1x128xf32, #tpu.memory_space<vmem>> -> memref<128xf32, #tpu.memory_space<vmem>>
          %dma_start3A_2508 = tpu.memref_slice %arg6[%add3A_2503] : memref<51200xi32, #tpu.memory_space<vmem>> -> memref<128xi32, #tpu.memory_space<vmem>>
          %dma_start3A_2509 = arith.constant 0 : i32
          %dma_start3A_2510 = tpu.memref_slice %arg10[%dma_start3A_2509] : memref<1000000xf32, #tpu.memory_space<vmem_shared>> -> memref<1000000xf32, #tpu.memory_space<vmem_shared>>
          tpu.enqueue_indirect_dma source(%dma_start3A_2510 : memref<1000000xf32, #tpu.memory_space<vmem_shared>>) target(%dma_start3A_2507 : memref<128xf32, #tpu.memory_space<vmem>>) offsets(%dma_start3A_2508 : memref<128xi32, #tpu.memory_space<vmem>>) semaphore(%arg11 : memref<!tpu.dma_semaphore, #tpu.memory_space<semaphore_mem>>)
          %mul3A_2511 = arith.constant 128 : i32
          %mul3A_2512 = arith.muli %add3A_2125, %mul3A_2511 : i32
          %add3A_2513 = arith.constant 35840 : i32
          %add3A_2514 = arith.addi %add3A_2513, %mul3A_2512 : i32
          %dma_start3A_2515 = arith.constant 35 : i32
          %dma_start3A_2516 = arith.constant 0 : i32
          %dma_start3A_2517 = tpu.memref_slice %arg7[%dma_start3A_2515, %dma_start3A_2516] : memref<50x128xf32, #tpu.memory_space<vmem>> -> memref<1x128xf32, #tpu.memory_space<vmem>>
          %dma_start3A_2518 = tpu.memref_squeeze %dma_start3A_2517 : memref<1x128xf32, #tpu.memory_space<vmem>> -> memref<128xf32, #tpu.memory_space<vmem>>
          %dma_start3A_2519 = tpu.memref_slice %arg6[%add3A_2514] : memref<51200xi32, #tpu.memory_space<vmem>> -> memref<128xi32, #tpu.memory_space<vmem>>
          %dma_start3A_2520 = arith.constant 0 : i32
          %dma_start3A_2521 = tpu.memref_slice %arg10[%dma_start3A_2520] : memref<1000000xf32, #tpu.memory_space<vmem_shared>> -> memref<1000000xf32, #tpu.memory_space<vmem_shared>>
          tpu.enqueue_indirect_dma source(%dma_start3A_2521 : memref<1000000xf32, #tpu.memory_space<vmem_shared>>) target(%dma_start3A_2518 : memref<128xf32, #tpu.memory_space<vmem>>) offsets(%dma_start3A_2519 : memref<128xi32, #tpu.memory_space<vmem>>) semaphore(%arg11 : memref<!tpu.dma_semaphore, #tpu.memory_space<semaphore_mem>>)
          %mul3A_2522 = arith.constant 128 : i32
          %mul3A_2523 = arith.muli %add3A_2125, %mul3A_2522 : i32
          %add3A_2524 = arith.constant 36864 : i32
          %add3A_2525 = arith.addi %add3A_2524, %mul3A_2523 : i32
          %dma_start3A_2526 = arith.constant 36 : i32
          %dma_start3A_2527 = arith.constant 0 : i32
          %dma_start3A_2528 = tpu.memref_slice %arg7[%dma_start3A_2526, %dma_start3A_2527] : memref<50x128xf32, #tpu.memory_space<vmem>> -> memref<1x128xf32, #tpu.memory_space<vmem>>
          %dma_start3A_2529 = tpu.memref_squeeze %dma_start3A_2528 : memref<1x128xf32, #tpu.memory_space<vmem>> -> memref<128xf32, #tpu.memory_space<vmem>>
          %dma_start3A_2530 = tpu.memref_slice %arg6[%add3A_2525] : memref<51200xi32, #tpu.memory_space<vmem>> -> memref<128xi32, #tpu.memory_space<vmem>>
          %dma_start3A_2531 = arith.constant 0 : i32
          %dma_start3A_2532 = tpu.memref_slice %arg10[%dma_start3A_2531] : memref<1000000xf32, #tpu.memory_space<vmem_shared>> -> memref<1000000xf32, #tpu.memory_space<vmem_shared>>
          tpu.enqueue_indirect_dma source(%dma_start3A_2532 : memref<1000000xf32, #tpu.memory_space<vmem_shared>>) target(%dma_start3A_2529 : memref<128xf32, #tpu.memory_space<vmem>>) offsets(%dma_start3A_2530 : memref<128xi32, #tpu.memory_space<vmem>>) semaphore(%arg11 : memref<!tpu.dma_semaphore, #tpu.memory_space<semaphore_mem>>)
          %mul3A_2533 = arith.constant 128 : i32
          %mul3A_2534 = arith.muli %add3A_2125, %mul3A_2533 : i32
          %add3A_2535 = arith.constant 37888 : i32
          %add3A_2536 = arith.addi %add3A_2535, %mul3A_2534 : i32
          %dma_start3A_2537 = arith.constant 37 : i32
          %dma_start3A_2538 = arith.constant 0 : i32
          %dma_start3A_2539 = tpu.memref_slice %arg7[%dma_start3A_2537, %dma_start3A_2538] : memref<50x128xf32, #tpu.memory_space<vmem>> -> memref<1x128xf32, #tpu.memory_space<vmem>>
          %dma_start3A_2540 = tpu.memref_squeeze %dma_start3A_2539 : memref<1x128xf32, #tpu.memory_space<vmem>> -> memref<128xf32, #tpu.memory_space<vmem>>
          %dma_start3A_2541 = tpu.memref_slice %arg6[%add3A_2536] : memref<51200xi32, #tpu.memory_space<vmem>> -> memref<128xi32, #tpu.memory_space<vmem>>
          %dma_start3A_2542 = arith.constant 0 : i32
          %dma_start3A_2543 = tpu.memref_slice %arg10[%dma_start3A_2542] : memref<1000000xf32, #tpu.memory_space<vmem_shared>> -> memref<1000000xf32, #tpu.memory_space<vmem_shared>>
          tpu.enqueue_indirect_dma source(%dma_start3A_2543 : memref<1000000xf32, #tpu.memory_space<vmem_shared>>) target(%dma_start3A_2540 : memref<128xf32, #tpu.memory_space<vmem>>) offsets(%dma_start3A_2541 : memref<128xi32, #tpu.memory_space<vmem>>) semaphore(%arg11 : memref<!tpu.dma_semaphore, #tpu.memory_space<semaphore_mem>>)
          %mul3A_2544 = arith.constant 128 : i32
          %mul3A_2545 = arith.muli %add3A_2125, %mul3A_2544 : i32
          %add3A_2546 = arith.constant 38912 : i32
          %add3A_2547 = arith.addi %add3A_2546, %mul3A_2545 : i32
          %dma_start3A_2548 = arith.constant 38 : i32
          %dma_start3A_2549 = arith.constant 0 : i32
          %dma_start3A_2550 = tpu.memref_slice %arg7[%dma_start3A_2548, %dma_start3A_2549] : memref<50x128xf32, #tpu.memory_space<vmem>> -> memref<1x128xf32, #tpu.memory_space<vmem>>
          %dma_start3A_2551 = tpu.memref_squeeze %dma_start3A_2550 : memref<1x128xf32, #tpu.memory_space<vmem>> -> memref<128xf32, #tpu.memory_space<vmem>>
          %dma_start3A_2552 = tpu.memref_slice %arg6[%add3A_2547] : memref<51200xi32, #tpu.memory_space<vmem>> -> memref<128xi32, #tpu.memory_space<vmem>>
          %dma_start3A_2553 = arith.constant 0 : i32
          %dma_start3A_2554 = tpu.memref_slice %arg10[%dma_start3A_2553] : memref<1000000xf32, #tpu.memory_space<vmem_shared>> -> memref<1000000xf32, #tpu.memory_space<vmem_shared>>
          tpu.enqueue_indirect_dma source(%dma_start3A_2554 : memref<1000000xf32, #tpu.memory_space<vmem_shared>>) target(%dma_start3A_2551 : memref<128xf32, #tpu.memory_space<vmem>>) offsets(%dma_start3A_2552 : memref<128xi32, #tpu.memory_space<vmem>>) semaphore(%arg11 : memref<!tpu.dma_semaphore, #tpu.memory_space<semaphore_mem>>)
          %mul3A_2555 = arith.constant 128 : i32
          %mul3A_2556 = arith.muli %add3A_2125, %mul3A_2555 : i32
          %add3A_2557 = arith.constant 39936 : i32
          %add3A_2558 = arith.addi %add3A_2557, %mul3A_2556 : i32
          %dma_start3A_2559 = arith.constant 39 : i32
          %dma_start3A_2560 = arith.constant 0 : i32
          %dma_start3A_2561 = tpu.memref_slice %arg7[%dma_start3A_2559, %dma_start3A_2560] : memref<50x128xf32, #tpu.memory_space<vmem>> -> memref<1x128xf32, #tpu.memory_space<vmem>>
          %dma_start3A_2562 = tpu.memref_squeeze %dma_start3A_2561 : memref<1x128xf32, #tpu.memory_space<vmem>> -> memref<128xf32, #tpu.memory_space<vmem>>
          %dma_start3A_2563 = tpu.memref_slice %arg6[%add3A_2558] : memref<51200xi32, #tpu.memory_space<vmem>> -> memref<128xi32, #tpu.memory_space<vmem>>
          %dma_start3A_2564 = arith.constant 0 : i32
          %dma_start3A_2565 = tpu.memref_slice %arg10[%dma_start3A_2564] : memref<1000000xf32, #tpu.memory_space<vmem_shared>> -> memref<1000000xf32, #tpu.memory_space<vmem_shared>>
          tpu.enqueue_indirect_dma source(%dma_start3A_2565 : memref<1000000xf32, #tpu.memory_space<vmem_shared>>) target(%dma_start3A_2562 : memref<128xf32, #tpu.memory_space<vmem>>) offsets(%dma_start3A_2563 : memref<128xi32, #tpu.memory_space<vmem>>) semaphore(%arg11 : memref<!tpu.dma_semaphore, #tpu.memory_space<semaphore_mem>>)
          %mul3A_2566 = arith.constant 128 : i32
          %mul3A_2567 = arith.muli %add3A_2125, %mul3A_2566 : i32
          %add3A_2568 = arith.constant 40960 : i32
          %add3A_2569 = arith.addi %add3A_2568, %mul3A_2567 : i32
          %dma_start3A_2570 = arith.constant 40 : i32
          %dma_start3A_2571 = arith.constant 0 : i32
          %dma_start3A_2572 = tpu.memref_slice %arg7[%dma_start3A_2570, %dma_start3A_2571] : memref<50x128xf32, #tpu.memory_space<vmem>> -> memref<1x128xf32, #tpu.memory_space<vmem>>
          %dma_start3A_2573 = tpu.memref_squeeze %dma_start3A_2572 : memref<1x128xf32, #tpu.memory_space<vmem>> -> memref<128xf32, #tpu.memory_space<vmem>>
          %dma_start3A_2574 = tpu.memref_slice %arg6[%add3A_2569] : memref<51200xi32, #tpu.memory_space<vmem>> -> memref<128xi32, #tpu.memory_space<vmem>>
          %dma_start3A_2575 = arith.constant 0 : i32
          %dma_start3A_2576 = tpu.memref_slice %arg10[%dma_start3A_2575] : memref<1000000xf32, #tpu.memory_space<vmem_shared>> -> memref<1000000xf32, #tpu.memory_space<vmem_shared>>
          tpu.enqueue_indirect_dma source(%dma_start3A_2576 : memref<1000000xf32, #tpu.memory_space<vmem_shared>>) target(%dma_start3A_2573 : memref<128xf32, #tpu.memory_space<vmem>>) offsets(%dma_start3A_2574 : memref<128xi32, #tpu.memory_space<vmem>>) semaphore(%arg11 : memref<!tpu.dma_semaphore, #tpu.memory_space<semaphore_mem>>)
          %mul3A_2577 = arith.constant 128 : i32
          %mul3A_2578 = arith.muli %add3A_2125, %mul3A_2577 : i32
          %add3A_2579 = arith.constant 41984 : i32
          %add3A_2580 = arith.addi %add3A_2579, %mul3A_2578 : i32
          %dma_start3A_2581 = arith.constant 41 : i32
          %dma_start3A_2582 = arith.constant 0 : i32
          %dma_start3A_2583 = tpu.memref_slice %arg7[%dma_start3A_2581, %dma_start3A_2582] : memref<50x128xf32, #tpu.memory_space<vmem>> -> memref<1x128xf32, #tpu.memory_space<vmem>>
          %dma_start3A_2584 = tpu.memref_squeeze %dma_start3A_2583 : memref<1x128xf32, #tpu.memory_space<vmem>> -> memref<128xf32, #tpu.memory_space<vmem>>
          %dma_start3A_2585 = tpu.memref_slice %arg6[%add3A_2580] : memref<51200xi32, #tpu.memory_space<vmem>> -> memref<128xi32, #tpu.memory_space<vmem>>
          %dma_start3A_2586 = arith.constant 0 : i32
          %dma_start3A_2587 = tpu.memref_slice %arg10[%dma_start3A_2586] : memref<1000000xf32, #tpu.memory_space<vmem_shared>> -> memref<1000000xf32, #tpu.memory_space<vmem_shared>>
          tpu.enqueue_indirect_dma source(%dma_start3A_2587 : memref<1000000xf32, #tpu.memory_space<vmem_shared>>) target(%dma_start3A_2584 : memref<128xf32, #tpu.memory_space<vmem>>) offsets(%dma_start3A_2585 : memref<128xi32, #tpu.memory_space<vmem>>) semaphore(%arg11 : memref<!tpu.dma_semaphore, #tpu.memory_space<semaphore_mem>>)
          %mul3A_2588 = arith.constant 128 : i32
          %mul3A_2589 = arith.muli %add3A_2125, %mul3A_2588 : i32
          %add3A_2590 = arith.constant 43008 : i32
          %add3A_2591 = arith.addi %add3A_2590, %mul3A_2589 : i32
          %dma_start3A_2592 = arith.constant 42 : i32
          %dma_start3A_2593 = arith.constant 0 : i32
          %dma_start3A_2594 = tpu.memref_slice %arg7[%dma_start3A_2592, %dma_start3A_2593] : memref<50x128xf32, #tpu.memory_space<vmem>> -> memref<1x128xf32, #tpu.memory_space<vmem>>
          %dma_start3A_2595 = tpu.memref_squeeze %dma_start3A_2594 : memref<1x128xf32, #tpu.memory_space<vmem>> -> memref<128xf32, #tpu.memory_space<vmem>>
          %dma_start3A_2596 = tpu.memref_slice %arg6[%add3A_2591] : memref<51200xi32, #tpu.memory_space<vmem>> -> memref<128xi32, #tpu.memory_space<vmem>>
          %dma_start3A_2597 = arith.constant 0 : i32
          %dma_start3A_2598 = tpu.memref_slice %arg10[%dma_start3A_2597] : memref<1000000xf32, #tpu.memory_space<vmem_shared>> -> memref<1000000xf32, #tpu.memory_space<vmem_shared>>
          tpu.enqueue_indirect_dma source(%dma_start3A_2598 : memref<1000000xf32, #tpu.memory_space<vmem_shared>>) target(%dma_start3A_2595 : memref<128xf32, #tpu.memory_space<vmem>>) offsets(%dma_start3A_2596 : memref<128xi32, #tpu.memory_space<vmem>>) semaphore(%arg11 : memref<!tpu.dma_semaphore, #tpu.memory_space<semaphore_mem>>)
          %mul3A_2599 = arith.constant 128 : i32
          %mul3A_2600 = arith.muli %add3A_2125, %mul3A_2599 : i32
          %add3A_2601 = arith.constant 44032 : i32
          %add3A_2602 = arith.addi %add3A_2601, %mul3A_2600 : i32
          %dma_start3A_2603 = arith.constant 43 : i32
          %dma_start3A_2604 = arith.constant 0 : i32
          %dma_start3A_2605 = tpu.memref_slice %arg7[%dma_start3A_2603, %dma_start3A_2604] : memref<50x128xf32, #tpu.memory_space<vmem>> -> memref<1x128xf32, #tpu.memory_space<vmem>>
          %dma_start3A_2606 = tpu.memref_squeeze %dma_start3A_2605 : memref<1x128xf32, #tpu.memory_space<vmem>> -> memref<128xf32, #tpu.memory_space<vmem>>
          %dma_start3A_2607 = tpu.memref_slice %arg6[%add3A_2602] : memref<51200xi32, #tpu.memory_space<vmem>> -> memref<128xi32, #tpu.memory_space<vmem>>
          %dma_start3A_2608 = arith.constant 0 : i32
          %dma_start3A_2609 = tpu.memref_slice %arg10[%dma_start3A_2608] : memref<1000000xf32, #tpu.memory_space<vmem_shared>> -> memref<1000000xf32, #tpu.memory_space<vmem_shared>>
          tpu.enqueue_indirect_dma source(%dma_start3A_2609 : memref<1000000xf32, #tpu.memory_space<vmem_shared>>) target(%dma_start3A_2606 : memref<128xf32, #tpu.memory_space<vmem>>) offsets(%dma_start3A_2607 : memref<128xi32, #tpu.memory_space<vmem>>) semaphore(%arg11 : memref<!tpu.dma_semaphore, #tpu.memory_space<semaphore_mem>>)
          %mul3A_2610 = arith.constant 128 : i32
          %mul3A_2611 = arith.muli %add3A_2125, %mul3A_2610 : i32
          %add3A_2612 = arith.constant 45056 : i32
          %add3A_2613 = arith.addi %add3A_2612, %mul3A_2611 : i32
          %dma_start3A_2614 = arith.constant 44 : i32
          %dma_start3A_2615 = arith.constant 0 : i32
          %dma_start3A_2616 = tpu.memref_slice %arg7[%dma_start3A_2614, %dma_start3A_2615] : memref<50x128xf32, #tpu.memory_space<vmem>> -> memref<1x128xf32, #tpu.memory_space<vmem>>
          %dma_start3A_2617 = tpu.memref_squeeze %dma_start3A_2616 : memref<1x128xf32, #tpu.memory_space<vmem>> -> memref<128xf32, #tpu.memory_space<vmem>>
          %dma_start3A_2618 = tpu.memref_slice %arg6[%add3A_2613] : memref<51200xi32, #tpu.memory_space<vmem>> -> memref<128xi32, #tpu.memory_space<vmem>>
          %dma_start3A_2619 = arith.constant 0 : i32
          %dma_start3A_2620 = tpu.memref_slice %arg10[%dma_start3A_2619] : memref<1000000xf32, #tpu.memory_space<vmem_shared>> -> memref<1000000xf32, #tpu.memory_space<vmem_shared>>
          tpu.enqueue_indirect_dma source(%dma_start3A_2620 : memref<1000000xf32, #tpu.memory_space<vmem_shared>>) target(%dma_start3A_2617 : memref<128xf32, #tpu.memory_space<vmem>>) offsets(%dma_start3A_2618 : memref<128xi32, #tpu.memory_space<vmem>>) semaphore(%arg11 : memref<!tpu.dma_semaphore, #tpu.memory_space<semaphore_mem>>)
          %mul3A_2621 = arith.constant 128 : i32
          %mul3A_2622 = arith.muli %add3A_2125, %mul3A_2621 : i32
          %add3A_2623 = arith.constant 46080 : i32
          %add3A_2624 = arith.addi %add3A_2623, %mul3A_2622 : i32
          %dma_start3A_2625 = arith.constant 45 : i32
          %dma_start3A_2626 = arith.constant 0 : i32
          %dma_start3A_2627 = tpu.memref_slice %arg7[%dma_start3A_2625, %dma_start3A_2626] : memref<50x128xf32, #tpu.memory_space<vmem>> -> memref<1x128xf32, #tpu.memory_space<vmem>>
          %dma_start3A_2628 = tpu.memref_squeeze %dma_start3A_2627 : memref<1x128xf32, #tpu.memory_space<vmem>> -> memref<128xf32, #tpu.memory_space<vmem>>
          %dma_start3A_2629 = tpu.memref_slice %arg6[%add3A_2624] : memref<51200xi32, #tpu.memory_space<vmem>> -> memref<128xi32, #tpu.memory_space<vmem>>
          %dma_start3A_2630 = arith.constant 0 : i32
          %dma_start3A_2631 = tpu.memref_slice %arg10[%dma_start3A_2630] : memref<1000000xf32, #tpu.memory_space<vmem_shared>> -> memref<1000000xf32, #tpu.memory_space<vmem_shared>>
          tpu.enqueue_indirect_dma source(%dma_start3A_2631 : memref<1000000xf32, #tpu.memory_space<vmem_shared>>) target(%dma_start3A_2628 : memref<128xf32, #tpu.memory_space<vmem>>) offsets(%dma_start3A_2629 : memref<128xi32, #tpu.memory_space<vmem>>) semaphore(%arg11 : memref<!tpu.dma_semaphore, #tpu.memory_space<semaphore_mem>>)
          %mul3A_2632 = arith.constant 128 : i32
          %mul3A_2633 = arith.muli %add3A_2125, %mul3A_2632 : i32
          %add3A_2634 = arith.constant 47104 : i32
          %add3A_2635 = arith.addi %add3A_2634, %mul3A_2633 : i32
          %dma_start3A_2636 = arith.constant 46 : i32
          %dma_start3A_2637 = arith.constant 0 : i32
          %dma_start3A_2638 = tpu.memref_slice %arg7[%dma_start3A_2636, %dma_start3A_2637] : memref<50x128xf32, #tpu.memory_space<vmem>> -> memref<1x128xf32, #tpu.memory_space<vmem>>
          %dma_start3A_2639 = tpu.memref_squeeze %dma_start3A_2638 : memref<1x128xf32, #tpu.memory_space<vmem>> -> memref<128xf32, #tpu.memory_space<vmem>>
          %dma_start3A_2640 = tpu.memref_slice %arg6[%add3A_2635] : memref<51200xi32, #tpu.memory_space<vmem>> -> memref<128xi32, #tpu.memory_space<vmem>>
          %dma_start3A_2641 = arith.constant 0 : i32
          %dma_start3A_2642 = tpu.memref_slice %arg10[%dma_start3A_2641] : memref<1000000xf32, #tpu.memory_space<vmem_shared>> -> memref<1000000xf32, #tpu.memory_space<vmem_shared>>
          tpu.enqueue_indirect_dma source(%dma_start3A_2642 : memref<1000000xf32, #tpu.memory_space<vmem_shared>>) target(%dma_start3A_2639 : memref<128xf32, #tpu.memory_space<vmem>>) offsets(%dma_start3A_2640 : memref<128xi32, #tpu.memory_space<vmem>>) semaphore(%arg11 : memref<!tpu.dma_semaphore, #tpu.memory_space<semaphore_mem>>)
          %mul3A_2643 = arith.constant 128 : i32
          %mul3A_2644 = arith.muli %add3A_2125, %mul3A_2643 : i32
          %add3A_2645 = arith.constant 48128 : i32
          %add3A_2646 = arith.addi %add3A_2645, %mul3A_2644 : i32
          %dma_start3A_2647 = arith.constant 47 : i32
          %dma_start3A_2648 = arith.constant 0 : i32
          %dma_start3A_2649 = tpu.memref_slice %arg7[%dma_start3A_2647, %dma_start3A_2648] : memref<50x128xf32, #tpu.memory_space<vmem>> -> memref<1x128xf32, #tpu.memory_space<vmem>>
          %dma_start3A_2650 = tpu.memref_squeeze %dma_start3A_2649 : memref<1x128xf32, #tpu.memory_space<vmem>> -> memref<128xf32, #tpu.memory_space<vmem>>
          %dma_start3A_2651 = tpu.memref_slice %arg6[%add3A_2646] : memref<51200xi32, #tpu.memory_space<vmem>> -> memref<128xi32, #tpu.memory_space<vmem>>
          %dma_start3A_2652 = arith.constant 0 : i32
          %dma_start3A_2653 = tpu.memref_slice %arg10[%dma_start3A_2652] : memref<1000000xf32, #tpu.memory_space<vmem_shared>> -> memref<1000000xf32, #tpu.memory_space<vmem_shared>>
          tpu.enqueue_indirect_dma source(%dma_start3A_2653 : memref<1000000xf32, #tpu.memory_space<vmem_shared>>) target(%dma_start3A_2650 : memref<128xf32, #tpu.memory_space<vmem>>) offsets(%dma_start3A_2651 : memref<128xi32, #tpu.memory_space<vmem>>) semaphore(%arg11 : memref<!tpu.dma_semaphore, #tpu.memory_space<semaphore_mem>>)
          %mul3A_2654 = arith.constant 128 : i32
          %mul3A_2655 = arith.muli %add3A_2125, %mul3A_2654 : i32
          %add3A_2656 = arith.constant 49152 : i32
          %add3A_2657 = arith.addi %add3A_2656, %mul3A_2655 : i32
          %dma_start3A_2658 = arith.constant 48 : i32
          %dma_start3A_2659 = arith.constant 0 : i32
          %dma_start3A_2660 = tpu.memref_slice %arg7[%dma_start3A_2658, %dma_start3A_2659] : memref<50x128xf32, #tpu.memory_space<vmem>> -> memref<1x128xf32, #tpu.memory_space<vmem>>
          %dma_start3A_2661 = tpu.memref_squeeze %dma_start3A_2660 : memref<1x128xf32, #tpu.memory_space<vmem>> -> memref<128xf32, #tpu.memory_space<vmem>>
          %dma_start3A_2662 = tpu.memref_slice %arg6[%add3A_2657] : memref<51200xi32, #tpu.memory_space<vmem>> -> memref<128xi32, #tpu.memory_space<vmem>>
          %dma_start3A_2663 = arith.constant 0 : i32
          %dma_start3A_2664 = tpu.memref_slice %arg10[%dma_start3A_2663] : memref<1000000xf32, #tpu.memory_space<vmem_shared>> -> memref<1000000xf32, #tpu.memory_space<vmem_shared>>
          tpu.enqueue_indirect_dma source(%dma_start3A_2664 : memref<1000000xf32, #tpu.memory_space<vmem_shared>>) target(%dma_start3A_2661 : memref<128xf32, #tpu.memory_space<vmem>>) offsets(%dma_start3A_2662 : memref<128xi32, #tpu.memory_space<vmem>>) semaphore(%arg11 : memref<!tpu.dma_semaphore, #tpu.memory_space<semaphore_mem>>)
          %mul3A_2665 = arith.constant 128 : i32
          %mul3A_2666 = arith.muli %add3A_2125, %mul3A_2665 : i32
          %add3A_2667 = arith.constant 50176 : i32
          %add3A_2668 = arith.addi %add3A_2667, %mul3A_2666 : i32
          %dma_start3A_2669 = arith.constant 49 : i32
          %dma_start3A_2670 = arith.constant 0 : i32
          %dma_start3A_2671 = tpu.memref_slice %arg7[%dma_start3A_2669, %dma_start3A_2670] : memref<50x128xf32, #tpu.memory_space<vmem>> -> memref<1x128xf32, #tpu.memory_space<vmem>>
          %dma_start3A_2672 = tpu.memref_squeeze %dma_start3A_2671 : memref<1x128xf32, #tpu.memory_space<vmem>> -> memref<128xf32, #tpu.memory_space<vmem>>
          %dma_start3A_2673 = tpu.memref_slice %arg6[%add3A_2668] : memref<51200xi32, #tpu.memory_space<vmem>> -> memref<128xi32, #tpu.memory_space<vmem>>
          %dma_start3A_2674 = arith.constant 0 : i32
          %dma_start3A_2675 = tpu.memref_slice %arg10[%dma_start3A_2674] : memref<1000000xf32, #tpu.memory_space<vmem_shared>> -> memref<1000000xf32, #tpu.memory_space<vmem_shared>>
          tpu.enqueue_indirect_dma source(%dma_start3A_2675 : memref<1000000xf32, #tpu.memory_space<vmem_shared>>) target(%dma_start3A_2672 : memref<128xf32, #tpu.memory_space<vmem>>) offsets(%dma_start3A_2673 : memref<128xi32, #tpu.memory_space<vmem>>) semaphore(%arg11 : memref<!tpu.dma_semaphore, #tpu.memory_space<semaphore_mem>>)
        } else {
        }
        %dma_wait3A_2084 = arith.constant 0 : i32
        %dma_wait3A_2085 = arith.constant 0 : i32
        %dma_wait3A_2086 = arith.constant 0 : i32
        %dma_wait3A_2087 = arith.constant 0 : i32
        %dma_wait3A_2088 = arith.constant 0 : i32
        %dma_wait3A_2089 = tpu.memref_slice %arg5[%dma_wait3A_2087, %dma_wait3A_2084, %dma_wait3A_2085, %dma_wait3A_2086, %dma_wait3A_2088] : memref<50x8x128x8x128xf32, #tpu.memory_space<hbm>> -> memref<50x1x1x1x128xf32, #tpu.memory_space<hbm>>
        %dma_wait3A_2090 = tpu.memref_squeeze %dma_wait3A_2089 : memref<50x1x1x1x128xf32, #tpu.memory_space<hbm>> -> memref<50x128xf32, #tpu.memory_space<hbm>>
        %dma_wait3A_2091 = arith.constant 0 : i32
        %dma_wait3A_2092 = arith.constant 0 : i32
        %dma_wait3A_2093 = tpu.memref_slice %arg5[%dma_wait3A_2091, %dma_wait3A_2084, %dma_wait3A_2085, %dma_wait3A_2086, %dma_wait3A_2092] : memref<50x8x128x8x128xf32, #tpu.memory_space<hbm>> -> memref<50x1x1x1x128xf32, #tpu.memory_space<hbm>>
        %dma_wait3A_2094 = tpu.memref_squeeze %dma_wait3A_2093 : memref<50x1x1x1x128xf32, #tpu.memory_space<hbm>> -> memref<50x128xf32, #tpu.memory_space<hbm>>
        tpu.wait_dma2 semaphore(%arg12 : memref<!tpu.dma_semaphore, #tpu.memory_space<semaphore_mem>>) src(%dma_wait3A_2094 : memref<50x128xf32, #tpu.memory_space<hbm>>) dst(%arg8 : memref<50x128xf32, #tpu.memory_space<vmem>>)
        %mul3A_2095 = arith.constant 2 : i32
        %mul3A_2096 = arith.muli %mul3A_2095, %scan3A_1495 : i32
        %add3A_2097 = arith.constant 1 : i32
        %add3A_2098 = arith.addi %mul3A_2096, %add3A_2097 : i32
        %mul3A_2099 = arith.constant 8 : i32
        %mul3A_2100 = arith.muli %arg1, %mul3A_2099 : i32
        %add3A_2101 = arith.addi %mul3A_2100, %add3A_2098 : i32
        %dma_start3A_2102 = arith.constant 0 : i32
        %dma_start3A_2103 = arith.constant 0 : i32
        %dma_start3A_2104 = tpu.memref_slice %arg5[%dma_start3A_2102, %select_n3A, %add3A_2101, %select_n3A_1048, %dma_start3A_2103] : memref<50x8x128x8x128xf32, #tpu.memory_space<hbm>> -> memref<50x1x1x1x128xf32, #tpu.memory_space<hbm>>
        %dma_start3A_2105 = tpu.memref_squeeze %dma_start3A_2104 : memref<50x1x1x1x128xf32, #tpu.memory_space<hbm>> -> memref<50x128xf32, #tpu.memory_space<hbm>>
        %dma_start3A_2106 = arith.constant 0 : i32
        %dma_start3A_2107 = arith.constant 0 : i32
        %dma_start3A_2108 = tpu.memref_slice %arg5[%dma_start3A_2106, %select_n3A, %add3A_2101, %select_n3A_1048, %dma_start3A_2107] : memref<50x8x128x8x128xf32, #tpu.memory_space<hbm>> -> memref<50x1x1x1x128xf32, #tpu.memory_space<hbm>>
        %dma_start3A_2109 = tpu.memref_squeeze %dma_start3A_2108 : memref<50x1x1x1x128xf32, #tpu.memory_space<hbm>> -> memref<50x128xf32, #tpu.memory_space<hbm>>
        tpu.enqueue_dma source(%arg8 : memref<50x128xf32, #tpu.memory_space<vmem>>) target(%dma_start3A_2109 : memref<50x128xf32, #tpu.memory_space<hbm>>) target_semaphore(%arg14 : memref<!tpu.dma_semaphore, #tpu.memory_space<semaphore_mem>>)
        %scan3A_2110 = arith.constant 0 : i32
        scf.yield %scan3A_2110 : i32
      }
      %scan3A_1465 = arith.constant 4 : i32
      %barrier3A_1466 = arith.constant 0 : index
      tpu.barrier barrier_id(%barrier3A_1466)
      %lt3A_1467 = arith.constant 31 : i32
      %lt3A_1468 = arith.cmpi slt, %scan3A_1013, %lt3A_1467 : i32
      %convert_element_type3A_1469 = arith.extui %lt3A_1468 : i1 to i32
      %cond3A_1470 = arith.constant 0 : i32
      %cond3A_1471 = arith.cmpi ne, %convert_element_type3A_1469, %cond3A_1470 : i32
      scf.if %cond3A_1471 {
        %add3A_1495 = arith.constant 1 : i32
        %add3A_1496 = arith.addi %add3A, %add3A_1495 : i32
        %lt3A_1497 = arith.constant 15 : i32
        %lt3A_1498 = arith.cmpi slt, %arg1, %lt3A_1497 : i32
        %convert_element_type3A_1499 = arith.extui %lt3A_1498 : i1 to i32
        %cond3A_1500 = arith.constant 0 : i32
        %cond3A_1501 = arith.cmpi ne, %convert_element_type3A_1499, %cond3A_1500 : i32
        scf.if %cond3A_1501 {
          %mul3A_1507 = arith.constant 62464 : i32
          %mul3A_1508 = arith.muli %arg1, %mul3A_1507 : i32
          %dma_start3A_1509 = tpu.memref_slice %arg10[%mul3A_1508] : memref<1000000xf32, #tpu.memory_space<vmem_shared>> -> memref<62464xf32, #tpu.memory_space<vmem_shared>>
          %dma_start3A_1510 = arith.constant 0 : i32
          %dma_start3A_1511 = tpu.memref_slice %arg3[%add3A_1496, %dma_start3A_1510] : memref<64x1000000xf32, #tpu.memory_space<hbm>> -> memref<1x1000000xf32, #tpu.memory_space<hbm>>
          %dma_start3A_1512 = tpu.memref_squeeze %dma_start3A_1511 : memref<1x1000000xf32, #tpu.memory_space<hbm>> -> memref<1000000xf32, #tpu.memory_space<hbm>>
          %dma_start3A_1513 = tpu.memref_slice %dma_start3A_1512[%mul3A_1508] : memref<1000000xf32, #tpu.memory_space<hbm>> -> memref<62464xf32, #tpu.memory_space<hbm>>
          tpu.enqueue_dma source(%dma_start3A_1513 : memref<62464xf32, #tpu.memory_space<hbm>>) target(%dma_start3A_1509 : memref<62464xf32, #tpu.memory_space<vmem_shared>>) target_semaphore(%arg15 : memref<!tpu.dma_semaphore, #tpu.memory_space<semaphore_mem>>)
        } else {
        }
        %eq3A_1502 = arith.constant 15 : i32
        %eq3A_1503 = arith.cmpi eq, %arg1, %eq3A_1502 : i32
        %convert_element_type3A_1504 = arith.extui %eq3A_1503 : i1 to i32
        %cond3A_1505 = arith.constant 0 : i32
        %cond3A_1506 = arith.cmpi ne, %convert_element_type3A_1504, %cond3A_1505 : i32
        scf.if %cond3A_1506 {
          %dma_start3A_1507 = arith.constant 936960 : i32
          %dma_start3A_1508 = tpu.memref_slice %arg10[%dma_start3A_1507] : memref<1000000xf32, #tpu.memory_space<vmem_shared>> -> memref<62976xf32, #tpu.memory_space<vmem_shared>>
          %dma_start3A_1509 = arith.constant 0 : i32
          %dma_start3A_1510 = tpu.memref_slice %arg3[%add3A_1496, %dma_start3A_1509] : memref<64x1000000xf32, #tpu.memory_space<hbm>> -> memref<1x1000000xf32, #tpu.memory_space<hbm>>
          %dma_start3A_1511 = tpu.memref_squeeze %dma_start3A_1510 : memref<1x1000000xf32, #tpu.memory_space<hbm>> -> memref<1000000xf32, #tpu.memory_space<hbm>>
          %dma_start3A_1512 = arith.constant 936960 : i32
          %dma_start3A_1513 = tpu.memref_slice %dma_start3A_1511[%dma_start3A_1512] : memref<1000000xf32, #tpu.memory_space<hbm>> -> memref<62976xf32, #tpu.memory_space<hbm>>
          tpu.enqueue_dma source(%dma_start3A_1513 : memref<62976xf32, #tpu.memory_space<hbm>>) target(%dma_start3A_1508 : memref<62976xf32, #tpu.memory_space<vmem_shared>>) target_semaphore(%arg15 : memref<!tpu.dma_semaphore, #tpu.memory_space<semaphore_mem>>)
          %mul3A_1514 = arith.constant 128 : i32
          %mul3A_1515 = arith.muli %add3A_1496, %mul3A_1514 : i32
          "tpu.region"() ({
            %run_scoped3A = tpu.sem_alloc : memref<!tpu.dma_semaphore, #tpu.memory_space<semaphore_mem>>
            %dma_start3A_1516 = tpu.memref_slice %arg4[%mul3A_1515] : memref<8192xf32, #tpu.memory_space<hbm>> -> memref<128xf32, #tpu.memory_space<hbm>>
            %dma_start3A_1517 = tpu.memref_slice %arg4[%mul3A_1515] : memref<8192xf32, #tpu.memory_space<hbm>> -> memref<128xf32, #tpu.memory_space<hbm>>
            tpu.enqueue_dma source(%dma_start3A_1517 : memref<128xf32, #tpu.memory_space<hbm>>) target(%arg9 : memref<128xf32, #tpu.memory_space<vmem>>) target_semaphore(%run_scoped3A : memref<!tpu.dma_semaphore, #tpu.memory_space<semaphore_mem>>)
            %dma_wait3A_1518 = tpu.memref_slice %arg4[%mul3A_1515] : memref<8192xf32, #tpu.memory_space<hbm>> -> memref<128xf32, #tpu.memory_space<hbm>>
            %dma_wait3A_1519 = tpu.memref_slice %arg4[%mul3A_1515] : memref<8192xf32, #tpu.memory_space<hbm>> -> memref<128xf32, #tpu.memory_space<hbm>>
            tpu.wait_dma2 semaphore(%run_scoped3A : memref<!tpu.dma_semaphore, #tpu.memory_space<semaphore_mem>>) src(%dma_wait3A_1519 : memref<128xf32, #tpu.memory_space<hbm>>) dst(%arg9 : memref<128xf32, #tpu.memory_space<vmem>>)
            tpu.yield
          }) : () -> ()
          "tpu.region"() ({
            %run_scoped3A = tpu.sem_alloc : memref<!tpu.dma_semaphore, #tpu.memory_space<semaphore_mem>>
            %dma_start3A_1516 = arith.constant 999872 : i32
            %dma_start3A_1517 = tpu.memref_slice %arg10[%dma_start3A_1516] : memref<1000000xf32, #tpu.memory_space<vmem_shared>> -> memref<128xf32, #tpu.memory_space<vmem_shared>>
            %dma_start3A_1518 = arith.constant 999872 : i32
            %dma_start3A_1519 = tpu.memref_slice %arg10[%dma_start3A_1518] : memref<1000000xf32, #tpu.memory_space<vmem_shared>> -> memref<128xf32, #tpu.memory_space<vmem_shared>>
            tpu.enqueue_dma source(%arg9 : memref<128xf32, #tpu.memory_space<vmem>>) target(%dma_start3A_1519 : memref<128xf32, #tpu.memory_space<vmem_shared>>) target_semaphore(%run_scoped3A : memref<!tpu.dma_semaphore, #tpu.memory_space<semaphore_mem>>)
            %dma_wait3A_1520 = arith.constant 999872 : i32
            %dma_wait3A_1521 = tpu.memref_slice %arg10[%dma_wait3A_1520] : memref<1000000xf32, #tpu.memory_space<vmem_shared>> -> memref<128xf32, #tpu.memory_space<vmem_shared>>
            %dma_wait3A_1522 = arith.constant 999872 : i32
            %dma_wait3A_1523 = tpu.memref_slice %arg10[%dma_wait3A_1522] : memref<1000000xf32, #tpu.memory_space<vmem_shared>> -> memref<128xf32, #tpu.memory_space<vmem_shared>>
            tpu.wait_dma2 semaphore(%run_scoped3A : memref<!tpu.dma_semaphore, #tpu.memory_space<semaphore_mem>>) src(%arg9 : memref<128xf32, #tpu.memory_space<vmem>>) dst(%dma_wait3A_1523 : memref<128xf32, #tpu.memory_space<vmem_shared>>)
            tpu.yield
          }) : () -> ()
        } else {
        }
      } else {
      }
      %dma_wait3A_1472 = arith.constant 0 : i32
      %dma_wait3A_1473 = arith.constant 0 : i32
      %dma_wait3A_1474 = arith.constant 0 : i32
      %dma_wait3A_1475 = arith.constant 0 : i32
      %dma_wait3A_1476 = arith.constant 0 : i32
      %dma_wait3A_1477 = tpu.memref_slice %arg5[%dma_wait3A_1475, %dma_wait3A_1472, %dma_wait3A_1473, %dma_wait3A_1474, %dma_wait3A_1476] : memref<50x8x128x8x128xf32, #tpu.memory_space<hbm>> -> memref<50x1x1x1x128xf32, #tpu.memory_space<hbm>>
      %dma_wait3A_1478 = tpu.memref_squeeze %dma_wait3A_1477 : memref<50x1x1x1x128xf32, #tpu.memory_space<hbm>> -> memref<50x128xf32, #tpu.memory_space<hbm>>
      %dma_wait3A_1479 = arith.constant 0 : i32
      %dma_wait3A_1480 = arith.constant 0 : i32
      %dma_wait3A_1481 = tpu.memref_slice %arg5[%dma_wait3A_1479, %dma_wait3A_1472, %dma_wait3A_1473, %dma_wait3A_1474, %dma_wait3A_1480] : memref<50x8x128x8x128xf32, #tpu.memory_space<hbm>> -> memref<50x1x1x1x128xf32, #tpu.memory_space<hbm>>
      %dma_wait3A_1482 = tpu.memref_squeeze %dma_wait3A_1481 : memref<50x1x1x1x128xf32, #tpu.memory_space<hbm>> -> memref<50x128xf32, #tpu.memory_space<hbm>>
      tpu.wait_dma2 semaphore(%arg13 : memref<!tpu.dma_semaphore, #tpu.memory_space<semaphore_mem>>) src(%arg7 : memref<50x128xf32, #tpu.memory_space<vmem>>) dst(%dma_wait3A_1482 : memref<50x128xf32, #tpu.memory_space<hbm>>)
      %dma_wait3A_1483 = arith.constant 0 : i32
      %dma_wait3A_1484 = arith.constant 0 : i32
      %dma_wait3A_1485 = arith.constant 0 : i32
      %dma_wait3A_1486 = arith.constant 0 : i32
      %dma_wait3A_1487 = arith.constant 0 : i32
      %dma_wait3A_1488 = tpu.memref_slice %arg5[%dma_wait3A_1486, %dma_wait3A_1483, %dma_wait3A_1484, %dma_wait3A_1485, %dma_wait3A_1487] : memref<50x8x128x8x128xf32, #tpu.memory_space<hbm>> -> memref<50x1x1x1x128xf32, #tpu.memory_space<hbm>>
      %dma_wait3A_1489 = tpu.memref_squeeze %dma_wait3A_1488 : memref<50x1x1x1x128xf32, #tpu.memory_space<hbm>> -> memref<50x128xf32, #tpu.memory_space<hbm>>
      %dma_wait3A_1490 = arith.constant 0 : i32
      %dma_wait3A_1491 = arith.constant 0 : i32
      %dma_wait3A_1492 = tpu.memref_slice %arg5[%dma_wait3A_1490, %dma_wait3A_1483, %dma_wait3A_1484, %dma_wait3A_1485, %dma_wait3A_1491] : memref<50x8x128x8x128xf32, #tpu.memory_space<hbm>> -> memref<50x1x1x1x128xf32, #tpu.memory_space<hbm>>
      %dma_wait3A_1493 = tpu.memref_squeeze %dma_wait3A_1492 : memref<50x1x1x1x128xf32, #tpu.memory_space<hbm>> -> memref<50x128xf32, #tpu.memory_space<hbm>>
      tpu.wait_dma2 semaphore(%arg14 : memref<!tpu.dma_semaphore, #tpu.memory_space<semaphore_mem>>) src(%arg8 : memref<50x128xf32, #tpu.memory_space<vmem>>) dst(%dma_wait3A_1493 : memref<50x128xf32, #tpu.memory_space<hbm>>)
      %scan3A_1494 = arith.constant 0 : i32
      scf.yield %scan3A_1494 : i32
    }
    %scan3A_1012 = arith.constant 32 : i32
    return
  }
}

</mosaic_0001>

<sc_bundles>
// kernel: kernel.3.cloned.1.call-start
scs
__scs_entry_jumppad:
0x0: {  	(pc) =	sbr.rel $0x88, $3  }
0x1: {  	(tag) =	ssettag $0x0;
	lr =	simm.s32 $0x1  }
0x2: {  	[smem:$0x3F9F] =	sst lr;
	_ =	strace $0xD0000000  }
0x3: {  	_ = 	snop  }
0x4: {  	_ = 	snop  }
0x5: {  	_ = 	snop  }
0x6: {  	_ = 	snop  }
0x7: {  	_ = 	snop  }
__scs_overlays_trampoline_lowered:
0x8: {  	[smem:$0x3FAE] =	sst s0  }
0x9: {  	[smem:$0x3FAF] =	sst s1  }
0xa: {  	[smem:$0x3FB0] =	sst s2  }
0xb: {  	[smem:$0x3FB1] =	sst s3  }
0xc: {  	[smem:$0x3FB2] =	sst s4  }
0xd: {  	[smem:$0x3FB3] =	sst s5  }
0xe: {  	[smem:$0x3FB4] =	sst s6  }
0xf: {  	[smem:$0x3FB5] =	sst s7  }
0x10: {  	[smem:$0x3FB6] =	sst s8  }
0x11: {  	[smem:$0x3FB7] =	sst s9;
	s0 =	simm.s32 @!p0 $0x0  }
0x12: {  	s1 =	sld [smem:$0x3F9D];
	s0 =	simm.s32 @p0 $0x1  }
0x13: {  	[smem:$0x3FB8] =	sst s0;
	s0 =	simm.s32 @!p1 $0x0  }
0x14: {  	s2 =	sld [smem:$0x3F9C];
	s0 =	simm.s32 @p1 $0x1  }
0x15: {  	[smem:$0x3FB9] =	sst s0;
	s0 =	simm.s32 @!p2 $0x0  }
0x16: {  	s3 =	sld [smem:$0x3FDB];
	s0 =	simm.s32 @p2 $0x1  }
0x17: {  	s4 =	simm.s32 $0x1BF5;
	[smem:$0x3FBB] =	sst s0  }
0x18: {  	s0 =	sld [smem:$0x3F9E];
	_ =	swait.ge [sflag:s4], $0x0  }
0x19: {  	s7 =	sld [smem:$0x3F9F]  }
0x1a: {  	s8 =	sadd.s32 $0xFFFFE003, lr  }
0x1b: {  	s9 =	sadd.s32 $0xFFFFFEF7, lr;
	s5 =	simm.s32 $0xFFFFFFFF;
	p2 =	slt.u32 s8, $0xFFFFF086  }
0x1c: {  	p1 =	slt.u32 s9, $0xF7A;
	s5 =	simm.s32 @!p2 $0x0  }
0x1d: {  	s5 =	simm.s32 @p1 $0x1;
	p0 =	seq.s32 s7, s2  }
0x1e: {  	s7 =	smul.u32 @!p0 $0xF7A, s2;
	p2 =	seq.s32 @!p0 s5, $0x0  }
0x1f: {  	s9 =	smul.u32 $0xF7A, s1;
	s8 =	simm.s32 @!p0 $0x1BF5;
	p2 =	por !p2, p0  }
0x20: {  	[sflag:s8] =	ssyncset.s32 @!p0 $0xFFFFF086;
	s6 =	sadd.s32 @!p0 s3, s7;
	s7 =	simm.s32 @!p0 $0x108  }
0x21: {  	s3 =	sadd.s32 s3, s9;
	s6 =	sadd.s32 @!p0 $0x88, s6;
	s7 =	simm.s32 @p2 $0x1082  }
0x22: {  	[simem:s7], [sflag:s8] =	dma.local @!p0 [hbm:s6], $0xF7A  }
0x23: {  	s9 =	sor.u32 $0xD0000000, s2;
	s6 =	simm.s32 $0x108;
	_ =	swait.ge @!p0 [sflag:s8], $0x0  }
0x24: {  	s3 =	sadd.s32 $0x88, s3;
	s6 =	simm.s32 @!p1 $0x1082;
	[sflag:s4] =	ssyncset.s32 $0xFFFFF086  }
0x25: {  	[simem:s6], [sflag:s4] =	dma.local [hbm:s3], $0xF7A  }
0x26: {  	[smem:$0x3F9F] =	sst s1;
	(tag) =	ssettag s2;
	_ =	strace s9  }
0x27: {  	s1 =	sld [smem:$0x3FAF]  }
0x28: {  	s2 =	sld [smem:$0x3FB0]  }
0x29: {  	s4 =	sld [smem:$0x3FB2]  }
0x2a: {  	p0 =	seq.s32 s5, $0x0;
	s5 =	sld [smem:$0x3FB3]  }
0x2b: {  	s6 =	sld [smem:$0x3FB4]  }
0x2c: {  	s7 =	sld [smem:$0x3FB5]  }
0x2d: {  	s3 =	simm.s32 $0x108;
	s8 =	sld [smem:$0x3FB6]  }
0x2e: {  	s3 =	simm.s32 @!p0 $0x1082;
	s9 =	sld [smem:$0x3FB7]  }
0x2f: {  	lr =	sadd.s32 s0, s3;
	s0 =	sld [smem:$0x3FAE]  }
0x30: {  	s3 =	sld [smem:$0x3FB1]  }
0x31: {  	[smem:$0x3FBA] =	sst s10  }
0x32: {  	s10 =	sld [smem:$0x3FB8];
	_ =	sdelay $0x3  }
0x33: {  	p0 =	seq.s32 s10, $0x1;
	s10 =	sld [smem:$0x3FBA];
	_ =	sdelay $0x3  }
0x34: {  	[smem:$0x3FBA] =	sst s10  }
0x35: {  	s10 =	sld [smem:$0x3FB9];
	_ =	sdelay $0x3  }
0x36: {  	p1 =	seq.s32 s10, $0x1;
	s10 =	sld [smem:$0x3FBA];
	_ =	sdelay $0x3  }
0x37: {  	[smem:$0x3FBA] =	sst s10  }
0x38: {  	s10 =	sld [smem:$0x3FBB]  }
0x39: {  	_ = 	snop;
	(pc) =	sbr.ind lr, $3  }
0x3a: {  	_ = 	snop  }
0x3b: {  	_ = 	snop  }
0x3c: {  	p2 =	seq.s32 s10, $0x1;
	s10 =	sld [smem:$0x3FBA]  }
0x3d: {  	_ =	shalt  }
0x3e: {  	_ =	shalt  }
0x3f: {  	_ =	shalt  }
0x40: {  	_ =	shalt  }
0x41: {  	_ =	shalt  }
0x42: {  	_ =	shalt  }
0x43: {  	_ =	shalt  }
0x44: {  	_ =	shalt  }
0x45: {  	_ =	shalt  }
0x46: {  	_ =	shalt  }
0x47: {  	_ =	shalt  }
0x48: {  	_ =	shalt  }
0x49: {  	_ =	shalt  }
0x4a: {  	_ =	shalt  }
0x4b: {  	_ =	shalt  }
0x4c: {  	_ =	shalt  }
0x4d: {  	_ =	shalt  }
0x4e: {  	_ =	shalt  }
0x4f: {  	_ =	shalt  }
0x50: {  	_ =	shalt  }
0x51: {  	_ =	shalt  }
0x52: {  	_ =	shalt  }
0x53: {  	_ =	shalt  }
0x54: {  	_ =	shalt  }
0x55: {  	_ =	shalt  }
0x56: {  	_ =	shalt  }
0x57: {  	_ =	shalt  }
0x58: {  	_ =	shalt  }
0x59: {  	_ =	shalt  }
0x5a: {  	_ =	shalt  }
0x5b: {  	_ =	shalt  }
0x5c: {  	_ =	shalt  }
0x5d: {  	_ =	shalt  }
0x5e: {  	_ =	shalt  }
0x5f: {  	_ =	shalt  }
0x60: {  	_ =	shalt  }
0x61: {  	_ =	shalt  }
0x62: {  	_ =	shalt  }
0x63: {  	_ =	shalt  }
0x64: {  	_ =	shalt  }
0x65: {  	_ =	shalt  }
0x66: {  	_ =	shalt  }
0x67: {  	_ =	shalt  }
0x68: {  	_ =	shalt  }
0x69: {  	_ =	shalt  }
0x6a: {  	_ =	shalt  }
0x6b: {  	_ =	shalt  }
0x6c: {  	_ =	shalt  }
0x6d: {  	_ =	shalt  }
0x6e: {  	_ =	shalt  }
0x6f: {  	_ =	shalt  }
0x70: {  	_ =	shalt  }
0x71: {  	_ =	shalt  }
0x72: {  	_ =	shalt  }
0x73: {  	_ =	shalt  }
0x74: {  	_ =	shalt  }
0x75: {  	_ =	shalt  }
0x76: {  	_ =	shalt  }
0x77: {  	_ =	shalt  }
0x78: {  	_ =	shalt  }
0x79: {  	_ =	shalt  }
0x7a: {  	_ =	shalt  }
0x7b: {  	_ =	shalt  }
0x7c: {  	_ =	shalt  }
0x7d: {  	_ =	shalt  }
0x7e: {  	_ =	shalt  }
0x7f: {  	_ =	shalt  }
0x80: {  	_ =	shalt  }
0x81: {  	_ =	shalt  }
0x82: {  	_ =	shalt  }
0x83: {  	_ =	shalt  }
0x84: {  	_ =	shalt  }
0x85: {  	_ =	shalt  }
0x86: {  	_ =	shalt  }
0x87: {  	_ =	shalt  }
.Lfunc_end0:
.L_simem_size_0:
called_computation_lowered:
.L_overlay_start_0:
0x88: {  	s2 =	sld [smem:$0x3FD9]  }
0x89: {  	s3 =	sld [smem:$0x3FFE];
	_ =	sdelay $0x1  }
0x8a: {  	s1 =	srdreg.scid  }
0x8b: {  	s0 =	sand.u32 $0x1, s1  }
0x8c: {  	s17 =	sshll.u32 s0, $0xA;
	s2 =	sadd.s32 s3, s2  }
0x8d: {  	s2 =	sadd.s32 s2, s17  }
0x8e: {  	[smem:$0x3FC6] =	sst s2  }
0x8f: {  	_ = 	snop  }
0x90: {  	s2 =	sld [smem:$0x3FC9]  }
0x91: {  	s18 =	sld [smem:$0x3FC8]  }
0x92: {  	s4 =	sld [smem:$0x3FD0];
	(tm) =	ssettm $0x1  }
0x93: {  	s5 =	sld [smem:$0x3FFB];
	_ =	sdelay $0x3  }
0x94: {  	_ =	strace s5  }
0x95: {  	s5 =	sld [smem:$0x3FFC];
	_ =	sdelay $0x3  }
0x96: {  	_ =	strace s5  }
0x97: {  	s5 =	sld [smem:$0x3FFD];
	_ =	sdelay $0x3  }
0x98: {  	_ =	strace s5  }
0x99: {  	_ =	strace $0x8FFFFFFF  }
0x9a: {  	s19 =	sld [smem:$0x3FDB];
	_ =	sdelay $0x1  }
0x9b: {  	s6 =	simm.s32 $_scs_section_size  }
0x9c: {  	s7 =	simm.s32 $_size__tile_overlayer_lowered;
	s8 =	simm.s32 $_tile_overlayer_lowered  }
0x9d: {  	s22 =	simm.s32 $0x1BFF;
	s21 =	sshll.u32 s8, $0x1;
	s5 =	sadd.s32 s6, s19  }
0x9e: {  	s9 =	simm.s32 $0x0;
	s20 =	sshll.u32 s7, $0x1;
	s7 =	sadd.s32 s21, s5  }
0x9f: {  	[timem:s9], [sflag:s22] =	dma.local [hbm:s7], s20  }
0xa0: {  	_ =	swait.ge [sflag:s22], s20  }
0xa1: {  	s6 =	ssub.s32 $0x0, s20;
	[sflag:s22] =	ssyncset.done $0x0  }
0xa2: {  	[sflag:s22] =	ssyncadd.s32 s6;
	_ =	sdelay $0x1  }
0xa3: {  	s23 =	simm.s32 $0x1B8B  }
0xa4: {  	_ =	swait.ge [sflag:s23], $0x1  }
0xa5: {  	[sflag:s23] =	ssyncset.done $0x0  }
0xa6: {  	s25 =	simm.s32 $0x1B8E;
	s24 =	sld [smem:$0x3FFE];
	[sflag:s23] =	ssyncadd.s32 $0xFFFFFFFF  }
0xa7: {  	s26 =	simm.s32 $execute0_lowered;
	[smem:$0x3FD2] =	sst s25  }
0xa8: {  	s7 =	sshll.u32 s26, $0x1;
	_ =	strace $0x80000046;
	[dreg:$0x1] =	wrdreg $0xFFFFFFFF  }
0xa9: {  	s28 =	simm.s32 $_size_execute0_lowered;
	s5 =	sadd.s32 s5, s7;
	[dreg:$0x0] =	wrdreg $0x0  }
0xaa: {  	s7 =	sshll.u32 s28, $0x1;
	[dreg:$0x2] =	wrdreg s5  }
0xab: {  	[dreg:$0x3] =	wrdreg s7  }
0xac: {  	[dreg:$0x4] =	wrdreg $0xC0  }
0xad: {  	_ =	task [dreg:s9], $0x5FFFF  }
0xae: {  	[dreg:$0x1] =	wrdreg $0xFFFFFFFF  }
0xaf: {  	[dreg:$0x0] =	wrdreg $0x60  }
0xb0: {  	[dreg:$0x2] =	wrdreg s2  }
0xb1: {  	[dreg:$0x3] =	wrdreg s18  }
0xb2: {  	[dreg:$0x4] =	wrdreg s24  }
0xb3: {  	[dreg:$0x5] =	wrdreg s4  }
0xb4: {  	[dreg:$0x6] =	wrdreg $0x100800  }
0xb5: {  	[dreg:$0x7] =	wrdreg $0x9  }
0xb6: {  	_ =	task.clear_ibuf [dreg:s9], $0x8FFFF;
	_ =	strace $0x90000046  }
0xb7: {  	s29 =	simm.s32 $0x9;
	_ =	strace $0x80000048  }
0xb8: {  	_ =	swait.ge [sflag:s29], $0x1  }
0xb9: {  	[sflag:s29] =	ssyncadd.s32 $0xFFFFFFFF  }
0xba: {  	_ =	strace $0x90000048  }
0xbb: {  	_ =	sfence  }
0xbc: {  	s30 =	sld [smem:$0x0];
	_ =	sdelay $0x2  }
0xbd: {  	s31 =	sshll.u32 s1, $0xD;
	s1 =	sshrl.u32 s1, $0x2  }
0xbe: {  	s3 =	sand.u32 $0x4000, s31;
	s1 =	sadd.s32 s1, s30  }
0xbf: {  	s0 =	sor.u32 s3, s0;
	s1 =	sshll.u32 s1, $0x11  }
0xc0: {  	s0 =	sor.u32 s1, s0  }
0xc1: {  	s0 =	sadd.s32 $0x8F2B, s0  }
0xc2: {  	[sflag:s0] =	ssyncadd.remote.s32 $0x1  }
0xc3: {  	_ =	sfence.sel $0xFFFF  }
0xc4: {  	[dreg:$0x0] =	wrdreg $0xFFFFFFFF;
	(pc) =	sbr.abs _section_cstart, $3  }
0xc5: {  	[dreg:$0x1] =	wrdreg $0xFFFFFFFF  }
0xc6: {  	_ =	task.clear_ibuf [dreg:s9], $0x2FFFF;
	_ =	strace $0x9FFFFFFF  }
0xc7: {  	(tm) =	ssettm $0x7FFFFFFF  }
tec
execute0_lowered:
.L_overlay_start_1:
0x0: {  	(tag) =	ssettag $0x1  }
0x1: {  	s0 =	rddreg [dreg:$0x0]  }
0x2: {  	s7 =	rddreg [dreg:$0x1]  }
0x3: {  	s1 =	rddreg [dreg:$0x2]  }
0x4: {  	s4 =	rddreg [dreg:$0x4];
	s2 =	srdreg.scid  }
0x5: {  	s3 =	simm.s32 $0x0;
	s8 =	stileid.u32;
	s2 =	sand.u32 $0x1, s2  }
0x6: {  	[smem:$0x7FF] =	sst s3;
	s5 =	sshll.u32 s8, $0xA;
	s9 =	sadd.s32 $0x400, s1  }
0x7: {  	_ =	strace $0x80000047;
	s28 =	sshll.u32 s2, $0x5;
	[dreg:$0x7] =	wrdreg s9  }
0x8: {  	s5 =	sadd.s32 s0, s5;
	[dreg:$0x15] =	wrdreg s28  }
0x9: {  	s12 =	sadd.s32 $0x10, s5;
	[dreg:$0x6] =	wrdreg s5  }
0xa: {  	s13 =	sadd.s32 $0x20, s5;
	[dreg:$0x8] =	wrdreg s12  }
0xb: {  	s14 =	sadd.s32 $0x30, s5;
	[dreg:$0x9] =	wrdreg s13  }
0xc: {  	s15 =	sadd.s32 $0x40, s5;
	[dreg:$0xa] =	wrdreg s14  }
0xd: {  	s16 =	sadd.s32 $0x50, s5;
	[dreg:$0xb] =	wrdreg s15  }
0xe: {  	s17 =	sadd.s32 $0x60, s5;
	[dreg:$0xc] =	wrdreg s16  }
0xf: {  	s18 =	sadd.s32 $0x70, s5;
	[dreg:$0xd] =	wrdreg s17  }
0x10: {  	s19 =	sadd.s32 $0x4000, s5;
	[dreg:$0xe] =	wrdreg s18  }
0x11: {  	s20 =	sadd.s32 $0x4010, s5;
	[dreg:$0xf] =	wrdreg s19  }
0x12: {  	s22 =	sadd.s32 $0x4020, s5;
	[dreg:$0x10] =	wrdreg s20  }
0x13: {  	s23 =	sadd.s32 $0x4030, s5;
	[dreg:$0x11] =	wrdreg s22  }
0x14: {  	s21 =	smul.u32 $0x3D000, s8;
	s24 =	sadd.s32 $0x4040, s5;
	[dreg:$0x12] =	wrdreg s23  }
0x15: {  	s25 =	sadd.s32 $0x4050, s5;
	[dreg:$0x13] =	wrdreg s24  }
0x16: {  	s1 =	sshrl.u32 s21, $0x2;
	s21 =	sadd.s32 $0xC000, s5;
	[dreg:$0x14] =	wrdreg s25  }
0x17: {  	s10 =	ssub.s32 $0x2, s2;
	s28 =	sadd.s32 $0xC060, s5;
	[smem:$0x7DF] =	sst s21  }
0x18: {  	s26 =	smul.u32 $0x3D0A00, s2;
	s3 =	sadd.s32 $0x10010, s5;
	[smem:$0x7E5] =	sst s28  }
0x19: {  	s6 =	sshrl.u32 s10, $0x1;
	s1 =	sadd.s32 s1, s4;
	[smem:$0x7E8] =	sst s3  }
0x1a: {  	s11 =	ssub.s32 s10, s6;
	s10 =	sadd.s32 s7, s26;
	[dreg:$0x16] =	wrdreg s1  }
0x1b: {  	s12 =	sadd.s32 $0x4070, s5;
	[dreg:$0x17] =	wrdreg s10  }
0x1c: {  	s13 =	sadd.s32 $0x8000, s5;
	[dreg:$0x1b] =	wrdreg s12  }
0x1d: {  	s14 =	sadd.s32 $0x8010, s5;
	[dreg:$0x1c] =	wrdreg s13  }
0x1e: {  	s15 =	sadd.s32 $0x8020, s5;
	[dreg:$0x1d] =	wrdreg s14  }
0x1f: {  	s16 =	sadd.s32 $0x8030, s5;
	[dreg:$0x1e] =	wrdreg s15  }
0x20: {  	s17 =	sadd.s32 $0x8040, s5;
	[dreg:$0x1f] =	wrdreg s16  }
0x21: {  	s18 =	sadd.s32 $0x8050, s5;
	[smem:$0x7DB] =	sst s17  }
0x22: {  	s19 =	sadd.s32 $0x8060, s5;
	[smem:$0x7DC] =	sst s18  }
0x23: {  	s20 =	sadd.s32 $0x8070, s5;
	[smem:$0x7DD] =	sst s19  }
0x24: {  	s22 =	sadd.s32 $0xC010, s5;
	[smem:$0x7DE] =	sst s20  }
0x25: {  	s23 =	sadd.s32 $0xC020, s5;
	[smem:$0x7E0] =	sst s22  }
0x26: {  	s24 =	sadd.s32 $0xC030, s5;
	[smem:$0x7E1] =	sst s23  }
0x27: {  	s25 =	sadd.s32 $0xC040, s5;
	[smem:$0x7E2] =	sst s24  }
0x28: {  	s26 =	sadd.s32 $0xC050, s5;
	[smem:$0x7E3] =	sst s25  }
0x29: {  	s6 =	sshll.u32 s2, $0x9;
	s2 =	sadd.s32 $0x10000, s5;
	[smem:$0x7E4] =	sst s26  }
0x2a: {  	s7 =	sadd.s32 $0x10030, s5;
	[smem:$0x7E7] =	sst s2  }
0x2b: {  	s21 =	sadd.s32 $0x18000, s5;
	[smem:$0x7EA] =	sst s7  }
0x2c: {  	s28 =	sadd.s32 $0xF41C0, s4;
	[smem:$0x7F7] =	sst s21  }
0x2d: {  	s1 =	sadd.s32 s9, s6;
	[smem:$0x7FB] =	sst s28  }
0x2e: {  	s0 =	smax.u32 s11, $0x1;
	[dreg:$0x18] =	wrdreg s1  }
0x2f: {  	s11 =	sadd.s32 $0x4060, s5;
	[dreg:$0x19] =	wrdreg s0  }
0x30: {  	s6 =	sadd.s32 $0x10020, s5;
	[dreg:$0x1a] =	wrdreg s11  }
0x31: {  	s9 =	sadd.s32 $0x10040, s5;
	[smem:$0x7E9] =	sst s6  }
0x32: {  	s10 =	sadd.s32 $0x10050, s5;
	[smem:$0x7EB] =	sst s9  }
0x33: {  	s29 =	simm.s32 $0xF700;
	s12 =	sadd.s32 $0x10070, s5;
	[smem:$0x7EC] =	sst s10  }
0x34: {  	s30 =	simm.s32 $0xF780;
	s13 =	sadd.s32 $0x14000, s5;
	[smem:$0x7EE] =	sst s12  }
0x35: {  	s31 =	simm.s32 $0xF800;
	s14 =	sadd.s32 $0x14010, s5;
	[smem:$0x7EF] =	sst s13  }
0x36: {  	p0 =	seq.s32 s8, $0xF;
	s15 =	sadd.s32 $0x14020, s5;
	[smem:$0x7F0] =	sst s14  }
0x37: {  	s3 =	simm.s32 $0xFC80;
	s16 =	sadd.s32 $0x14030, s5;
	[smem:$0x7F1] =	sst s15  }
0x38: {  	s17 =	sadd.s32 $0x14040, s5;
	s18 =	sadd.s32 $0x14050, s5;
	[smem:$0x7F2] =	sst s16  }
0x39: {  	s19 =	sadd.s32 $0x14060, s5;
	s20 =	sadd.s32 $0x14070, s5;
	[smem:$0x7F3] =	sst s17  }
0x3a: {  	s22 =	sadd.s32 $0x18010, s5;
	s23 =	smul.u32 $0xF400, s8;
	[smem:$0x7F4] =	sst s18  }
0x3b: {  	s25 =	stileid.u32;
	s24 =	sshll.u32 s8, $0xD;
	[smem:$0x7F5] =	sst s19  }
0x3c: {  	s26 =	sadd.s32 $0xE4C00, s4;
	s8 =	simm.s32 $0xF980;
	[smem:$0x7F6] =	sst s20  }
0x3d: {  	s2 =	simm.s32 $0xFB80;
	s7 =	simm.s32 $0xFC00;
	[smem:$0x7F8] =	sst s22  }
0x3e: {  	s21 =	simm.s32 $0x2;
	s1 =	sadd.s32 $0xC070, s5;
	[smem:$0x7FA] =	sst s26  }
0x3f: {  	s11 =	sadd.s32 $0x10060, s5;
	[smem:$0x7FC] =	sst s24;
	s0 =	sor.u32 $0x400, s24  }
0x40: {  	s20 =	simm.s32 $0x80;
	s12 =	simm.s32 $0x1;
	s13 =	simm.s32 $0xC800  }
.Ltmp0:
0x41: {  	s26 =	simm.s32 $0xC880;
	s19 =	simm.s32 $0xE400;
	(pc) =	sbr.rel .LBB2_1-.Ltmp0, $4  }
0x42: {  	s5 =	simm.s32 $0xF900;
	s9 =	simm.s32 $0xFA00;
	[smem:$0x7E6] =	sst s1  }
0x43: {  	s10 =	simm.s32 $0xFA80;
	s22 =	simm.s32 $0x100000;
	[smem:$0x7ED] =	sst s11  }
0x44: {  	s16 =	simm.s32 $0x3;
	s6 =	simm.s32 $0x0;
	[smem:$0x7F9] =	sst s23  }
0x45: {  	[smem:$0x7FD] =	sst s0;
	s0 =	simm.s32 $0xF880;
	s11 =	simm.s32 $0xFB00  }
.LBB2_7:
0x46: {  	s6 =	sld [smem:$0x7DA];
	_ =	sdelay $0x2  }
0x47: {  	s1 =	rddreg [dreg:$0x19];
	s6 =	sadd.s32 $0x1, s6  }
0x48: {  	p1 =	sne.s32 s6, s1  }
.Ltmp1:
0x49: {  	_ = 	snop;
	(pc) =	sbr.rel @!p1 .LBB2_8-.Ltmp1, $1  }
0x4a: {  	_ =	sdelay $0x3  }
.LBB2_1:
0x4b: {  	[smem:$0x7DA] =	sst s6  }
0x4c: {  	s28 =	rddreg [dreg:$0x6]  }
0x4d: {  	s1 =	simm.s32 $0x0;
	s14 =	simm.s32 $0x400;
	s6 =	rddreg [dreg:$0x8]  }
0x4e: {  	[tilespmem:s1], [sflag:$0x1] =	stream.strided.gather [hbm4b:s28+s20], $0x400, s14, s20, $0x38;
	[tilespmem:$0x1F4A8] =	vst v63  }
0x4f: {  	s15 =	rddreg [dreg:$0x9]  }
0x50: {  	[tilespmem:s14], [sflag:$0x1] =	stream.strided.gather [hbm4b:s6+s20], $0x400, s14, s20, $0x38;
	[tilespmem:$0x1F4A8] =	vst v63  }
0x51: {  	s17 =	simm.s32 $0x800;
	s18 =	rddreg [dreg:$0xa]  }
0x52: {  	[tilespmem:s17], [sflag:$0x1] =	stream.strided.gather [hbm4b:s15+s20], $0x400, s14, s20, $0x38;
	[tilespmem:$0x1F4A8] =	vst v63  }
0x53: {  	s23 =	simm.s32 $0xC00;
	s24 =	rddreg [dreg:$0xb]  }
0x54: {  	[tilespmem:s23], [sflag:$0x1] =	stream.strided.gather [hbm4b:s18+s20], $0x400, s14, s20, $0x38;
	[tilespmem:$0x1F4A8] =	vst v63  }
0x55: {  	s28 =	simm.s32 $0x1000;
	s15 =	rddreg [dreg:$0xc]  }
0x56: {  	[tilespmem:s28], [sflag:$0x1] =	stream.strided.gather [hbm4b:s24+s20], $0x400, s14, s20, $0x38;
	[tilespmem:$0x1F4A8] =	vst v63  }
0x57: {  	s17 =	simm.s32 $0x1400;
	s18 =	rddreg [dreg:$0xd]  }
0x58: {  	[tilespmem:s17], [sflag:$0x1] =	stream.strided.gather [hbm4b:s15+s20], $0x400, s14, s20, $0x38;
	[tilespmem:$0x1F4A8] =	vst v63  }
0x59: {  	s23 =	simm.s32 $0x1800;
	s24 =	rddreg [dreg:$0xe]  }
0x5a: {  	[tilespmem:s23], [sflag:$0x1] =	stream.strided.gather [hbm4b:s18+s20], $0x400, s14, s20, $0x38;
	[tilespmem:$0x1F4A8] =	vst v63  }
0x5b: {  	s28 =	simm.s32 $0x1C00;
	s15 =	rddreg [dreg:$0xf]  }
0x5c: {  	[tilespmem:s28], [sflag:$0x1] =	stream.strided.gather [hbm4b:s24+s20], $0x400, s14, s20, $0x38;
	[tilespmem:$0x1F4A8] =	vst v63  }
0x5d: {  	s17 =	simm.s32 $0x2000;
	s18 =	rddreg [dreg:$0x10]  }
0x5e: {  	[tilespmem:s17], [sflag:$0x1] =	stream.strided.gather [hbm4b:s15+s20], $0x400, s14, s20, $0x38;
	[tilespmem:$0x1F4A8] =	vst v63  }
0x5f: {  	s23 =	simm.s32 $0x2400;
	s24 =	rddreg [dreg:$0x11]  }
0x60: {  	[tilespmem:s23], [sflag:$0x1] =	stream.strided.gather [hbm4b:s18+s20], $0x400, s14, s20, $0x38;
	[tilespmem:$0x1F4A8] =	vst v63  }
0x61: {  	s28 =	simm.s32 $0x2800;
	s15 =	rddreg [dreg:$0x12]  }
0x62: {  	[tilespmem:s28], [sflag:$0x1] =	stream.strided.gather [hbm4b:s24+s20], $0x400, s14, s20, $0x38;
	[tilespmem:$0x1F4A8] =	vst v63  }
0x63: {  	s17 =	simm.s32 $0x2C00;
	s18 =	rddreg [dreg:$0x13]  }
0x64: {  	[tilespmem:s17], [sflag:$0x1] =	stream.strided.gather [hbm4b:s15+s20], $0x400, s14, s20, $0x38;
	[tilespmem:$0x1F4A8] =	vst v63  }
0x65: {  	s23 =	simm.s32 $0x3000;
	s24 =	rddreg [dreg:$0x14]  }
0x66: {  	[tilespmem:s23], [sflag:$0x1] =	stream.strided.gather [hbm4b:s18+s20], $0x400, s14, s20, $0x38;
	[tilespmem:$0x1F4A8] =	vst v63  }
0x67: {  	s28 =	simm.s32 $0x3400;
	s15 =	rddreg [dreg:$0x1a]  }
0x68: {  	[tilespmem:s28], [sflag:$0x1] =	stream.strided.gather [hbm4b:s24+s20], $0x400, s14, s20, $0x38;
	[tilespmem:$0x1F4A8] =	vst v63  }
0x69: {  	s17 =	simm.s32 $0x3800;
	s18 =	rddreg [dreg:$0x1b]  }
0x6a: {  	[tilespmem:s17], [sflag:$0x1] =	stream.strided.gather [hbm4b:s15+s20], $0x400, s14, s20, $0x38;
	[tilespmem:$0x1F4A8] =	vst v63  }
0x6b: {  	s23 =	simm.s32 $0x3C00;
	s24 =	rddreg [dreg:$0x1c]  }
0x6c: {  	[tilespmem:s23], [sflag:$0x1] =	stream.strided.gather [hbm4b:s18+s20], $0x400, s14, s20, $0x38;
	[tilespmem:$0x1F4A8] =	vst v63  }
0x6d: {  	s28 =	simm.s32 $0x4000;
	s15 =	rddreg [dreg:$0x1d]  }
0x6e: {  	[tilespmem:s28], [sflag:$0x1] =	stream.strided.gather [hbm4b:s24+s20], $0x400, s14, s20, $0x38;
	[tilespmem:$0x1F4A8] =	vst v63  }
0x6f: {  	s17 =	simm.s32 $0x4400;
	s18 =	rddreg [dreg:$0x1e]  }
0x70: {  	[tilespmem:s17], [sflag:$0x1] =	stream.strided.gather [hbm4b:s15+s20], $0x400, s14, s20, $0x38;
	[tilespmem:$0x1F4A8] =	vst v63  }
0x71: {  	s23 =	simm.s32 $0x4800;
	s24 =	rddreg [dreg:$0x1f]  }
0x72: {  	[tilespmem:s23], [sflag:$0x1] =	stream.strided.gather [hbm4b:s18+s20], $0x400, s14, s20, $0x38;
	[tilespmem:$0x1F4A8] =	vst v63  }
0x73: {  	s28 =	simm.s32 $0x4C00;
	s15 =	sld [smem:$0x7DB]  }
0x74: {  	[tilespmem:s28], [sflag:$0x1] =	stream.strided.gather [hbm4b:s24+s20], $0x400, s14, s20, $0x38;
	[tilespmem:$0x1F4A8] =	vst v63  }
0x75: {  	s17 =	simm.s32 $0x5000;
	s18 =	sld [smem:$0x7DC]  }
0x76: {  	[tilespmem:s17], [sflag:$0x1] =	stream.strided.gather [hbm4b:s15+s20], $0x400, s14, s20, $0x38;
	[tilespmem:$0x1F4A8] =	vst v63  }
0x77: {  	s23 =	simm.s32 $0x5400;
	s24 =	sld [smem:$0x7DD]  }
0x78: {  	[tilespmem:s23], [sflag:$0x1] =	stream.strided.gather [hbm4b:s18+s20], $0x400, s14, s20, $0x38;
	[tilespmem:$0x1F4A8] =	vst v63  }
0x79: {  	s28 =	simm.s32 $0x5800;
	s15 =	sld [smem:$0x7DE]  }
0x7a: {  	[tilespmem:s28], [sflag:$0x1] =	stream.strided.gather [hbm4b:s24+s20], $0x400, s14, s20, $0x38;
	[tilespmem:$0x1F4A8] =	vst v63  }
0x7b: {  	s17 =	simm.s32 $0x5C00;
	s18 =	sld [smem:$0x7DF]  }
0x7c: {  	[tilespmem:s17], [sflag:$0x1] =	stream.strided.gather [hbm4b:s15+s20], $0x400, s14, s20, $0x38;
	[tilespmem:$0x1F4A8] =	vst v63  }
0x7d: {  	s23 =	simm.s32 $0x6000;
	s24 =	sld [smem:$0x7E0]  }
0x7e: {  	[tilespmem:s23], [sflag:$0x1] =	stream.strided.gather [hbm4b:s18+s20], $0x400, s14, s20, $0x38;
	[tilespmem:$0x1F4A8] =	vst v63  }
0x7f: {  	s28 =	simm.s32 $0x6400;
	s15 =	sld [smem:$0x7E1]  }
0x80: {  	[tilespmem:s28], [sflag:$0x1] =	stream.strided.gather [hbm4b:s24+s20], $0x400, s14, s20, $0x38;
	[tilespmem:$0x1F4A8] =	vst v63  }
0x81: {  	s17 =	simm.s32 $0x6800;
	s18 =	sld [smem:$0x7E2]  }
0x82: {  	[tilespmem:s17], [sflag:$0x1] =	stream.strided.gather [hbm4b:s15+s20], $0x400, s14, s20, $0x38;
	[tilespmem:$0x1F4A8] =	vst v63  }
0x83: {  	s23 =	simm.s32 $0x6C00;
	s24 =	sld [smem:$0x7E3]  }
0x84: {  	[tilespmem:s23], [sflag:$0x1] =	stream.strided.gather [hbm4b:s18+s20], $0x400, s14, s20, $0x38;
	[tilespmem:$0x1F4A8] =	vst v63  }
0x85: {  	s28 =	simm.s32 $0x7000;
	s15 =	sld [smem:$0x7E4]  }
0x86: {  	[tilespmem:s28], [sflag:$0x1] =	stream.strided.gather [hbm4b:s24+s20], $0x400, s14, s20, $0x38;
	[tilespmem:$0x1F4A8] =	vst v63  }
0x87: {  	s17 =	simm.s32 $0x7400;
	s18 =	sld [smem:$0x7E5]  }
0x88: {  	[tilespmem:s17], [sflag:$0x1] =	stream.strided.gather [hbm4b:s15+s20], $0x400, s14, s20, $0x38;
	[tilespmem:$0x1F4A8] =	vst v63  }
0x89: {  	s23 =	simm.s32 $0x7800;
	s24 =	sld [smem:$0x7E6]  }
0x8a: {  	[tilespmem:s23], [sflag:$0x1] =	stream.strided.gather [hbm4b:s18+s20], $0x400, s14, s20, $0x38;
	[tilespmem:$0x1F4A8] =	vst v63  }
0x8b: {  	s28 =	simm.s32 $0x7C00;
	s15 =	sld [smem:$0x7E7]  }
0x8c: {  	[tilespmem:s28], [sflag:$0x1] =	stream.strided.gather [hbm4b:s24+s20], $0x400, s14, s20, $0x38;
	[tilespmem:$0x1F4A8] =	vst v63  }
0x8d: {  	s17 =	simm.s32 $0x8000;
	s18 =	sld [smem:$0x7E8]  }
0x8e: {  	[tilespmem:s17], [sflag:$0x1] =	stream.strided.gather [hbm4b:s15+s20], $0x400, s14, s20, $0x38;
	[tilespmem:$0x1F4A8] =	vst v63  }
0x8f: {  	s23 =	simm.s32 $0x8400;
	s24 =	sld [smem:$0x7E9]  }
0x90: {  	[tilespmem:s23], [sflag:$0x1] =	stream.strided.gather [hbm4b:s18+s20], $0x400, s14, s20, $0x38;
	[tilespmem:$0x1F4A8] =	vst v63  }
0x91: {  	s28 =	simm.s32 $0x8800;
	s15 =	sld [smem:$0x7EA]  }
0x92: {  	[tilespmem:s28], [sflag:$0x1] =	stream.strided.gather [hbm4b:s24+s20], $0x400, s14, s20, $0x38;
	[tilespmem:$0x1F4A8] =	vst v63  }
0x93: {  	s17 =	simm.s32 $0x8C00;
	s18 =	sld [smem:$0x7EB]  }
0x94: {  	[tilespmem:s17], [sflag:$0x1] =	stream.strided.gather [hbm4b:s15+s20], $0x400, s14, s20, $0x38;
	[tilespmem:$0x1F4A8] =	vst v63  }
0x95: {  	s23 =	simm.s32 $0x9000;
	s24 =	sld [smem:$0x7EC]  }
0x96: {  	[tilespmem:s23], [sflag:$0x1] =	stream.strided.gather [hbm4b:s18+s20], $0x400, s14, s20, $0x38;
	[tilespmem:$0x1F4A8] =	vst v63  }
0x97: {  	s28 =	simm.s32 $0x9400;
	s15 =	sld [smem:$0x7ED]  }
0x98: {  	[tilespmem:s28], [sflag:$0x1] =	stream.strided.gather [hbm4b:s24+s20], $0x400, s14, s20, $0x38;
	[tilespmem:$0x1F4A8] =	vst v63  }
0x99: {  	s17 =	simm.s32 $0x9800;
	s18 =	sld [smem:$0x7EE]  }
0x9a: {  	[tilespmem:s17], [sflag:$0x1] =	stream.strided.gather [hbm4b:s15+s20], $0x400, s14, s20, $0x38;
	[tilespmem:$0x1F4A8] =	vst v63  }
0x9b: {  	s23 =	simm.s32 $0x9C00;
	s24 =	sld [smem:$0x7EF]  }
0x9c: {  	[tilespmem:s23], [sflag:$0x1] =	stream.strided.gather [hbm4b:s18+s20], $0x400, s14, s20, $0x38;
	[tilespmem:$0x1F4A8] =	vst v63  }
0x9d: {  	s28 =	simm.s32 $0xA000;
	s15 =	sld [smem:$0x7F0]  }
0x9e: {  	[tilespmem:s28], [sflag:$0x1] =	stream.strided.gather [hbm4b:s24+s20], $0x400, s14, s20, $0x38;
	[tilespmem:$0x1F4A8] =	vst v63  }
0x9f: {  	s17 =	simm.s32 $0xA400;
	s18 =	sld [smem:$0x7F1]  }
0xa0: {  	[tilespmem:s17], [sflag:$0x1] =	stream.strided.gather [hbm4b:s15+s20], $0x400, s14, s20, $0x38;
	[tilespmem:$0x1F4A8] =	vst v63  }
0xa1: {  	s23 =	simm.s32 $0xA800;
	s24 =	sld [smem:$0x7F2]  }
0xa2: {  	[tilespmem:s23], [sflag:$0x1] =	stream.strided.gather [hbm4b:s18+s20], $0x400, s14, s20, $0x38;
	[tilespmem:$0x1F4A8] =	vst v63  }
0xa3: {  	s28 =	simm.s32 $0xAC00;
	s15 =	sld [smem:$0x7F3]  }
0xa4: {  	[tilespmem:s28], [sflag:$0x1] =	stream.strided.gather [hbm4b:s24+s20], $0x400, s14, s20, $0x38;
	[tilespmem:$0x1F4A8] =	vst v63  }
0xa5: {  	s17 =	simm.s32 $0xB000;
	s18 =	sld [smem:$0x7F4]  }
0xa6: {  	[tilespmem:s17], [sflag:$0x1] =	stream.strided.gather [hbm4b:s15+s20], $0x400, s14, s20, $0x38;
	[tilespmem:$0x1F4A8] =	vst v63  }
0xa7: {  	s23 =	simm.s32 $0xB400;
	s24 =	sld [smem:$0x7F5]  }
0xa8: {  	[tilespmem:s23], [sflag:$0x1] =	stream.strided.gather [hbm4b:s18+s20], $0x400, s14, s20, $0x38;
	[tilespmem:$0x1F4A8] =	vst v63  }
0xa9: {  	s28 =	simm.s32 $0xB800;
	s15 =	sld [smem:$0x7F6]  }
0xaa: {  	[tilespmem:s28], [sflag:$0x1] =	stream.strided.gather [hbm4b:s24+s20], $0x400, s14, s20, $0x38;
	[tilespmem:$0x1F4A8] =	vst v63  }
0xab: {  	s17 =	simm.s32 $0xBC00;
	s18 =	sld [smem:$0x7F7]  }
0xac: {  	[tilespmem:s17], [sflag:$0x1] =	stream.strided.gather [hbm4b:s15+s20], $0x400, s14, s20, $0x38;
	[tilespmem:$0x1F4A8] =	vst v63  }
0xad: {  	s23 =	simm.s32 $0xC000;
	s24 =	sld [smem:$0x7F8]  }
0xae: {  	[tilespmem:s23], [sflag:$0x1] =	stream.strided.gather [hbm4b:s18+s20], $0x400, s14, s20, $0x38;
	[tilespmem:$0x1F4A8] =	vst v63  }
0xaf: {  	s28 =	simm.s32 $0xC400  }
0xb0: {  	[tilespmem:s28], [sflag:$0x1] =	stream.strided.gather [hbm4b:s24+s20], $0x400, s14, s20, $0x38;
	[tilespmem:$0x1F4A8] =	vst v63  }
0xb1: {  	_ =	swait.ge [sflag:s12], $0x400  }
0xb2: {  	[sflag:s12] =	ssyncset.done $0x0  }
0xb3: {  	[sflag:s12] =	ssyncadd.s32 $0xFFFFFC00  }
0xb4: {  	_ =	swait.ge [sflag:s12], $0x400  }
0xb5: {  	[sflag:s12] =	ssyncset.done $0x0  }
0xb6: {  	[sflag:s12] =	ssyncadd.s32 $0xFFFFFC00  }
0xb7: {  	_ =	swait.ge [sflag:s12], $0x400  }
0xb8: {  	[sflag:s12] =	ssyncset.done $0x0  }
0xb9: {  	[sflag:s12] =	ssyncadd.s32 $0xFFFFFC00  }
0xba: {  	_ =	swait.ge [sflag:s12], $0x400  }
0xbb: {  	[sflag:s12] =	ssyncset.done $0x0  }
0xbc: {  	[sflag:s12] =	ssyncadd.s32 $0xFFFFFC00  }
0xbd: {  	_ =	swait.ge [sflag:s12], $0x400  }
0xbe: {  	[sflag:s12] =	ssyncset.done $0x0  }
0xbf: {  	[sflag:s12] =	ssyncadd.s32 $0xFFFFFC00  }
0xc0: {  	_ =	swait.ge [sflag:s12], $0x400  }
0xc1: {  	[sflag:s12] =	ssyncset.done $0x0  }
0xc2: {  	[sflag:s12] =	ssyncadd.s32 $0xFFFFFC00  }
0xc3: {  	_ =	swait.ge [sflag:s12], $0x400  }
0xc4: {  	[sflag:s12] =	ssyncset.done $0x0  }
0xc5: {  	[sflag:s12] =	ssyncadd.s32 $0xFFFFFC00  }
0xc6: {  	_ =	swait.ge [sflag:s12], $0x400  }
0xc7: {  	[sflag:s12] =	ssyncset.done $0x0  }
0xc8: {  	[sflag:s12] =	ssyncadd.s32 $0xFFFFFC00  }
0xc9: {  	_ =	swait.ge [sflag:s12], $0x400  }
0xca: {  	[sflag:s12] =	ssyncset.done $0x0  }
0xcb: {  	[sflag:s12] =	ssyncadd.s32 $0xFFFFFC00  }
0xcc: {  	_ =	swait.ge [sflag:s12], $0x400  }
0xcd: {  	[sflag:s12] =	ssyncset.done $0x0  }
0xce: {  	[sflag:s12] =	ssyncadd.s32 $0xFFFFFC00  }
0xcf: {  	_ =	swait.ge [sflag:s12], $0x400  }
0xd0: {  	[sflag:s12] =	ssyncset.done $0x0  }
0xd1: {  	[sflag:s12] =	ssyncadd.s32 $0xFFFFFC00  }
0xd2: {  	_ =	swait.ge [sflag:s12], $0x400  }
0xd3: {  	[sflag:s12] =	ssyncset.done $0x0  }
0xd4: {  	[sflag:s12] =	ssyncadd.s32 $0xFFFFFC00  }
0xd5: {  	_ =	swait.ge [sflag:s12], $0x400  }
0xd6: {  	[sflag:s12] =	ssyncset.done $0x0  }
0xd7: {  	[sflag:s12] =	ssyncadd.s32 $0xFFFFFC00  }
0xd8: {  	_ =	swait.ge [sflag:s12], $0x400  }
0xd9: {  	[sflag:s12] =	ssyncset.done $0x0  }
0xda: {  	[sflag:s12] =	ssyncadd.s32 $0xFFFFFC00  }
0xdb: {  	_ =	swait.ge [sflag:s12], $0x400  }
0xdc: {  	[sflag:s12] =	ssyncset.done $0x0  }
0xdd: {  	[sflag:s12] =	ssyncadd.s32 $0xFFFFFC00  }
0xde: {  	_ =	swait.ge [sflag:s12], $0x400  }
0xdf: {  	[sflag:s12] =	ssyncset.done $0x0  }
0xe0: {  	[sflag:s12] =	ssyncadd.s32 $0xFFFFFC00  }
0xe1: {  	_ =	swait.ge [sflag:s12], $0x400  }
0xe2: {  	[sflag:s12] =	ssyncset.done $0x0  }
0xe3: {  	[sflag:s12] =	ssyncadd.s32 $0xFFFFFC00  }
0xe4: {  	_ =	swait.ge [sflag:s12], $0x400  }
0xe5: {  	[sflag:s12] =	ssyncset.done $0x0  }
0xe6: {  	[sflag:s12] =	ssyncadd.s32 $0xFFFFFC00  }
0xe7: {  	_ =	swait.ge [sflag:s12], $0x400  }
0xe8: {  	[sflag:s12] =	ssyncset.done $0x0  }
0xe9: {  	[sflag:s12] =	ssyncadd.s32 $0xFFFFFC00  }
0xea: {  	_ =	swait.ge [sflag:s12], $0x400  }
0xeb: {  	[sflag:s12] =	ssyncset.done $0x0  }
0xec: {  	[sflag:s12] =	ssyncadd.s32 $0xFFFFFC00  }
0xed: {  	_ =	swait.ge [sflag:s12], $0x400  }
0xee: {  	[sflag:s12] =	ssyncset.done $0x0  }
0xef: {  	[sflag:s12] =	ssyncadd.s32 $0xFFFFFC00  }
0xf0: {  	_ =	swait.ge [sflag:s12], $0x400  }
0xf1: {  	[sflag:s12] =	ssyncset.done $0x0  }
0xf2: {  	[sflag:s12] =	ssyncadd.s32 $0xFFFFFC00  }
0xf3: {  	_ =	swait.ge [sflag:s12], $0x400  }
0xf4: {  	[sflag:s12] =	ssyncset.done $0x0  }
0xf5: {  	[sflag:s12] =	ssyncadd.s32 $0xFFFFFC00  }
0xf6: {  	_ =	swait.ge [sflag:s12], $0x400  }
0xf7: {  	[sflag:s12] =	ssyncset.done $0x0  }
0xf8: {  	[sflag:s12] =	ssyncadd.s32 $0xFFFFFC00  }
0xf9: {  	_ =	swait.ge [sflag:s12], $0x400  }
0xfa: {  	[sflag:s12] =	ssyncset.done $0x0  }
0xfb: {  	[sflag:s12] =	ssyncadd.s32 $0xFFFFFC00  }
0xfc: {  	_ =	swait.ge [sflag:s12], $0x400  }
0xfd: {  	[sflag:s12] =	ssyncset.done $0x0  }
0xfe: {  	[sflag:s12] =	ssyncadd.s32 $0xFFFFFC00  }
0xff: {  	_ =	swait.ge [sflag:s12], $0x400  }
0x100: {  	[sflag:s12] =	ssyncset.done $0x0  }
0x101: {  	[sflag:s12] =	ssyncadd.s32 $0xFFFFFC00  }
0x102: {  	_ =	swait.ge [sflag:s12], $0x400  }
0x103: {  	[sflag:s12] =	ssyncset.done $0x0  }
0x104: {  	[sflag:s12] =	ssyncadd.s32 $0xFFFFFC00  }
0x105: {  	_ =	swait.ge [sflag:s12], $0x400  }
0x106: {  	[sflag:s12] =	ssyncset.done $0x0  }
0x107: {  	[sflag:s12] =	ssyncadd.s32 $0xFFFFFC00  }
0x108: {  	_ =	swait.ge [sflag:s12], $0x400  }
0x109: {  	[sflag:s12] =	ssyncset.done $0x0  }
0x10a: {  	[sflag:s12] =	ssyncadd.s32 $0xFFFFFC00  }
0x10b: {  	_ =	swait.ge [sflag:s12], $0x400  }
0x10c: {  	[sflag:s12] =	ssyncset.done $0x0  }
0x10d: {  	[sflag:s12] =	ssyncadd.s32 $0xFFFFFC00  }
0x10e: {  	_ =	swait.ge [sflag:s12], $0x400  }
0x10f: {  	[sflag:s12] =	ssyncset.done $0x0  }
0x110: {  	[sflag:s12] =	ssyncadd.s32 $0xFFFFFC00  }
0x111: {  	_ =	swait.ge [sflag:s12], $0x400  }
0x112: {  	[sflag:s12] =	ssyncset.done $0x0  }
0x113: {  	[sflag:s12] =	ssyncadd.s32 $0xFFFFFC00  }
0x114: {  	_ =	swait.ge [sflag:s12], $0x400  }
0x115: {  	[sflag:s12] =	ssyncset.done $0x0  }
0x116: {  	[sflag:s12] =	ssyncadd.s32 $0xFFFFFC00  }
0x117: {  	_ =	swait.ge [sflag:s12], $0x400  }
0x118: {  	[sflag:s12] =	ssyncset.done $0x0  }
0x119: {  	[sflag:s12] =	ssyncadd.s32 $0xFFFFFC00  }
0x11a: {  	_ =	swait.ge [sflag:s12], $0x400  }
0x11b: {  	[sflag:s12] =	ssyncset.done $0x0  }
0x11c: {  	[sflag:s12] =	ssyncadd.s32 $0xFFFFFC00  }
0x11d: {  	_ =	swait.ge [sflag:s12], $0x400  }
0x11e: {  	[sflag:s12] =	ssyncset.done $0x0  }
0x11f: {  	[sflag:s12] =	ssyncadd.s32 $0xFFFFFC00  }
0x120: {  	_ =	swait.ge [sflag:s12], $0x400  }
0x121: {  	[sflag:s12] =	ssyncset.done $0x0  }
0x122: {  	[sflag:s12] =	ssyncadd.s32 $0xFFFFFC00  }
0x123: {  	_ =	swait.ge [sflag:s12], $0x400  }
0x124: {  	[sflag:s12] =	ssyncset.done $0x0  }
0x125: {  	[sflag:s12] =	ssyncadd.s32 $0xFFFFFC00  }
0x126: {  	_ =	swait.ge [sflag:s12], $0x400  }
0x127: {  	[sflag:s12] =	ssyncset.done $0x0  }
0x128: {  	[sflag:s12] =	ssyncadd.s32 $0xFFFFFC00  }
0x129: {  	_ =	swait.ge [sflag:s12], $0x400  }
0x12a: {  	[sflag:s12] =	ssyncset.done $0x0  }
0x12b: {  	[sflag:s12] =	ssyncadd.s32 $0xFFFFFC00  }
0x12c: {  	_ =	swait.ge [sflag:s12], $0x400  }
0x12d: {  	[sflag:s12] =	ssyncset.done $0x0  }
0x12e: {  	[sflag:s12] =	ssyncadd.s32 $0xFFFFFC00  }
0x12f: {  	_ =	swait.ge [sflag:s12], $0x400  }
0x130: {  	[sflag:s12] =	ssyncset.done $0x0  }
0x131: {  	[sflag:s12] =	ssyncadd.s32 $0xFFFFFC00  }
0x132: {  	_ =	swait.ge [sflag:s12], $0x400  }
0x133: {  	[sflag:s12] =	ssyncset.done $0x0  }
0x134: {  	[sflag:s12] =	ssyncadd.s32 $0xFFFFFC00  }
0x135: {  	_ =	swait.ge [sflag:s12], $0x400  }
0x136: {  	[sflag:s12] =	ssyncset.done $0x0  }
0x137: {  	[sflag:s12] =	ssyncadd.s32 $0xFFFFFC00  }
0x138: {  	_ =	swait.ge [sflag:s12], $0x400  }
0x139: {  	[sflag:s12] =	ssyncset.done $0x0  }
0x13a: {  	[sflag:s12] =	ssyncadd.s32 $0xFFFFFC00  }
0x13b: {  	_ =	swait.ge [sflag:s12], $0x400  }
0x13c: {  	[sflag:s12] =	ssyncset.done $0x0  }
0x13d: {  	[sflag:s12] =	ssyncadd.s32 $0xFFFFFC00  }
0x13e: {  	_ =	swait.ge [sflag:s12], $0x400  }
0x13f: {  	[sflag:s12] =	ssyncset.done $0x0  }
0x140: {  	[sflag:s12] =	ssyncadd.s32 $0xFFFFFC00  }
0x141: {  	_ =	swait.ge [sflag:s12], $0x400  }
0x142: {  	[sflag:s12] =	ssyncset.done $0x0  }
0x143: {  	[sflag:s12] =	ssyncadd.s32 $0xFFFFFC00  }
0x144: {  	_ =	swait.ge [sflag:s12], $0x400  }
0x145: {  	s6 =	sld [smem:$0x7FA]  }
0x146: {  	s17 =	simm.s32 @p0 $0x1FC5;
	s18 =	simm.s32 @p0 $0x10;
	[sflag:s12] =	ssyncset.done $0x0  }
0x147: {  	s24 =	simm.s32 @p0 $0x80;
	s1 =	rddreg [dreg:$0x17];
	[sflag:s12] =	ssyncadd.s32 $0xFFFFFC00  }
0x148: {  	s14 =	sadd.s32 @p0 $0xE4C00, s1;
	s15 =	sshrl.u32 @p0 s6, $0x3;
	s6 =	simm.s32 @p0 $0x1  }
0x149: {  	[spmem:s15@s18], [sflag:s17] =	dma.strided @p0 [hbm:s14@s24], $0x1EC0, s6, $0x10   }
0x14a: {  	s14 =	simm.s32 @p0 $0x0;
	s15 =	simm.s32 @p0 $0x10000;
	s6 =	rddreg [dreg:$0x18]  }
0x14b: {  	[tilespmem:s15], [sflag:$0x6] =	stream.linear.gather @p0 [hbm4b:s6+s14], $0x80, $0x38;
	[tilespmem:$0x1F4A8] =	vst v63  }
0x14c: {  	s14 =	simm.s32 @p0 $0x6  }
0x14d: {  	_ =	swait.ge @p0 [sflag:s14], $0x80  }
0x14e: {  	s6 =	sld [smem:$0x7FB]  }
0x14f: {  	[sflag:s14] =	ssyncset.done @p0 $0x0  }
0x150: {  	[sflag:s14] =	ssyncadd.s32 @p0 $0xFFFFFF80  }
0x151: {  	[spmem:s6] =	stream.linear.scatter @p0 [tilespmem:s15], [sflag:$0x6], $0x80, $0x38;
	[tilespmem:$0x1F4A8] =	vst v63  }
0x152: {  	_ =	swait.ge @p0 [sflag:s14], $0x80  }
0x153: {  	s6 =	sld [smem:$0x7F9]  }
0x154: {  	s24 =	simm.s32 @!p0 $0x10;
	[sflag:s14] =	ssyncset.done @p0 $0x0  }
.Ltmp2:
0x155: {  	s18 =	simm.s32 @!p0 $0x80;
	[sflag:s14] =	ssyncadd.s32 @p0 $0xFFFFFF80;
	(pc) =	sbr.rel .LBB2_2-.Ltmp2, $4  }
0x156: {  	s14 =	sshll.u32 @!p0 s25, $0x6;
	s15 =	sadd.s32 @!p0 s6, s1;
	s1 =	rddreg [dreg:$0x16]  }
0x157: {  	s14 =	sor.u32 @!p0 $0x1C05, s14;
	s17 =	sshrl.u32 @!p0 s1, $0x3;
	s1 =	simm.s32 @!p0 $0x1  }
0x158: {  	[spmem:s17@s24], [sflag:s14] =	dma.strided @!p0 [hbm:s15@s18], $0x1E80, s1, $0x10   }
0x159: {  	s24 =	simm.s32 $0x0;
	s15 =	simm.s32 $0x0;
	s23 =	rddreg [dreg:$0x15]  }
.LBB2_6:
0x15a: {  	s1 =	sld [smem:$0x7D7];
	_ =	sdelay $0x1  }
0x15b: {  	p1 =	seq.s32 s15, $0x1F  }
0x15c: {  	s14 =	sadd.s32 @!p1 $0x1, s1  }
0x15d: {  	s17 =	sshrl.u32 @!p1 s14, $0x3  }
0x15e: {  	s18 =	sshll.u32 @!p1 s14, $0x7;
	s17 =	smul.u32 @!p1 $0x7A1400, s17  }
0x15f: {  	s18 =	sand.u32 @!p1 $0x380, s18  }
0x160: {  	[bflag:$0x0] =	sbarrier.arrive $0xFFFF;
	s17 =	sor.u32 @!p1 s18, s17  }
0x161: {  	s26 =	stileid.u32;
	s1 =	rddreg [dreg:$0x1];
	s17 =	sshrl.u32 @!p1 s17, $0x3  }
0x162: {  	p2 =	seq.s32 @!p1 s26, $0xF;
	s17 =	sadd.s32 @!p1 s1, s17;
	s1 =	sld [smem:$0x7FA]  }
0x163: {  	p3 =	por !p2, p1  }
0x164: {  	s24 =	simm.s32 @!p3 $0x1;
	s6 =	simm.s32 @!p3 $0x10;
	s25 =	simm.s32 @!p3 $0x1FC5  }
0x165: {  	s18 =	sadd.s32 @!p3 $0xE4C00, s17;
	s23 =	sshrl.u32 @!p3 s1, $0x3;
	s1 =	simm.s32 @!p3 $0x80  }
0x166: {  	[spmem:s23@s6], [sflag:s25] =	dma.strided @!p3 [hbm:s18@s1], $0x1EC0, s24, $0x10   }
0x167: {  	s1 =	sshll.u32 @!p3 s14, $0x4;
	s6 =	rddreg [dreg:$0x7]  }
0x168: {  	s14 =	simm.s32 @!p3 $0x10000;
	s1 =	sadd.s32 @!p3 s6, s1;
	s6 =	simm.s32 @!p3 $0x0  }
0x169: {  	[tilespmem:s14], [sflag:$0x6] =	stream.linear.gather @!p3 [hbm4b:s1+s6], $0x80, $0x38;
	[tilespmem:$0x1F4A8] =	vst v63  }
0x16a: {  	s1 =	simm.s32 @!p3 $0x6  }
0x16b: {  	_ =	swait.ge @!p3 [sflag:s1], $0x80  }
0x16c: {  	s6 =	sld [smem:$0x7FB]  }
0x16d: {  	[sflag:s1] =	ssyncset.done @!p3 $0x0  }
0x16e: {  	[sflag:s1] =	ssyncadd.s32 @!p3 $0xFFFFFF80  }
0x16f: {  	[spmem:s6] =	stream.linear.scatter @!p3 [tilespmem:s14], [sflag:$0x6], $0x80, $0x38;
	[tilespmem:$0x1F4A8] =	vst v63  }
0x170: {  	p1 =	por p2, p1;
	_ =	swait.ge @!p3 [sflag:s1], $0x80  }
0x171: {  	s18 =	simm.s32 @!p1 $0x10;
	s6 =	sld [smem:$0x7F9]  }
0x172: {  	s23 =	simm.s32 @!p1 $0x80;
	[sflag:s1] =	ssyncset.done @!p3 $0x0;
	s14 =	rddreg [dreg:$0x16]  }
0x173: {  	[sflag:s1] =	ssyncadd.s32 @!p3 $0xFFFFFF80;
	s1 =	sshll.u32 @!p1 s26, $0x6;
	s14 =	sshrl.u32 @!p1 s14, $0x3  }
0x174: {  	s1 =	sor.u32 @!p1 $0x1C05, s1;
	s6 =	sadd.s32 @!p1 s6, s17;
	s17 =	simm.s32 @!p1 $0x1  }
0x175: {  	[spmem:s14@s18], [sflag:s1] =	dma.strided @!p1 [hbm:s6@s23], $0x1E80, s17, $0x10   }
0x176: {  	_ =	swait.ge [sflag:s16], $0x1900  }
0x177: {  	[sflag:s16] =	ssyncset.done $0x0  }
0x178: {  	s15 =	sadd.s32 $0x1, s15;
	s23 =	simm.s32 $0x4;
	[sflag:s16] =	ssyncadd.s32 $0xFFFFE700  }
0x179: {  	p1 =	sne.s32 s15, $0x20;
	_ =	swait.ge [sflag:s23], $0x1900  }
.Ltmp3:
0x17a: {  	s24 =	sld [smem:$0x7D8];
	(pc) =	sbr.rel @!p1 .LBB2_7-.Ltmp3, $3  }
0x17b: {  	s28 =	sld [smem:$0x7D9];
	_ =	sdelay $0x1  }
0x17c: {  	s25 =	stileid.u32;
	s26 =	simm.s32 $0xC880;
	[sflag:s23] =	ssyncset.done $0x0  }
0x17d: {  	[sflag:s23] =	ssyncadd.s32 $0xFFFFE700;
	s23 =	sadd.s32 $0x1, s24;
	s24 =	sadd.s32 $0x1, s28  }
.LBB2_2:
0x17e: {  	s14 =	simm.s32 @p0 $0x5  }
0x17f: {  	_ =	swait.ge @p0 [sflag:s14], $0x1EC0  }
0x180: {  	[sflag:s14] =	ssyncset.done @p0 $0x0  }
0x181: {  	[sflag:s14] =	ssyncadd.s32 @p0 $0xFFFFE140;
	s14 =	simm.s32 @!p0 $0x5  }
0x182: {  	_ =	swait.ge @!p0 [sflag:s14], $0x1E80  }
0x183: {  	[sflag:s14] =	ssyncset.done @!p0 $0x0  }
0x184: {  	[sflag:s14] =	ssyncadd.s32 @!p0 $0xFFFFE180  }
0x185: {  	s17 =	simm.s32 $0x0;
	[bflag:$0x0] =	sbarrier.arrive $0xFFFF  }
0x186: {  	[tilespmem:s13], [sflag:$0x1] =	stream.indirect.gather [spmem:s4], $0x1, s17, s20, $0xb8;
	[tilespmem:$0x1F4A8] =	vst v63  }
0x187: {  	s1 =	simm.s32 $0x400  }
0x188: {  	[tilespmem:s26], [sflag:$0x1] =	stream.indirect.gather [spmem:s4], $0x1, s1, s20, $0xb8;
	[tilespmem:$0x1F4A8] =	vst v63  }
0x189: {  	s6 =	simm.s32 $0xC900;
	s14 =	simm.s32 $0x800  }
0x18a: {  	[tilespmem:s6], [sflag:$0x1] =	stream.indirect.gather [spmem:s4], $0x1, s14, s20, $0xb8;
	[tilespmem:$0x1F4A8] =	vst v63  }
0x18b: {  	s18 =	simm.s32 $0xC00;
	s25 =	simm.s32 $0xC980  }
0x18c: {  	[tilespmem:s25], [sflag:$0x1] =	stream.indirect.gather [spmem:s4], $0x1, s18, s20, $0xb8;
	[tilespmem:$0x1F4A8] =	vst v63  }
0x18d: {  	s14 =	simm.s32 $0x1000;
	s18 =	simm.s32 $0xCA00  }
0x18e: {  	[tilespmem:s18], [sflag:$0x1] =	stream.indirect.gather [spmem:s4], $0x1, s14, s20, $0xb8;
	[tilespmem:$0x1F4A8] =	vst v63  }
0x18f: {  	s14 =	simm.s32 $0x1400;
	s18 =	simm.s32 $0xCA80  }
0x190: {  	[tilespmem:s18], [sflag:$0x1] =	stream.indirect.gather [spmem:s4], $0x1, s14, s20, $0xb8;
	[tilespmem:$0x1F4A8] =	vst v63  }
0x191: {  	s14 =	simm.s32 $0x1800;
	s18 =	simm.s32 $0xCB00  }
0x192: {  	[tilespmem:s18], [sflag:$0x1] =	stream.indirect.gather [spmem:s4], $0x1, s14, s20, $0xb8;
	[tilespmem:$0x1F4A8] =	vst v63  }
0x193: {  	s14 =	simm.s32 $0x1C00;
	s18 =	simm.s32 $0xCB80  }
0x194: {  	[tilespmem:s18], [sflag:$0x1] =	stream.indirect.gather [spmem:s4], $0x1, s14, s20, $0xb8;
	[tilespmem:$0x1F4A8] =	vst v63  }
0x195: {  	s14 =	simm.s32 $0x2000;
	s18 =	simm.s32 $0xCC00  }
0x196: {  	[tilespmem:s18], [sflag:$0x1] =	stream.indirect.gather [spmem:s4], $0x1, s14, s20, $0xb8;
	[tilespmem:$0x1F4A8] =	vst v63  }
0x197: {  	s14 =	simm.s32 $0x2400;
	s18 =	simm.s32 $0xCC80  }
0x198: {  	[tilespmem:s18], [sflag:$0x1] =	stream.indirect.gather [spmem:s4], $0x1, s14, s20, $0xb8;
	[tilespmem:$0x1F4A8] =	vst v63  }
0x199: {  	s14 =	simm.s32 $0x2800;
	s18 =	simm.s32 $0xCD00  }
0x19a: {  	[tilespmem:s18], [sflag:$0x1] =	stream.indirect.gather [spmem:s4], $0x1, s14, s20, $0xb8;
	[tilespmem:$0x1F4A8] =	vst v63  }
0x19b: {  	s14 =	simm.s32 $0x2C00;
	s18 =	simm.s32 $0xCD80  }
0x19c: {  	[tilespmem:s18], [sflag:$0x1] =	stream.indirect.gather [spmem:s4], $0x1, s14, s20, $0xb8;
	[tilespmem:$0x1F4A8] =	vst v63  }
0x19d: {  	s14 =	simm.s32 $0x3000;
	s18 =	simm.s32 $0xCE00  }
0x19e: {  	[tilespmem:s18], [sflag:$0x1] =	stream.indirect.gather [spmem:s4], $0x1, s14, s20, $0xb8;
	[tilespmem:$0x1F4A8] =	vst v63  }
0x19f: {  	s14 =	simm.s32 $0x3400;
	s18 =	simm.s32 $0xCE80  }
0x1a0: {  	[tilespmem:s18], [sflag:$0x1] =	stream.indirect.gather [spmem:s4], $0x1, s14, s20, $0xb8;
	[tilespmem:$0x1F4A8] =	vst v63  }
0x1a1: {  	s14 =	simm.s32 $0x3800;
	s18 =	simm.s32 $0xCF00  }
0x1a2: {  	[tilespmem:s18], [sflag:$0x1] =	stream.indirect.gather [spmem:s4], $0x1, s14, s20, $0xb8;
	[tilespmem:$0x1F4A8] =	vst v63  }
0x1a3: {  	s14 =	simm.s32 $0x3C00;
	s18 =	simm.s32 $0xCF80  }
0x1a4: {  	[tilespmem:s18], [sflag:$0x1] =	stream.indirect.gather [spmem:s4], $0x1, s14, s20, $0xb8;
	[tilespmem:$0x1F4A8] =	vst v63  }
0x1a5: {  	s14 =	simm.s32 $0x4000;
	s18 =	simm.s32 $0xD000  }
0x1a6: {  	[tilespmem:s18], [sflag:$0x1] =	stream.indirect.gather [spmem:s4], $0x1, s14, s20, $0xb8;
	[tilespmem:$0x1F4A8] =	vst v63  }
0x1a7: {  	s14 =	simm.s32 $0x4400;
	s18 =	simm.s32 $0xD080  }
0x1a8: {  	[tilespmem:s18], [sflag:$0x1] =	stream.indirect.gather [spmem:s4], $0x1, s14, s20, $0xb8;
	[tilespmem:$0x1F4A8] =	vst v63  }
0x1a9: {  	s14 =	simm.s32 $0x4800;
	s18 =	simm.s32 $0xD100  }
0x1aa: {  	[tilespmem:s18], [sflag:$0x1] =	stream.indirect.gather [spmem:s4], $0x1, s14, s20, $0xb8;
	[tilespmem:$0x1F4A8] =	vst v63  }
0x1ab: {  	s14 =	simm.s32 $0x4C00;
	s18 =	simm.s32 $0xD180  }
0x1ac: {  	[tilespmem:s18], [sflag:$0x1] =	stream.indirect.gather [spmem:s4], $0x1, s14, s20, $0xb8;
	[tilespmem:$0x1F4A8] =	vst v63  }
0x1ad: {  	s14 =	simm.s32 $0x5000;
	s18 =	simm.s32 $0xD200  }
0x1ae: {  	[tilespmem:s18], [sflag:$0x1] =	stream.indirect.gather [spmem:s4], $0x1, s14, s20, $0xb8;
	[tilespmem:$0x1F4A8] =	vst v63  }
0x1af: {  	s14 =	simm.s32 $0x5400;
	s18 =	simm.s32 $0xD280  }
0x1b0: {  	[tilespmem:s18], [sflag:$0x1] =	stream.indirect.gather [spmem:s4], $0x1, s14, s20, $0xb8;
	[tilespmem:$0x1F4A8] =	vst v63  }
0x1b1: {  	s14 =	simm.s32 $0x5800;
	s18 =	simm.s32 $0xD300  }
0x1b2: {  	[tilespmem:s18], [sflag:$0x1] =	stream.indirect.gather [spmem:s4], $0x1, s14, s20, $0xb8;
	[tilespmem:$0x1F4A8] =	vst v63  }
0x1b3: {  	s14 =	simm.s32 $0x5C00;
	s18 =	simm.s32 $0xD380  }
0x1b4: {  	[tilespmem:s18], [sflag:$0x1] =	stream.indirect.gather [spmem:s4], $0x1, s14, s20, $0xb8;
	[tilespmem:$0x1F4A8] =	vst v63  }
0x1b5: {  	s14 =	simm.s32 $0x6000;
	s18 =	simm.s32 $0xD400  }
0x1b6: {  	[tilespmem:s18], [sflag:$0x1] =	stream.indirect.gather [spmem:s4], $0x1, s14, s20, $0xb8;
	[tilespmem:$0x1F4A8] =	vst v63  }
0x1b7: {  	s14 =	simm.s32 $0x6400;
	s18 =	simm.s32 $0xD480  }
0x1b8: {  	[tilespmem:s18], [sflag:$0x1] =	stream.indirect.gather [spmem:s4], $0x1, s14, s20, $0xb8;
	[tilespmem:$0x1F4A8] =	vst v63  }
0x1b9: {  	s14 =	simm.s32 $0x6800;
	s18 =	simm.s32 $0xD500  }
0x1ba: {  	[tilespmem:s18], [sflag:$0x1] =	stream.indirect.gather [spmem:s4], $0x1, s14, s20, $0xb8;
	[tilespmem:$0x1F4A8] =	vst v63  }
0x1bb: {  	s14 =	simm.s32 $0x6C00;
	s18 =	simm.s32 $0xD580  }
0x1bc: {  	[tilespmem:s18], [sflag:$0x1] =	stream.indirect.gather [spmem:s4], $0x1, s14, s20, $0xb8;
	[tilespmem:$0x1F4A8] =	vst v63  }
0x1bd: {  	s14 =	simm.s32 $0x7000;
	s18 =	simm.s32 $0xD600  }
0x1be: {  	[tilespmem:s18], [sflag:$0x1] =	stream.indirect.gather [spmem:s4], $0x1, s14, s20, $0xb8;
	[tilespmem:$0x1F4A8] =	vst v63  }
0x1bf: {  	s14 =	simm.s32 $0x7400;
	s18 =	simm.s32 $0xD680  }
0x1c0: {  	[tilespmem:s18], [sflag:$0x1] =	stream.indirect.gather [spmem:s4], $0x1, s14, s20, $0xb8;
	[tilespmem:$0x1F4A8] =	vst v63  }
0x1c1: {  	s14 =	simm.s32 $0x7800;
	s18 =	simm.s32 $0xD700  }
0x1c2: {  	[tilespmem:s18], [sflag:$0x1] =	stream.indirect.gather [spmem:s4], $0x1, s14, s20, $0xb8;
	[tilespmem:$0x1F4A8] =	vst v63  }
0x1c3: {  	s14 =	simm.s32 $0x7C00;
	s18 =	simm.s32 $0xD780  }
0x1c4: {  	[tilespmem:s18], [sflag:$0x1] =	stream.indirect.gather [spmem:s4], $0x1, s14, s20, $0xb8;
	[tilespmem:$0x1F4A8] =	vst v63  }
0x1c5: {  	s14 =	simm.s32 $0x8000;
	s18 =	simm.s32 $0xD800  }
0x1c6: {  	[tilespmem:s18], [sflag:$0x1] =	stream.indirect.gather [spmem:s4], $0x1, s14, s20, $0xb8;
	[tilespmem:$0x1F4A8] =	vst v63  }
0x1c7: {  	s14 =	simm.s32 $0x8400;
	s18 =	simm.s32 $0xD880  }
0x1c8: {  	[tilespmem:s18], [sflag:$0x1] =	stream.indirect.gather [spmem:s4], $0x1, s14, s20, $0xb8;
	[tilespmem:$0x1F4A8] =	vst v63  }
0x1c9: {  	s14 =	simm.s32 $0x8800;
	s18 =	simm.s32 $0xD900  }
0x1ca: {  	[tilespmem:s18], [sflag:$0x1] =	stream.indirect.gather [spmem:s4], $0x1, s14, s20, $0xb8;
	[tilespmem:$0x1F4A8] =	vst v63  }
0x1cb: {  	s14 =	simm.s32 $0x8C00;
	s18 =	simm.s32 $0xD980  }
0x1cc: {  	[tilespmem:s18], [sflag:$0x1] =	stream.indirect.gather [spmem:s4], $0x1, s14, s20, $0xb8;
	[tilespmem:$0x1F4A8] =	vst v63  }
0x1cd: {  	s14 =	simm.s32 $0x9000;
	s18 =	simm.s32 $0xDA00  }
0x1ce: {  	[tilespmem:s18], [sflag:$0x1] =	stream.indirect.gather [spmem:s4], $0x1, s14, s20, $0xb8;
	[tilespmem:$0x1F4A8] =	vst v63  }
0x1cf: {  	s14 =	simm.s32 $0x9400;
	s18 =	simm.s32 $0xDA80  }
0x1d0: {  	[tilespmem:s18], [sflag:$0x1] =	stream.indirect.gather [spmem:s4], $0x1, s14, s20, $0xb8;
	[tilespmem:$0x1F4A8] =	vst v63  }
0x1d1: {  	s14 =	simm.s32 $0x9800;
	s18 =	simm.s32 $0xDB00  }
0x1d2: {  	[tilespmem:s18], [sflag:$0x1] =	stream.indirect.gather [spmem:s4], $0x1, s14, s20, $0xb8;
	[tilespmem:$0x1F4A8] =	vst v63  }
0x1d3: {  	s14 =	simm.s32 $0x9C00;
	s18 =	simm.s32 $0xDB80  }
0x1d4: {  	[tilespmem:s18], [sflag:$0x1] =	stream.indirect.gather [spmem:s4], $0x1, s14, s20, $0xb8;
	[tilespmem:$0x1F4A8] =	vst v63  }
0x1d5: {  	s14 =	simm.s32 $0xA000;
	s18 =	simm.s32 $0xDC00  }
0x1d6: {  	[tilespmem:s18], [sflag:$0x1] =	stream.indirect.gather [spmem:s4], $0x1, s14, s20, $0xb8;
	[tilespmem:$0x1F4A8] =	vst v63  }
0x1d7: {  	s14 =	simm.s32 $0xA400;
	s18 =	simm.s32 $0xDC80  }
0x1d8: {  	[tilespmem:s18], [sflag:$0x1] =	stream.indirect.gather [spmem:s4], $0x1, s14, s20, $0xb8;
	[tilespmem:$0x1F4A8] =	vst v63  }
0x1d9: {  	[smem:$0x7D8] =	sst s23;
	s14 =	simm.s32 $0xA800;
	s18 =	simm.s32 $0xDD00  }
0x1da: {  	[tilespmem:s18], [sflag:$0x1] =	stream.indirect.gather [spmem:s4], $0x1, s14, s20, $0xb8;
	[tilespmem:$0x1F4A8] =	vst v63  }
0x1db: {  	[smem:$0x7D9] =	sst s24;
	s14 =	simm.s32 $0xAC00;
	s18 =	simm.s32 $0xDD80  }
0x1dc: {  	[tilespmem:s18], [sflag:$0x1] =	stream.indirect.gather [spmem:s4], $0x1, s14, s20, $0xb8;
	[tilespmem:$0x1F4A8] =	vst v63  }
0x1dd: {  	s18 =	rddreg [dreg:$0x15]  }
0x1de: {  	s1 =	simm.s32 $0xB000;
	s14 =	sand.u32 $0x7, s15;
	s28 =	sadd.s32 s18, s15  }
0x1df: {  	s18 =	simm.s32 $0xDE00;
	p2 =	sne.s32 s14, $0x0;
	s14 =	simm.s32 $0xB400  }
0x1e0: {  	[tilespmem:s18], [sflag:$0x1] =	stream.indirect.gather [spmem:s4], $0x1, s1, s20, $0xb8;
	[tilespmem:$0x1F4A8] =	vst v63  }
0x1e1: {  	p1 =	seq.s32 s28, $0x0;
	s18 =	simm.s32 $0xDE80;
	s1 =	simm.s32 $0xBC00  }
0x1e2: {  	[tilespmem:s18], [sflag:$0x1] =	stream.indirect.gather [spmem:s4], $0x1, s14, s20, $0xb8;
	[tilespmem:$0x1F4A8] =	vst v63  }
0x1e3: {  	p1 =	por !p1, !p2;
	s14 =	simm.s32 $0xB800;
	s18 =	simm.s32 $0xDF00  }
0x1e4: {  	[tilespmem:s18], [sflag:$0x1] =	stream.indirect.gather [spmem:s4], $0x1, s14, s20, $0xb8;
	[tilespmem:$0x1F4A8] =	vst v63  }
0x1e5: {  	p1 =	por !p1, !p1;
	s14 =	simm.s32 $0xFFFFFFFF;
	s18 =	simm.s32 $0xDF80  }
0x1e6: {  	[tilespmem:s18], [sflag:$0x1] =	stream.indirect.gather [spmem:s4], $0x1, s1, s20, $0xb8;
	[tilespmem:$0x1F4A8] =	vst v63  }
0x1e7: {  	s18 =	sshrl.u32 s23, $0x3;
	s1 =	simm.s32 $0xC000;
	s23 =	simm.s32 $0xE000  }
0x1e8: {  	[tilespmem:s23], [sflag:$0x1] =	stream.indirect.gather [spmem:s4], $0x1, s1, s20, $0xb8;
	[tilespmem:$0x1F4A8] =	vst v63  }
0x1e9: {  	s14 =	simm.s32 @!p1 $0x0;
	s23 =	sand.u32 $0x7, s24;
	s24 =	sld [smem:$0x7FC]  }
0x1ea: {  	s14 =	sadd.s32 s14, s18;
	s18 =	sshll.u32 s23, $0x7;
	s23 =	sld [smem:$0x7FD]  }
0x1eb: {  	s14 =	sshll.u32 s14, $0x11  }
0x1ec: {  	[smem:$0x7D7] =	sst s28;
	s24 =	sor.u32 s14, s24  }
.Ltmp4:
0x1ed: {  	s14 =	sor.u32 s14, s23;
	s24 =	sadd.s32 s18, s24;
	(pc) =	sbr.rel .LBB2_3-.Ltmp4, $4  }
0x1ee: {  	s23 =	simm.s32 $0xE080;
	s14 =	sadd.s32 s18, s14;
	s18 =	simm.s32 $0xC400  }
0x1ef: {  	[tilespmem:s23], [sflag:$0x1] =	stream.indirect.gather [spmem:s4], $0x1, s18, s20, $0xb8;
	[tilespmem:$0x1F4A8] =	vst v63  }
0x1f0: {  	s23 =	sshrl.u32 s24, $0x3;
	s14 =	sshrl.u32 s14, $0x3;
	s24 =	rddreg [dreg:$0x3]  }
0x1f1: {  	s28 =	simm.s32 $0xF680;
	s18 =	sadd.s32 s23, s24;
	s24 =	sadd.s32 s14, s24  }
.LBB2_5:
0x1f2: {  	s17 =	sadd.s32 $0x400, s17  }
0x1f3: {  	p1 =	sne.s32 s17, $0x1000  }
.Ltmp5:
0x1f4: {  	_ =	swait.ge [sflag:s21], $0x1900;
	(pc) =	sbr.rel @!p1 .LBB2_6-.Ltmp5, $4  }
0x1f5: {  	[sflag:s21] =	ssyncset.done $0x0  }
0x1f6: {  	[sflag:s21] =	ssyncadd.s32 $0xFFFFE700  }
0x1f7: {  	[hbm4b:s24+s20] =	stream.strided.scatter [tilespmem:s19], [sflag:$0x4], $0x1900, s22, s20, $0x38;
	[tilespmem:$0x1F4A8] =	vst v63  }
0x1f8: {  	s18 =	sadd.s32 $0x100, s18;
	s24 =	sadd.s32 $0x100, s24  }
.LBB2_3:
0x1f9: {  	p1 =	seq.s32 s17, $0x0  }
0x1fa: {  	s23 =	simm.s32 @!p1 $0x4  }
0x1fb: {  	_ =	swait.ge @!p1 [sflag:s23], $0x1900  }
0x1fc: {  	s14 =	sshra.s32 s17, $0x2;
	[sflag:s23] =	ssyncset.done @!p1 $0x0  }
0x1fd: {  	s1 =	sadd.s32 $0x80, s14;
	[sflag:s23] =	ssyncadd.s32 @!p1 $0xFFFFE700  }
0x1fe: {  	[tilespmem:s19], [sflag:$0x2] =	stream.indirect.gather [spmem:s4], $0x1, s1, s20, $0xb8;
	[tilespmem:$0x1F4A8] =	vst v63  }
0x1ff: {  	s23 =	sadd.s32 $0x480, s14;
	s1 =	simm.s32 $0xE480  }
0x200: {  	[tilespmem:s1], [sflag:$0x2] =	stream.indirect.gather [spmem:s4], $0x1, s23, s20, $0xb8;
	[tilespmem:$0x1F4A8] =	vst v63  }
0x201: {  	s23 =	sadd.s32 $0x880, s14;
	s1 =	simm.s32 $0xE500  }
0x202: {  	[tilespmem:s1], [sflag:$0x2] =	stream.indirect.gather [spmem:s4], $0x1, s23, s20, $0xb8;
	[tilespmem:$0x1F4A8] =	vst v63  }
0x203: {  	s23 =	sadd.s32 $0xC80, s14;
	s1 =	simm.s32 $0xE580  }
0x204: {  	[tilespmem:s1], [sflag:$0x2] =	stream.indirect.gather [spmem:s4], $0x1, s23, s20, $0xb8;
	[tilespmem:$0x1F4A8] =	vst v63  }
0x205: {  	s23 =	sadd.s32 $0x1080, s14;
	s1 =	simm.s32 $0xE600  }
0x206: {  	[tilespmem:s1], [sflag:$0x2] =	stream.indirect.gather [spmem:s4], $0x1, s23, s20, $0xb8;
	[tilespmem:$0x1F4A8] =	vst v63  }
0x207: {  	s23 =	sadd.s32 $0x1480, s14;
	s1 =	simm.s32 $0xE680  }
0x208: {  	[tilespmem:s1], [sflag:$0x2] =	stream.indirect.gather [spmem:s4], $0x1, s23, s20, $0xb8;
	[tilespmem:$0x1F4A8] =	vst v63  }
0x209: {  	s23 =	sadd.s32 $0x1880, s14;
	s1 =	simm.s32 $0xE700  }
0x20a: {  	[tilespmem:s1], [sflag:$0x2] =	stream.indirect.gather [spmem:s4], $0x1, s23, s20, $0xb8;
	[tilespmem:$0x1F4A8] =	vst v63  }
0x20b: {  	s23 =	sadd.s32 $0x1C80, s14;
	s1 =	simm.s32 $0xE780  }
0x20c: {  	[tilespmem:s1], [sflag:$0x2] =	stream.indirect.gather [spmem:s4], $0x1, s23, s20, $0xb8;
	[tilespmem:$0x1F4A8] =	vst v63  }
0x20d: {  	s23 =	sadd.s32 $0x2080, s14;
	s1 =	simm.s32 $0xE800  }
0x20e: {  	[tilespmem:s1], [sflag:$0x2] =	stream.indirect.gather [spmem:s4], $0x1, s23, s20, $0xb8;
	[tilespmem:$0x1F4A8] =	vst v63  }
0x20f: {  	s23 =	sadd.s32 $0x2480, s14;
	s1 =	simm.s32 $0xE880  }
0x210: {  	[tilespmem:s1], [sflag:$0x2] =	stream.indirect.gather [spmem:s4], $0x1, s23, s20, $0xb8;
	[tilespmem:$0x1F4A8] =	vst v63  }
0x211: {  	s23 =	sadd.s32 $0x2880, s14;
	s1 =	simm.s32 $0xE900  }
0x212: {  	[tilespmem:s1], [sflag:$0x2] =	stream.indirect.gather [spmem:s4], $0x1, s23, s20, $0xb8;
	[tilespmem:$0x1F4A8] =	vst v63  }
0x213: {  	s23 =	sadd.s32 $0x2C80, s14;
	s1 =	simm.s32 $0xE980  }
0x214: {  	[tilespmem:s1], [sflag:$0x2] =	stream.indirect.gather [spmem:s4], $0x1, s23, s20, $0xb8;
	[tilespmem:$0x1F4A8] =	vst v63  }
0x215: {  	s23 =	sadd.s32 $0x3080, s14;
	s1 =	simm.s32 $0xEA00  }
0x216: {  	[tilespmem:s1], [sflag:$0x2] =	stream.indirect.gather [spmem:s4], $0x1, s23, s20, $0xb8;
	[tilespmem:$0x1F4A8] =	vst v63  }
0x217: {  	s23 =	sadd.s32 $0x3480, s14;
	s1 =	simm.s32 $0xEA80  }
0x218: {  	[tilespmem:s1], [sflag:$0x2] =	stream.indirect.gather [spmem:s4], $0x1, s23, s20, $0xb8;
	[tilespmem:$0x1F4A8] =	vst v63  }
0x219: {  	s23 =	sadd.s32 $0x3880, s14;
	s1 =	simm.s32 $0xEB00  }
0x21a: {  	[tilespmem:s1], [sflag:$0x2] =	stream.indirect.gather [spmem:s4], $0x1, s23, s20, $0xb8;
	[tilespmem:$0x1F4A8] =	vst v63  }
0x21b: {  	s23 =	sadd.s32 $0x3C80, s14;
	s1 =	simm.s32 $0xEB80  }
0x21c: {  	[tilespmem:s1], [sflag:$0x2] =	stream.indirect.gather [spmem:s4], $0x1, s23, s20, $0xb8;
	[tilespmem:$0x1F4A8] =	vst v63  }
0x21d: {  	s23 =	sadd.s32 $0x4080, s14;
	s1 =	simm.s32 $0xEC00  }
0x21e: {  	[tilespmem:s1], [sflag:$0x2] =	stream.indirect.gather [spmem:s4], $0x1, s23, s20, $0xb8;
	[tilespmem:$0x1F4A8] =	vst v63  }
0x21f: {  	s23 =	sadd.s32 $0x4480, s14;
	s1 =	simm.s32 $0xEC80  }
0x220: {  	[tilespmem:s1], [sflag:$0x2] =	stream.indirect.gather [spmem:s4], $0x1, s23, s20, $0xb8;
	[tilespmem:$0x1F4A8] =	vst v63  }
0x221: {  	s23 =	sadd.s32 $0x4880, s14;
	s1 =	simm.s32 $0xED00  }
0x222: {  	[tilespmem:s1], [sflag:$0x2] =	stream.indirect.gather [spmem:s4], $0x1, s23, s20, $0xb8;
	[tilespmem:$0x1F4A8] =	vst v63  }
0x223: {  	s23 =	sadd.s32 $0x4C80, s14;
	s1 =	simm.s32 $0xED80  }
0x224: {  	[tilespmem:s1], [sflag:$0x2] =	stream.indirect.gather [spmem:s4], $0x1, s23, s20, $0xb8;
	[tilespmem:$0x1F4A8] =	vst v63  }
0x225: {  	s23 =	sadd.s32 $0x5080, s14;
	s1 =	simm.s32 $0xEE00  }
0x226: {  	[tilespmem:s1], [sflag:$0x2] =	stream.indirect.gather [spmem:s4], $0x1, s23, s20, $0xb8;
	[tilespmem:$0x1F4A8] =	vst v63  }
0x227: {  	s23 =	sadd.s32 $0x5480, s14;
	s1 =	simm.s32 $0xEE80  }
0x228: {  	[tilespmem:s1], [sflag:$0x2] =	stream.indirect.gather [spmem:s4], $0x1, s23, s20, $0xb8;
	[tilespmem:$0x1F4A8] =	vst v63  }
0x229: {  	s23 =	sadd.s32 $0x5880, s14;
	s1 =	simm.s32 $0xEF00  }
0x22a: {  	[tilespmem:s1], [sflag:$0x2] =	stream.indirect.gather [spmem:s4], $0x1, s23, s20, $0xb8;
	[tilespmem:$0x1F4A8] =	vst v63  }
0x22b: {  	s23 =	sadd.s32 $0x5C80, s14;
	s1 =	simm.s32 $0xEF80  }
0x22c: {  	[tilespmem:s1], [sflag:$0x2] =	stream.indirect.gather [spmem:s4], $0x1, s23, s20, $0xb8;
	[tilespmem:$0x1F4A8] =	vst v63  }
0x22d: {  	s23 =	sadd.s32 $0x6080, s14;
	s1 =	simm.s32 $0xF000  }
0x22e: {  	[tilespmem:s1], [sflag:$0x2] =	stream.indirect.gather [spmem:s4], $0x1, s23, s20, $0xb8;
	[tilespmem:$0x1F4A8] =	vst v63  }
0x22f: {  	s23 =	sadd.s32 $0x6480, s14;
	s1 =	simm.s32 $0xF080  }
0x230: {  	[tilespmem:s1], [sflag:$0x2] =	stream.indirect.gather [spmem:s4], $0x1, s23, s20, $0xb8;
	[tilespmem:$0x1F4A8] =	vst v63  }
0x231: {  	s23 =	sadd.s32 $0x6880, s14;
	s1 =	simm.s32 $0xF100  }
0x232: {  	[tilespmem:s1], [sflag:$0x2] =	stream.indirect.gather [spmem:s4], $0x1, s23, s20, $0xb8;
	[tilespmem:$0x1F4A8] =	vst v63  }
0x233: {  	s23 =	sadd.s32 $0x6C80, s14;
	s1 =	simm.s32 $0xF180  }
0x234: {  	[tilespmem:s1], [sflag:$0x2] =	stream.indirect.gather [spmem:s4], $0x1, s23, s20, $0xb8;
	[tilespmem:$0x1F4A8] =	vst v63  }
0x235: {  	s23 =	sadd.s32 $0x7080, s14;
	s1 =	simm.s32 $0xF200  }
0x236: {  	[tilespmem:s1], [sflag:$0x2] =	stream.indirect.gather [spmem:s4], $0x1, s23, s20, $0xb8;
	[tilespmem:$0x1F4A8] =	vst v63  }
0x237: {  	s23 =	sadd.s32 $0x7480, s14;
	s1 =	simm.s32 $0xF280  }
0x238: {  	[tilespmem:s1], [sflag:$0x2] =	stream.indirect.gather [spmem:s4], $0x1, s23, s20, $0xb8;
	[tilespmem:$0x1F4A8] =	vst v63  }
0x239: {  	s23 =	sadd.s32 $0x7880, s14;
	s1 =	simm.s32 $0xF300  }
0x23a: {  	[tilespmem:s1], [sflag:$0x2] =	stream.indirect.gather [spmem:s4], $0x1, s23, s20, $0xb8;
	[tilespmem:$0x1F4A8] =	vst v63  }
0x23b: {  	s23 =	sadd.s32 $0x7C80, s14;
	s1 =	simm.s32 $0xF380  }
0x23c: {  	[tilespmem:s1], [sflag:$0x2] =	stream.indirect.gather [spmem:s4], $0x1, s23, s20, $0xb8;
	[tilespmem:$0x1F4A8] =	vst v63  }
0x23d: {  	s23 =	sadd.s32 $0x8080, s14;
	s1 =	simm.s32 $0xF400  }
0x23e: {  	[tilespmem:s1], [sflag:$0x2] =	stream.indirect.gather [spmem:s4], $0x1, s23, s20, $0xb8;
	[tilespmem:$0x1F4A8] =	vst v63  }
0x23f: {  	s23 =	sadd.s32 $0x8480, s14;
	s1 =	simm.s32 $0xF480  }
0x240: {  	[tilespmem:s1], [sflag:$0x2] =	stream.indirect.gather [spmem:s4], $0x1, s23, s20, $0xb8;
	[tilespmem:$0x1F4A8] =	vst v63  }
0x241: {  	s23 =	sadd.s32 $0x8880, s14;
	s1 =	simm.s32 $0xF500  }
0x242: {  	[tilespmem:s1], [sflag:$0x2] =	stream.indirect.gather [spmem:s4], $0x1, s23, s20, $0xb8;
	[tilespmem:$0x1F4A8] =	vst v63  }
0x243: {  	s23 =	sadd.s32 $0x8C80, s14;
	s1 =	simm.s32 $0xF580  }
0x244: {  	[tilespmem:s1], [sflag:$0x2] =	stream.indirect.gather [spmem:s4], $0x1, s23, s20, $0xb8;
	[tilespmem:$0x1F4A8] =	vst v63  }
0x245: {  	s23 =	sadd.s32 $0x9080, s14;
	s1 =	simm.s32 $0xF600  }
0x246: {  	[tilespmem:s1], [sflag:$0x2] =	stream.indirect.gather [spmem:s4], $0x1, s23, s20, $0xb8;
	[tilespmem:$0x1F4A8] =	vst v63  }
0x247: {  	s1 =	sadd.s32 $0x9480, s14  }
0x248: {  	[tilespmem:s28], [sflag:$0x2] =	stream.indirect.gather [spmem:s4], $0x1, s1, s20, $0xb8;
	[tilespmem:$0x1F4A8] =	vst v63  }
0x249: {  	s1 =	sadd.s32 $0x9880, s14  }
0x24a: {  	[tilespmem:s29], [sflag:$0x2] =	stream.indirect.gather [spmem:s4], $0x1, s1, s20, $0xb8;
	[tilespmem:$0x1F4A8] =	vst v63  }
0x24b: {  	s1 =	sadd.s32 $0x9C80, s14  }
0x24c: {  	[tilespmem:s30], [sflag:$0x2] =	stream.indirect.gather [spmem:s4], $0x1, s1, s20, $0xb8;
	[tilespmem:$0x1F4A8] =	vst v63  }
0x24d: {  	s1 =	sadd.s32 $0xA080, s14  }
0x24e: {  	[tilespmem:s31], [sflag:$0x2] =	stream.indirect.gather [spmem:s4], $0x1, s1, s20, $0xb8;
	[tilespmem:$0x1F4A8] =	vst v63  }
0x24f: {  	s1 =	sadd.s32 $0xA480, s14  }
0x250: {  	[tilespmem:s0], [sflag:$0x2] =	stream.indirect.gather [spmem:s4], $0x1, s1, s20, $0xb8;
	[tilespmem:$0x1F4A8] =	vst v63  }
0x251: {  	s1 =	sadd.s32 $0xA880, s14  }
0x252: {  	[tilespmem:s5], [sflag:$0x2] =	stream.indirect.gather [spmem:s4], $0x1, s1, s20, $0xb8;
	[tilespmem:$0x1F4A8] =	vst v63  }
0x253: {  	s1 =	sadd.s32 $0xAC80, s14  }
0x254: {  	[tilespmem:s8], [sflag:$0x2] =	stream.indirect.gather [spmem:s4], $0x1, s1, s20, $0xb8;
	[tilespmem:$0x1F4A8] =	vst v63  }
0x255: {  	s1 =	sadd.s32 $0xB080, s14  }
0x256: {  	[tilespmem:s9], [sflag:$0x2] =	stream.indirect.gather [spmem:s4], $0x1, s1, s20, $0xb8;
	[tilespmem:$0x1F4A8] =	vst v63  }
0x257: {  	s1 =	sadd.s32 $0xB480, s14  }
0x258: {  	[tilespmem:s10], [sflag:$0x2] =	stream.indirect.gather [spmem:s4], $0x1, s1, s20, $0xb8;
	[tilespmem:$0x1F4A8] =	vst v63  }
0x259: {  	s1 =	sadd.s32 $0xB880, s14  }
0x25a: {  	[tilespmem:s11], [sflag:$0x2] =	stream.indirect.gather [spmem:s4], $0x1, s1, s20, $0xb8;
	[tilespmem:$0x1F4A8] =	vst v63  }
0x25b: {  	s1 =	sadd.s32 $0xBC80, s14  }
0x25c: {  	[tilespmem:s2], [sflag:$0x2] =	stream.indirect.gather [spmem:s4], $0x1, s1, s20, $0xb8;
	[tilespmem:$0x1F4A8] =	vst v63  }
0x25d: {  	s1 =	sadd.s32 $0xC080, s14  }
0x25e: {  	[tilespmem:s7], [sflag:$0x2] =	stream.indirect.gather [spmem:s4], $0x1, s1, s20, $0xb8;
	[tilespmem:$0x1F4A8] =	vst v63  }
0x25f: {  	p1 =	seq.s32 s17, $0xC00;
	s1 =	sadd.s32 $0xC480, s14  }
0x260: {  	[tilespmem:s3], [sflag:$0x2] =	stream.indirect.gather [spmem:s4], $0x1, s1, s20, $0xb8;
	[tilespmem:$0x1F4A8] =	vst v63  }
.Ltmp6:
0x261: {  	_ = 	snop;
	(pc) =	sbr.rel @p1 .LBB2_5-.Ltmp6, $4  }
0x262: {  	_ =	swait.ge [sflag:s12], $0x1900  }
0x263: {  	[sflag:s12] =	ssyncset.done $0x0  }
0x264: {  	[sflag:s12] =	ssyncadd.s32 $0xFFFFE700  }
0x265: {  	[hbm4b:s18+s20] =	stream.strided.scatter [tilespmem:s13], [sflag:$0x3], $0x1900, s22, s20, $0x38;
	[tilespmem:$0x1F4A8] =	vst v63  }
0x266: {  	_ =	swait.ge [sflag:s16], $0x1900  }
0x267: {  	[sflag:s16] =	ssyncset.done $0x0  }
0x268: {  	s23 =	sadd.s32 $0x100, s14;
	[sflag:s16] =	ssyncadd.s32 $0xFFFFE700  }
0x269: {  	[tilespmem:s13], [sflag:$0x1] =	stream.indirect.gather [spmem:s4], $0x1, s23, s20, $0xb8;
	[tilespmem:$0x1F4A8] =	vst v63  }
0x26a: {  	s1 =	sadd.s32 $0x500, s14  }
0x26b: {  	[tilespmem:s26], [sflag:$0x1] =	stream.indirect.gather [spmem:s4], $0x1, s1, s20, $0xb8;
	[tilespmem:$0x1F4A8] =	vst v63  }
0x26c: {  	s1 =	sadd.s32 $0x900, s14  }
0x26d: {  	[tilespmem:s6], [sflag:$0x1] =	stream.indirect.gather [spmem:s4], $0x1, s1, s20, $0xb8;
	[tilespmem:$0x1F4A8] =	vst v63  }
0x26e: {  	s1 =	sadd.s32 $0xD00, s14  }
0x26f: {  	[tilespmem:s25], [sflag:$0x1] =	stream.indirect.gather [spmem:s4], $0x1, s1, s20, $0xb8;
	[tilespmem:$0x1F4A8] =	vst v63  }
0x270: {  	s23 =	sadd.s32 $0x1100, s14;
	s1 =	simm.s32 $0xCA00  }
0x271: {  	[tilespmem:s1], [sflag:$0x1] =	stream.indirect.gather [spmem:s4], $0x1, s23, s20, $0xb8;
	[tilespmem:$0x1F4A8] =	vst v63  }
0x272: {  	s23 =	sadd.s32 $0x1500, s14;
	s1 =	simm.s32 $0xCA80  }
0x273: {  	[tilespmem:s1], [sflag:$0x1] =	stream.indirect.gather [spmem:s4], $0x1, s23, s20, $0xb8;
	[tilespmem:$0x1F4A8] =	vst v63  }
0x274: {  	s23 =	sadd.s32 $0x1900, s14;
	s1 =	simm.s32 $0xCB00  }
0x275: {  	[tilespmem:s1], [sflag:$0x1] =	stream.indirect.gather [spmem:s4], $0x1, s23, s20, $0xb8;
	[tilespmem:$0x1F4A8] =	vst v63  }
0x276: {  	s23 =	sadd.s32 $0x1D00, s14;
	s1 =	simm.s32 $0xCB80  }
0x277: {  	[tilespmem:s1], [sflag:$0x1] =	stream.indirect.gather [spmem:s4], $0x1, s23, s20, $0xb8;
	[tilespmem:$0x1F4A8] =	vst v63  }
0x278: {  	s23 =	sadd.s32 $0x2100, s14;
	s1 =	simm.s32 $0xCC00  }
0x279: {  	[tilespmem:s1], [sflag:$0x1] =	stream.indirect.gather [spmem:s4], $0x1, s23, s20, $0xb8;
	[tilespmem:$0x1F4A8] =	vst v63  }
0x27a: {  	s23 =	sadd.s32 $0x2500, s14;
	s1 =	simm.s32 $0xCC80  }
0x27b: {  	[tilespmem:s1], [sflag:$0x1] =	stream.indirect.gather [spmem:s4], $0x1, s23, s20, $0xb8;
	[tilespmem:$0x1F4A8] =	vst v63  }
0x27c: {  	s23 =	sadd.s32 $0x2900, s14;
	s1 =	simm.s32 $0xCD00  }
0x27d: {  	[tilespmem:s1], [sflag:$0x1] =	stream.indirect.gather [spmem:s4], $0x1, s23, s20, $0xb8;
	[tilespmem:$0x1F4A8] =	vst v63  }
0x27e: {  	s23 =	sadd.s32 $0x2D00, s14;
	s1 =	simm.s32 $0xCD80  }
0x27f: {  	[tilespmem:s1], [sflag:$0x1] =	stream.indirect.gather [spmem:s4], $0x1, s23, s20, $0xb8;
	[tilespmem:$0x1F4A8] =	vst v63  }
0x280: {  	s23 =	sadd.s32 $0x3100, s14;
	s1 =	simm.s32 $0xCE00  }
0x281: {  	[tilespmem:s1], [sflag:$0x1] =	stream.indirect.gather [spmem:s4], $0x1, s23, s20, $0xb8;
	[tilespmem:$0x1F4A8] =	vst v63  }
0x282: {  	s23 =	sadd.s32 $0x3500, s14;
	s1 =	simm.s32 $0xCE80  }
0x283: {  	[tilespmem:s1], [sflag:$0x1] =	stream.indirect.gather [spmem:s4], $0x1, s23, s20, $0xb8;
	[tilespmem:$0x1F4A8] =	vst v63  }
0x284: {  	s23 =	sadd.s32 $0x3900, s14;
	s1 =	simm.s32 $0xCF00  }
0x285: {  	[tilespmem:s1], [sflag:$0x1] =	stream.indirect.gather [spmem:s4], $0x1, s23, s20, $0xb8;
	[tilespmem:$0x1F4A8] =	vst v63  }
0x286: {  	s23 =	sadd.s32 $0x3D00, s14;
	s1 =	simm.s32 $0xCF80  }
0x287: {  	[tilespmem:s1], [sflag:$0x1] =	stream.indirect.gather [spmem:s4], $0x1, s23, s20, $0xb8;
	[tilespmem:$0x1F4A8] =	vst v63  }
0x288: {  	s23 =	sadd.s32 $0x4100, s14;
	s1 =	simm.s32 $0xD000  }
0x289: {  	[tilespmem:s1], [sflag:$0x1] =	stream.indirect.gather [spmem:s4], $0x1, s23, s20, $0xb8;
	[tilespmem:$0x1F4A8] =	vst v63  }
0x28a: {  	s23 =	sadd.s32 $0x4500, s14;
	s1 =	simm.s32 $0xD080  }
0x28b: {  	[tilespmem:s1], [sflag:$0x1] =	stream.indirect.gather [spmem:s4], $0x1, s23, s20, $0xb8;
	[tilespmem:$0x1F4A8] =	vst v63  }
0x28c: {  	s23 =	sadd.s32 $0x4900, s14;
	s1 =	simm.s32 $0xD100  }
0x28d: {  	[tilespmem:s1], [sflag:$0x1] =	stream.indirect.gather [spmem:s4], $0x1, s23, s20, $0xb8;
	[tilespmem:$0x1F4A8] =	vst v63  }
0x28e: {  	s23 =	sadd.s32 $0x4D00, s14;
	s1 =	simm.s32 $0xD180  }
0x28f: {  	[tilespmem:s1], [sflag:$0x1] =	stream.indirect.gather [spmem:s4], $0x1, s23, s20, $0xb8;
	[tilespmem:$0x1F4A8] =	vst v63  }
0x290: {  	s23 =	sadd.s32 $0x5100, s14;
	s1 =	simm.s32 $0xD200  }
0x291: {  	[tilespmem:s1], [sflag:$0x1] =	stream.indirect.gather [spmem:s4], $0x1, s23, s20, $0xb8;
	[tilespmem:$0x1F4A8] =	vst v63  }
0x292: {  	s23 =	sadd.s32 $0x5500, s14;
	s1 =	simm.s32 $0xD280  }
0x293: {  	[tilespmem:s1], [sflag:$0x1] =	stream.indirect.gather [spmem:s4], $0x1, s23, s20, $0xb8;
	[tilespmem:$0x1F4A8] =	vst v63  }
0x294: {  	s23 =	sadd.s32 $0x5900, s14;
	s1 =	simm.s32 $0xD300  }
0x295: {  	[tilespmem:s1], [sflag:$0x1] =	stream.indirect.gather [spmem:s4], $0x1, s23, s20, $0xb8;
	[tilespmem:$0x1F4A8] =	vst v63  }
0x296: {  	s23 =	sadd.s32 $0x5D00, s14;
	s1 =	simm.s32 $0xD380  }
0x297: {  	[tilespmem:s1], [sflag:$0x1] =	stream.indirect.gather [spmem:s4], $0x1, s23, s20, $0xb8;
	[tilespmem:$0x1F4A8] =	vst v63  }
0x298: {  	s23 =	sadd.s32 $0x6100, s14;
	s1 =	simm.s32 $0xD400  }
0x299: {  	[tilespmem:s1], [sflag:$0x1] =	stream.indirect.gather [spmem:s4], $0x1, s23, s20, $0xb8;
	[tilespmem:$0x1F4A8] =	vst v63  }
0x29a: {  	s23 =	sadd.s32 $0x6500, s14;
	s1 =	simm.s32 $0xD480  }
0x29b: {  	[tilespmem:s1], [sflag:$0x1] =	stream.indirect.gather [spmem:s4], $0x1, s23, s20, $0xb8;
	[tilespmem:$0x1F4A8] =	vst v63  }
0x29c: {  	s23 =	sadd.s32 $0x6900, s14;
	s1 =	simm.s32 $0xD500  }
0x29d: {  	[tilespmem:s1], [sflag:$0x1] =	stream.indirect.gather [spmem:s4], $0x1, s23, s20, $0xb8;
	[tilespmem:$0x1F4A8] =	vst v63  }
0x29e: {  	s23 =	sadd.s32 $0x6D00, s14;
	s1 =	simm.s32 $0xD580  }
0x29f: {  	[tilespmem:s1], [sflag:$0x1] =	stream.indirect.gather [spmem:s4], $0x1, s23, s20, $0xb8;
	[tilespmem:$0x1F4A8] =	vst v63  }
0x2a0: {  	s23 =	sadd.s32 $0x7100, s14;
	s1 =	simm.s32 $0xD600  }
0x2a1: {  	[tilespmem:s1], [sflag:$0x1] =	stream.indirect.gather [spmem:s4], $0x1, s23, s20, $0xb8;
	[tilespmem:$0x1F4A8] =	vst v63  }
0x2a2: {  	s23 =	sadd.s32 $0x7500, s14;
	s1 =	simm.s32 $0xD680  }
0x2a3: {  	[tilespmem:s1], [sflag:$0x1] =	stream.indirect.gather [spmem:s4], $0x1, s23, s20, $0xb8;
	[tilespmem:$0x1F4A8] =	vst v63  }
0x2a4: {  	s23 =	sadd.s32 $0x7900, s14;
	s1 =	simm.s32 $0xD700  }
0x2a5: {  	[tilespmem:s1], [sflag:$0x1] =	stream.indirect.gather [spmem:s4], $0x1, s23, s20, $0xb8;
	[tilespmem:$0x1F4A8] =	vst v63  }
0x2a6: {  	s23 =	sadd.s32 $0x7D00, s14;
	s1 =	simm.s32 $0xD780  }
0x2a7: {  	[tilespmem:s1], [sflag:$0x1] =	stream.indirect.gather [spmem:s4], $0x1, s23, s20, $0xb8;
	[tilespmem:$0x1F4A8] =	vst v63  }
0x2a8: {  	s23 =	sadd.s32 $0x8100, s14;
	s1 =	simm.s32 $0xD800  }
0x2a9: {  	[tilespmem:s1], [sflag:$0x1] =	stream.indirect.gather [spmem:s4], $0x1, s23, s20, $0xb8;
	[tilespmem:$0x1F4A8] =	vst v63  }
0x2aa: {  	s23 =	sadd.s32 $0x8500, s14;
	s1 =	simm.s32 $0xD880  }
0x2ab: {  	[tilespmem:s1], [sflag:$0x1] =	stream.indirect.gather [spmem:s4], $0x1, s23, s20, $0xb8;
	[tilespmem:$0x1F4A8] =	vst v63  }
0x2ac: {  	s23 =	sadd.s32 $0x8900, s14;
	s1 =	simm.s32 $0xD900  }
0x2ad: {  	[tilespmem:s1], [sflag:$0x1] =	stream.indirect.gather [spmem:s4], $0x1, s23, s20, $0xb8;
	[tilespmem:$0x1F4A8] =	vst v63  }
0x2ae: {  	s23 =	sadd.s32 $0x8D00, s14;
	s1 =	simm.s32 $0xD980  }
0x2af: {  	[tilespmem:s1], [sflag:$0x1] =	stream.indirect.gather [spmem:s4], $0x1, s23, s20, $0xb8;
	[tilespmem:$0x1F4A8] =	vst v63  }
0x2b0: {  	s23 =	sadd.s32 $0x9100, s14;
	s1 =	simm.s32 $0xDA00  }
0x2b1: {  	[tilespmem:s1], [sflag:$0x1] =	stream.indirect.gather [spmem:s4], $0x1, s23, s20, $0xb8;
	[tilespmem:$0x1F4A8] =	vst v63  }
0x2b2: {  	s23 =	sadd.s32 $0x9500, s14;
	s1 =	simm.s32 $0xDA80  }
0x2b3: {  	[tilespmem:s1], [sflag:$0x1] =	stream.indirect.gather [spmem:s4], $0x1, s23, s20, $0xb8;
	[tilespmem:$0x1F4A8] =	vst v63  }
0x2b4: {  	s23 =	sadd.s32 $0x9900, s14;
	s1 =	simm.s32 $0xDB00  }
0x2b5: {  	[tilespmem:s1], [sflag:$0x1] =	stream.indirect.gather [spmem:s4], $0x1, s23, s20, $0xb8;
	[tilespmem:$0x1F4A8] =	vst v63  }
0x2b6: {  	s23 =	sadd.s32 $0x9D00, s14;
	s1 =	simm.s32 $0xDB80  }
0x2b7: {  	[tilespmem:s1], [sflag:$0x1] =	stream.indirect.gather [spmem:s4], $0x1, s23, s20, $0xb8;
	[tilespmem:$0x1F4A8] =	vst v63  }
0x2b8: {  	s23 =	sadd.s32 $0xA100, s14;
	s1 =	simm.s32 $0xDC00  }
0x2b9: {  	[tilespmem:s1], [sflag:$0x1] =	stream.indirect.gather [spmem:s4], $0x1, s23, s20, $0xb8;
	[tilespmem:$0x1F4A8] =	vst v63  }
0x2ba: {  	s23 =	sadd.s32 $0xA500, s14;
	s1 =	simm.s32 $0xDC80  }
0x2bb: {  	[tilespmem:s1], [sflag:$0x1] =	stream.indirect.gather [spmem:s4], $0x1, s23, s20, $0xb8;
	[tilespmem:$0x1F4A8] =	vst v63  }
0x2bc: {  	s23 =	sadd.s32 $0xA900, s14;
	s1 =	simm.s32 $0xDD00  }
0x2bd: {  	[tilespmem:s1], [sflag:$0x1] =	stream.indirect.gather [spmem:s4], $0x1, s23, s20, $0xb8;
	[tilespmem:$0x1F4A8] =	vst v63  }
0x2be: {  	s23 =	sadd.s32 $0xAD00, s14;
	s1 =	simm.s32 $0xDD80  }
0x2bf: {  	[tilespmem:s1], [sflag:$0x1] =	stream.indirect.gather [spmem:s4], $0x1, s23, s20, $0xb8;
	[tilespmem:$0x1F4A8] =	vst v63  }
0x2c0: {  	s23 =	sadd.s32 $0xB100, s14;
	s1 =	simm.s32 $0xDE00  }
0x2c1: {  	[tilespmem:s1], [sflag:$0x1] =	stream.indirect.gather [spmem:s4], $0x1, s23, s20, $0xb8;
	[tilespmem:$0x1F4A8] =	vst v63  }
0x2c2: {  	s23 =	sadd.s32 $0xB500, s14;
	s1 =	simm.s32 $0xDE80  }
0x2c3: {  	[tilespmem:s1], [sflag:$0x1] =	stream.indirect.gather [spmem:s4], $0x1, s23, s20, $0xb8;
	[tilespmem:$0x1F4A8] =	vst v63  }
0x2c4: {  	s23 =	sadd.s32 $0xB900, s14;
	s1 =	simm.s32 $0xDF00  }
0x2c5: {  	[tilespmem:s1], [sflag:$0x1] =	stream.indirect.gather [spmem:s4], $0x1, s23, s20, $0xb8;
	[tilespmem:$0x1F4A8] =	vst v63  }
0x2c6: {  	s23 =	sadd.s32 $0xBD00, s14;
	s1 =	simm.s32 $0xDF80  }
0x2c7: {  	[tilespmem:s1], [sflag:$0x1] =	stream.indirect.gather [spmem:s4], $0x1, s23, s20, $0xb8;
	[tilespmem:$0x1F4A8] =	vst v63  }
.Ltmp7:
0x2c8: {  	_ = 	snop;
	(pc) =	sbr.rel .LBB2_5-.Ltmp7, $4  }
0x2c9: {  	s23 =	sadd.s32 $0xC100, s14;
	s1 =	simm.s32 $0xE000  }
0x2ca: {  	[tilespmem:s1], [sflag:$0x1] =	stream.indirect.gather [spmem:s4], $0x1, s23, s20, $0xb8;
	[tilespmem:$0x1F4A8] =	vst v63  }
0x2cb: {  	s1 =	sadd.s32 $0xC500, s14;
	s23 =	simm.s32 $0xE080  }
0x2cc: {  	[tilespmem:s23], [sflag:$0x1] =	stream.indirect.gather [spmem:s4], $0x1, s1, s20, $0xb8;
	[tilespmem:$0x1F4A8] =	vst v63  }
.LBB2_8:
0x2cd: {  	_ =	sfence.sel $0x180000  }
0x2ce: {  	[bflag:$0x0] =	sbarrier.arrive $0xFFFF  }
0x2cf: {  	_ =	strace $0x90000047  }
0x2d0: {  	[bflag:$0x2] =	sbarrier.arrive $0xFFFF  }
0x2d1: {  	p0 =	sne.s32 s25, $0x0;
	s0 =	rddreg [dreg:$0x5]  }
0x2d2: {  	s0 =	sadd.s32 @!p0 $0x100000, s0  }
0x2d3: {  	[sflag:s0] =	ssyncadd.tile.s32 @!p0 $0x1;
	_ =	shalt  }
.Lfunc_end2:
_tile_overlayer_lowered:
.L_overlay_start_2:
0x2d4: {  	(tag) =	ssettag $0x2  }
0x2d5: {  	s0 =	rddreg [dreg:$0x0];
	s2 =	stileid.u32  }
0x2d6: {  	s1 =	rddreg [dreg:$0x1];
	p0 =	sne.s32 s2, $0x0  }
0x2d7: {  	s3 =	rddreg [dreg:$0x2];
	[bflag:$0x3] =	sbarrier.arrive $0xFFFF;
	s2 =	simm.s32 @!p0 $0x1C06  }
0x2d8: {  	[timem:s3], [sflag:s2] =	dma.local @!p0 [hbm:s0], s1  }
0x2d9: {  	s0 =	simm.s32 @!p0 $0x6  }
0x2da: {  	_ =	swait.ge @!p0 [sflag:s0], s1  }
0x2db: {  	s1 =	ssub.s32 @!p0 $0x0, s1;
	[sflag:s0] =	ssyncset.done @!p0 $0x0  }
0x2dc: {  	[sflag:s0] =	ssyncadd.s32 @!p0 s1  }
0x2dd: {  	[bflag:$0x3] =	sbarrier.arrive $0xFFFF  }
0x2de: {  	_ =	shalt  }

</sc_bundles>
